<compile_context>
chip_gen: v7x
topology: tpu7x:2x2x1
jax: 0.10.2.dev20260603
libtpu: 0.0.44.dev20260713+nightly
codegen_flags: <defaults>
</compile_context>

<pallas_src>
import functools

import jax
import jax.numpy as jnp
from jax import lax
from jax.experimental import pallas as pl
from jax.experimental.pallas import tpu as pltpu
from jax.experimental.pallas import tpu_sc as plsc

N = 10000
E = 640000
D = 128
H = 32
C = 16
EPS_BN = 1e-5
EPS_LN = 1e-5

NC = 2
NS = 16
NW = NC * NS
B = 128
NP = 10016
RING = 4
RPT = NP // NS

CH0S, CH1S = 228, 88
CH0D, CH1D = 208, 112
TOTC = 5216
EPAD = TOTC * B


def _sc_degree(dst_hbm, ones_hbm, zeros_hbm, out_hbm,
               didx_all, ones_v, deg_sh, ssem):
    c = lax.axis_index("c")
    s = lax.axis_index("s")

    base_c = jnp.where(c == 0, s * CH0D, NS * CH0D + s * CH1D)
    nblk = jnp.where(c == 0, CH0D // 8, CH1D // 8)
    pltpu.sync_copy(zeros_hbm.at[pl.ds(s * RPT, RPT)],
                    deg_sh.at[pl.ds(s * RPT, RPT)])
    pltpu.sync_copy(dst_hbm.at[pl.ds(base_c, CH0D)], didx_all)
    pltpu.sync_copy(ones_hbm, ones_v)
    plsc.subcore_barrier()

    K = 8

    def body(i, carry):
        for b in range(K):
            pltpu.async_copy(ones_v, deg_sh.at[didx_all.at[K * i + b]],
                             ssem, add=True)
        for b in range(K):
            pltpu.make_async_copy(
                ones_v, deg_sh.at[didx_all.at[K * i + b]], ssem).wait()
        return carry

    lax.fori_loop(0, nblk, body, 0)
    plsc.subcore_barrier()
    pltpu.sync_copy(deg_sh.at[pl.ds(s * RPT, RPT)],
                    out_hbm.at[c, pl.ds(s * RPT, RPT)])


def _sc_scatter(hs_hbm, src_hbm, dst_hbm, zeros_hbm, out_hbm,
                sidx_all, didx_all, rows0, rows1, rows2, rows3,
                agg_sh, g0, g1, g2, g3, s0, s1, s2, s3):
    c = lax.axis_index("c")
    s = lax.axis_index("s")
    rows = [rows0, rows1, rows2, rows3]
    gsem = [g0, g1, g2, g3]
    ssem = [s0, s1, s2, s3]

    base_c = jnp.where(c == 0, s * CH0S, NS * CH0S + s * CH1S)
    nblk = jnp.where(c == 0, CH0S // RING, CH1S // RING)
    pltpu.sync_copy(zeros_hbm.at[pl.ds(s * RPT, RPT)],
                    agg_sh.at[pl.ds(s * RPT, RPT)])
    pltpu.sync_copy(src_hbm.at[pl.ds(base_c, CH0S)], sidx_all)
    pltpu.sync_copy(dst_hbm.at[pl.ds(base_c, CH0S)], didx_all)
    plsc.subcore_barrier()

    for b in range(RING):
        pltpu.make_async_copy(hs_hbm.at[sidx_all.at[b]],
                              rows[b], gsem[b]).start()

    def body(i, carry):
        for b in range(RING):
            pltpu.make_async_copy(hs_hbm.at[sidx_all.at[RING * i + b]],
                                  rows[b], gsem[b]).wait()
        for b in range(RING):
            pltpu.async_copy(rows[b], agg_sh.at[didx_all.at[RING * i + b]],
                             ssem[b], add=True)
        for b in range(RING):
            pltpu.make_async_copy(
                rows[b], agg_sh.at[didx_all.at[RING * i + b]], ssem[b]).wait()

        @pl.when(i < nblk - 1)
        def _():
            for b in range(RING):
                pltpu.make_async_copy(
                    hs_hbm.at[sidx_all.at[RING * (i + 1) + b]],
                    rows[b], gsem[b]).start()
        return carry

    lax.fori_loop(0, nblk, body, 0)
    plsc.subcore_barrier()
    pltpu.sync_copy(agg_sh.at[pl.ds(s * RPT, RPT)],
                    out_hbm.at[c, pl.ds(s * RPT, RPT)])


@functools.lru_cache(maxsize=None)
def _sc_kernels():
    mesh = plsc.VectorSubcoreMesh(
        core_axis_name="c", subcore_axis_name="s", num_cores=NC, num_subcores=NS
    )
    cp = pltpu.CompilerParams(use_tc_tiling_on_sc=False)
    degree = pl.kernel(
        _sc_degree,
        out_type=jax.ShapeDtypeStruct((NC, NP, 8), jnp.float32),
        mesh=mesh,
        compiler_params=cp,
        scratch_types=[
            pltpu.VMEM((CH0D, B), jnp.int32),
            pltpu.VMEM((B, 8), jnp.float32),
            pltpu.VMEM_SHARED((NP, 8), jnp.float32),
            pltpu.SemaphoreType.DMA,
        ],
    )
    scatter = pl.kernel(
        _sc_scatter,
        out_type=jax.ShapeDtypeStruct((NC, NP, H), jnp.float32),
        mesh=mesh,
        compiler_params=cp,
        scratch_types=(
            [pltpu.VMEM((CH0S, B), jnp.int32)] * 2
            + [pltpu.VMEM((B, H), jnp.float32)] * RING
            + [pltpu.VMEM_SHARED((NP, H), jnp.float32)]
            + [pltpu.SemaphoreType.DMA] * (2 * RING)
        ),
    )
    return degree, scatter


def _tc_first(deg_ref, x_ref, w_ref, dinv_ref, hs_ref):
    deg = deg_ref[0] + deg_ref[1]
    dinv = lax.rsqrt(deg + 1.0)
    dinv_ref[...] = dinv
    h = jnp.dot(x_ref[...], w_ref[...], preferred_element_type=jnp.float32)
    hs_ref[...] = h * dinv[:, 0:1]


def _tc_mid(agg_ref, hs_ref, dinv_ref, pb_ref, w_ref, out_ref):
    dinv = dinv_ref[...][:, 0:1]
    t = dinv * (agg_ref[0] + agg_ref[1] + hs_ref[...]) + pb_ref[0:1, :]
    tr = t[:N]
    mu = jnp.mean(tr, axis=0, keepdims=True)
    var = jnp.mean((tr - mu) ** 2, axis=0, keepdims=True)
    hn = (t - mu) * lax.rsqrt(var + EPS_BN) * pb_ref[1:2, :] + pb_ref[2:3, :]
    h = jnp.maximum(hn, 0.0)
    hs2 = jnp.dot(h, w_ref[...], preferred_element_type=jnp.float32) * dinv
    rowid = lax.broadcasted_iota(jnp.int32, (NP, H), 0)
    out_ref[...] = jnp.where(rowid < N, hs2, 0.0)


def _tc_final(agg_ref, hs_ref, dinv_ref, pm_ref,
              w1_ref, w2_ref, w3_ref, w4_ref, wo_ref, out_ref):
    dinv = dinv_ref[...][:, 0:1]
    t = dinv * (agg_ref[0] + agg_ref[1] + hs_ref[...]) + pm_ref[0:1, :]
    tr = t[:N]
    mu = jnp.mean(tr, axis=0, keepdims=True)
    var = jnp.mean((tr - mu) ** 2, axis=0, keepdims=True)
    h = jnp.maximum(
        (tr - mu) * lax.rsqrt(var + EPS_BN) * pm_ref[1:2, :] + pm_ref[2:3, :],
        0.0,
    )
    ws = [w1_ref, w2_ref, w3_ref, w4_ref]
    for j in range(4):
        h = jnp.dot(h, ws[j][...], preferred_element_type=jnp.float32)
        h = jnp.maximum(h + pm_ref[3 + 3 * j:4 + 3 * j, :], 0.0)
        mu2 = jnp.mean(h, axis=-1, keepdims=True)
        var2 = jnp.mean((h - mu2) ** 2, axis=-1, keepdims=True)
        h = ((h - mu2) * lax.rsqrt(var2 + EPS_LN) * pm_ref[4 + 3 * j:5 + 3 * j, :]
             + pm_ref[5 + 3 * j:6 + 3 * j, :])
    out = jnp.dot(h, wo_ref[...], preferred_element_type=jnp.float32)
    out_ref[...] = out + pm_ref[15:16, :C]


def _sd(shape):
    return jax.ShapeDtypeStruct(shape, jnp.float32)


def kernel(x, edge_index, params):
    src = edge_index[0]
    dst = edge_index[1]
    pad = jnp.full((EPAD - E,), N, jnp.int32)
    src_p = jnp.concatenate([src, pad]).reshape(TOTC, B)
    dst_p = jnp.concatenate([dst, pad]).reshape(TOTC, B)
    x_p = jnp.zeros((NP, D), jnp.float32).at[:N].set(x)
    zeros8 = jnp.zeros((NP, 8), jnp.float32)
    zerosH = jnp.zeros((NP, H), jnp.float32)
    ones8 = jnp.ones((B, 8), jnp.float32)

    sc_degree, sc_scatter = _sc_kernels()
    deg_part = sc_degree(dst_p, ones8, zeros8)
    dinv, hs = pl.pallas_call(
        _tc_first, out_shape=[_sd((NP, 8)), _sd((NP, H))]
    )(deg_part, x_p, params['conv_W'][0])

    out = None
    for i in range(3):
        agg = sc_scatter(hs, src_p, dst_p, zerosH)
        if i < 2:
            pb = jnp.concatenate([
                params['conv_b'][i][None, :],
                params['bn_g'][i][None, :],
                params['bn_b'][i][None, :],
                jnp.zeros((5, H), jnp.float32),
            ])
            hs = pl.pallas_call(_tc_mid, out_shape=_sd((NP, H)))(
                agg, hs, dinv, pb, params['conv_W'][i + 1]
            )
        else:
            rows = [params['conv_b'][2][None, :],
                    params['bn_g'][2][None, :],
                    params['bn_b'][2][None, :]]
            for j in range(4):
                rows += [params['head_b'][j][None, :],
                         params['ln_g'][j][None, :],
                         params['ln_b'][j][None, :]]
            rows.append(jnp.pad(params['out_b'], (0, H - C))[None, :])
            pm = jnp.concatenate(rows)
            out = pl.pallas_call(_tc_final, out_shape=_sd((N, C)))(
                agg, hs, dinv, pm,
                params['head_W'][0], params['head_W'][1],
                params['head_W'][2], params['head_W'][3],
                params['out_W'],
            )
    return out

# --- scband reference (transcript-rebuilt; emitter-appended) ---
"""Pipeline reference for scband-gnn-47648367182381 (READ-ONLY COPY).

The authoritative reference and input builder live on the scoring server;
editing this copy changes nothing except your own understanding.
"""

import jax, jax.numpy as jnp
import numpy as np

N = 10000
E = 640000
D = 128
H = 32
C = 16
L_GCN = 3
L_MLP = 4
EPS_BN = 1e-5
EPS_LN = 1e-5


def setup_inputs(seed: int = 0) -> dict:
    key = jax.random.key(seed)
    ks = jax.random.split(key, 40)
    x = jax.random.normal(ks[0], (N, D), dtype=jnp.float32)
    edge_index = jax.random.randint(ks[1], (2, E), 0, N, dtype=jnp.int32)
    params = {}
    conv_W, conv_b, bn_g, bn_b = [], [], [], []
    for i in range(L_GCN):
        in_dim = D if i == 0 else H
        conv_W.append(jax.random.normal(ks[2 + i], (in_dim, H), dtype=jnp.float32) / np.sqrt(in_dim))
        conv_b.append(jnp.zeros((H,), dtype=jnp.float32))
        bn_g.append(jnp.ones((H,), dtype=jnp.float32))
        bn_b.append(jnp.zeros((H,), dtype=jnp.float32))
    head_W, head_b, ln_g, ln_b = [], [], [], []
    for j in range(L_MLP):
        head_W.append(jax.random.normal(ks[10 + j], (H, H), dtype=jnp.float32) / np.sqrt(H))
        head_b.append(jnp.zeros((H,), dtype=jnp.float32))
        ln_g.append(jnp.ones((H,), dtype=jnp.float32))
        ln_b.append(jnp.zeros((H,), dtype=jnp.float32))
    out_W = jax.random.normal(ks[20], (H, C), dtype=jnp.float32) / np.sqrt(H)
    out_b = jnp.zeros((C,), dtype=jnp.float32)
    params = {
        'conv_W': conv_W, 'conv_b': conv_b,
        'bn_g': bn_g, 'bn_b': bn_b,
        'head_W': head_W, 'head_b': head_b,
        'ln_g': ln_g, 'ln_b': ln_b,
        'out_W': out_W, 'out_b': out_b,
    }
    return {'x': x, 'edge_index': edge_index, 'params': params}


def _gcn_conv(h, src, dst, W, b, n_nodes):
    # GCNConv: linear transform, add self-loops, symmetric normalization, scatter-add
    h = h @ W
    loop = jnp.arange(n_nodes, dtype=src.dtype)
    s = jnp.concatenate([src, loop])
    d = jnp.concatenate([dst, loop])
    ones = jnp.ones((s.shape[0],), dtype=h.dtype)
    deg = jax.ops.segment_sum(ones, d, num_segments=n_nodes)
    dinv = jnp.where(deg > 0, 1.0 / jnp.sqrt(deg), 0.0)
    norm = dinv[s] * dinv[d]
    msg = h[s] * norm[:, None]
    agg = jax.ops.segment_sum(msg, d, num_segments=n_nodes)
    return agg + b


def reference(x, edge_index, params):
    src = edge_index[0]
    dst = edge_index[1]
    h = x
    for i in range(L_GCN):
        h = _gcn_conv(h, src, dst, params['conv_W'][i], params['conv_b'][i], N)
        # BatchNorm (training-mode batch statistics over nodes)
        mu = jnp.mean(h, axis=0)
        var = jnp.var(h, axis=0)
        h = (h - mu) / jnp.sqrt(var + EPS_BN) * params['bn_g'][i] + params['bn_b'][i]
        h = jax.nn.relu(h)
    for j in range(L_MLP):
        h = h @ params['head_W'][j] + params['head_b'][j]
        h = jax.nn.relu(h)
        mu = jnp.mean(h, axis=-1, keepdims=True)
        var = jnp.var(h, axis=-1, keepdims=True)
        h = (h - mu) / jnp.sqrt(var + EPS_LN) * params['ln_g'][j] + params['ln_b'][j]
        # dropout is identity in eval mode
    out = h @ params['out_W'] + params['out_b']
    return out

if __name__ == "__main__":
    import jax
    _d = setup_inputs()
    print(jax.jit(kernel)(*tuple(_d.values())))

</pallas_src>

<mosaic_0001>
#map = affine_map<(d0, d1) -> (0, 0)>
#map1 = affine_map<(d0, d1) -> (0, 0, 0)>
module attributes {stable_mosaic.version = 14 : i64} {
  func.func @_sc_scatter(%arg0: i32, %arg1: i32, %arg2: memref<10016x32xf32, #tpu.memory_space<hbm>>, %arg3: memref<5216x128xi32, #tpu.memory_space<hbm>>, %arg4: memref<5216x128xi32, #tpu.memory_space<hbm>>, %arg5: memref<10016x32xf32, #tpu.memory_space<hbm>>, %arg6: memref<2x10016x32xf32, #tpu.memory_space<hbm>>, %arg7: memref<228x128xi32, #tpu.memory_space<vmem>>, %arg8: memref<228x128xi32, #tpu.memory_space<vmem>>, %arg9: memref<128x32xf32, #tpu.memory_space<vmem>>, %arg10: memref<128x32xf32, #tpu.memory_space<vmem>>, %arg11: memref<128x32xf32, #tpu.memory_space<vmem>>, %arg12: memref<128x32xf32, #tpu.memory_space<vmem>>, %arg13: memref<10016x32xf32, #tpu.memory_space<vmem_shared>>, %arg14: memref<!tpu.dma_semaphore, #tpu.memory_space<semaphore_mem>>, %arg15: memref<!tpu.dma_semaphore, #tpu.memory_space<semaphore_mem>>, %arg16: memref<!tpu.dma_semaphore, #tpu.memory_space<semaphore_mem>>, %arg17: memref<!tpu.dma_semaphore, #tpu.memory_space<semaphore_mem>>, %arg18: memref<!tpu.dma_semaphore, #tpu.memory_space<semaphore_mem>>, %arg19: memref<!tpu.dma_semaphore, #tpu.memory_space<semaphore_mem>>, %arg20: memref<!tpu.dma_semaphore, #tpu.memory_space<semaphore_mem>>, %arg21: memref<!tpu.dma_semaphore, #tpu.memory_space<semaphore_mem>>) attributes {dimension_semantics = [#tpu.dimension_semantics<core_parallel>, #tpu.dimension_semantics<subcore_parallel>], iteration_bounds = array<i64: 2, 16>, scalar_prefetch = 0 : i64, scratch_operands = 15 : i64, tpu.core_type = #tpu.core_type<sc_vector_subcore>, window_params = [{transform_indices = #map}, {transform_indices = #map}, {transform_indices = #map}, {transform_indices = #map}, {transform_indices = #map1}]} {
    %eq3A = arith.constant 0 : i32
    %eq3A_0 = arith.cmpi eq, %arg0, %eq3A : i32
    %mul3A = arith.constant 228 : i32
    %mul3A_1 = arith.muli %arg1, %mul3A : i32
    %mul3A_2 = arith.constant 88 : i32
    %mul3A_3 = arith.muli %arg1, %mul3A_2 : i32
    %add3A = arith.constant 3648 : i32
    %add3A_4 = arith.addi %add3A, %mul3A_3 : i32
    %select_n3A = arith.select %eq3A_0, %mul3A_1, %add3A_4 : i32
    %eq3A_5 = arith.constant 0 : i32
    %eq3A_6 = arith.cmpi eq, %arg0, %eq3A_5 : i32
    %jit3A = arith.constant 57 : i32
    %jit3A_7 = arith.constant 22 : i32
    %select_n3A_8 = arith.select %eq3A_6, %jit3A, %jit3A_7 : i32
    %mul3A_9 = arith.constant 626 : i32
    %mul3A_10 = arith.muli %arg1, %mul3A_9 : i32
    %mul3A_11 = arith.constant 626 : i32
    %mul3A_12 = arith.muli %arg1, %mul3A_11 : i32
    "tpu.region"() ({
      %run_scoped3A = tpu.sem_alloc : memref<!tpu.dma_semaphore, #tpu.memory_space<semaphore_mem>>
      %dma_start3A_54 = arith.constant 0 : i32
      %dma_start3A_55 = tpu.memref_slice %arg13[%mul3A_12, %dma_start3A_54] : memref<10016x32xf32, #tpu.memory_space<vmem_shared>> -> memref<626x32xf32, #tpu.memory_space<vmem_shared>>
      %dma_start3A_56 = arith.constant 0 : i32
      %dma_start3A_57 = tpu.memref_slice %arg5[%mul3A_10, %dma_start3A_56] : memref<10016x32xf32, #tpu.memory_space<hbm>> -> memref<626x32xf32, #tpu.memory_space<hbm>>
      tpu.enqueue_dma source(%dma_start3A_57 : memref<626x32xf32, #tpu.memory_space<hbm>>) target(%dma_start3A_55 : memref<626x32xf32, #tpu.memory_space<vmem_shared>>) target_semaphore(%run_scoped3A : memref<!tpu.dma_semaphore, #tpu.memory_space<semaphore_mem>>)
      %dma_wait3A = arith.constant 0 : i32
      %dma_wait3A_58 = tpu.memref_slice %arg13[%mul3A_12, %dma_wait3A] : memref<10016x32xf32, #tpu.memory_space<vmem_shared>> -> memref<626x32xf32, #tpu.memory_space<vmem_shared>>
      %dma_wait3A_59 = arith.constant 0 : i32
      %dma_wait3A_60 = tpu.memref_slice %arg5[%mul3A_10, %dma_wait3A_59] : memref<10016x32xf32, #tpu.memory_space<hbm>> -> memref<626x32xf32, #tpu.memory_space<hbm>>
      tpu.wait_dma2 semaphore(%run_scoped3A : memref<!tpu.dma_semaphore, #tpu.memory_space<semaphore_mem>>) src(%dma_wait3A_60 : memref<626x32xf32, #tpu.memory_space<hbm>>) dst(%dma_wait3A_58 : memref<626x32xf32, #tpu.memory_space<vmem_shared>>)
      tpu.yield
    }) : () -> ()
    "tpu.region"() ({
      %run_scoped3A = tpu.sem_alloc : memref<!tpu.dma_semaphore, #tpu.memory_space<semaphore_mem>>
      %dma_start3A_54 = arith.constant 0 : i32
      %dma_start3A_55 = tpu.memref_slice %arg3[%select_n3A, %dma_start3A_54] : memref<5216x128xi32, #tpu.memory_space<hbm>> -> memref<228x128xi32, #tpu.memory_space<hbm>>
      %dma_start3A_56 = arith.constant 0 : i32
      %dma_start3A_57 = tpu.memref_slice %arg3[%select_n3A, %dma_start3A_56] : memref<5216x128xi32, #tpu.memory_space<hbm>> -> memref<228x128xi32, #tpu.memory_space<hbm>>
      tpu.enqueue_dma source(%dma_start3A_57 : memref<228x128xi32, #tpu.memory_space<hbm>>) target(%arg7 : memref<228x128xi32, #tpu.memory_space<vmem>>) target_semaphore(%run_scoped3A : memref<!tpu.dma_semaphore, #tpu.memory_space<semaphore_mem>>)
      %dma_wait3A = arith.constant 0 : i32
      %dma_wait3A_58 = tpu.memref_slice %arg3[%select_n3A, %dma_wait3A] : memref<5216x128xi32, #tpu.memory_space<hbm>> -> memref<228x128xi32, #tpu.memory_space<hbm>>
      %dma_wait3A_59 = arith.constant 0 : i32
      %dma_wait3A_60 = tpu.memref_slice %arg3[%select_n3A, %dma_wait3A_59] : memref<5216x128xi32, #tpu.memory_space<hbm>> -> memref<228x128xi32, #tpu.memory_space<hbm>>
      tpu.wait_dma2 semaphore(%run_scoped3A : memref<!tpu.dma_semaphore, #tpu.memory_space<semaphore_mem>>) src(%dma_wait3A_60 : memref<228x128xi32, #tpu.memory_space<hbm>>) dst(%arg7 : memref<228x128xi32, #tpu.memory_space<vmem>>)
      tpu.yield
    }) : () -> ()
    "tpu.region"() ({
      %run_scoped3A = tpu.sem_alloc : memref<!tpu.dma_semaphore, #tpu.memory_space<semaphore_mem>>
      %dma_start3A_54 = arith.constant 0 : i32
      %dma_start3A_55 = tpu.memref_slice %arg4[%select_n3A, %dma_start3A_54] : memref<5216x128xi32, #tpu.memory_space<hbm>> -> memref<228x128xi32, #tpu.memory_space<hbm>>
      %dma_start3A_56 = arith.constant 0 : i32
      %dma_start3A_57 = tpu.memref_slice %arg4[%select_n3A, %dma_start3A_56] : memref<5216x128xi32, #tpu.memory_space<hbm>> -> memref<228x128xi32, #tpu.memory_space<hbm>>
      tpu.enqueue_dma source(%dma_start3A_57 : memref<228x128xi32, #tpu.memory_space<hbm>>) target(%arg8 : memref<228x128xi32, #tpu.memory_space<vmem>>) target_semaphore(%run_scoped3A : memref<!tpu.dma_semaphore, #tpu.memory_space<semaphore_mem>>)
      %dma_wait3A = arith.constant 0 : i32
      %dma_wait3A_58 = tpu.memref_slice %arg4[%select_n3A, %dma_wait3A] : memref<5216x128xi32, #tpu.memory_space<hbm>> -> memref<228x128xi32, #tpu.memory_space<hbm>>
      %dma_wait3A_59 = arith.constant 0 : i32
      %dma_wait3A_60 = tpu.memref_slice %arg4[%select_n3A, %dma_wait3A_59] : memref<5216x128xi32, #tpu.memory_space<hbm>> -> memref<228x128xi32, #tpu.memory_space<hbm>>
      tpu.wait_dma2 semaphore(%run_scoped3A : memref<!tpu.dma_semaphore, #tpu.memory_space<semaphore_mem>>) src(%dma_wait3A_60 : memref<228x128xi32, #tpu.memory_space<hbm>>) dst(%arg8 : memref<228x128xi32, #tpu.memory_space<vmem>>)
      tpu.yield
    }) : () -> ()
    %barrier3A = arith.constant 0 : index
    tpu.barrier barrier_id(%barrier3A)
    %dma_start3A = arith.constant 0 : i32
    %dma_start3A_13 = arith.constant 0 : i32
    %dma_start3A_14 = tpu.memref_slice %arg7[%dma_start3A, %dma_start3A_13] : memref<228x128xi32, #tpu.memory_space<vmem>> -> memref<1x128xi32, #tpu.memory_space<vmem>>
    %dma_start3A_15 = tpu.memref_squeeze %dma_start3A_14 : memref<1x128xi32, #tpu.memory_space<vmem>> -> memref<128xi32, #tpu.memory_space<vmem>>
    %dma_start3A_16 = arith.constant 0 : i32
    %dma_start3A_17 = arith.constant 0 : i32
    %dma_start3A_18 = tpu.memref_slice %arg2[%dma_start3A_16, %dma_start3A_17] : memref<10016x32xf32, #tpu.memory_space<hbm>> -> memref<10016x32xf32, #tpu.memory_space<hbm>>
    tpu.enqueue_indirect_dma source(%dma_start3A_18 : memref<10016x32xf32, #tpu.memory_space<hbm>>) target(%arg9 : memref<128x32xf32, #tpu.memory_space<vmem>>) offsets(%dma_start3A_15 : memref<128xi32, #tpu.memory_space<vmem>>) semaphore(%arg14 : memref<!tpu.dma_semaphore, #tpu.memory_space<semaphore_mem>>)
    %dma_start3A_19 = arith.constant 1 : i32
    %dma_start3A_20 = arith.constant 0 : i32
    %dma_start3A_21 = tpu.memref_slice %arg7[%dma_start3A_19, %dma_start3A_20] : memref<228x128xi32, #tpu.memory_space<vmem>> -> memref<1x128xi32, #tpu.memory_space<vmem>>
    %dma_start3A_22 = tpu.memref_squeeze %dma_start3A_21 : memref<1x128xi32, #tpu.memory_space<vmem>> -> memref<128xi32, #tpu.memory_space<vmem>>
    %dma_start3A_23 = arith.constant 0 : i32
    %dma_start3A_24 = arith.constant 0 : i32
    %dma_start3A_25 = tpu.memref_slice %arg2[%dma_start3A_23, %dma_start3A_24] : memref<10016x32xf32, #tpu.memory_space<hbm>> -> memref<10016x32xf32, #tpu.memory_space<hbm>>
    tpu.enqueue_indirect_dma source(%dma_start3A_25 : memref<10016x32xf32, #tpu.memory_space<hbm>>) target(%arg10 : memref<128x32xf32, #tpu.memory_space<vmem>>) offsets(%dma_start3A_22 : memref<128xi32, #tpu.memory_space<vmem>>) semaphore(%arg15 : memref<!tpu.dma_semaphore, #tpu.memory_space<semaphore_mem>>)
    %dma_start3A_26 = arith.constant 2 : i32
    %dma_start3A_27 = arith.constant 0 : i32
    %dma_start3A_28 = tpu.memref_slice %arg7[%dma_start3A_26, %dma_start3A_27] : memref<228x128xi32, #tpu.memory_space<vmem>> -> memref<1x128xi32, #tpu.memory_space<vmem>>
    %dma_start3A_29 = tpu.memref_squeeze %dma_start3A_28 : memref<1x128xi32, #tpu.memory_space<vmem>> -> memref<128xi32, #tpu.memory_space<vmem>>
    %dma_start3A_30 = arith.constant 0 : i32
    %dma_start3A_31 = arith.constant 0 : i32
    %dma_start3A_32 = tpu.memref_slice %arg2[%dma_start3A_30, %dma_start3A_31] : memref<10016x32xf32, #tpu.memory_space<hbm>> -> memref<10016x32xf32, #tpu.memory_space<hbm>>
    tpu.enqueue_indirect_dma source(%dma_start3A_32 : memref<10016x32xf32, #tpu.memory_space<hbm>>) target(%arg11 : memref<128x32xf32, #tpu.memory_space<vmem>>) offsets(%dma_start3A_29 : memref<128xi32, #tpu.memory_space<vmem>>) semaphore(%arg16 : memref<!tpu.dma_semaphore, #tpu.memory_space<semaphore_mem>>)
    %dma_start3A_33 = arith.constant 3 : i32
    %dma_start3A_34 = arith.constant 0 : i32
    %dma_start3A_35 = tpu.memref_slice %arg7[%dma_start3A_33, %dma_start3A_34] : memref<228x128xi32, #tpu.memory_space<vmem>> -> memref<1x128xi32, #tpu.memory_space<vmem>>
    %dma_start3A_36 = tpu.memref_squeeze %dma_start3A_35 : memref<1x128xi32, #tpu.memory_space<vmem>> -> memref<128xi32, #tpu.memory_space<vmem>>
    %dma_start3A_37 = arith.constant 0 : i32
    %dma_start3A_38 = arith.constant 0 : i32
    %dma_start3A_39 = tpu.memref_slice %arg2[%dma_start3A_37, %dma_start3A_38] : memref<10016x32xf32, #tpu.memory_space<hbm>> -> memref<10016x32xf32, #tpu.memory_space<hbm>>
    tpu.enqueue_indirect_dma source(%dma_start3A_39 : memref<10016x32xf32, #tpu.memory_space<hbm>>) target(%arg12 : memref<128x32xf32, #tpu.memory_space<vmem>>) offsets(%dma_start3A_36 : memref<128xi32, #tpu.memory_space<vmem>>) semaphore(%arg17 : memref<!tpu.dma_semaphore, #tpu.memory_space<semaphore_mem>>)
    %while3A = arith.constant 0 : i32
    %while3A_40 = arith.constant 0 : i32
    %while3A_41 = arith.subi %select_n3A_8, %while3A_40 : i32
    %while3A_42 = arith.addi %while3A_40, %while3A_41 : i32
    %while3A_43 = arith.constant 1 : i32
    %while3A_44 = arith.divsi %while3A_41, %while3A_43 : i32
    %while3A_45 = arith.muli %while3A_44, %while3A_43 : i32
    %while3A_46 = arith.addi %while3A_40, %while3A_45 : i32
    %while3A_47 = arith.constant 1 : i32
    scf.for %while3A_54 = %while3A_40 to %while3A_46 step %while3A_47  : i32 {
      %mul3A_55 = arith.constant 4 : i32
      %mul3A_56 = arith.muli %mul3A_55, %while3A_54 : i32
      %add3A_57 = arith.constant 0 : i32
      %add3A_58 = arith.addi %mul3A_56, %add3A_57 : i32
      %dma_wait3A = arith.constant 0 : i32
      %dma_wait3A_59 = tpu.memref_slice %arg7[%add3A_58, %dma_wait3A] : memref<228x128xi32, #tpu.memory_space<vmem>> -> memref<1x128xi32, #tpu.memory_space<vmem>>
      %dma_wait3A_60 = tpu.memref_squeeze %dma_wait3A_59 : memref<1x128xi32, #tpu.memory_space<vmem>> -> memref<128xi32, #tpu.memory_space<vmem>>
      %dma_wait3A_61 = arith.constant 0 : i32
      %dma_wait3A_62 = arith.constant 0 : i32
      %dma_wait3A_63 = tpu.memref_slice %arg2[%dma_wait3A_61, %dma_wait3A_62] : memref<10016x32xf32, #tpu.memory_space<hbm>> -> memref<10016x32xf32, #tpu.memory_space<hbm>>
      tpu.wait_indirect_dma semaphore(%arg14 : memref<!tpu.dma_semaphore, #tpu.memory_space<semaphore_mem>>) src(%dma_wait3A_63 : memref<10016x32xf32, #tpu.memory_space<hbm>>) dst(%arg9 : memref<128x32xf32, #tpu.memory_space<vmem>>)
      %mul3A_64 = arith.constant 4 : i32
      %mul3A_65 = arith.muli %mul3A_64, %while3A_54 : i32
      %add3A_66 = arith.constant 1 : i32
      %add3A_67 = arith.addi %mul3A_65, %add3A_66 : i32
      %dma_wait3A_68 = arith.constant 0 : i32
      %dma_wait3A_69 = tpu.memref_slice %arg7[%add3A_67, %dma_wait3A_68] : memref<228x128xi32, #tpu.memory_space<vmem>> -> memref<1x128xi32, #tpu.memory_space<vmem>>
      %dma_wait3A_70 = tpu.memref_squeeze %dma_wait3A_69 : memref<1x128xi32, #tpu.memory_space<vmem>> -> memref<128xi32, #tpu.memory_space<vmem>>
      %dma_wait3A_71 = arith.constant 0 : i32
      %dma_wait3A_72 = arith.constant 0 : i32
      %dma_wait3A_73 = tpu.memref_slice %arg2[%dma_wait3A_71, %dma_wait3A_72] : memref<10016x32xf32, #tpu.memory_space<hbm>> -> memref<10016x32xf32, #tpu.memory_space<hbm>>
      tpu.wait_indirect_dma semaphore(%arg15 : memref<!tpu.dma_semaphore, #tpu.memory_space<semaphore_mem>>) src(%dma_wait3A_73 : memref<10016x32xf32, #tpu.memory_space<hbm>>) dst(%arg10 : memref<128x32xf32, #tpu.memory_space<vmem>>)
      %mul3A_74 = arith.constant 4 : i32
      %mul3A_75 = arith.muli %mul3A_74, %while3A_54 : i32
      %add3A_76 = arith.constant 2 : i32
      %add3A_77 = arith.addi %mul3A_75, %add3A_76 : i32
      %dma_wait3A_78 = arith.constant 0 : i32
      %dma_wait3A_79 = tpu.memref_slice %arg7[%add3A_77, %dma_wait3A_78] : memref<228x128xi32, #tpu.memory_space<vmem>> -> memref<1x128xi32, #tpu.memory_space<vmem>>
      %dma_wait3A_80 = tpu.memref_squeeze %dma_wait3A_79 : memref<1x128xi32, #tpu.memory_space<vmem>> -> memref<128xi32, #tpu.memory_space<vmem>>
      %dma_wait3A_81 = arith.constant 0 : i32
      %dma_wait3A_82 = arith.constant 0 : i32
      %dma_wait3A_83 = tpu.memref_slice %arg2[%dma_wait3A_81, %dma_wait3A_82] : memref<10016x32xf32, #tpu.memory_space<hbm>> -> memref<10016x32xf32, #tpu.memory_space<hbm>>
      tpu.wait_indirect_dma semaphore(%arg16 : memref<!tpu.dma_semaphore, #tpu.memory_space<semaphore_mem>>) src(%dma_wait3A_83 : memref<10016x32xf32, #tpu.memory_space<hbm>>) dst(%arg11 : memref<128x32xf32, #tpu.memory_space<vmem>>)
      %mul3A_84 = arith.constant 4 : i32
      %mul3A_85 = arith.muli %mul3A_84, %while3A_54 : i32
      %add3A_86 = arith.constant 3 : i32
      %add3A_87 = arith.addi %mul3A_85, %add3A_86 : i32
      %dma_wait3A_88 = arith.constant 0 : i32
      %dma_wait3A_89 = tpu.memref_slice %arg7[%add3A_87, %dma_wait3A_88] : memref<228x128xi32, #tpu.memory_space<vmem>> -> memref<1x128xi32, #tpu.memory_space<vmem>>
      %dma_wait3A_90 = tpu.memref_squeeze %dma_wait3A_89 : memref<1x128xi32, #tpu.memory_space<vmem>> -> memref<128xi32, #tpu.memory_space<vmem>>
      %dma_wait3A_91 = arith.constant 0 : i32
      %dma_wait3A_92 = arith.constant 0 : i32
      %dma_wait3A_93 = tpu.memref_slice %arg2[%dma_wait3A_91, %dma_wait3A_92] : memref<10016x32xf32, #tpu.memory_space<hbm>> -> memref<10016x32xf32, #tpu.memory_space<hbm>>
      tpu.wait_indirect_dma semaphore(%arg17 : memref<!tpu.dma_semaphore, #tpu.memory_space<semaphore_mem>>) src(%dma_wait3A_93 : memref<10016x32xf32, #tpu.memory_space<hbm>>) dst(%arg12 : memref<128x32xf32, #tpu.memory_space<vmem>>)
      %mul3A_94 = arith.constant 4 : i32
      %mul3A_95 = arith.muli %mul3A_94, %while3A_54 : i32
      %add3A_96 = arith.constant 0 : i32
      %add3A_97 = arith.addi %mul3A_95, %add3A_96 : i32
      %dma_start3A_98 = arith.constant 0 : i32
      %dma_start3A_99 = tpu.memref_slice %arg8[%add3A_97, %dma_start3A_98] : memref<228x128xi32, #tpu.memory_space<vmem>> -> memref<1x128xi32, #tpu.memory_space<vmem>>
      %dma_start3A_100 = tpu.memref_squeeze %dma_start3A_99 : memref<1x128xi32, #tpu.memory_space<vmem>> -> memref<128xi32, #tpu.memory_space<vmem>>
      %dma_start3A_101 = arith.constant 0 : i32
      %dma_start3A_102 = arith.constant 0 : i32
      %dma_start3A_103 = tpu.memref_slice %arg13[%dma_start3A_101, %dma_start3A_102] : memref<10016x32xf32, #tpu.memory_space<vmem_shared>> -> memref<10016x32xf32, #tpu.memory_space<vmem_shared>>
      tpu.enqueue_indirect_dma source(%arg9 : memref<128x32xf32, #tpu.memory_space<vmem>>) target(%dma_start3A_103 : memref<10016x32xf32, #tpu.memory_space<vmem_shared>>) offsets(%dma_start3A_100 : memref<128xi32, #tpu.memory_space<vmem>>) semaphore(%arg18 : memref<!tpu.dma_semaphore, #tpu.memory_space<semaphore_mem>>) {add = true}
      %mul3A_104 = arith.constant 4 : i32
      %mul3A_105 = arith.muli %mul3A_104, %while3A_54 : i32
      %add3A_106 = arith.constant 1 : i32
      %add3A_107 = arith.addi %mul3A_105, %add3A_106 : i32
      %dma_start3A_108 = arith.constant 0 : i32
      %dma_start3A_109 = tpu.memref_slice %arg8[%add3A_107, %dma_start3A_108] : memref<228x128xi32, #tpu.memory_space<vmem>> -> memref<1x128xi32, #tpu.memory_space<vmem>>
      %dma_start3A_110 = tpu.memref_squeeze %dma_start3A_109 : memref<1x128xi32, #tpu.memory_space<vmem>> -> memref<128xi32, #tpu.memory_space<vmem>>
      %dma_start3A_111 = arith.constant 0 : i32
      %dma_start3A_112 = arith.constant 0 : i32
      %dma_start3A_113 = tpu.memref_slice %arg13[%dma_start3A_111, %dma_start3A_112] : memref<10016x32xf32, #tpu.memory_space<vmem_shared>> -> memref<10016x32xf32, #tpu.memory_space<vmem_shared>>
      tpu.enqueue_indirect_dma source(%arg10 : memref<128x32xf32, #tpu.memory_space<vmem>>) target(%dma_start3A_113 : memref<10016x32xf32, #tpu.memory_space<vmem_shared>>) offsets(%dma_start3A_110 : memref<128xi32, #tpu.memory_space<vmem>>) semaphore(%arg19 : memref<!tpu.dma_semaphore, #tpu.memory_space<semaphore_mem>>) {add = true}
      %mul3A_114 = arith.constant 4 : i32
      %mul3A_115 = arith.muli %mul3A_114, %while3A_54 : i32
      %add3A_116 = arith.constant 2 : i32
      %add3A_117 = arith.addi %mul3A_115, %add3A_116 : i32
      %dma_start3A_118 = arith.constant 0 : i32
      %dma_start3A_119 = tpu.memref_slice %arg8[%add3A_117, %dma_start3A_118] : memref<228x128xi32, #tpu.memory_space<vmem>> -> memref<1x128xi32, #tpu.memory_space<vmem>>
      %dma_start3A_120 = tpu.memref_squeeze %dma_start3A_119 : memref<1x128xi32, #tpu.memory_space<vmem>> -> memref<128xi32, #tpu.memory_space<vmem>>
      %dma_start3A_121 = arith.constant 0 : i32
      %dma_start3A_122 = arith.constant 0 : i32
      %dma_start3A_123 = tpu.memref_slice %arg13[%dma_start3A_121, %dma_start3A_122] : memref<10016x32xf32, #tpu.memory_space<vmem_shared>> -> memref<10016x32xf32, #tpu.memory_space<vmem_shared>>
      tpu.enqueue_indirect_dma source(%arg11 : memref<128x32xf32, #tpu.memory_space<vmem>>) target(%dma_start3A_123 : memref<10016x32xf32, #tpu.memory_space<vmem_shared>>) offsets(%dma_start3A_120 : memref<128xi32, #tpu.memory_space<vmem>>) semaphore(%arg20 : memref<!tpu.dma_semaphore, #tpu.memory_space<semaphore_mem>>) {add = true}
      %mul3A_124 = arith.constant 4 : i32
      %mul3A_125 = arith.muli %mul3A_124, %while3A_54 : i32
      %add3A_126 = arith.constant 3 : i32
      %add3A_127 = arith.addi %mul3A_125, %add3A_126 : i32
      %dma_start3A_128 = arith.constant 0 : i32
      %dma_start3A_129 = tpu.memref_slice %arg8[%add3A_127, %dma_start3A_128] : memref<228x128xi32, #tpu.memory_space<vmem>> -> memref<1x128xi32, #tpu.memory_space<vmem>>
      %dma_start3A_130 = tpu.memref_squeeze %dma_start3A_129 : memref<1x128xi32, #tpu.memory_space<vmem>> -> memref<128xi32, #tpu.memory_space<vmem>>
      %dma_start3A_131 = arith.constant 0 : i32
      %dma_start3A_132 = arith.constant 0 : i32
      %dma_start3A_133 = tpu.memref_slice %arg13[%dma_start3A_131, %dma_start3A_132] : memref<10016x32xf32, #tpu.memory_space<vmem_shared>> -> memref<10016x32xf32, #tpu.memory_space<vmem_shared>>
      tpu.enqueue_indirect_dma source(%arg12 : memref<128x32xf32, #tpu.memory_space<vmem>>) target(%dma_start3A_133 : memref<10016x32xf32, #tpu.memory_space<vmem_shared>>) offsets(%dma_start3A_130 : memref<128xi32, #tpu.memory_space<vmem>>) semaphore(%arg21 : memref<!tpu.dma_semaphore, #tpu.memory_space<semaphore_mem>>) {add = true}
      %mul3A_134 = arith.constant 4 : i32
      %mul3A_135 = arith.muli %mul3A_134, %while3A_54 : i32
      %add3A_136 = arith.constant 0 : i32
      %add3A_137 = arith.addi %mul3A_135, %add3A_136 : i32
      %dma_wait3A_138 = arith.constant 0 : i32
      %dma_wait3A_139 = tpu.memref_slice %arg8[%add3A_137, %dma_wait3A_138] : memref<228x128xi32, #tpu.memory_space<vmem>> -> memref<1x128xi32, #tpu.memory_space<vmem>>
      %dma_wait3A_140 = tpu.memref_squeeze %dma_wait3A_139 : memref<1x128xi32, #tpu.memory_space<vmem>> -> memref<128xi32, #tpu.memory_space<vmem>>
      %dma_wait3A_141 = arith.constant 0 : i32
      %dma_wait3A_142 = arith.constant 0 : i32
      %dma_wait3A_143 = tpu.memref_slice %arg13[%dma_wait3A_141, %dma_wait3A_142] : memref<10016x32xf32, #tpu.memory_space<vmem_shared>> -> memref<10016x32xf32, #tpu.memory_space<vmem_shared>>
      tpu.wait_indirect_dma semaphore(%arg18 : memref<!tpu.dma_semaphore, #tpu.memory_space<semaphore_mem>>) src(%arg9 : memref<128x32xf32, #tpu.memory_space<vmem>>) dst(%dma_wait3A_143 : memref<10016x32xf32, #tpu.memory_space<vmem_shared>>)
      %mul3A_144 = arith.constant 4 : i32
      %mul3A_145 = arith.muli %mul3A_144, %while3A_54 : i32
      %add3A_146 = arith.constant 1 : i32
      %add3A_147 = arith.addi %mul3A_145, %add3A_146 : i32
      %dma_wait3A_148 = arith.constant 0 : i32
      %dma_wait3A_149 = tpu.memref_slice %arg8[%add3A_147, %dma_wait3A_148] : memref<228x128xi32, #tpu.memory_space<vmem>> -> memref<1x128xi32, #tpu.memory_space<vmem>>
      %dma_wait3A_150 = tpu.memref_squeeze %dma_wait3A_149 : memref<1x128xi32, #tpu.memory_space<vmem>> -> memref<128xi32, #tpu.memory_space<vmem>>
      %dma_wait3A_151 = arith.constant 0 : i32
      %dma_wait3A_152 = arith.constant 0 : i32
      %dma_wait3A_153 = tpu.memref_slice %arg13[%dma_wait3A_151, %dma_wait3A_152] : memref<10016x32xf32, #tpu.memory_space<vmem_shared>> -> memref<10016x32xf32, #tpu.memory_space<vmem_shared>>
      tpu.wait_indirect_dma semaphore(%arg19 : memref<!tpu.dma_semaphore, #tpu.memory_space<semaphore_mem>>) src(%arg10 : memref<128x32xf32, #tpu.memory_space<vmem>>) dst(%dma_wait3A_153 : memref<10016x32xf32, #tpu.memory_space<vmem_shared>>)
      %mul3A_154 = arith.constant 4 : i32
      %mul3A_155 = arith.muli %mul3A_154, %while3A_54 : i32
      %add3A_156 = arith.constant 2 : i32
      %add3A_157 = arith.addi %mul3A_155, %add3A_156 : i32
      %dma_wait3A_158 = arith.constant 0 : i32
      %dma_wait3A_159 = tpu.memref_slice %arg8[%add3A_157, %dma_wait3A_158] : memref<228x128xi32, #tpu.memory_space<vmem>> -> memref<1x128xi32, #tpu.memory_space<vmem>>
      %dma_wait3A_160 = tpu.memref_squeeze %dma_wait3A_159 : memref<1x128xi32, #tpu.memory_space<vmem>> -> memref<128xi32, #tpu.memory_space<vmem>>
      %dma_wait3A_161 = arith.constant 0 : i32
      %dma_wait3A_162 = arith.constant 0 : i32
      %dma_wait3A_163 = tpu.memref_slice %arg13[%dma_wait3A_161, %dma_wait3A_162] : memref<10016x32xf32, #tpu.memory_space<vmem_shared>> -> memref<10016x32xf32, #tpu.memory_space<vmem_shared>>
      tpu.wait_indirect_dma semaphore(%arg20 : memref<!tpu.dma_semaphore, #tpu.memory_space<semaphore_mem>>) src(%arg11 : memref<128x32xf32, #tpu.memory_space<vmem>>) dst(%dma_wait3A_163 : memref<10016x32xf32, #tpu.memory_space<vmem_shared>>)
      %mul3A_164 = arith.constant 4 : i32
      %mul3A_165 = arith.muli %mul3A_164, %while3A_54 : i32
      %add3A_166 = arith.constant 3 : i32
      %add3A_167 = arith.addi %mul3A_165, %add3A_166 : i32
      %dma_wait3A_168 = arith.constant 0 : i32
      %dma_wait3A_169 = tpu.memref_slice %arg8[%add3A_167, %dma_wait3A_168] : memref<228x128xi32, #tpu.memory_space<vmem>> -> memref<1x128xi32, #tpu.memory_space<vmem>>
      %dma_wait3A_170 = tpu.memref_squeeze %dma_wait3A_169 : memref<1x128xi32, #tpu.memory_space<vmem>> -> memref<128xi32, #tpu.memory_space<vmem>>
      %dma_wait3A_171 = arith.constant 0 : i32
      %dma_wait3A_172 = arith.constant 0 : i32
      %dma_wait3A_173 = tpu.memref_slice %arg13[%dma_wait3A_171, %dma_wait3A_172] : memref<10016x32xf32, #tpu.memory_space<vmem_shared>> -> memref<10016x32xf32, #tpu.memory_space<vmem_shared>>
      tpu.wait_indirect_dma semaphore(%arg21 : memref<!tpu.dma_semaphore, #tpu.memory_space<semaphore_mem>>) src(%arg12 : memref<128x32xf32, #tpu.memory_space<vmem>>) dst(%dma_wait3A_173 : memref<10016x32xf32, #tpu.memory_space<vmem_shared>>)
      %sub3A = arith.constant 1 : i32
      %sub3A_174 = arith.subi %select_n3A_8, %sub3A : i32
      %lt3A = arith.cmpi slt, %while3A_54, %sub3A_174 : i32
      %convert_element_type3A = arith.extui %lt3A : i1 to i32
      %cond3A = arith.constant 0 : i32
      %cond3A_175 = arith.cmpi ne, %convert_element_type3A, %cond3A : i32
      scf.if %cond3A_175 {
        %add3A_176 = arith.constant 1 : i32
        %add3A_177 = arith.addi %while3A_54, %add3A_176 : i32
        %mul3A_178 = arith.constant 4 : i32
        %mul3A_179 = arith.muli %mul3A_178, %add3A_177 : i32
        %add3A_180 = arith.constant 0 : i32
        %add3A_181 = arith.addi %mul3A_179, %add3A_180 : i32
        %dma_start3A_182 = arith.constant 0 : i32
        %dma_start3A_183 = tpu.memref_slice %arg7[%add3A_181, %dma_start3A_182] : memref<228x128xi32, #tpu.memory_space<vmem>> -> memref<1x128xi32, #tpu.memory_space<vmem>>
        %dma_start3A_184 = tpu.memref_squeeze %dma_start3A_183 : memref<1x128xi32, #tpu.memory_space<vmem>> -> memref<128xi32, #tpu.memory_space<vmem>>
        %dma_start3A_185 = arith.constant 0 : i32
        %dma_start3A_186 = arith.constant 0 : i32
        %dma_start3A_187 = tpu.memref_slice %arg2[%dma_start3A_185, %dma_start3A_186] : memref<10016x32xf32, #tpu.memory_space<hbm>> -> memref<10016x32xf32, #tpu.memory_space<hbm>>
        tpu.enqueue_indirect_dma source(%dma_start3A_187 : memref<10016x32xf32, #tpu.memory_space<hbm>>) target(%arg9 : memref<128x32xf32, #tpu.memory_space<vmem>>) offsets(%dma_start3A_184 : memref<128xi32, #tpu.memory_space<vmem>>) semaphore(%arg14 : memref<!tpu.dma_semaphore, #tpu.memory_space<semaphore_mem>>)
        %add3A_188 = arith.constant 1 : i32
        %add3A_189 = arith.addi %while3A_54, %add3A_188 : i32
        %mul3A_190 = arith.constant 4 : i32
        %mul3A_191 = arith.muli %mul3A_190, %add3A_189 : i32
        %add3A_192 = arith.constant 1 : i32
        %add3A_193 = arith.addi %mul3A_191, %add3A_192 : i32
        %dma_start3A_194 = arith.constant 0 : i32
        %dma_start3A_195 = tpu.memref_slice %arg7[%add3A_193, %dma_start3A_194] : memref<228x128xi32, #tpu.memory_space<vmem>> -> memref<1x128xi32, #tpu.memory_space<vmem>>
        %dma_start3A_196 = tpu.memref_squeeze %dma_start3A_195 : memref<1x128xi32, #tpu.memory_space<vmem>> -> memref<128xi32, #tpu.memory_space<vmem>>
        %dma_start3A_197 = arith.constant 0 : i32
        %dma_start3A_198 = arith.constant 0 : i32
        %dma_start3A_199 = tpu.memref_slice %arg2[%dma_start3A_197, %dma_start3A_198] : memref<10016x32xf32, #tpu.memory_space<hbm>> -> memref<10016x32xf32, #tpu.memory_space<hbm>>
        tpu.enqueue_indirect_dma source(%dma_start3A_199 : memref<10016x32xf32, #tpu.memory_space<hbm>>) target(%arg10 : memref<128x32xf32, #tpu.memory_space<vmem>>) offsets(%dma_start3A_196 : memref<128xi32, #tpu.memory_space<vmem>>) semaphore(%arg15 : memref<!tpu.dma_semaphore, #tpu.memory_space<semaphore_mem>>)
        %add3A_200 = arith.constant 1 : i32
        %add3A_201 = arith.addi %while3A_54, %add3A_200 : i32
        %mul3A_202 = arith.constant 4 : i32
        %mul3A_203 = arith.muli %mul3A_202, %add3A_201 : i32
        %add3A_204 = arith.constant 2 : i32
        %add3A_205 = arith.addi %mul3A_203, %add3A_204 : i32
        %dma_start3A_206 = arith.constant 0 : i32
        %dma_start3A_207 = tpu.memref_slice %arg7[%add3A_205, %dma_start3A_206] : memref<228x128xi32, #tpu.memory_space<vmem>> -> memref<1x128xi32, #tpu.memory_space<vmem>>
        %dma_start3A_208 = tpu.memref_squeeze %dma_start3A_207 : memref<1x128xi32, #tpu.memory_space<vmem>> -> memref<128xi32, #tpu.memory_space<vmem>>
        %dma_start3A_209 = arith.constant 0 : i32
        %dma_start3A_210 = arith.constant 0 : i32
        %dma_start3A_211 = tpu.memref_slice %arg2[%dma_start3A_209, %dma_start3A_210] : memref<10016x32xf32, #tpu.memory_space<hbm>> -> memref<10016x32xf32, #tpu.memory_space<hbm>>
        tpu.enqueue_indirect_dma source(%dma_start3A_211 : memref<10016x32xf32, #tpu.memory_space<hbm>>) target(%arg11 : memref<128x32xf32, #tpu.memory_space<vmem>>) offsets(%dma_start3A_208 : memref<128xi32, #tpu.memory_space<vmem>>) semaphore(%arg16 : memref<!tpu.dma_semaphore, #tpu.memory_space<semaphore_mem>>)
        %add3A_212 = arith.constant 1 : i32
        %add3A_213 = arith.addi %while3A_54, %add3A_212 : i32
        %mul3A_214 = arith.constant 4 : i32
        %mul3A_215 = arith.muli %mul3A_214, %add3A_213 : i32
        %add3A_216 = arith.constant 3 : i32
        %add3A_217 = arith.addi %mul3A_215, %add3A_216 : i32
        %dma_start3A_218 = arith.constant 0 : i32
        %dma_start3A_219 = tpu.memref_slice %arg7[%add3A_217, %dma_start3A_218] : memref<228x128xi32, #tpu.memory_space<vmem>> -> memref<1x128xi32, #tpu.memory_space<vmem>>
        %dma_start3A_220 = tpu.memref_squeeze %dma_start3A_219 : memref<1x128xi32, #tpu.memory_space<vmem>> -> memref<128xi32, #tpu.memory_space<vmem>>
        %dma_start3A_221 = arith.constant 0 : i32
        %dma_start3A_222 = arith.constant 0 : i32
        %dma_start3A_223 = tpu.memref_slice %arg2[%dma_start3A_221, %dma_start3A_222] : memref<10016x32xf32, #tpu.memory_space<hbm>> -> memref<10016x32xf32, #tpu.memory_space<hbm>>
        tpu.enqueue_indirect_dma source(%dma_start3A_223 : memref<10016x32xf32, #tpu.memory_space<hbm>>) target(%arg12 : memref<128x32xf32, #tpu.memory_space<vmem>>) offsets(%dma_start3A_220 : memref<128xi32, #tpu.memory_space<vmem>>) semaphore(%arg17 : memref<!tpu.dma_semaphore, #tpu.memory_space<semaphore_mem>>)
      } else {
      }
    }
    %while3A_48 = arith.constant 1 : i32
    scf.for %while3A_54 = %while3A_46 to %while3A_42 step %while3A_48  : i32 {
      %mul3A_55 = arith.constant 4 : i32
      %mul3A_56 = arith.muli %mul3A_55, %while3A_54 : i32
      %add3A_57 = arith.constant 0 : i32
      %add3A_58 = arith.addi %mul3A_56, %add3A_57 : i32
      %dma_wait3A = arith.constant 0 : i32
      %dma_wait3A_59 = tpu.memref_slice %arg7[%add3A_58, %dma_wait3A] : memref<228x128xi32, #tpu.memory_space<vmem>> -> memref<1x128xi32, #tpu.memory_space<vmem>>
      %dma_wait3A_60 = tpu.memref_squeeze %dma_wait3A_59 : memref<1x128xi32, #tpu.memory_space<vmem>> -> memref<128xi32, #tpu.memory_space<vmem>>
      %dma_wait3A_61 = arith.constant 0 : i32
      %dma_wait3A_62 = arith.constant 0 : i32
      %dma_wait3A_63 = tpu.memref_slice %arg2[%dma_wait3A_61, %dma_wait3A_62] : memref<10016x32xf32, #tpu.memory_space<hbm>> -> memref<10016x32xf32, #tpu.memory_space<hbm>>
      tpu.wait_indirect_dma semaphore(%arg14 : memref<!tpu.dma_semaphore, #tpu.memory_space<semaphore_mem>>) src(%dma_wait3A_63 : memref<10016x32xf32, #tpu.memory_space<hbm>>) dst(%arg9 : memref<128x32xf32, #tpu.memory_space<vmem>>)
      %mul3A_64 = arith.constant 4 : i32
      %mul3A_65 = arith.muli %mul3A_64, %while3A_54 : i32
      %add3A_66 = arith.constant 1 : i32
      %add3A_67 = arith.addi %mul3A_65, %add3A_66 : i32
      %dma_wait3A_68 = arith.constant 0 : i32
      %dma_wait3A_69 = tpu.memref_slice %arg7[%add3A_67, %dma_wait3A_68] : memref<228x128xi32, #tpu.memory_space<vmem>> -> memref<1x128xi32, #tpu.memory_space<vmem>>
      %dma_wait3A_70 = tpu.memref_squeeze %dma_wait3A_69 : memref<1x128xi32, #tpu.memory_space<vmem>> -> memref<128xi32, #tpu.memory_space<vmem>>
      %dma_wait3A_71 = arith.constant 0 : i32
      %dma_wait3A_72 = arith.constant 0 : i32
      %dma_wait3A_73 = tpu.memref_slice %arg2[%dma_wait3A_71, %dma_wait3A_72] : memref<10016x32xf32, #tpu.memory_space<hbm>> -> memref<10016x32xf32, #tpu.memory_space<hbm>>
      tpu.wait_indirect_dma semaphore(%arg15 : memref<!tpu.dma_semaphore, #tpu.memory_space<semaphore_mem>>) src(%dma_wait3A_73 : memref<10016x32xf32, #tpu.memory_space<hbm>>) dst(%arg10 : memref<128x32xf32, #tpu.memory_space<vmem>>)
      %mul3A_74 = arith.constant 4 : i32
      %mul3A_75 = arith.muli %mul3A_74, %while3A_54 : i32
      %add3A_76 = arith.constant 2 : i32
      %add3A_77 = arith.addi %mul3A_75, %add3A_76 : i32
      %dma_wait3A_78 = arith.constant 0 : i32
      %dma_wait3A_79 = tpu.memref_slice %arg7[%add3A_77, %dma_wait3A_78] : memref<228x128xi32, #tpu.memory_space<vmem>> -> memref<1x128xi32, #tpu.memory_space<vmem>>
      %dma_wait3A_80 = tpu.memref_squeeze %dma_wait3A_79 : memref<1x128xi32, #tpu.memory_space<vmem>> -> memref<128xi32, #tpu.memory_space<vmem>>
      %dma_wait3A_81 = arith.constant 0 : i32
      %dma_wait3A_82 = arith.constant 0 : i32
      %dma_wait3A_83 = tpu.memref_slice %arg2[%dma_wait3A_81, %dma_wait3A_82] : memref<10016x32xf32, #tpu.memory_space<hbm>> -> memref<10016x32xf32, #tpu.memory_space<hbm>>
      tpu.wait_indirect_dma semaphore(%arg16 : memref<!tpu.dma_semaphore, #tpu.memory_space<semaphore_mem>>) src(%dma_wait3A_83 : memref<10016x32xf32, #tpu.memory_space<hbm>>) dst(%arg11 : memref<128x32xf32, #tpu.memory_space<vmem>>)
      %mul3A_84 = arith.constant 4 : i32
      %mul3A_85 = arith.muli %mul3A_84, %while3A_54 : i32
      %add3A_86 = arith.constant 3 : i32
      %add3A_87 = arith.addi %mul3A_85, %add3A_86 : i32
      %dma_wait3A_88 = arith.constant 0 : i32
      %dma_wait3A_89 = tpu.memref_slice %arg7[%add3A_87, %dma_wait3A_88] : memref<228x128xi32, #tpu.memory_space<vmem>> -> memref<1x128xi32, #tpu.memory_space<vmem>>
      %dma_wait3A_90 = tpu.memref_squeeze %dma_wait3A_89 : memref<1x128xi32, #tpu.memory_space<vmem>> -> memref<128xi32, #tpu.memory_space<vmem>>
      %dma_wait3A_91 = arith.constant 0 : i32
      %dma_wait3A_92 = arith.constant 0 : i32
      %dma_wait3A_93 = tpu.memref_slice %arg2[%dma_wait3A_91, %dma_wait3A_92] : memref<10016x32xf32, #tpu.memory_space<hbm>> -> memref<10016x32xf32, #tpu.memory_space<hbm>>
      tpu.wait_indirect_dma semaphore(%arg17 : memref<!tpu.dma_semaphore, #tpu.memory_space<semaphore_mem>>) src(%dma_wait3A_93 : memref<10016x32xf32, #tpu.memory_space<hbm>>) dst(%arg12 : memref<128x32xf32, #tpu.memory_space<vmem>>)
      %mul3A_94 = arith.constant 4 : i32
      %mul3A_95 = arith.muli %mul3A_94, %while3A_54 : i32
      %add3A_96 = arith.constant 0 : i32
      %add3A_97 = arith.addi %mul3A_95, %add3A_96 : i32
      %dma_start3A_98 = arith.constant 0 : i32
      %dma_start3A_99 = tpu.memref_slice %arg8[%add3A_97, %dma_start3A_98] : memref<228x128xi32, #tpu.memory_space<vmem>> -> memref<1x128xi32, #tpu.memory_space<vmem>>
      %dma_start3A_100 = tpu.memref_squeeze %dma_start3A_99 : memref<1x128xi32, #tpu.memory_space<vmem>> -> memref<128xi32, #tpu.memory_space<vmem>>
      %dma_start3A_101 = arith.constant 0 : i32
      %dma_start3A_102 = arith.constant 0 : i32
      %dma_start3A_103 = tpu.memref_slice %arg13[%dma_start3A_101, %dma_start3A_102] : memref<10016x32xf32, #tpu.memory_space<vmem_shared>> -> memref<10016x32xf32, #tpu.memory_space<vmem_shared>>
      tpu.enqueue_indirect_dma source(%arg9 : memref<128x32xf32, #tpu.memory_space<vmem>>) target(%dma_start3A_103 : memref<10016x32xf32, #tpu.memory_space<vmem_shared>>) offsets(%dma_start3A_100 : memref<128xi32, #tpu.memory_space<vmem>>) semaphore(%arg18 : memref<!tpu.dma_semaphore, #tpu.memory_space<semaphore_mem>>) {add = true}
      %mul3A_104 = arith.constant 4 : i32
      %mul3A_105 = arith.muli %mul3A_104, %while3A_54 : i32
      %add3A_106 = arith.constant 1 : i32
      %add3A_107 = arith.addi %mul3A_105, %add3A_106 : i32
      %dma_start3A_108 = arith.constant 0 : i32
      %dma_start3A_109 = tpu.memref_slice %arg8[%add3A_107, %dma_start3A_108] : memref<228x128xi32, #tpu.memory_space<vmem>> -> memref<1x128xi32, #tpu.memory_space<vmem>>
      %dma_start3A_110 = tpu.memref_squeeze %dma_start3A_109 : memref<1x128xi32, #tpu.memory_space<vmem>> -> memref<128xi32, #tpu.memory_space<vmem>>
      %dma_start3A_111 = arith.constant 0 : i32
      %dma_start3A_112 = arith.constant 0 : i32
      %dma_start3A_113 = tpu.memref_slice %arg13[%dma_start3A_111, %dma_start3A_112] : memref<10016x32xf32, #tpu.memory_space<vmem_shared>> -> memref<10016x32xf32, #tpu.memory_space<vmem_shared>>
      tpu.enqueue_indirect_dma source(%arg10 : memref<128x32xf32, #tpu.memory_space<vmem>>) target(%dma_start3A_113 : memref<10016x32xf32, #tpu.memory_space<vmem_shared>>) offsets(%dma_start3A_110 : memref<128xi32, #tpu.memory_space<vmem>>) semaphore(%arg19 : memref<!tpu.dma_semaphore, #tpu.memory_space<semaphore_mem>>) {add = true}
      %mul3A_114 = arith.constant 4 : i32
      %mul3A_115 = arith.muli %mul3A_114, %while3A_54 : i32
      %add3A_116 = arith.constant 2 : i32
      %add3A_117 = arith.addi %mul3A_115, %add3A_116 : i32
      %dma_start3A_118 = arith.constant 0 : i32
      %dma_start3A_119 = tpu.memref_slice %arg8[%add3A_117, %dma_start3A_118] : memref<228x128xi32, #tpu.memory_space<vmem>> -> memref<1x128xi32, #tpu.memory_space<vmem>>
      %dma_start3A_120 = tpu.memref_squeeze %dma_start3A_119 : memref<1x128xi32, #tpu.memory_space<vmem>> -> memref<128xi32, #tpu.memory_space<vmem>>
      %dma_start3A_121 = arith.constant 0 : i32
      %dma_start3A_122 = arith.constant 0 : i32
      %dma_start3A_123 = tpu.memref_slice %arg13[%dma_start3A_121, %dma_start3A_122] : memref<10016x32xf32, #tpu.memory_space<vmem_shared>> -> memref<10016x32xf32, #tpu.memory_space<vmem_shared>>
      tpu.enqueue_indirect_dma source(%arg11 : memref<128x32xf32, #tpu.memory_space<vmem>>) target(%dma_start3A_123 : memref<10016x32xf32, #tpu.memory_space<vmem_shared>>) offsets(%dma_start3A_120 : memref<128xi32, #tpu.memory_space<vmem>>) semaphore(%arg20 : memref<!tpu.dma_semaphore, #tpu.memory_space<semaphore_mem>>) {add = true}
      %mul3A_124 = arith.constant 4 : i32
      %mul3A_125 = arith.muli %mul3A_124, %while3A_54 : i32
      %add3A_126 = arith.constant 3 : i32
      %add3A_127 = arith.addi %mul3A_125, %add3A_126 : i32
      %dma_start3A_128 = arith.constant 0 : i32
      %dma_start3A_129 = tpu.memref_slice %arg8[%add3A_127, %dma_start3A_128] : memref<228x128xi32, #tpu.memory_space<vmem>> -> memref<1x128xi32, #tpu.memory_space<vmem>>
      %dma_start3A_130 = tpu.memref_squeeze %dma_start3A_129 : memref<1x128xi32, #tpu.memory_space<vmem>> -> memref<128xi32, #tpu.memory_space<vmem>>
      %dma_start3A_131 = arith.constant 0 : i32
      %dma_start3A_132 = arith.constant 0 : i32
      %dma_start3A_133 = tpu.memref_slice %arg13[%dma_start3A_131, %dma_start3A_132] : memref<10016x32xf32, #tpu.memory_space<vmem_shared>> -> memref<10016x32xf32, #tpu.memory_space<vmem_shared>>
      tpu.enqueue_indirect_dma source(%arg12 : memref<128x32xf32, #tpu.memory_space<vmem>>) target(%dma_start3A_133 : memref<10016x32xf32, #tpu.memory_space<vmem_shared>>) offsets(%dma_start3A_130 : memref<128xi32, #tpu.memory_space<vmem>>) semaphore(%arg21 : memref<!tpu.dma_semaphore, #tpu.memory_space<semaphore_mem>>) {add = true}
      %mul3A_134 = arith.constant 4 : i32
      %mul3A_135 = arith.muli %mul3A_134, %while3A_54 : i32
      %add3A_136 = arith.constant 0 : i32
      %add3A_137 = arith.addi %mul3A_135, %add3A_136 : i32
      %dma_wait3A_138 = arith.constant 0 : i32
      %dma_wait3A_139 = tpu.memref_slice %arg8[%add3A_137, %dma_wait3A_138] : memref<228x128xi32, #tpu.memory_space<vmem>> -> memref<1x128xi32, #tpu.memory_space<vmem>>
      %dma_wait3A_140 = tpu.memref_squeeze %dma_wait3A_139 : memref<1x128xi32, #tpu.memory_space<vmem>> -> memref<128xi32, #tpu.memory_space<vmem>>
      %dma_wait3A_141 = arith.constant 0 : i32
      %dma_wait3A_142 = arith.constant 0 : i32
      %dma_wait3A_143 = tpu.memref_slice %arg13[%dma_wait3A_141, %dma_wait3A_142] : memref<10016x32xf32, #tpu.memory_space<vmem_shared>> -> memref<10016x32xf32, #tpu.memory_space<vmem_shared>>
      tpu.wait_indirect_dma semaphore(%arg18 : memref<!tpu.dma_semaphore, #tpu.memory_space<semaphore_mem>>) src(%arg9 : memref<128x32xf32, #tpu.memory_space<vmem>>) dst(%dma_wait3A_143 : memref<10016x32xf32, #tpu.memory_space<vmem_shared>>)
      %mul3A_144 = arith.constant 4 : i32
      %mul3A_145 = arith.muli %mul3A_144, %while3A_54 : i32
      %add3A_146 = arith.constant 1 : i32
      %add3A_147 = arith.addi %mul3A_145, %add3A_146 : i32
      %dma_wait3A_148 = arith.constant 0 : i32
      %dma_wait3A_149 = tpu.memref_slice %arg8[%add3A_147, %dma_wait3A_148] : memref<228x128xi32, #tpu.memory_space<vmem>> -> memref<1x128xi32, #tpu.memory_space<vmem>>
      %dma_wait3A_150 = tpu.memref_squeeze %dma_wait3A_149 : memref<1x128xi32, #tpu.memory_space<vmem>> -> memref<128xi32, #tpu.memory_space<vmem>>
      %dma_wait3A_151 = arith.constant 0 : i32
      %dma_wait3A_152 = arith.constant 0 : i32
      %dma_wait3A_153 = tpu.memref_slice %arg13[%dma_wait3A_151, %dma_wait3A_152] : memref<10016x32xf32, #tpu.memory_space<vmem_shared>> -> memref<10016x32xf32, #tpu.memory_space<vmem_shared>>
      tpu.wait_indirect_dma semaphore(%arg19 : memref<!tpu.dma_semaphore, #tpu.memory_space<semaphore_mem>>) src(%arg10 : memref<128x32xf32, #tpu.memory_space<vmem>>) dst(%dma_wait3A_153 : memref<10016x32xf32, #tpu.memory_space<vmem_shared>>)
      %mul3A_154 = arith.constant 4 : i32
      %mul3A_155 = arith.muli %mul3A_154, %while3A_54 : i32
      %add3A_156 = arith.constant 2 : i32
      %add3A_157 = arith.addi %mul3A_155, %add3A_156 : i32
      %dma_wait3A_158 = arith.constant 0 : i32
      %dma_wait3A_159 = tpu.memref_slice %arg8[%add3A_157, %dma_wait3A_158] : memref<228x128xi32, #tpu.memory_space<vmem>> -> memref<1x128xi32, #tpu.memory_space<vmem>>
      %dma_wait3A_160 = tpu.memref_squeeze %dma_wait3A_159 : memref<1x128xi32, #tpu.memory_space<vmem>> -> memref<128xi32, #tpu.memory_space<vmem>>
      %dma_wait3A_161 = arith.constant 0 : i32
      %dma_wait3A_162 = arith.constant 0 : i32
      %dma_wait3A_163 = tpu.memref_slice %arg13[%dma_wait3A_161, %dma_wait3A_162] : memref<10016x32xf32, #tpu.memory_space<vmem_shared>> -> memref<10016x32xf32, #tpu.memory_space<vmem_shared>>
      tpu.wait_indirect_dma semaphore(%arg20 : memref<!tpu.dma_semaphore, #tpu.memory_space<semaphore_mem>>) src(%arg11 : memref<128x32xf32, #tpu.memory_space<vmem>>) dst(%dma_wait3A_163 : memref<10016x32xf32, #tpu.memory_space<vmem_shared>>)
      %mul3A_164 = arith.constant 4 : i32
      %mul3A_165 = arith.muli %mul3A_164, %while3A_54 : i32
      %add3A_166 = arith.constant 3 : i32
      %add3A_167 = arith.addi %mul3A_165, %add3A_166 : i32
      %dma_wait3A_168 = arith.constant 0 : i32
      %dma_wait3A_169 = tpu.memref_slice %arg8[%add3A_167, %dma_wait3A_168] : memref<228x128xi32, #tpu.memory_space<vmem>> -> memref<1x128xi32, #tpu.memory_space<vmem>>
      %dma_wait3A_170 = tpu.memref_squeeze %dma_wait3A_169 : memref<1x128xi32, #tpu.memory_space<vmem>> -> memref<128xi32, #tpu.memory_space<vmem>>
      %dma_wait3A_171 = arith.constant 0 : i32
      %dma_wait3A_172 = arith.constant 0 : i32
      %dma_wait3A_173 = tpu.memref_slice %arg13[%dma_wait3A_171, %dma_wait3A_172] : memref<10016x32xf32, #tpu.memory_space<vmem_shared>> -> memref<10016x32xf32, #tpu.memory_space<vmem_shared>>
      tpu.wait_indirect_dma semaphore(%arg21 : memref<!tpu.dma_semaphore, #tpu.memory_space<semaphore_mem>>) src(%arg12 : memref<128x32xf32, #tpu.memory_space<vmem>>) dst(%dma_wait3A_173 : memref<10016x32xf32, #tpu.memory_space<vmem_shared>>)
      %sub3A = arith.constant 1 : i32
      %sub3A_174 = arith.subi %select_n3A_8, %sub3A : i32
      %lt3A = arith.cmpi slt, %while3A_54, %sub3A_174 : i32
      %convert_element_type3A = arith.extui %lt3A : i1 to i32
      %cond3A = arith.constant 0 : i32
      %cond3A_175 = arith.cmpi ne, %convert_element_type3A, %cond3A : i32
      scf.if %cond3A_175 {
        %add3A_176 = arith.constant 1 : i32
        %add3A_177 = arith.addi %while3A_54, %add3A_176 : i32
        %mul3A_178 = arith.constant 4 : i32
        %mul3A_179 = arith.muli %mul3A_178, %add3A_177 : i32
        %add3A_180 = arith.constant 0 : i32
        %add3A_181 = arith.addi %mul3A_179, %add3A_180 : i32
        %dma_start3A_182 = arith.constant 0 : i32
        %dma_start3A_183 = tpu.memref_slice %arg7[%add3A_181, %dma_start3A_182] : memref<228x128xi32, #tpu.memory_space<vmem>> -> memref<1x128xi32, #tpu.memory_space<vmem>>
        %dma_start3A_184 = tpu.memref_squeeze %dma_start3A_183 : memref<1x128xi32, #tpu.memory_space<vmem>> -> memref<128xi32, #tpu.memory_space<vmem>>
        %dma_start3A_185 = arith.constant 0 : i32
        %dma_start3A_186 = arith.constant 0 : i32
        %dma_start3A_187 = tpu.memref_slice %arg2[%dma_start3A_185, %dma_start3A_186] : memref<10016x32xf32, #tpu.memory_space<hbm>> -> memref<10016x32xf32, #tpu.memory_space<hbm>>
        tpu.enqueue_indirect_dma source(%dma_start3A_187 : memref<10016x32xf32, #tpu.memory_space<hbm>>) target(%arg9 : memref<128x32xf32, #tpu.memory_space<vmem>>) offsets(%dma_start3A_184 : memref<128xi32, #tpu.memory_space<vmem>>) semaphore(%arg14 : memref<!tpu.dma_semaphore, #tpu.memory_space<semaphore_mem>>)
        %add3A_188 = arith.constant 1 : i32
        %add3A_189 = arith.addi %while3A_54, %add3A_188 : i32
        %mul3A_190 = arith.constant 4 : i32
        %mul3A_191 = arith.muli %mul3A_190, %add3A_189 : i32
        %add3A_192 = arith.constant 1 : i32
        %add3A_193 = arith.addi %mul3A_191, %add3A_192 : i32
        %dma_start3A_194 = arith.constant 0 : i32
        %dma_start3A_195 = tpu.memref_slice %arg7[%add3A_193, %dma_start3A_194] : memref<228x128xi32, #tpu.memory_space<vmem>> -> memref<1x128xi32, #tpu.memory_space<vmem>>
        %dma_start3A_196 = tpu.memref_squeeze %dma_start3A_195 : memref<1x128xi32, #tpu.memory_space<vmem>> -> memref<128xi32, #tpu.memory_space<vmem>>
        %dma_start3A_197 = arith.constant 0 : i32
        %dma_start3A_198 = arith.constant 0 : i32
        %dma_start3A_199 = tpu.memref_slice %arg2[%dma_start3A_197, %dma_start3A_198] : memref<10016x32xf32, #tpu.memory_space<hbm>> -> memref<10016x32xf32, #tpu.memory_space<hbm>>
        tpu.enqueue_indirect_dma source(%dma_start3A_199 : memref<10016x32xf32, #tpu.memory_space<hbm>>) target(%arg10 : memref<128x32xf32, #tpu.memory_space<vmem>>) offsets(%dma_start3A_196 : memref<128xi32, #tpu.memory_space<vmem>>) semaphore(%arg15 : memref<!tpu.dma_semaphore, #tpu.memory_space<semaphore_mem>>)
        %add3A_200 = arith.constant 1 : i32
        %add3A_201 = arith.addi %while3A_54, %add3A_200 : i32
        %mul3A_202 = arith.constant 4 : i32
        %mul3A_203 = arith.muli %mul3A_202, %add3A_201 : i32
        %add3A_204 = arith.constant 2 : i32
        %add3A_205 = arith.addi %mul3A_203, %add3A_204 : i32
        %dma_start3A_206 = arith.constant 0 : i32
        %dma_start3A_207 = tpu.memref_slice %arg7[%add3A_205, %dma_start3A_206] : memref<228x128xi32, #tpu.memory_space<vmem>> -> memref<1x128xi32, #tpu.memory_space<vmem>>
        %dma_start3A_208 = tpu.memref_squeeze %dma_start3A_207 : memref<1x128xi32, #tpu.memory_space<vmem>> -> memref<128xi32, #tpu.memory_space<vmem>>
        %dma_start3A_209 = arith.constant 0 : i32
        %dma_start3A_210 = arith.constant 0 : i32
        %dma_start3A_211 = tpu.memref_slice %arg2[%dma_start3A_209, %dma_start3A_210] : memref<10016x32xf32, #tpu.memory_space<hbm>> -> memref<10016x32xf32, #tpu.memory_space<hbm>>
        tpu.enqueue_indirect_dma source(%dma_start3A_211 : memref<10016x32xf32, #tpu.memory_space<hbm>>) target(%arg11 : memref<128x32xf32, #tpu.memory_space<vmem>>) offsets(%dma_start3A_208 : memref<128xi32, #tpu.memory_space<vmem>>) semaphore(%arg16 : memref<!tpu.dma_semaphore, #tpu.memory_space<semaphore_mem>>)
        %add3A_212 = arith.constant 1 : i32
        %add3A_213 = arith.addi %while3A_54, %add3A_212 : i32
        %mul3A_214 = arith.constant 4 : i32
        %mul3A_215 = arith.muli %mul3A_214, %add3A_213 : i32
        %add3A_216 = arith.constant 3 : i32
        %add3A_217 = arith.addi %mul3A_215, %add3A_216 : i32
        %dma_start3A_218 = arith.constant 0 : i32
        %dma_start3A_219 = tpu.memref_slice %arg7[%add3A_217, %dma_start3A_218] : memref<228x128xi32, #tpu.memory_space<vmem>> -> memref<1x128xi32, #tpu.memory_space<vmem>>
        %dma_start3A_220 = tpu.memref_squeeze %dma_start3A_219 : memref<1x128xi32, #tpu.memory_space<vmem>> -> memref<128xi32, #tpu.memory_space<vmem>>
        %dma_start3A_221 = arith.constant 0 : i32
        %dma_start3A_222 = arith.constant 0 : i32
        %dma_start3A_223 = tpu.memref_slice %arg2[%dma_start3A_221, %dma_start3A_222] : memref<10016x32xf32, #tpu.memory_space<hbm>> -> memref<10016x32xf32, #tpu.memory_space<hbm>>
        tpu.enqueue_indirect_dma source(%dma_start3A_223 : memref<10016x32xf32, #tpu.memory_space<hbm>>) target(%arg12 : memref<128x32xf32, #tpu.memory_space<vmem>>) offsets(%dma_start3A_220 : memref<128xi32, #tpu.memory_space<vmem>>) semaphore(%arg17 : memref<!tpu.dma_semaphore, #tpu.memory_space<semaphore_mem>>)
      } else {
      }
    }
    %barrier3A_49 = arith.constant 0 : index
    tpu.barrier barrier_id(%barrier3A_49)
    %mul3A_50 = arith.constant 626 : i32
    %mul3A_51 = arith.muli %arg1, %mul3A_50 : i32
    %mul3A_52 = arith.constant 626 : i32
    %mul3A_53 = arith.muli %arg1, %mul3A_52 : i32
    "tpu.region"() ({
      %run_scoped3A = tpu.sem_alloc : memref<!tpu.dma_semaphore, #tpu.memory_space<semaphore_mem>>
      %dma_start3A_54 = arith.constant 0 : i32
      %dma_start3A_55 = tpu.memref_slice %arg6[%arg0, %mul3A_53, %dma_start3A_54] : memref<2x10016x32xf32, #tpu.memory_space<hbm>> -> memref<1x626x32xf32, #tpu.memory_space<hbm>>
      %dma_start3A_56 = tpu.memref_squeeze %dma_start3A_55 : memref<1x626x32xf32, #tpu.memory_space<hbm>> -> memref<626x32xf32, #tpu.memory_space<hbm>>
      %dma_start3A_57 = arith.constant 0 : i32
      %dma_start3A_58 = tpu.memref_slice %arg13[%mul3A_51, %dma_start3A_57] : memref<10016x32xf32, #tpu.memory_space<vmem_shared>> -> memref<626x32xf32, #tpu.memory_space<vmem_shared>>
      tpu.enqueue_dma source(%dma_start3A_58 : memref<626x32xf32, #tpu.memory_space<vmem_shared>>) target(%dma_start3A_56 : memref<626x32xf32, #tpu.memory_space<hbm>>) target_semaphore(%run_scoped3A : memref<!tpu.dma_semaphore, #tpu.memory_space<semaphore_mem>>)
      %dma_wait3A = arith.constant 0 : i32
      %dma_wait3A_59 = tpu.memref_slice %arg6[%arg0, %mul3A_53, %dma_wait3A] : memref<2x10016x32xf32, #tpu.memory_space<hbm>> -> memref<1x626x32xf32, #tpu.memory_space<hbm>>
      %dma_wait3A_60 = tpu.memref_squeeze %dma_wait3A_59 : memref<1x626x32xf32, #tpu.memory_space<hbm>> -> memref<626x32xf32, #tpu.memory_space<hbm>>
      %dma_wait3A_61 = arith.constant 0 : i32
      %dma_wait3A_62 = tpu.memref_slice %arg13[%mul3A_51, %dma_wait3A_61] : memref<10016x32xf32, #tpu.memory_space<vmem_shared>> -> memref<626x32xf32, #tpu.memory_space<vmem_shared>>
      tpu.wait_dma2 semaphore(%run_scoped3A : memref<!tpu.dma_semaphore, #tpu.memory_space<semaphore_mem>>) src(%dma_wait3A_62 : memref<626x32xf32, #tpu.memory_space<vmem_shared>>) dst(%dma_wait3A_60 : memref<626x32xf32, #tpu.memory_space<hbm>>)
      tpu.yield
    }) : () -> ()
    return
  }
}

#map = affine_map<(d0, d1) -> (0, 0)>
#map1 = affine_map<(d0, d1) -> (0, 0, 0)>
module attributes {stable_mosaic.version = 14 : i64} {
  func.func @_sc_scatter(%arg0: i32, %arg1: i32, %arg2: memref<10016x32xf32, #tpu.memory_space<hbm>>, %arg3: memref<5216x128xi32, #tpu.memory_space<hbm>>, %arg4: memref<5216x128xi32, #tpu.memory_space<hbm>>, %arg5: memref<10016x32xf32, #tpu.memory_space<hbm>>, %arg6: memref<2x10016x32xf32, #tpu.memory_space<hbm>>, %arg7: memref<228x128xi32, #tpu.memory_space<vmem>>, %arg8: memref<228x128xi32, #tpu.memory_space<vmem>>, %arg9: memref<128x32xf32, #tpu.memory_space<vmem>>, %arg10: memref<128x32xf32, #tpu.memory_space<vmem>>, %arg11: memref<128x32xf32, #tpu.memory_space<vmem>>, %arg12: memref<128x32xf32, #tpu.memory_space<vmem>>, %arg13: memref<10016x32xf32, #tpu.memory_space<vmem_shared>>, %arg14: memref<!tpu.dma_semaphore, #tpu.memory_space<semaphore_mem>>, %arg15: memref<!tpu.dma_semaphore, #tpu.memory_space<semaphore_mem>>, %arg16: memref<!tpu.dma_semaphore, #tpu.memory_space<semaphore_mem>>, %arg17: memref<!tpu.dma_semaphore, #tpu.memory_space<semaphore_mem>>, %arg18: memref<!tpu.dma_semaphore, #tpu.memory_space<semaphore_mem>>, %arg19: memref<!tpu.dma_semaphore, #tpu.memory_space<semaphore_mem>>, %arg20: memref<!tpu.dma_semaphore, #tpu.memory_space<semaphore_mem>>, %arg21: memref<!tpu.dma_semaphore, #tpu.memory_space<semaphore_mem>>) attributes {dimension_semantics = [#tpu.dimension_semantics<core_parallel>, #tpu.dimension_semantics<subcore_parallel>], iteration_bounds = array<i64: 2, 16>, scalar_prefetch = 0 : i64, scratch_operands = 15 : i64, tpu.core_type = #tpu.core_type<sc_vector_subcore>, window_params = [{transform_indices = #map}, {transform_indices = #map}, {transform_indices = #map}, {transform_indices = #map}, {transform_indices = #map1}]} {
    %eq3A = arith.constant 0 : i32
    %eq3A_0 = arith.cmpi eq, %arg0, %eq3A : i32
    %mul3A = arith.constant 228 : i32
    %mul3A_1 = arith.muli %arg1, %mul3A : i32
    %mul3A_2 = arith.constant 88 : i32
    %mul3A_3 = arith.muli %arg1, %mul3A_2 : i32
    %add3A = arith.constant 3648 : i32
    %add3A_4 = arith.addi %add3A, %mul3A_3 : i32
    %select_n3A = arith.select %eq3A_0, %mul3A_1, %add3A_4 : i32
    %eq3A_5 = arith.constant 0 : i32
    %eq3A_6 = arith.cmpi eq, %arg0, %eq3A_5 : i32
    %jit3A = arith.constant 57 : i32
    %jit3A_7 = arith.constant 22 : i32
    %select_n3A_8 = arith.select %eq3A_6, %jit3A, %jit3A_7 : i32
    %mul3A_9 = arith.constant 626 : i32
    %mul3A_10 = arith.muli %arg1, %mul3A_9 : i32
    %mul3A_11 = arith.constant 626 : i32
    %mul3A_12 = arith.muli %arg1, %mul3A_11 : i32
    "tpu.region"() ({
      %run_scoped3A = tpu.sem_alloc : memref<!tpu.dma_semaphore, #tpu.memory_space<semaphore_mem>>
      %dma_start3A_54 = arith.constant 0 : i32
      %dma_start3A_55 = tpu.memref_slice %arg13[%mul3A_12, %dma_start3A_54] : memref<10016x32xf32, #tpu.memory_space<vmem_shared>> -> memref<626x32xf32, #tpu.memory_space<vmem_shared>>
      %dma_start3A_56 = arith.constant 0 : i32
      %dma_start3A_57 = tpu.memref_slice %arg5[%mul3A_10, %dma_start3A_56] : memref<10016x32xf32, #tpu.memory_space<hbm>> -> memref<626x32xf32, #tpu.memory_space<hbm>>
      tpu.enqueue_dma source(%dma_start3A_57 : memref<626x32xf32, #tpu.memory_space<hbm>>) target(%dma_start3A_55 : memref<626x32xf32, #tpu.memory_space<vmem_shared>>) target_semaphore(%run_scoped3A : memref<!tpu.dma_semaphore, #tpu.memory_space<semaphore_mem>>)
      %dma_wait3A = arith.constant 0 : i32
      %dma_wait3A_58 = tpu.memref_slice %arg13[%mul3A_12, %dma_wait3A] : memref<10016x32xf32, #tpu.memory_space<vmem_shared>> -> memref<626x32xf32, #tpu.memory_space<vmem_shared>>
      %dma_wait3A_59 = arith.constant 0 : i32
      %dma_wait3A_60 = tpu.memref_slice %arg5[%mul3A_10, %dma_wait3A_59] : memref<10016x32xf32, #tpu.memory_space<hbm>> -> memref<626x32xf32, #tpu.memory_space<hbm>>
      tpu.wait_dma2 semaphore(%run_scoped3A : memref<!tpu.dma_semaphore, #tpu.memory_space<semaphore_mem>>) src(%dma_wait3A_60 : memref<626x32xf32, #tpu.memory_space<hbm>>) dst(%dma_wait3A_58 : memref<626x32xf32, #tpu.memory_space<vmem_shared>>)
      tpu.yield
    }) : () -> ()
    "tpu.region"() ({
      %run_scoped3A = tpu.sem_alloc : memref<!tpu.dma_semaphore, #tpu.memory_space<semaphore_mem>>
      %dma_start3A_54 = arith.constant 0 : i32
      %dma_start3A_55 = tpu.memref_slice %arg3[%select_n3A, %dma_start3A_54] : memref<5216x128xi32, #tpu.memory_space<hbm>> -> memref<228x128xi32, #tpu.memory_space<hbm>>
      %dma_start3A_56 = arith.constant 0 : i32
      %dma_start3A_57 = tpu.memref_slice %arg3[%select_n3A, %dma_start3A_56] : memref<5216x128xi32, #tpu.memory_space<hbm>> -> memref<228x128xi32, #tpu.memory_space<hbm>>
      tpu.enqueue_dma source(%dma_start3A_57 : memref<228x128xi32, #tpu.memory_space<hbm>>) target(%arg7 : memref<228x128xi32, #tpu.memory_space<vmem>>) target_semaphore(%run_scoped3A : memref<!tpu.dma_semaphore, #tpu.memory_space<semaphore_mem>>)
      %dma_wait3A = arith.constant 0 : i32
      %dma_wait3A_58 = tpu.memref_slice %arg3[%select_n3A, %dma_wait3A] : memref<5216x128xi32, #tpu.memory_space<hbm>> -> memref<228x128xi32, #tpu.memory_space<hbm>>
      %dma_wait3A_59 = arith.constant 0 : i32
      %dma_wait3A_60 = tpu.memref_slice %arg3[%select_n3A, %dma_wait3A_59] : memref<5216x128xi32, #tpu.memory_space<hbm>> -> memref<228x128xi32, #tpu.memory_space<hbm>>
      tpu.wait_dma2 semaphore(%run_scoped3A : memref<!tpu.dma_semaphore, #tpu.memory_space<semaphore_mem>>) src(%dma_wait3A_60 : memref<228x128xi32, #tpu.memory_space<hbm>>) dst(%arg7 : memref<228x128xi32, #tpu.memory_space<vmem>>)
      tpu.yield
    }) : () -> ()
    "tpu.region"() ({
      %run_scoped3A = tpu.sem_alloc : memref<!tpu.dma_semaphore, #tpu.memory_space<semaphore_mem>>
      %dma_start3A_54 = arith.constant 0 : i32
      %dma_start3A_55 = tpu.memref_slice %arg4[%select_n3A, %dma_start3A_54] : memref<5216x128xi32, #tpu.memory_space<hbm>> -> memref<228x128xi32, #tpu.memory_space<hbm>>
      %dma_start3A_56 = arith.constant 0 : i32
      %dma_start3A_57 = tpu.memref_slice %arg4[%select_n3A, %dma_start3A_56] : memref<5216x128xi32, #tpu.memory_space<hbm>> -> memref<228x128xi32, #tpu.memory_space<hbm>>
      tpu.enqueue_dma source(%dma_start3A_57 : memref<228x128xi32, #tpu.memory_space<hbm>>) target(%arg8 : memref<228x128xi32, #tpu.memory_space<vmem>>) target_semaphore(%run_scoped3A : memref<!tpu.dma_semaphore, #tpu.memory_space<semaphore_mem>>)
      %dma_wait3A = arith.constant 0 : i32
      %dma_wait3A_58 = tpu.memref_slice %arg4[%select_n3A, %dma_wait3A] : memref<5216x128xi32, #tpu.memory_space<hbm>> -> memref<228x128xi32, #tpu.memory_space<hbm>>
      %dma_wait3A_59 = arith.constant 0 : i32
      %dma_wait3A_60 = tpu.memref_slice %arg4[%select_n3A, %dma_wait3A_59] : memref<5216x128xi32, #tpu.memory_space<hbm>> -> memref<228x128xi32, #tpu.memory_space<hbm>>
      tpu.wait_dma2 semaphore(%run_scoped3A : memref<!tpu.dma_semaphore, #tpu.memory_space<semaphore_mem>>) src(%dma_wait3A_60 : memref<228x128xi32, #tpu.memory_space<hbm>>) dst(%arg8 : memref<228x128xi32, #tpu.memory_space<vmem>>)
      tpu.yield
    }) : () -> ()
    %barrier3A = arith.constant 0 : index
    tpu.barrier barrier_id(%barrier3A)
    %dma_start3A = arith.constant 0 : i32
    %dma_start3A_13 = arith.constant 0 : i32
    %dma_start3A_14 = tpu.memref_slice %arg7[%dma_start3A, %dma_start3A_13] : memref<228x128xi32, #tpu.memory_space<vmem>> -> memref<1x128xi32, #tpu.memory_space<vmem>>
    %dma_start3A_15 = tpu.memref_squeeze %dma_start3A_14 : memref<1x128xi32, #tpu.memory_space<vmem>> -> memref<128xi32, #tpu.memory_space<vmem>>
    %dma_start3A_16 = arith.constant 0 : i32
    %dma_start3A_17 = arith.constant 0 : i32
    %dma_start3A_18 = tpu.memref_slice %arg2[%dma_start3A_16, %dma_start3A_17] : memref<10016x32xf32, #tpu.memory_space<hbm>> -> memref<10016x32xf32, #tpu.memory_space<hbm>>
    tpu.enqueue_indirect_dma source(%dma_start3A_18 : memref<10016x32xf32, #tpu.memory_space<hbm>>) target(%arg9 : memref<128x32xf32, #tpu.memory_space<vmem>>) offsets(%dma_start3A_15 : memref<128xi32, #tpu.memory_space<vmem>>) semaphore(%arg14 : memref<!tpu.dma_semaphore, #tpu.memory_space<semaphore_mem>>)
    %dma_start3A_19 = arith.constant 1 : i32
    %dma_start3A_20 = arith.constant 0 : i32
    %dma_start3A_21 = tpu.memref_slice %arg7[%dma_start3A_19, %dma_start3A_20] : memref<228x128xi32, #tpu.memory_space<vmem>> -> memref<1x128xi32, #tpu.memory_space<vmem>>
    %dma_start3A_22 = tpu.memref_squeeze %dma_start3A_21 : memref<1x128xi32, #tpu.memory_space<vmem>> -> memref<128xi32, #tpu.memory_space<vmem>>
    %dma_start3A_23 = arith.constant 0 : i32
    %dma_start3A_24 = arith.constant 0 : i32
    %dma_start3A_25 = tpu.memref_slice %arg2[%dma_start3A_23, %dma_start3A_24] : memref<10016x32xf32, #tpu.memory_space<hbm>> -> memref<10016x32xf32, #tpu.memory_space<hbm>>
    tpu.enqueue_indirect_dma source(%dma_start3A_25 : memref<10016x32xf32, #tpu.memory_space<hbm>>) target(%arg10 : memref<128x32xf32, #tpu.memory_space<vmem>>) offsets(%dma_start3A_22 : memref<128xi32, #tpu.memory_space<vmem>>) semaphore(%arg15 : memref<!tpu.dma_semaphore, #tpu.memory_space<semaphore_mem>>)
    %dma_start3A_26 = arith.constant 2 : i32
    %dma_start3A_27 = arith.constant 0 : i32
    %dma_start3A_28 = tpu.memref_slice %arg7[%dma_start3A_26, %dma_start3A_27] : memref<228x128xi32, #tpu.memory_space<vmem>> -> memref<1x128xi32, #tpu.memory_space<vmem>>
    %dma_start3A_29 = tpu.memref_squeeze %dma_start3A_28 : memref<1x128xi32, #tpu.memory_space<vmem>> -> memref<128xi32, #tpu.memory_space<vmem>>
    %dma_start3A_30 = arith.constant 0 : i32
    %dma_start3A_31 = arith.constant 0 : i32
    %dma_start3A_32 = tpu.memref_slice %arg2[%dma_start3A_30, %dma_start3A_31] : memref<10016x32xf32, #tpu.memory_space<hbm>> -> memref<10016x32xf32, #tpu.memory_space<hbm>>
    tpu.enqueue_indirect_dma source(%dma_start3A_32 : memref<10016x32xf32, #tpu.memory_space<hbm>>) target(%arg11 : memref<128x32xf32, #tpu.memory_space<vmem>>) offsets(%dma_start3A_29 : memref<128xi32, #tpu.memory_space<vmem>>) semaphore(%arg16 : memref<!tpu.dma_semaphore, #tpu.memory_space<semaphore_mem>>)
    %dma_start3A_33 = arith.constant 3 : i32
    %dma_start3A_34 = arith.constant 0 : i32
    %dma_start3A_35 = tpu.memref_slice %arg7[%dma_start3A_33, %dma_start3A_34] : memref<228x128xi32, #tpu.memory_space<vmem>> -> memref<1x128xi32, #tpu.memory_space<vmem>>
    %dma_start3A_36 = tpu.memref_squeeze %dma_start3A_35 : memref<1x128xi32, #tpu.memory_space<vmem>> -> memref<128xi32, #tpu.memory_space<vmem>>
    %dma_start3A_37 = arith.constant 0 : i32
    %dma_start3A_38 = arith.constant 0 : i32
    %dma_start3A_39 = tpu.memref_slice %arg2[%dma_start3A_37, %dma_start3A_38] : memref<10016x32xf32, #tpu.memory_space<hbm>> -> memref<10016x32xf32, #tpu.memory_space<hbm>>
    tpu.enqueue_indirect_dma source(%dma_start3A_39 : memref<10016x32xf32, #tpu.memory_space<hbm>>) target(%arg12 : memref<128x32xf32, #tpu.memory_space<vmem>>) offsets(%dma_start3A_36 : memref<128xi32, #tpu.memory_space<vmem>>) semaphore(%arg17 : memref<!tpu.dma_semaphore, #tpu.memory_space<semaphore_mem>>)
    %while3A = arith.constant 0 : i32
    %while3A_40 = arith.constant 0 : i32
    %while3A_41 = arith.subi %select_n3A_8, %while3A_40 : i32
    %while3A_42 = arith.addi %while3A_40, %while3A_41 : i32
    %while3A_43 = arith.constant 1 : i32
    %while3A_44 = arith.divsi %while3A_41, %while3A_43 : i32
    %while3A_45 = arith.muli %while3A_44, %while3A_43 : i32
    %while3A_46 = arith.addi %while3A_40, %while3A_45 : i32
    %while3A_47 = arith.constant 1 : i32
    scf.for %while3A_54 = %while3A_40 to %while3A_46 step %while3A_47  : i32 {
      %mul3A_55 = arith.constant 4 : i32
      %mul3A_56 = arith.muli %mul3A_55, %while3A_54 : i32
      %add3A_57 = arith.constant 0 : i32
      %add3A_58 = arith.addi %mul3A_56, %add3A_57 : i32
      %dma_wait3A = arith.constant 0 : i32
      %dma_wait3A_59 = tpu.memref_slice %arg7[%add3A_58, %dma_wait3A] : memref<228x128xi32, #tpu.memory_space<vmem>> -> memref<1x128xi32, #tpu.memory_space<vmem>>
      %dma_wait3A_60 = tpu.memref_squeeze %dma_wait3A_59 : memref<1x128xi32, #tpu.memory_space<vmem>> -> memref<128xi32, #tpu.memory_space<vmem>>
      %dma_wait3A_61 = arith.constant 0 : i32
      %dma_wait3A_62 = arith.constant 0 : i32
      %dma_wait3A_63 = tpu.memref_slice %arg2[%dma_wait3A_61, %dma_wait3A_62] : memref<10016x32xf32, #tpu.memory_space<hbm>> -> memref<10016x32xf32, #tpu.memory_space<hbm>>
      tpu.wait_indirect_dma semaphore(%arg14 : memref<!tpu.dma_semaphore, #tpu.memory_space<semaphore_mem>>) src(%dma_wait3A_63 : memref<10016x32xf32, #tpu.memory_space<hbm>>) dst(%arg9 : memref<128x32xf32, #tpu.memory_space<vmem>>)
      %mul3A_64 = arith.constant 4 : i32
      %mul3A_65 = arith.muli %mul3A_64, %while3A_54 : i32
      %add3A_66 = arith.constant 1 : i32
      %add3A_67 = arith.addi %mul3A_65, %add3A_66 : i32
      %dma_wait3A_68 = arith.constant 0 : i32
      %dma_wait3A_69 = tpu.memref_slice %arg7[%add3A_67, %dma_wait3A_68] : memref<228x128xi32, #tpu.memory_space<vmem>> -> memref<1x128xi32, #tpu.memory_space<vmem>>
      %dma_wait3A_70 = tpu.memref_squeeze %dma_wait3A_69 : memref<1x128xi32, #tpu.memory_space<vmem>> -> memref<128xi32, #tpu.memory_space<vmem>>
      %dma_wait3A_71 = arith.constant 0 : i32
      %dma_wait3A_72 = arith.constant 0 : i32
      %dma_wait3A_73 = tpu.memref_slice %arg2[%dma_wait3A_71, %dma_wait3A_72] : memref<10016x32xf32, #tpu.memory_space<hbm>> -> memref<10016x32xf32, #tpu.memory_space<hbm>>
      tpu.wait_indirect_dma semaphore(%arg15 : memref<!tpu.dma_semaphore, #tpu.memory_space<semaphore_mem>>) src(%dma_wait3A_73 : memref<10016x32xf32, #tpu.memory_space<hbm>>) dst(%arg10 : memref<128x32xf32, #tpu.memory_space<vmem>>)
      %mul3A_74 = arith.constant 4 : i32
      %mul3A_75 = arith.muli %mul3A_74, %while3A_54 : i32
      %add3A_76 = arith.constant 2 : i32
      %add3A_77 = arith.addi %mul3A_75, %add3A_76 : i32
      %dma_wait3A_78 = arith.constant 0 : i32
      %dma_wait3A_79 = tpu.memref_slice %arg7[%add3A_77, %dma_wait3A_78] : memref<228x128xi32, #tpu.memory_space<vmem>> -> memref<1x128xi32, #tpu.memory_space<vmem>>
      %dma_wait3A_80 = tpu.memref_squeeze %dma_wait3A_79 : memref<1x128xi32, #tpu.memory_space<vmem>> -> memref<128xi32, #tpu.memory_space<vmem>>
      %dma_wait3A_81 = arith.constant 0 : i32
      %dma_wait3A_82 = arith.constant 0 : i32
      %dma_wait3A_83 = tpu.memref_slice %arg2[%dma_wait3A_81, %dma_wait3A_82] : memref<10016x32xf32, #tpu.memory_space<hbm>> -> memref<10016x32xf32, #tpu.memory_space<hbm>>
      tpu.wait_indirect_dma semaphore(%arg16 : memref<!tpu.dma_semaphore, #tpu.memory_space<semaphore_mem>>) src(%dma_wait3A_83 : memref<10016x32xf32, #tpu.memory_space<hbm>>) dst(%arg11 : memref<128x32xf32, #tpu.memory_space<vmem>>)
      %mul3A_84 = arith.constant 4 : i32
      %mul3A_85 = arith.muli %mul3A_84, %while3A_54 : i32
      %add3A_86 = arith.constant 3 : i32
      %add3A_87 = arith.addi %mul3A_85, %add3A_86 : i32
      %dma_wait3A_88 = arith.constant 0 : i32
      %dma_wait3A_89 = tpu.memref_slice %arg7[%add3A_87, %dma_wait3A_88] : memref<228x128xi32, #tpu.memory_space<vmem>> -> memref<1x128xi32, #tpu.memory_space<vmem>>
      %dma_wait3A_90 = tpu.memref_squeeze %dma_wait3A_89 : memref<1x128xi32, #tpu.memory_space<vmem>> -> memref<128xi32, #tpu.memory_space<vmem>>
      %dma_wait3A_91 = arith.constant 0 : i32
      %dma_wait3A_92 = arith.constant 0 : i32
      %dma_wait3A_93 = tpu.memref_slice %arg2[%dma_wait3A_91, %dma_wait3A_92] : memref<10016x32xf32, #tpu.memory_space<hbm>> -> memref<10016x32xf32, #tpu.memory_space<hbm>>
      tpu.wait_indirect_dma semaphore(%arg17 : memref<!tpu.dma_semaphore, #tpu.memory_space<semaphore_mem>>) src(%dma_wait3A_93 : memref<10016x32xf32, #tpu.memory_space<hbm>>) dst(%arg12 : memref<128x32xf32, #tpu.memory_space<vmem>>)
      %mul3A_94 = arith.constant 4 : i32
      %mul3A_95 = arith.muli %mul3A_94, %while3A_54 : i32
      %add3A_96 = arith.constant 0 : i32
      %add3A_97 = arith.addi %mul3A_95, %add3A_96 : i32
      %dma_start3A_98 = arith.constant 0 : i32
      %dma_start3A_99 = tpu.memref_slice %arg8[%add3A_97, %dma_start3A_98] : memref<228x128xi32, #tpu.memory_space<vmem>> -> memref<1x128xi32, #tpu.memory_space<vmem>>
      %dma_start3A_100 = tpu.memref_squeeze %dma_start3A_99 : memref<1x128xi32, #tpu.memory_space<vmem>> -> memref<128xi32, #tpu.memory_space<vmem>>
      %dma_start3A_101 = arith.constant 0 : i32
      %dma_start3A_102 = arith.constant 0 : i32
      %dma_start3A_103 = tpu.memref_slice %arg13[%dma_start3A_101, %dma_start3A_102] : memref<10016x32xf32, #tpu.memory_space<vmem_shared>> -> memref<10016x32xf32, #tpu.memory_space<vmem_shared>>
      tpu.enqueue_indirect_dma source(%arg9 : memref<128x32xf32, #tpu.memory_space<vmem>>) target(%dma_start3A_103 : memref<10016x32xf32, #tpu.memory_space<vmem_shared>>) offsets(%dma_start3A_100 : memref<128xi32, #tpu.memory_space<vmem>>) semaphore(%arg18 : memref<!tpu.dma_semaphore, #tpu.memory_space<semaphore_mem>>) {add = true}
      %mul3A_104 = arith.constant 4 : i32
      %mul3A_105 = arith.muli %mul3A_104, %while3A_54 : i32
      %add3A_106 = arith.constant 1 : i32
      %add3A_107 = arith.addi %mul3A_105, %add3A_106 : i32
      %dma_start3A_108 = arith.constant 0 : i32
      %dma_start3A_109 = tpu.memref_slice %arg8[%add3A_107, %dma_start3A_108] : memref<228x128xi32, #tpu.memory_space<vmem>> -> memref<1x128xi32, #tpu.memory_space<vmem>>
      %dma_start3A_110 = tpu.memref_squeeze %dma_start3A_109 : memref<1x128xi32, #tpu.memory_space<vmem>> -> memref<128xi32, #tpu.memory_space<vmem>>
      %dma_start3A_111 = arith.constant 0 : i32
      %dma_start3A_112 = arith.constant 0 : i32
      %dma_start3A_113 = tpu.memref_slice %arg13[%dma_start3A_111, %dma_start3A_112] : memref<10016x32xf32, #tpu.memory_space<vmem_shared>> -> memref<10016x32xf32, #tpu.memory_space<vmem_shared>>
      tpu.enqueue_indirect_dma source(%arg10 : memref<128x32xf32, #tpu.memory_space<vmem>>) target(%dma_start3A_113 : memref<10016x32xf32, #tpu.memory_space<vmem_shared>>) offsets(%dma_start3A_110 : memref<128xi32, #tpu.memory_space<vmem>>) semaphore(%arg19 : memref<!tpu.dma_semaphore, #tpu.memory_space<semaphore_mem>>) {add = true}
      %mul3A_114 = arith.constant 4 : i32
      %mul3A_115 = arith.muli %mul3A_114, %while3A_54 : i32
      %add3A_116 = arith.constant 2 : i32
      %add3A_117 = arith.addi %mul3A_115, %add3A_116 : i32
      %dma_start3A_118 = arith.constant 0 : i32
      %dma_start3A_119 = tpu.memref_slice %arg8[%add3A_117, %dma_start3A_118] : memref<228x128xi32, #tpu.memory_space<vmem>> -> memref<1x128xi32, #tpu.memory_space<vmem>>
      %dma_start3A_120 = tpu.memref_squeeze %dma_start3A_119 : memref<1x128xi32, #tpu.memory_space<vmem>> -> memref<128xi32, #tpu.memory_space<vmem>>
      %dma_start3A_121 = arith.constant 0 : i32
      %dma_start3A_122 = arith.constant 0 : i32
      %dma_start3A_123 = tpu.memref_slice %arg13[%dma_start3A_121, %dma_start3A_122] : memref<10016x32xf32, #tpu.memory_space<vmem_shared>> -> memref<10016x32xf32, #tpu.memory_space<vmem_shared>>
      tpu.enqueue_indirect_dma source(%arg11 : memref<128x32xf32, #tpu.memory_space<vmem>>) target(%dma_start3A_123 : memref<10016x32xf32, #tpu.memory_space<vmem_shared>>) offsets(%dma_start3A_120 : memref<128xi32, #tpu.memory_space<vmem>>) semaphore(%arg20 : memref<!tpu.dma_semaphore, #tpu.memory_space<semaphore_mem>>) {add = true}
      %mul3A_124 = arith.constant 4 : i32
      %mul3A_125 = arith.muli %mul3A_124, %while3A_54 : i32
      %add3A_126 = arith.constant 3 : i32
      %add3A_127 = arith.addi %mul3A_125, %add3A_126 : i32
      %dma_start3A_128 = arith.constant 0 : i32
      %dma_start3A_129 = tpu.memref_slice %arg8[%add3A_127, %dma_start3A_128] : memref<228x128xi32, #tpu.memory_space<vmem>> -> memref<1x128xi32, #tpu.memory_space<vmem>>
      %dma_start3A_130 = tpu.memref_squeeze %dma_start3A_129 : memref<1x128xi32, #tpu.memory_space<vmem>> -> memref<128xi32, #tpu.memory_space<vmem>>
      %dma_start3A_131 = arith.constant 0 : i32
      %dma_start3A_132 = arith.constant 0 : i32
      %dma_start3A_133 = tpu.memref_slice %arg13[%dma_start3A_131, %dma_start3A_132] : memref<10016x32xf32, #tpu.memory_space<vmem_shared>> -> memref<10016x32xf32, #tpu.memory_space<vmem_shared>>
      tpu.enqueue_indirect_dma source(%arg12 : memref<128x32xf32, #tpu.memory_space<vmem>>) target(%dma_start3A_133 : memref<10016x32xf32, #tpu.memory_space<vmem_shared>>) offsets(%dma_start3A_130 : memref<128xi32, #tpu.memory_space<vmem>>) semaphore(%arg21 : memref<!tpu.dma_semaphore, #tpu.memory_space<semaphore_mem>>) {add = true}
      %mul3A_134 = arith.constant 4 : i32
      %mul3A_135 = arith.muli %mul3A_134, %while3A_54 : i32
      %add3A_136 = arith.constant 0 : i32
      %add3A_137 = arith.addi %mul3A_135, %add3A_136 : i32
      %dma_wait3A_138 = arith.constant 0 : i32
      %dma_wait3A_139 = tpu.memref_slice %arg8[%add3A_137, %dma_wait3A_138] : memref<228x128xi32, #tpu.memory_space<vmem>> -> memref<1x128xi32, #tpu.memory_space<vmem>>
      %dma_wait3A_140 = tpu.memref_squeeze %dma_wait3A_139 : memref<1x128xi32, #tpu.memory_space<vmem>> -> memref<128xi32, #tpu.memory_space<vmem>>
      %dma_wait3A_141 = arith.constant 0 : i32
      %dma_wait3A_142 = arith.constant 0 : i32
      %dma_wait3A_143 = tpu.memref_slice %arg13[%dma_wait3A_141, %dma_wait3A_142] : memref<10016x32xf32, #tpu.memory_space<vmem_shared>> -> memref<10016x32xf32, #tpu.memory_space<vmem_shared>>
      tpu.wait_indirect_dma semaphore(%arg18 : memref<!tpu.dma_semaphore, #tpu.memory_space<semaphore_mem>>) src(%arg9 : memref<128x32xf32, #tpu.memory_space<vmem>>) dst(%dma_wait3A_143 : memref<10016x32xf32, #tpu.memory_space<vmem_shared>>)
      %mul3A_144 = arith.constant 4 : i32
      %mul3A_145 = arith.muli %mul3A_144, %while3A_54 : i32
      %add3A_146 = arith.constant 1 : i32
      %add3A_147 = arith.addi %mul3A_145, %add3A_146 : i32
      %dma_wait3A_148 = arith.constant 0 : i32
      %dma_wait3A_149 = tpu.memref_slice %arg8[%add3A_147, %dma_wait3A_148] : memref<228x128xi32, #tpu.memory_space<vmem>> -> memref<1x128xi32, #tpu.memory_space<vmem>>
      %dma_wait3A_150 = tpu.memref_squeeze %dma_wait3A_149 : memref<1x128xi32, #tpu.memory_space<vmem>> -> memref<128xi32, #tpu.memory_space<vmem>>
      %dma_wait3A_151 = arith.constant 0 : i32
      %dma_wait3A_152 = arith.constant 0 : i32
      %dma_wait3A_153 = tpu.memref_slice %arg13[%dma_wait3A_151, %dma_wait3A_152] : memref<10016x32xf32, #tpu.memory_space<vmem_shared>> -> memref<10016x32xf32, #tpu.memory_space<vmem_shared>>
      tpu.wait_indirect_dma semaphore(%arg19 : memref<!tpu.dma_semaphore, #tpu.memory_space<semaphore_mem>>) src(%arg10 : memref<128x32xf32, #tpu.memory_space<vmem>>) dst(%dma_wait3A_153 : memref<10016x32xf32, #tpu.memory_space<vmem_shared>>)
      %mul3A_154 = arith.constant 4 : i32
      %mul3A_155 = arith.muli %mul3A_154, %while3A_54 : i32
      %add3A_156 = arith.constant 2 : i32
      %add3A_157 = arith.addi %mul3A_155, %add3A_156 : i32
      %dma_wait3A_158 = arith.constant 0 : i32
      %dma_wait3A_159 = tpu.memref_slice %arg8[%add3A_157, %dma_wait3A_158] : memref<228x128xi32, #tpu.memory_space<vmem>> -> memref<1x128xi32, #tpu.memory_space<vmem>>
      %dma_wait3A_160 = tpu.memref_squeeze %dma_wait3A_159 : memref<1x128xi32, #tpu.memory_space<vmem>> -> memref<128xi32, #tpu.memory_space<vmem>>
      %dma_wait3A_161 = arith.constant 0 : i32
      %dma_wait3A_162 = arith.constant 0 : i32
      %dma_wait3A_163 = tpu.memref_slice %arg13[%dma_wait3A_161, %dma_wait3A_162] : memref<10016x32xf32, #tpu.memory_space<vmem_shared>> -> memref<10016x32xf32, #tpu.memory_space<vmem_shared>>
      tpu.wait_indirect_dma semaphore(%arg20 : memref<!tpu.dma_semaphore, #tpu.memory_space<semaphore_mem>>) src(%arg11 : memref<128x32xf32, #tpu.memory_space<vmem>>) dst(%dma_wait3A_163 : memref<10016x32xf32, #tpu.memory_space<vmem_shared>>)
      %mul3A_164 = arith.constant 4 : i32
      %mul3A_165 = arith.muli %mul3A_164, %while3A_54 : i32
      %add3A_166 = arith.constant 3 : i32
      %add3A_167 = arith.addi %mul3A_165, %add3A_166 : i32
      %dma_wait3A_168 = arith.constant 0 : i32
      %dma_wait3A_169 = tpu.memref_slice %arg8[%add3A_167, %dma_wait3A_168] : memref<228x128xi32, #tpu.memory_space<vmem>> -> memref<1x128xi32, #tpu.memory_space<vmem>>
      %dma_wait3A_170 = tpu.memref_squeeze %dma_wait3A_169 : memref<1x128xi32, #tpu.memory_space<vmem>> -> memref<128xi32, #tpu.memory_space<vmem>>
      %dma_wait3A_171 = arith.constant 0 : i32
      %dma_wait3A_172 = arith.constant 0 : i32
      %dma_wait3A_173 = tpu.memref_slice %arg13[%dma_wait3A_171, %dma_wait3A_172] : memref<10016x32xf32, #tpu.memory_space<vmem_shared>> -> memref<10016x32xf32, #tpu.memory_space<vmem_shared>>
      tpu.wait_indirect_dma semaphore(%arg21 : memref<!tpu.dma_semaphore, #tpu.memory_space<semaphore_mem>>) src(%arg12 : memref<128x32xf32, #tpu.memory_space<vmem>>) dst(%dma_wait3A_173 : memref<10016x32xf32, #tpu.memory_space<vmem_shared>>)
      %sub3A = arith.constant 1 : i32
      %sub3A_174 = arith.subi %select_n3A_8, %sub3A : i32
      %lt3A = arith.cmpi slt, %while3A_54, %sub3A_174 : i32
      %convert_element_type3A = arith.extui %lt3A : i1 to i32
      %cond3A = arith.constant 0 : i32
      %cond3A_175 = arith.cmpi ne, %convert_element_type3A, %cond3A : i32
      scf.if %cond3A_175 {
        %add3A_176 = arith.constant 1 : i32
        %add3A_177 = arith.addi %while3A_54, %add3A_176 : i32
        %mul3A_178 = arith.constant 4 : i32
        %mul3A_179 = arith.muli %mul3A_178, %add3A_177 : i32
        %add3A_180 = arith.constant 0 : i32
        %add3A_181 = arith.addi %mul3A_179, %add3A_180 : i32
        %dma_start3A_182 = arith.constant 0 : i32
        %dma_start3A_183 = tpu.memref_slice %arg7[%add3A_181, %dma_start3A_182] : memref<228x128xi32, #tpu.memory_space<vmem>> -> memref<1x128xi32, #tpu.memory_space<vmem>>
        %dma_start3A_184 = tpu.memref_squeeze %dma_start3A_183 : memref<1x128xi32, #tpu.memory_space<vmem>> -> memref<128xi32, #tpu.memory_space<vmem>>
        %dma_start3A_185 = arith.constant 0 : i32
        %dma_start3A_186 = arith.constant 0 : i32
        %dma_start3A_187 = tpu.memref_slice %arg2[%dma_start3A_185, %dma_start3A_186] : memref<10016x32xf32, #tpu.memory_space<hbm>> -> memref<10016x32xf32, #tpu.memory_space<hbm>>
        tpu.enqueue_indirect_dma source(%dma_start3A_187 : memref<10016x32xf32, #tpu.memory_space<hbm>>) target(%arg9 : memref<128x32xf32, #tpu.memory_space<vmem>>) offsets(%dma_start3A_184 : memref<128xi32, #tpu.memory_space<vmem>>) semaphore(%arg14 : memref<!tpu.dma_semaphore, #tpu.memory_space<semaphore_mem>>)
        %add3A_188 = arith.constant 1 : i32
        %add3A_189 = arith.addi %while3A_54, %add3A_188 : i32
        %mul3A_190 = arith.constant 4 : i32
        %mul3A_191 = arith.muli %mul3A_190, %add3A_189 : i32
        %add3A_192 = arith.constant 1 : i32
        %add3A_193 = arith.addi %mul3A_191, %add3A_192 : i32
        %dma_start3A_194 = arith.constant 0 : i32
        %dma_start3A_195 = tpu.memref_slice %arg7[%add3A_193, %dma_start3A_194] : memref<228x128xi32, #tpu.memory_space<vmem>> -> memref<1x128xi32, #tpu.memory_space<vmem>>
        %dma_start3A_196 = tpu.memref_squeeze %dma_start3A_195 : memref<1x128xi32, #tpu.memory_space<vmem>> -> memref<128xi32, #tpu.memory_space<vmem>>
        %dma_start3A_197 = arith.constant 0 : i32
        %dma_start3A_198 = arith.constant 0 : i32
        %dma_start3A_199 = tpu.memref_slice %arg2[%dma_start3A_197, %dma_start3A_198] : memref<10016x32xf32, #tpu.memory_space<hbm>> -> memref<10016x32xf32, #tpu.memory_space<hbm>>
        tpu.enqueue_indirect_dma source(%dma_start3A_199 : memref<10016x32xf32, #tpu.memory_space<hbm>>) target(%arg10 : memref<128x32xf32, #tpu.memory_space<vmem>>) offsets(%dma_start3A_196 : memref<128xi32, #tpu.memory_space<vmem>>) semaphore(%arg15 : memref<!tpu.dma_semaphore, #tpu.memory_space<semaphore_mem>>)
        %add3A_200 = arith.constant 1 : i32
        %add3A_201 = arith.addi %while3A_54, %add3A_200 : i32
        %mul3A_202 = arith.constant 4 : i32
        %mul3A_203 = arith.muli %mul3A_202, %add3A_201 : i32
        %add3A_204 = arith.constant 2 : i32
        %add3A_205 = arith.addi %mul3A_203, %add3A_204 : i32
        %dma_start3A_206 = arith.constant 0 : i32
        %dma_start3A_207 = tpu.memref_slice %arg7[%add3A_205, %dma_start3A_206] : memref<228x128xi32, #tpu.memory_space<vmem>> -> memref<1x128xi32, #tpu.memory_space<vmem>>
        %dma_start3A_208 = tpu.memref_squeeze %dma_start3A_207 : memref<1x128xi32, #tpu.memory_space<vmem>> -> memref<128xi32, #tpu.memory_space<vmem>>
        %dma_start3A_209 = arith.constant 0 : i32
        %dma_start3A_210 = arith.constant 0 : i32
        %dma_start3A_211 = tpu.memref_slice %arg2[%dma_start3A_209, %dma_start3A_210] : memref<10016x32xf32, #tpu.memory_space<hbm>> -> memref<10016x32xf32, #tpu.memory_space<hbm>>
        tpu.enqueue_indirect_dma source(%dma_start3A_211 : memref<10016x32xf32, #tpu.memory_space<hbm>>) target(%arg11 : memref<128x32xf32, #tpu.memory_space<vmem>>) offsets(%dma_start3A_208 : memref<128xi32, #tpu.memory_space<vmem>>) semaphore(%arg16 : memref<!tpu.dma_semaphore, #tpu.memory_space<semaphore_mem>>)
        %add3A_212 = arith.constant 1 : i32
        %add3A_213 = arith.addi %while3A_54, %add3A_212 : i32
        %mul3A_214 = arith.constant 4 : i32
        %mul3A_215 = arith.muli %mul3A_214, %add3A_213 : i32
        %add3A_216 = arith.constant 3 : i32
        %add3A_217 = arith.addi %mul3A_215, %add3A_216 : i32
        %dma_start3A_218 = arith.constant 0 : i32
        %dma_start3A_219 = tpu.memref_slice %arg7[%add3A_217, %dma_start3A_218] : memref<228x128xi32, #tpu.memory_space<vmem>> -> memref<1x128xi32, #tpu.memory_space<vmem>>
        %dma_start3A_220 = tpu.memref_squeeze %dma_start3A_219 : memref<1x128xi32, #tpu.memory_space<vmem>> -> memref<128xi32, #tpu.memory_space<vmem>>
        %dma_start3A_221 = arith.constant 0 : i32
        %dma_start3A_222 = arith.constant 0 : i32
        %dma_start3A_223 = tpu.memref_slice %arg2[%dma_start3A_221, %dma_start3A_222] : memref<10016x32xf32, #tpu.memory_space<hbm>> -> memref<10016x32xf32, #tpu.memory_space<hbm>>
        tpu.enqueue_indirect_dma source(%dma_start3A_223 : memref<10016x32xf32, #tpu.memory_space<hbm>>) target(%arg12 : memref<128x32xf32, #tpu.memory_space<vmem>>) offsets(%dma_start3A_220 : memref<128xi32, #tpu.memory_space<vmem>>) semaphore(%arg17 : memref<!tpu.dma_semaphore, #tpu.memory_space<semaphore_mem>>)
      } else {
      }
    }
    %while3A_48 = arith.constant 1 : i32
    scf.for %while3A_54 = %while3A_46 to %while3A_42 step %while3A_48  : i32 {
      %mul3A_55 = arith.constant 4 : i32
      %mul3A_56 = arith.muli %mul3A_55, %while3A_54 : i32
      %add3A_57 = arith.constant 0 : i32
      %add3A_58 = arith.addi %mul3A_56, %add3A_57 : i32
      %dma_wait3A = arith.constant 0 : i32
      %dma_wait3A_59 = tpu.memref_slice %arg7[%add3A_58, %dma_wait3A] : memref<228x128xi32, #tpu.memory_space<vmem>> -> memref<1x128xi32, #tpu.memory_space<vmem>>
      %dma_wait3A_60 = tpu.memref_squeeze %dma_wait3A_59 : memref<1x128xi32, #tpu.memory_space<vmem>> -> memref<128xi32, #tpu.memory_space<vmem>>
      %dma_wait3A_61 = arith.constant 0 : i32
      %dma_wait3A_62 = arith.constant 0 : i32
      %dma_wait3A_63 = tpu.memref_slice %arg2[%dma_wait3A_61, %dma_wait3A_62] : memref<10016x32xf32, #tpu.memory_space<hbm>> -> memref<10016x32xf32, #tpu.memory_space<hbm>>
      tpu.wait_indirect_dma semaphore(%arg14 : memref<!tpu.dma_semaphore, #tpu.memory_space<semaphore_mem>>) src(%dma_wait3A_63 : memref<10016x32xf32, #tpu.memory_space<hbm>>) dst(%arg9 : memref<128x32xf32, #tpu.memory_space<vmem>>)
      %mul3A_64 = arith.constant 4 : i32
      %mul3A_65 = arith.muli %mul3A_64, %while3A_54 : i32
      %add3A_66 = arith.constant 1 : i32
      %add3A_67 = arith.addi %mul3A_65, %add3A_66 : i32
      %dma_wait3A_68 = arith.constant 0 : i32
      %dma_wait3A_69 = tpu.memref_slice %arg7[%add3A_67, %dma_wait3A_68] : memref<228x128xi32, #tpu.memory_space<vmem>> -> memref<1x128xi32, #tpu.memory_space<vmem>>
      %dma_wait3A_70 = tpu.memref_squeeze %dma_wait3A_69 : memref<1x128xi32, #tpu.memory_space<vmem>> -> memref<128xi32, #tpu.memory_space<vmem>>
      %dma_wait3A_71 = arith.constant 0 : i32
      %dma_wait3A_72 = arith.constant 0 : i32
      %dma_wait3A_73 = tpu.memref_slice %arg2[%dma_wait3A_71, %dma_wait3A_72] : memref<10016x32xf32, #tpu.memory_space<hbm>> -> memref<10016x32xf32, #tpu.memory_space<hbm>>
      tpu.wait_indirect_dma semaphore(%arg15 : memref<!tpu.dma_semaphore, #tpu.memory_space<semaphore_mem>>) src(%dma_wait3A_73 : memref<10016x32xf32, #tpu.memory_space<hbm>>) dst(%arg10 : memref<128x32xf32, #tpu.memory_space<vmem>>)
      %mul3A_74 = arith.constant 4 : i32
      %mul3A_75 = arith.muli %mul3A_74, %while3A_54 : i32
      %add3A_76 = arith.constant 2 : i32
      %add3A_77 = arith.addi %mul3A_75, %add3A_76 : i32
      %dma_wait3A_78 = arith.constant 0 : i32
      %dma_wait3A_79 = tpu.memref_slice %arg7[%add3A_77, %dma_wait3A_78] : memref<228x128xi32, #tpu.memory_space<vmem>> -> memref<1x128xi32, #tpu.memory_space<vmem>>
      %dma_wait3A_80 = tpu.memref_squeeze %dma_wait3A_79 : memref<1x128xi32, #tpu.memory_space<vmem>> -> memref<128xi32, #tpu.memory_space<vmem>>
      %dma_wait3A_81 = arith.constant 0 : i32
      %dma_wait3A_82 = arith.constant 0 : i32
      %dma_wait3A_83 = tpu.memref_slice %arg2[%dma_wait3A_81, %dma_wait3A_82] : memref<10016x32xf32, #tpu.memory_space<hbm>> -> memref<10016x32xf32, #tpu.memory_space<hbm>>
      tpu.wait_indirect_dma semaphore(%arg16 : memref<!tpu.dma_semaphore, #tpu.memory_space<semaphore_mem>>) src(%dma_wait3A_83 : memref<10016x32xf32, #tpu.memory_space<hbm>>) dst(%arg11 : memref<128x32xf32, #tpu.memory_space<vmem>>)
      %mul3A_84 = arith.constant 4 : i32
      %mul3A_85 = arith.muli %mul3A_84, %while3A_54 : i32
      %add3A_86 = arith.constant 3 : i32
      %add3A_87 = arith.addi %mul3A_85, %add3A_86 : i32
      %dma_wait3A_88 = arith.constant 0 : i32
      %dma_wait3A_89 = tpu.memref_slice %arg7[%add3A_87, %dma_wait3A_88] : memref<228x128xi32, #tpu.memory_space<vmem>> -> memref<1x128xi32, #tpu.memory_space<vmem>>
      %dma_wait3A_90 = tpu.memref_squeeze %dma_wait3A_89 : memref<1x128xi32, #tpu.memory_space<vmem>> -> memref<128xi32, #tpu.memory_space<vmem>>
      %dma_wait3A_91 = arith.constant 0 : i32
      %dma_wait3A_92 = arith.constant 0 : i32
      %dma_wait3A_93 = tpu.memref_slice %arg2[%dma_wait3A_91, %dma_wait3A_92] : memref<10016x32xf32, #tpu.memory_space<hbm>> -> memref<10016x32xf32, #tpu.memory_space<hbm>>
      tpu.wait_indirect_dma semaphore(%arg17 : memref<!tpu.dma_semaphore, #tpu.memory_space<semaphore_mem>>) src(%dma_wait3A_93 : memref<10016x32xf32, #tpu.memory_space<hbm>>) dst(%arg12 : memref<128x32xf32, #tpu.memory_space<vmem>>)
      %mul3A_94 = arith.constant 4 : i32
      %mul3A_95 = arith.muli %mul3A_94, %while3A_54 : i32
      %add3A_96 = arith.constant 0 : i32
      %add3A_97 = arith.addi %mul3A_95, %add3A_96 : i32
      %dma_start3A_98 = arith.constant 0 : i32
      %dma_start3A_99 = tpu.memref_slice %arg8[%add3A_97, %dma_start3A_98] : memref<228x128xi32, #tpu.memory_space<vmem>> -> memref<1x128xi32, #tpu.memory_space<vmem>>
      %dma_start3A_100 = tpu.memref_squeeze %dma_start3A_99 : memref<1x128xi32, #tpu.memory_space<vmem>> -> memref<128xi32, #tpu.memory_space<vmem>>
      %dma_start3A_101 = arith.constant 0 : i32
      %dma_start3A_102 = arith.constant 0 : i32
      %dma_start3A_103 = tpu.memref_slice %arg13[%dma_start3A_101, %dma_start3A_102] : memref<10016x32xf32, #tpu.memory_space<vmem_shared>> -> memref<10016x32xf32, #tpu.memory_space<vmem_shared>>
      tpu.enqueue_indirect_dma source(%arg9 : memref<128x32xf32, #tpu.memory_space<vmem>>) target(%dma_start3A_103 : memref<10016x32xf32, #tpu.memory_space<vmem_shared>>) offsets(%dma_start3A_100 : memref<128xi32, #tpu.memory_space<vmem>>) semaphore(%arg18 : memref<!tpu.dma_semaphore, #tpu.memory_space<semaphore_mem>>) {add = true}
      %mul3A_104 = arith.constant 4 : i32
      %mul3A_105 = arith.muli %mul3A_104, %while3A_54 : i32
      %add3A_106 = arith.constant 1 : i32
      %add3A_107 = arith.addi %mul3A_105, %add3A_106 : i32
      %dma_start3A_108 = arith.constant 0 : i32
      %dma_start3A_109 = tpu.memref_slice %arg8[%add3A_107, %dma_start3A_108] : memref<228x128xi32, #tpu.memory_space<vmem>> -> memref<1x128xi32, #tpu.memory_space<vmem>>
      %dma_start3A_110 = tpu.memref_squeeze %dma_start3A_109 : memref<1x128xi32, #tpu.memory_space<vmem>> -> memref<128xi32, #tpu.memory_space<vmem>>
      %dma_start3A_111 = arith.constant 0 : i32
      %dma_start3A_112 = arith.constant 0 : i32
      %dma_start3A_113 = tpu.memref_slice %arg13[%dma_start3A_111, %dma_start3A_112] : memref<10016x32xf32, #tpu.memory_space<vmem_shared>> -> memref<10016x32xf32, #tpu.memory_space<vmem_shared>>
      tpu.enqueue_indirect_dma source(%arg10 : memref<128x32xf32, #tpu.memory_space<vmem>>) target(%dma_start3A_113 : memref<10016x32xf32, #tpu.memory_space<vmem_shared>>) offsets(%dma_start3A_110 : memref<128xi32, #tpu.memory_space<vmem>>) semaphore(%arg19 : memref<!tpu.dma_semaphore, #tpu.memory_space<semaphore_mem>>) {add = true}
      %mul3A_114 = arith.constant 4 : i32
      %mul3A_115 = arith.muli %mul3A_114, %while3A_54 : i32
      %add3A_116 = arith.constant 2 : i32
      %add3A_117 = arith.addi %mul3A_115, %add3A_116 : i32
      %dma_start3A_118 = arith.constant 0 : i32
      %dma_start3A_119 = tpu.memref_slice %arg8[%add3A_117, %dma_start3A_118] : memref<228x128xi32, #tpu.memory_space<vmem>> -> memref<1x128xi32, #tpu.memory_space<vmem>>
      %dma_start3A_120 = tpu.memref_squeeze %dma_start3A_119 : memref<1x128xi32, #tpu.memory_space<vmem>> -> memref<128xi32, #tpu.memory_space<vmem>>
      %dma_start3A_121 = arith.constant 0 : i32
      %dma_start3A_122 = arith.constant 0 : i32
      %dma_start3A_123 = tpu.memref_slice %arg13[%dma_start3A_121, %dma_start3A_122] : memref<10016x32xf32, #tpu.memory_space<vmem_shared>> -> memref<10016x32xf32, #tpu.memory_space<vmem_shared>>
      tpu.enqueue_indirect_dma source(%arg11 : memref<128x32xf32, #tpu.memory_space<vmem>>) target(%dma_start3A_123 : memref<10016x32xf32, #tpu.memory_space<vmem_shared>>) offsets(%dma_start3A_120 : memref<128xi32, #tpu.memory_space<vmem>>) semaphore(%arg20 : memref<!tpu.dma_semaphore, #tpu.memory_space<semaphore_mem>>) {add = true}
      %mul3A_124 = arith.constant 4 : i32
      %mul3A_125 = arith.muli %mul3A_124, %while3A_54 : i32
      %add3A_126 = arith.constant 3 : i32
      %add3A_127 = arith.addi %mul3A_125, %add3A_126 : i32
      %dma_start3A_128 = arith.constant 0 : i32
      %dma_start3A_129 = tpu.memref_slice %arg8[%add3A_127, %dma_start3A_128] : memref<228x128xi32, #tpu.memory_space<vmem>> -> memref<1x128xi32, #tpu.memory_space<vmem>>
      %dma_start3A_130 = tpu.memref_squeeze %dma_start3A_129 : memref<1x128xi32, #tpu.memory_space<vmem>> -> memref<128xi32, #tpu.memory_space<vmem>>
      %dma_start3A_131 = arith.constant 0 : i32
      %dma_start3A_132 = arith.constant 0 : i32
      %dma_start3A_133 = tpu.memref_slice %arg13[%dma_start3A_131, %dma_start3A_132] : memref<10016x32xf32, #tpu.memory_space<vmem_shared>> -> memref<10016x32xf32, #tpu.memory_space<vmem_shared>>
      tpu.enqueue_indirect_dma source(%arg12 : memref<128x32xf32, #tpu.memory_space<vmem>>) target(%dma_start3A_133 : memref<10016x32xf32, #tpu.memory_space<vmem_shared>>) offsets(%dma_start3A_130 : memref<128xi32, #tpu.memory_space<vmem>>) semaphore(%arg21 : memref<!tpu.dma_semaphore, #tpu.memory_space<semaphore_mem>>) {add = true}
      %mul3A_134 = arith.constant 4 : i32
      %mul3A_135 = arith.muli %mul3A_134, %while3A_54 : i32
      %add3A_136 = arith.constant 0 : i32
      %add3A_137 = arith.addi %mul3A_135, %add3A_136 : i32
      %dma_wait3A_138 = arith.constant 0 : i32
      %dma_wait3A_139 = tpu.memref_slice %arg8[%add3A_137, %dma_wait3A_138] : memref<228x128xi32, #tpu.memory_space<vmem>> -> memref<1x128xi32, #tpu.memory_space<vmem>>
      %dma_wait3A_140 = tpu.memref_squeeze %dma_wait3A_139 : memref<1x128xi32, #tpu.memory_space<vmem>> -> memref<128xi32, #tpu.memory_space<vmem>>
      %dma_wait3A_141 = arith.constant 0 : i32
      %dma_wait3A_142 = arith.constant 0 : i32
      %dma_wait3A_143 = tpu.memref_slice %arg13[%dma_wait3A_141, %dma_wait3A_142] : memref<10016x32xf32, #tpu.memory_space<vmem_shared>> -> memref<10016x32xf32, #tpu.memory_space<vmem_shared>>
      tpu.wait_indirect_dma semaphore(%arg18 : memref<!tpu.dma_semaphore, #tpu.memory_space<semaphore_mem>>) src(%arg9 : memref<128x32xf32, #tpu.memory_space<vmem>>) dst(%dma_wait3A_143 : memref<10016x32xf32, #tpu.memory_space<vmem_shared>>)
      %mul3A_144 = arith.constant 4 : i32
      %mul3A_145 = arith.muli %mul3A_144, %while3A_54 : i32
      %add3A_146 = arith.constant 1 : i32
      %add3A_147 = arith.addi %mul3A_145, %add3A_146 : i32
      %dma_wait3A_148 = arith.constant 0 : i32
      %dma_wait3A_149 = tpu.memref_slice %arg8[%add3A_147, %dma_wait3A_148] : memref<228x128xi32, #tpu.memory_space<vmem>> -> memref<1x128xi32, #tpu.memory_space<vmem>>
      %dma_wait3A_150 = tpu.memref_squeeze %dma_wait3A_149 : memref<1x128xi32, #tpu.memory_space<vmem>> -> memref<128xi32, #tpu.memory_space<vmem>>
      %dma_wait3A_151 = arith.constant 0 : i32
      %dma_wait3A_152 = arith.constant 0 : i32
      %dma_wait3A_153 = tpu.memref_slice %arg13[%dma_wait3A_151, %dma_wait3A_152] : memref<10016x32xf32, #tpu.memory_space<vmem_shared>> -> memref<10016x32xf32, #tpu.memory_space<vmem_shared>>
      tpu.wait_indirect_dma semaphore(%arg19 : memref<!tpu.dma_semaphore, #tpu.memory_space<semaphore_mem>>) src(%arg10 : memref<128x32xf32, #tpu.memory_space<vmem>>) dst(%dma_wait3A_153 : memref<10016x32xf32, #tpu.memory_space<vmem_shared>>)
      %mul3A_154 = arith.constant 4 : i32
      %mul3A_155 = arith.muli %mul3A_154, %while3A_54 : i32
      %add3A_156 = arith.constant 2 : i32
      %add3A_157 = arith.addi %mul3A_155, %add3A_156 : i32
      %dma_wait3A_158 = arith.constant 0 : i32
      %dma_wait3A_159 = tpu.memref_slice %arg8[%add3A_157, %dma_wait3A_158] : memref<228x128xi32, #tpu.memory_space<vmem>> -> memref<1x128xi32, #tpu.memory_space<vmem>>
      %dma_wait3A_160 = tpu.memref_squeeze %dma_wait3A_159 : memref<1x128xi32, #tpu.memory_space<vmem>> -> memref<128xi32, #tpu.memory_space<vmem>>
      %dma_wait3A_161 = arith.constant 0 : i32
      %dma_wait3A_162 = arith.constant 0 : i32
      %dma_wait3A_163 = tpu.memref_slice %arg13[%dma_wait3A_161, %dma_wait3A_162] : memref<10016x32xf32, #tpu.memory_space<vmem_shared>> -> memref<10016x32xf32, #tpu.memory_space<vmem_shared>>
      tpu.wait_indirect_dma semaphore(%arg20 : memref<!tpu.dma_semaphore, #tpu.memory_space<semaphore_mem>>) src(%arg11 : memref<128x32xf32, #tpu.memory_space<vmem>>) dst(%dma_wait3A_163 : memref<10016x32xf32, #tpu.memory_space<vmem_shared>>)
      %mul3A_164 = arith.constant 4 : i32
      %mul3A_165 = arith.muli %mul3A_164, %while3A_54 : i32
      %add3A_166 = arith.constant 3 : i32
      %add3A_167 = arith.addi %mul3A_165, %add3A_166 : i32
      %dma_wait3A_168 = arith.constant 0 : i32
      %dma_wait3A_169 = tpu.memref_slice %arg8[%add3A_167, %dma_wait3A_168] : memref<228x128xi32, #tpu.memory_space<vmem>> -> memref<1x128xi32, #tpu.memory_space<vmem>>
      %dma_wait3A_170 = tpu.memref_squeeze %dma_wait3A_169 : memref<1x128xi32, #tpu.memory_space<vmem>> -> memref<128xi32, #tpu.memory_space<vmem>>
      %dma_wait3A_171 = arith.constant 0 : i32
      %dma_wait3A_172 = arith.constant 0 : i32
      %dma_wait3A_173 = tpu.memref_slice %arg13[%dma_wait3A_171, %dma_wait3A_172] : memref<10016x32xf32, #tpu.memory_space<vmem_shared>> -> memref<10016x32xf32, #tpu.memory_space<vmem_shared>>
      tpu.wait_indirect_dma semaphore(%arg21 : memref<!tpu.dma_semaphore, #tpu.memory_space<semaphore_mem>>) src(%arg12 : memref<128x32xf32, #tpu.memory_space<vmem>>) dst(%dma_wait3A_173 : memref<10016x32xf32, #tpu.memory_space<vmem_shared>>)
      %sub3A = arith.constant 1 : i32
      %sub3A_174 = arith.subi %select_n3A_8, %sub3A : i32
      %lt3A = arith.cmpi slt, %while3A_54, %sub3A_174 : i32
      %convert_element_type3A = arith.extui %lt3A : i1 to i32
      %cond3A = arith.constant 0 : i32
      %cond3A_175 = arith.cmpi ne, %convert_element_type3A, %cond3A : i32
      scf.if %cond3A_175 {
        %add3A_176 = arith.constant 1 : i32
        %add3A_177 = arith.addi %while3A_54, %add3A_176 : i32
        %mul3A_178 = arith.constant 4 : i32
        %mul3A_179 = arith.muli %mul3A_178, %add3A_177 : i32
        %add3A_180 = arith.constant 0 : i32
        %add3A_181 = arith.addi %mul3A_179, %add3A_180 : i32
        %dma_start3A_182 = arith.constant 0 : i32
        %dma_start3A_183 = tpu.memref_slice %arg7[%add3A_181, %dma_start3A_182] : memref<228x128xi32, #tpu.memory_space<vmem>> -> memref<1x128xi32, #tpu.memory_space<vmem>>
        %dma_start3A_184 = tpu.memref_squeeze %dma_start3A_183 : memref<1x128xi32, #tpu.memory_space<vmem>> -> memref<128xi32, #tpu.memory_space<vmem>>
        %dma_start3A_185 = arith.constant 0 : i32
        %dma_start3A_186 = arith.constant 0 : i32
        %dma_start3A_187 = tpu.memref_slice %arg2[%dma_start3A_185, %dma_start3A_186] : memref<10016x32xf32, #tpu.memory_space<hbm>> -> memref<10016x32xf32, #tpu.memory_space<hbm>>
        tpu.enqueue_indirect_dma source(%dma_start3A_187 : memref<10016x32xf32, #tpu.memory_space<hbm>>) target(%arg9 : memref<128x32xf32, #tpu.memory_space<vmem>>) offsets(%dma_start3A_184 : memref<128xi32, #tpu.memory_space<vmem>>) semaphore(%arg14 : memref<!tpu.dma_semaphore, #tpu.memory_space<semaphore_mem>>)
        %add3A_188 = arith.constant 1 : i32
        %add3A_189 = arith.addi %while3A_54, %add3A_188 : i32
        %mul3A_190 = arith.constant 4 : i32
        %mul3A_191 = arith.muli %mul3A_190, %add3A_189 : i32
        %add3A_192 = arith.constant 1 : i32
        %add3A_193 = arith.addi %mul3A_191, %add3A_192 : i32
        %dma_start3A_194 = arith.constant 0 : i32
        %dma_start3A_195 = tpu.memref_slice %arg7[%add3A_193, %dma_start3A_194] : memref<228x128xi32, #tpu.memory_space<vmem>> -> memref<1x128xi32, #tpu.memory_space<vmem>>
        %dma_start3A_196 = tpu.memref_squeeze %dma_start3A_195 : memref<1x128xi32, #tpu.memory_space<vmem>> -> memref<128xi32, #tpu.memory_space<vmem>>
        %dma_start3A_197 = arith.constant 0 : i32
        %dma_start3A_198 = arith.constant 0 : i32
        %dma_start3A_199 = tpu.memref_slice %arg2[%dma_start3A_197, %dma_start3A_198] : memref<10016x32xf32, #tpu.memory_space<hbm>> -> memref<10016x32xf32, #tpu.memory_space<hbm>>
        tpu.enqueue_indirect_dma source(%dma_start3A_199 : memref<10016x32xf32, #tpu.memory_space<hbm>>) target(%arg10 : memref<128x32xf32, #tpu.memory_space<vmem>>) offsets(%dma_start3A_196 : memref<128xi32, #tpu.memory_space<vmem>>) semaphore(%arg15 : memref<!tpu.dma_semaphore, #tpu.memory_space<semaphore_mem>>)
        %add3A_200 = arith.constant 1 : i32
        %add3A_201 = arith.addi %while3A_54, %add3A_200 : i32
        %mul3A_202 = arith.constant 4 : i32
        %mul3A_203 = arith.muli %mul3A_202, %add3A_201 : i32
        %add3A_204 = arith.constant 2 : i32
        %add3A_205 = arith.addi %mul3A_203, %add3A_204 : i32
        %dma_start3A_206 = arith.constant 0 : i32
        %dma_start3A_207 = tpu.memref_slice %arg7[%add3A_205, %dma_start3A_206] : memref<228x128xi32, #tpu.memory_space<vmem>> -> memref<1x128xi32, #tpu.memory_space<vmem>>
        %dma_start3A_208 = tpu.memref_squeeze %dma_start3A_207 : memref<1x128xi32, #tpu.memory_space<vmem>> -> memref<128xi32, #tpu.memory_space<vmem>>
        %dma_start3A_209 = arith.constant 0 : i32
        %dma_start3A_210 = arith.constant 0 : i32
        %dma_start3A_211 = tpu.memref_slice %arg2[%dma_start3A_209, %dma_start3A_210] : memref<10016x32xf32, #tpu.memory_space<hbm>> -> memref<10016x32xf32, #tpu.memory_space<hbm>>
        tpu.enqueue_indirect_dma source(%dma_start3A_211 : memref<10016x32xf32, #tpu.memory_space<hbm>>) target(%arg11 : memref<128x32xf32, #tpu.memory_space<vmem>>) offsets(%dma_start3A_208 : memref<128xi32, #tpu.memory_space<vmem>>) semaphore(%arg16 : memref<!tpu.dma_semaphore, #tpu.memory_space<semaphore_mem>>)
        %add3A_212 = arith.constant 1 : i32
        %add3A_213 = arith.addi %while3A_54, %add3A_212 : i32
        %mul3A_214 = arith.constant 4 : i32
        %mul3A_215 = arith.muli %mul3A_214, %add3A_213 : i32
        %add3A_216 = arith.constant 3 : i32
        %add3A_217 = arith.addi %mul3A_215, %add3A_216 : i32
        %dma_start3A_218 = arith.constant 0 : i32
        %dma_start3A_219 = tpu.memref_slice %arg7[%add3A_217, %dma_start3A_218] : memref<228x128xi32, #tpu.memory_space<vmem>> -> memref<1x128xi32, #tpu.memory_space<vmem>>
        %dma_start3A_220 = tpu.memref_squeeze %dma_start3A_219 : memref<1x128xi32, #tpu.memory_space<vmem>> -> memref<128xi32, #tpu.memory_space<vmem>>
        %dma_start3A_221 = arith.constant 0 : i32
        %dma_start3A_222 = arith.constant 0 : i32
        %dma_start3A_223 = tpu.memref_slice %arg2[%dma_start3A_221, %dma_start3A_222] : memref<10016x32xf32, #tpu.memory_space<hbm>> -> memref<10016x32xf32, #tpu.memory_space<hbm>>
        tpu.enqueue_indirect_dma source(%dma_start3A_223 : memref<10016x32xf32, #tpu.memory_space<hbm>>) target(%arg12 : memref<128x32xf32, #tpu.memory_space<vmem>>) offsets(%dma_start3A_220 : memref<128xi32, #tpu.memory_space<vmem>>) semaphore(%arg17 : memref<!tpu.dma_semaphore, #tpu.memory_space<semaphore_mem>>)
      } else {
      }
    }
    %barrier3A_49 = arith.constant 0 : index
    tpu.barrier barrier_id(%barrier3A_49)
    %mul3A_50 = arith.constant 626 : i32
    %mul3A_51 = arith.muli %arg1, %mul3A_50 : i32
    %mul3A_52 = arith.constant 626 : i32
    %mul3A_53 = arith.muli %arg1, %mul3A_52 : i32
    "tpu.region"() ({
      %run_scoped3A = tpu.sem_alloc : memref<!tpu.dma_semaphore, #tpu.memory_space<semaphore_mem>>
      %dma_start3A_54 = arith.constant 0 : i32
      %dma_start3A_55 = tpu.memref_slice %arg6[%arg0, %mul3A_53, %dma_start3A_54] : memref<2x10016x32xf32, #tpu.memory_space<hbm>> -> memref<1x626x32xf32, #tpu.memory_space<hbm>>
      %dma_start3A_56 = tpu.memref_squeeze %dma_start3A_55 : memref<1x626x32xf32, #tpu.memory_space<hbm>> -> memref<626x32xf32, #tpu.memory_space<hbm>>
      %dma_start3A_57 = arith.constant 0 : i32
      %dma_start3A_58 = tpu.memref_slice %arg13[%mul3A_51, %dma_start3A_57] : memref<10016x32xf32, #tpu.memory_space<vmem_shared>> -> memref<626x32xf32, #tpu.memory_space<vmem_shared>>
      tpu.enqueue_dma source(%dma_start3A_58 : memref<626x32xf32, #tpu.memory_space<vmem_shared>>) target(%dma_start3A_56 : memref<626x32xf32, #tpu.memory_space<hbm>>) target_semaphore(%run_scoped3A : memref<!tpu.dma_semaphore, #tpu.memory_space<semaphore_mem>>)
      %dma_wait3A = arith.constant 0 : i32
      %dma_wait3A_59 = tpu.memref_slice %arg6[%arg0, %mul3A_53, %dma_wait3A] : memref<2x10016x32xf32, #tpu.memory_space<hbm>> -> memref<1x626x32xf32, #tpu.memory_space<hbm>>
      %dma_wait3A_60 = tpu.memref_squeeze %dma_wait3A_59 : memref<1x626x32xf32, #tpu.memory_space<hbm>> -> memref<626x32xf32, #tpu.memory_space<hbm>>
      %dma_wait3A_61 = arith.constant 0 : i32
      %dma_wait3A_62 = tpu.memref_slice %arg13[%mul3A_51, %dma_wait3A_61] : memref<10016x32xf32, #tpu.memory_space<vmem_shared>> -> memref<626x32xf32, #tpu.memory_space<vmem_shared>>
      tpu.wait_dma2 semaphore(%run_scoped3A : memref<!tpu.dma_semaphore, #tpu.memory_space<semaphore_mem>>) src(%dma_wait3A_62 : memref<626x32xf32, #tpu.memory_space<vmem_shared>>) dst(%dma_wait3A_60 : memref<626x32xf32, #tpu.memory_space<hbm>>)
      tpu.yield
    }) : () -> ()
    return
  }
}

#map = affine_map<(d0, d1) -> (0, 0)>
#map1 = affine_map<(d0, d1) -> (0, 0, 0)>
module attributes {stable_mosaic.version = 14 : i64} {
  func.func @_sc_degree(%arg0: i32, %arg1: i32, %arg2: memref<5216x128xi32, #tpu.memory_space<hbm>>, %arg3: memref<128x8xf32, #tpu.memory_space<hbm>>, %arg4: memref<10016x8xf32, #tpu.memory_space<hbm>>, %arg5: memref<2x10016x8xf32, #tpu.memory_space<hbm>>, %arg6: memref<208x128xi32, #tpu.memory_space<vmem>>, %arg7: memref<128x8xf32, #tpu.memory_space<vmem>>, %arg8: memref<10016x8xf32, #tpu.memory_space<vmem_shared>>, %arg9: memref<!tpu.dma_semaphore, #tpu.memory_space<semaphore_mem>>) attributes {dimension_semantics = [#tpu.dimension_semantics<core_parallel>, #tpu.dimension_semantics<subcore_parallel>], iteration_bounds = array<i64: 2, 16>, scalar_prefetch = 0 : i64, scratch_operands = 4 : i64, tpu.core_type = #tpu.core_type<sc_vector_subcore>, window_params = [{transform_indices = #map}, {transform_indices = #map}, {transform_indices = #map}, {transform_indices = #map1}]} {
    %eq3A = arith.constant 0 : i32
    %eq3A_0 = arith.cmpi eq, %arg0, %eq3A : i32
    %mul3A = arith.constant 208 : i32
    %mul3A_1 = arith.muli %arg1, %mul3A : i32
    %mul3A_2 = arith.constant 112 : i32
    %mul3A_3 = arith.muli %arg1, %mul3A_2 : i32
    %add3A = arith.constant 3328 : i32
    %add3A_4 = arith.addi %add3A, %mul3A_3 : i32
    %select_n3A = arith.select %eq3A_0, %mul3A_1, %add3A_4 : i32
    %eq3A_5 = arith.constant 0 : i32
    %eq3A_6 = arith.cmpi eq, %arg0, %eq3A_5 : i32
    %jit3A = arith.constant 26 : i32
    %jit3A_7 = arith.constant 14 : i32
    %select_n3A_8 = arith.select %eq3A_6, %jit3A, %jit3A_7 : i32
    %mul3A_9 = arith.constant 626 : i32
    %mul3A_10 = arith.muli %arg1, %mul3A_9 : i32
    %mul3A_11 = arith.constant 626 : i32
    %mul3A_12 = arith.muli %arg1, %mul3A_11 : i32
    "tpu.region"() ({
      %run_scoped3A = tpu.sem_alloc : memref<!tpu.dma_semaphore, #tpu.memory_space<semaphore_mem>>
      %dma_start3A = arith.constant 0 : i32
      %dma_start3A_27 = tpu.memref_slice %arg8[%mul3A_12, %dma_start3A] : memref<10016x8xf32, #tpu.memory_space<vmem_shared>> -> memref<626x8xf32, #tpu.memory_space<vmem_shared>>
      %dma_start3A_28 = arith.constant 0 : i32
      %dma_start3A_29 = tpu.memref_slice %arg4[%mul3A_10, %dma_start3A_28] : memref<10016x8xf32, #tpu.memory_space<hbm>> -> memref<626x8xf32, #tpu.memory_space<hbm>>
      tpu.enqueue_dma source(%dma_start3A_29 : memref<626x8xf32, #tpu.memory_space<hbm>>) target(%dma_start3A_27 : memref<626x8xf32, #tpu.memory_space<vmem_shared>>) target_semaphore(%run_scoped3A : memref<!tpu.dma_semaphore, #tpu.memory_space<semaphore_mem>>)
      %dma_wait3A = arith.constant 0 : i32
      %dma_wait3A_30 = tpu.memref_slice %arg8[%mul3A_12, %dma_wait3A] : memref<10016x8xf32, #tpu.memory_space<vmem_shared>> -> memref<626x8xf32, #tpu.memory_space<vmem_shared>>
      %dma_wait3A_31 = arith.constant 0 : i32
      %dma_wait3A_32 = tpu.memref_slice %arg4[%mul3A_10, %dma_wait3A_31] : memref<10016x8xf32, #tpu.memory_space<hbm>> -> memref<626x8xf32, #tpu.memory_space<hbm>>
      tpu.wait_dma2 semaphore(%run_scoped3A : memref<!tpu.dma_semaphore, #tpu.memory_space<semaphore_mem>>) src(%dma_wait3A_32 : memref<626x8xf32, #tpu.memory_space<hbm>>) dst(%dma_wait3A_30 : memref<626x8xf32, #tpu.memory_space<vmem_shared>>)
      tpu.yield
    }) : () -> ()
    "tpu.region"() ({
      %run_scoped3A = tpu.sem_alloc : memref<!tpu.dma_semaphore, #tpu.memory_space<semaphore_mem>>
      %dma_start3A = arith.constant 0 : i32
      %dma_start3A_27 = tpu.memref_slice %arg2[%select_n3A, %dma_start3A] : memref<5216x128xi32, #tpu.memory_space<hbm>> -> memref<208x128xi32, #tpu.memory_space<hbm>>
      %dma_start3A_28 = arith.constant 0 : i32
      %dma_start3A_29 = tpu.memref_slice %arg2[%select_n3A, %dma_start3A_28] : memref<5216x128xi32, #tpu.memory_space<hbm>> -> memref<208x128xi32, #tpu.memory_space<hbm>>
      tpu.enqueue_dma source(%dma_start3A_29 : memref<208x128xi32, #tpu.memory_space<hbm>>) target(%arg6 : memref<208x128xi32, #tpu.memory_space<vmem>>) target_semaphore(%run_scoped3A : memref<!tpu.dma_semaphore, #tpu.memory_space<semaphore_mem>>)
      %dma_wait3A = arith.constant 0 : i32
      %dma_wait3A_30 = tpu.memref_slice %arg2[%select_n3A, %dma_wait3A] : memref<5216x128xi32, #tpu.memory_space<hbm>> -> memref<208x128xi32, #tpu.memory_space<hbm>>
      %dma_wait3A_31 = arith.constant 0 : i32
      %dma_wait3A_32 = tpu.memref_slice %arg2[%select_n3A, %dma_wait3A_31] : memref<5216x128xi32, #tpu.memory_space<hbm>> -> memref<208x128xi32, #tpu.memory_space<hbm>>
      tpu.wait_dma2 semaphore(%run_scoped3A : memref<!tpu.dma_semaphore, #tpu.memory_space<semaphore_mem>>) src(%dma_wait3A_32 : memref<208x128xi32, #tpu.memory_space<hbm>>) dst(%arg6 : memref<208x128xi32, #tpu.memory_space<vmem>>)
      tpu.yield
    }) : () -> ()
    "tpu.region"() ({
      %run_scoped3A = tpu.sem_alloc : memref<!tpu.dma_semaphore, #tpu.memory_space<semaphore_mem>>
      tpu.enqueue_dma source(%arg3 : memref<128x8xf32, #tpu.memory_space<hbm>>) target(%arg7 : memref<128x8xf32, #tpu.memory_space<vmem>>) target_semaphore(%run_scoped3A : memref<!tpu.dma_semaphore, #tpu.memory_space<semaphore_mem>>)
      tpu.wait_dma2 semaphore(%run_scoped3A : memref<!tpu.dma_semaphore, #tpu.memory_space<semaphore_mem>>) src(%arg3 : memref<128x8xf32, #tpu.memory_space<hbm>>) dst(%arg7 : memref<128x8xf32, #tpu.memory_space<vmem>>)
      tpu.yield
    }) : () -> ()
    %barrier3A = arith.constant 0 : index
    tpu.barrier barrier_id(%barrier3A)
    %while3A = arith.constant 0 : i32
    %while3A_13 = arith.constant 0 : i32
    %while3A_14 = arith.subi %select_n3A_8, %while3A_13 : i32
    %while3A_15 = arith.addi %while3A_13, %while3A_14 : i32
    %while3A_16 = arith.constant 1 : i32
    %while3A_17 = arith.divsi %while3A_14, %while3A_16 : i32
    %while3A_18 = arith.muli %while3A_17, %while3A_16 : i32
    %while3A_19 = arith.addi %while3A_13, %while3A_18 : i32
    %while3A_20 = arith.constant 1 : i32
    scf.for %while3A_27 = %while3A_13 to %while3A_19 step %while3A_20  : i32 {
      %mul3A_28 = arith.constant 8 : i32
      %mul3A_29 = arith.muli %mul3A_28, %while3A_27 : i32
      %add3A_30 = arith.constant 0 : i32
      %add3A_31 = arith.addi %mul3A_29, %add3A_30 : i32
      %dma_start3A = arith.constant 0 : i32
      %dma_start3A_32 = tpu.memref_slice %arg6[%add3A_31, %dma_start3A] : memref<208x128xi32, #tpu.memory_space<vmem>> -> memref<1x128xi32, #tpu.memory_space<vmem>>
      %dma_start3A_33 = tpu.memref_squeeze %dma_start3A_32 : memref<1x128xi32, #tpu.memory_space<vmem>> -> memref<128xi32, #tpu.memory_space<vmem>>
      %dma_start3A_34 = arith.constant 0 : i32
      %dma_start3A_35 = arith.constant 0 : i32
      %dma_start3A_36 = tpu.memref_slice %arg8[%dma_start3A_34, %dma_start3A_35] : memref<10016x8xf32, #tpu.memory_space<vmem_shared>> -> memref<10016x8xf32, #tpu.memory_space<vmem_shared>>
      tpu.enqueue_indirect_dma source(%arg7 : memref<128x8xf32, #tpu.memory_space<vmem>>) target(%dma_start3A_36 : memref<10016x8xf32, #tpu.memory_space<vmem_shared>>) offsets(%dma_start3A_33 : memref<128xi32, #tpu.memory_space<vmem>>) semaphore(%arg9 : memref<!tpu.dma_semaphore, #tpu.memory_space<semaphore_mem>>) {add = true}
      %mul3A_37 = arith.constant 8 : i32
      %mul3A_38 = arith.muli %mul3A_37, %while3A_27 : i32
      %add3A_39 = arith.constant 1 : i32
      %add3A_40 = arith.addi %mul3A_38, %add3A_39 : i32
      %dma_start3A_41 = arith.constant 0 : i32
      %dma_start3A_42 = tpu.memref_slice %arg6[%add3A_40, %dma_start3A_41] : memref<208x128xi32, #tpu.memory_space<vmem>> -> memref<1x128xi32, #tpu.memory_space<vmem>>
      %dma_start3A_43 = tpu.memref_squeeze %dma_start3A_42 : memref<1x128xi32, #tpu.memory_space<vmem>> -> memref<128xi32, #tpu.memory_space<vmem>>
      %dma_start3A_44 = arith.constant 0 : i32
      %dma_start3A_45 = arith.constant 0 : i32
      %dma_start3A_46 = tpu.memref_slice %arg8[%dma_start3A_44, %dma_start3A_45] : memref<10016x8xf32, #tpu.memory_space<vmem_shared>> -> memref<10016x8xf32, #tpu.memory_space<vmem_shared>>
      tpu.enqueue_indirect_dma source(%arg7 : memref<128x8xf32, #tpu.memory_space<vmem>>) target(%dma_start3A_46 : memref<10016x8xf32, #tpu.memory_space<vmem_shared>>) offsets(%dma_start3A_43 : memref<128xi32, #tpu.memory_space<vmem>>) semaphore(%arg9 : memref<!tpu.dma_semaphore, #tpu.memory_space<semaphore_mem>>) {add = true}
      %mul3A_47 = arith.constant 8 : i32
      %mul3A_48 = arith.muli %mul3A_47, %while3A_27 : i32
      %add3A_49 = arith.constant 2 : i32
      %add3A_50 = arith.addi %mul3A_48, %add3A_49 : i32
      %dma_start3A_51 = arith.constant 0 : i32
      %dma_start3A_52 = tpu.memref_slice %arg6[%add3A_50, %dma_start3A_51] : memref<208x128xi32, #tpu.memory_space<vmem>> -> memref<1x128xi32, #tpu.memory_space<vmem>>
      %dma_start3A_53 = tpu.memref_squeeze %dma_start3A_52 : memref<1x128xi32, #tpu.memory_space<vmem>> -> memref<128xi32, #tpu.memory_space<vmem>>
      %dma_start3A_54 = arith.constant 0 : i32
      %dma_start3A_55 = arith.constant 0 : i32
      %dma_start3A_56 = tpu.memref_slice %arg8[%dma_start3A_54, %dma_start3A_55] : memref<10016x8xf32, #tpu.memory_space<vmem_shared>> -> memref<10016x8xf32, #tpu.memory_space<vmem_shared>>
      tpu.enqueue_indirect_dma source(%arg7 : memref<128x8xf32, #tpu.memory_space<vmem>>) target(%dma_start3A_56 : memref<10016x8xf32, #tpu.memory_space<vmem_shared>>) offsets(%dma_start3A_53 : memref<128xi32, #tpu.memory_space<vmem>>) semaphore(%arg9 : memref<!tpu.dma_semaphore, #tpu.memory_space<semaphore_mem>>) {add = true}
      %mul3A_57 = arith.constant 8 : i32
      %mul3A_58 = arith.muli %mul3A_57, %while3A_27 : i32
      %add3A_59 = arith.constant 3 : i32
      %add3A_60 = arith.addi %mul3A_58, %add3A_59 : i32
      %dma_start3A_61 = arith.constant 0 : i32
      %dma_start3A_62 = tpu.memref_slice %arg6[%add3A_60, %dma_start3A_61] : memref<208x128xi32, #tpu.memory_space<vmem>> -> memref<1x128xi32, #tpu.memory_space<vmem>>
      %dma_start3A_63 = tpu.memref_squeeze %dma_start3A_62 : memref<1x128xi32, #tpu.memory_space<vmem>> -> memref<128xi32, #tpu.memory_space<vmem>>
      %dma_start3A_64 = arith.constant 0 : i32
      %dma_start3A_65 = arith.constant 0 : i32
      %dma_start3A_66 = tpu.memref_slice %arg8[%dma_start3A_64, %dma_start3A_65] : memref<10016x8xf32, #tpu.memory_space<vmem_shared>> -> memref<10016x8xf32, #tpu.memory_space<vmem_shared>>
      tpu.enqueue_indirect_dma source(%arg7 : memref<128x8xf32, #tpu.memory_space<vmem>>) target(%dma_start3A_66 : memref<10016x8xf32, #tpu.memory_space<vmem_shared>>) offsets(%dma_start3A_63 : memref<128xi32, #tpu.memory_space<vmem>>) semaphore(%arg9 : memref<!tpu.dma_semaphore, #tpu.memory_space<semaphore_mem>>) {add = true}
      %mul3A_67 = arith.constant 8 : i32
      %mul3A_68 = arith.muli %mul3A_67, %while3A_27 : i32
      %add3A_69 = arith.constant 4 : i32
      %add3A_70 = arith.addi %mul3A_68, %add3A_69 : i32
      %dma_start3A_71 = arith.constant 0 : i32
      %dma_start3A_72 = tpu.memref_slice %arg6[%add3A_70, %dma_start3A_71] : memref<208x128xi32, #tpu.memory_space<vmem>> -> memref<1x128xi32, #tpu.memory_space<vmem>>
      %dma_start3A_73 = tpu.memref_squeeze %dma_start3A_72 : memref<1x128xi32, #tpu.memory_space<vmem>> -> memref<128xi32, #tpu.memory_space<vmem>>
      %dma_start3A_74 = arith.constant 0 : i32
      %dma_start3A_75 = arith.constant 0 : i32
      %dma_start3A_76 = tpu.memref_slice %arg8[%dma_start3A_74, %dma_start3A_75] : memref<10016x8xf32, #tpu.memory_space<vmem_shared>> -> memref<10016x8xf32, #tpu.memory_space<vmem_shared>>
      tpu.enqueue_indirect_dma source(%arg7 : memref<128x8xf32, #tpu.memory_space<vmem>>) target(%dma_start3A_76 : memref<10016x8xf32, #tpu.memory_space<vmem_shared>>) offsets(%dma_start3A_73 : memref<128xi32, #tpu.memory_space<vmem>>) semaphore(%arg9 : memref<!tpu.dma_semaphore, #tpu.memory_space<semaphore_mem>>) {add = true}
      %mul3A_77 = arith.constant 8 : i32
      %mul3A_78 = arith.muli %mul3A_77, %while3A_27 : i32
      %add3A_79 = arith.constant 5 : i32
      %add3A_80 = arith.addi %mul3A_78, %add3A_79 : i32
      %dma_start3A_81 = arith.constant 0 : i32
      %dma_start3A_82 = tpu.memref_slice %arg6[%add3A_80, %dma_start3A_81] : memref<208x128xi32, #tpu.memory_space<vmem>> -> memref<1x128xi32, #tpu.memory_space<vmem>>
      %dma_start3A_83 = tpu.memref_squeeze %dma_start3A_82 : memref<1x128xi32, #tpu.memory_space<vmem>> -> memref<128xi32, #tpu.memory_space<vmem>>
      %dma_start3A_84 = arith.constant 0 : i32
      %dma_start3A_85 = arith.constant 0 : i32
      %dma_start3A_86 = tpu.memref_slice %arg8[%dma_start3A_84, %dma_start3A_85] : memref<10016x8xf32, #tpu.memory_space<vmem_shared>> -> memref<10016x8xf32, #tpu.memory_space<vmem_shared>>
      tpu.enqueue_indirect_dma source(%arg7 : memref<128x8xf32, #tpu.memory_space<vmem>>) target(%dma_start3A_86 : memref<10016x8xf32, #tpu.memory_space<vmem_shared>>) offsets(%dma_start3A_83 : memref<128xi32, #tpu.memory_space<vmem>>) semaphore(%arg9 : memref<!tpu.dma_semaphore, #tpu.memory_space<semaphore_mem>>) {add = true}
      %mul3A_87 = arith.constant 8 : i32
      %mul3A_88 = arith.muli %mul3A_87, %while3A_27 : i32
      %add3A_89 = arith.constant 6 : i32
      %add3A_90 = arith.addi %mul3A_88, %add3A_89 : i32
      %dma_start3A_91 = arith.constant 0 : i32
      %dma_start3A_92 = tpu.memref_slice %arg6[%add3A_90, %dma_start3A_91] : memref<208x128xi32, #tpu.memory_space<vmem>> -> memref<1x128xi32, #tpu.memory_space<vmem>>
      %dma_start3A_93 = tpu.memref_squeeze %dma_start3A_92 : memref<1x128xi32, #tpu.memory_space<vmem>> -> memref<128xi32, #tpu.memory_space<vmem>>
      %dma_start3A_94 = arith.constant 0 : i32
      %dma_start3A_95 = arith.constant 0 : i32
      %dma_start3A_96 = tpu.memref_slice %arg8[%dma_start3A_94, %dma_start3A_95] : memref<10016x8xf32, #tpu.memory_space<vmem_shared>> -> memref<10016x8xf32, #tpu.memory_space<vmem_shared>>
      tpu.enqueue_indirect_dma source(%arg7 : memref<128x8xf32, #tpu.memory_space<vmem>>) target(%dma_start3A_96 : memref<10016x8xf32, #tpu.memory_space<vmem_shared>>) offsets(%dma_start3A_93 : memref<128xi32, #tpu.memory_space<vmem>>) semaphore(%arg9 : memref<!tpu.dma_semaphore, #tpu.memory_space<semaphore_mem>>) {add = true}
      %mul3A_97 = arith.constant 8 : i32
      %mul3A_98 = arith.muli %mul3A_97, %while3A_27 : i32
      %add3A_99 = arith.constant 7 : i32
      %add3A_100 = arith.addi %mul3A_98, %add3A_99 : i32
      %dma_start3A_101 = arith.constant 0 : i32
      %dma_start3A_102 = tpu.memref_slice %arg6[%add3A_100, %dma_start3A_101] : memref<208x128xi32, #tpu.memory_space<vmem>> -> memref<1x128xi32, #tpu.memory_space<vmem>>
      %dma_start3A_103 = tpu.memref_squeeze %dma_start3A_102 : memref<1x128xi32, #tpu.memory_space<vmem>> -> memref<128xi32, #tpu.memory_space<vmem>>
      %dma_start3A_104 = arith.constant 0 : i32
      %dma_start3A_105 = arith.constant 0 : i32
      %dma_start3A_106 = tpu.memref_slice %arg8[%dma_start3A_104, %dma_start3A_105] : memref<10016x8xf32, #tpu.memory_space<vmem_shared>> -> memref<10016x8xf32, #tpu.memory_space<vmem_shared>>
      tpu.enqueue_indirect_dma source(%arg7 : memref<128x8xf32, #tpu.memory_space<vmem>>) target(%dma_start3A_106 : memref<10016x8xf32, #tpu.memory_space<vmem_shared>>) offsets(%dma_start3A_103 : memref<128xi32, #tpu.memory_space<vmem>>) semaphore(%arg9 : memref<!tpu.dma_semaphore, #tpu.memory_space<semaphore_mem>>) {add = true}
      %mul3A_107 = arith.constant 8 : i32
      %mul3A_108 = arith.muli %mul3A_107, %while3A_27 : i32
      %add3A_109 = arith.constant 0 : i32
      %add3A_110 = arith.addi %mul3A_108, %add3A_109 : i32
      %dma_wait3A = arith.constant 0 : i32
      %dma_wait3A_111 = tpu.memref_slice %arg6[%add3A_110, %dma_wait3A] : memref<208x128xi32, #tpu.memory_space<vmem>> -> memref<1x128xi32, #tpu.memory_space<vmem>>
      %dma_wait3A_112 = tpu.memref_squeeze %dma_wait3A_111 : memref<1x128xi32, #tpu.memory_space<vmem>> -> memref<128xi32, #tpu.memory_space<vmem>>
      %dma_wait3A_113 = arith.constant 0 : i32
      %dma_wait3A_114 = arith.constant 0 : i32
      %dma_wait3A_115 = tpu.memref_slice %arg8[%dma_wait3A_113, %dma_wait3A_114] : memref<10016x8xf32, #tpu.memory_space<vmem_shared>> -> memref<10016x8xf32, #tpu.memory_space<vmem_shared>>
      tpu.wait_indirect_dma semaphore(%arg9 : memref<!tpu.dma_semaphore, #tpu.memory_space<semaphore_mem>>) src(%arg7 : memref<128x8xf32, #tpu.memory_space<vmem>>) dst(%dma_wait3A_115 : memref<10016x8xf32, #tpu.memory_space<vmem_shared>>)
      %mul3A_116 = arith.constant 8 : i32
      %mul3A_117 = arith.muli %mul3A_116, %while3A_27 : i32
      %add3A_118 = arith.constant 1 : i32
      %add3A_119 = arith.addi %mul3A_117, %add3A_118 : i32
      %dma_wait3A_120 = arith.constant 0 : i32
      %dma_wait3A_121 = tpu.memref_slice %arg6[%add3A_119, %dma_wait3A_120] : memref<208x128xi32, #tpu.memory_space<vmem>> -> memref<1x128xi32, #tpu.memory_space<vmem>>
      %dma_wait3A_122 = tpu.memref_squeeze %dma_wait3A_121 : memref<1x128xi32, #tpu.memory_space<vmem>> -> memref<128xi32, #tpu.memory_space<vmem>>
      %dma_wait3A_123 = arith.constant 0 : i32
      %dma_wait3A_124 = arith.constant 0 : i32
      %dma_wait3A_125 = tpu.memref_slice %arg8[%dma_wait3A_123, %dma_wait3A_124] : memref<10016x8xf32, #tpu.memory_space<vmem_shared>> -> memref<10016x8xf32, #tpu.memory_space<vmem_shared>>
      tpu.wait_indirect_dma semaphore(%arg9 : memref<!tpu.dma_semaphore, #tpu.memory_space<semaphore_mem>>) src(%arg7 : memref<128x8xf32, #tpu.memory_space<vmem>>) dst(%dma_wait3A_125 : memref<10016x8xf32, #tpu.memory_space<vmem_shared>>)
      %mul3A_126 = arith.constant 8 : i32
      %mul3A_127 = arith.muli %mul3A_126, %while3A_27 : i32
      %add3A_128 = arith.constant 2 : i32
      %add3A_129 = arith.addi %mul3A_127, %add3A_128 : i32
      %dma_wait3A_130 = arith.constant 0 : i32
      %dma_wait3A_131 = tpu.memref_slice %arg6[%add3A_129, %dma_wait3A_130] : memref<208x128xi32, #tpu.memory_space<vmem>> -> memref<1x128xi32, #tpu.memory_space<vmem>>
      %dma_wait3A_132 = tpu.memref_squeeze %dma_wait3A_131 : memref<1x128xi32, #tpu.memory_space<vmem>> -> memref<128xi32, #tpu.memory_space<vmem>>
      %dma_wait3A_133 = arith.constant 0 : i32
      %dma_wait3A_134 = arith.constant 0 : i32
      %dma_wait3A_135 = tpu.memref_slice %arg8[%dma_wait3A_133, %dma_wait3A_134] : memref<10016x8xf32, #tpu.memory_space<vmem_shared>> -> memref<10016x8xf32, #tpu.memory_space<vmem_shared>>
      tpu.wait_indirect_dma semaphore(%arg9 : memref<!tpu.dma_semaphore, #tpu.memory_space<semaphore_mem>>) src(%arg7 : memref<128x8xf32, #tpu.memory_space<vmem>>) dst(%dma_wait3A_135 : memref<10016x8xf32, #tpu.memory_space<vmem_shared>>)
      %mul3A_136 = arith.constant 8 : i32
      %mul3A_137 = arith.muli %mul3A_136, %while3A_27 : i32
      %add3A_138 = arith.constant 3 : i32
      %add3A_139 = arith.addi %mul3A_137, %add3A_138 : i32
      %dma_wait3A_140 = arith.constant 0 : i32
      %dma_wait3A_141 = tpu.memref_slice %arg6[%add3A_139, %dma_wait3A_140] : memref<208x128xi32, #tpu.memory_space<vmem>> -> memref<1x128xi32, #tpu.memory_space<vmem>>
      %dma_wait3A_142 = tpu.memref_squeeze %dma_wait3A_141 : memref<1x128xi32, #tpu.memory_space<vmem>> -> memref<128xi32, #tpu.memory_space<vmem>>
      %dma_wait3A_143 = arith.constant 0 : i32
      %dma_wait3A_144 = arith.constant 0 : i32
      %dma_wait3A_145 = tpu.memref_slice %arg8[%dma_wait3A_143, %dma_wait3A_144] : memref<10016x8xf32, #tpu.memory_space<vmem_shared>> -> memref<10016x8xf32, #tpu.memory_space<vmem_shared>>
      tpu.wait_indirect_dma semaphore(%arg9 : memref<!tpu.dma_semaphore, #tpu.memory_space<semaphore_mem>>) src(%arg7 : memref<128x8xf32, #tpu.memory_space<vmem>>) dst(%dma_wait3A_145 : memref<10016x8xf32, #tpu.memory_space<vmem_shared>>)
      %mul3A_146 = arith.constant 8 : i32
      %mul3A_147 = arith.muli %mul3A_146, %while3A_27 : i32
      %add3A_148 = arith.constant 4 : i32
      %add3A_149 = arith.addi %mul3A_147, %add3A_148 : i32
      %dma_wait3A_150 = arith.constant 0 : i32
      %dma_wait3A_151 = tpu.memref_slice %arg6[%add3A_149, %dma_wait3A_150] : memref<208x128xi32, #tpu.memory_space<vmem>> -> memref<1x128xi32, #tpu.memory_space<vmem>>
      %dma_wait3A_152 = tpu.memref_squeeze %dma_wait3A_151 : memref<1x128xi32, #tpu.memory_space<vmem>> -> memref<128xi32, #tpu.memory_space<vmem>>
      %dma_wait3A_153 = arith.constant 0 : i32
      %dma_wait3A_154 = arith.constant 0 : i32
      %dma_wait3A_155 = tpu.memref_slice %arg8[%dma_wait3A_153, %dma_wait3A_154] : memref<10016x8xf32, #tpu.memory_space<vmem_shared>> -> memref<10016x8xf32, #tpu.memory_space<vmem_shared>>
      tpu.wait_indirect_dma semaphore(%arg9 : memref<!tpu.dma_semaphore, #tpu.memory_space<semaphore_mem>>) src(%arg7 : memref<128x8xf32, #tpu.memory_space<vmem>>) dst(%dma_wait3A_155 : memref<10016x8xf32, #tpu.memory_space<vmem_shared>>)
      %mul3A_156 = arith.constant 8 : i32
      %mul3A_157 = arith.muli %mul3A_156, %while3A_27 : i32
      %add3A_158 = arith.constant 5 : i32
      %add3A_159 = arith.addi %mul3A_157, %add3A_158 : i32
      %dma_wait3A_160 = arith.constant 0 : i32
      %dma_wait3A_161 = tpu.memref_slice %arg6[%add3A_159, %dma_wait3A_160] : memref<208x128xi32, #tpu.memory_space<vmem>> -> memref<1x128xi32, #tpu.memory_space<vmem>>
      %dma_wait3A_162 = tpu.memref_squeeze %dma_wait3A_161 : memref<1x128xi32, #tpu.memory_space<vmem>> -> memref<128xi32, #tpu.memory_space<vmem>>
      %dma_wait3A_163 = arith.constant 0 : i32
      %dma_wait3A_164 = arith.constant 0 : i32
      %dma_wait3A_165 = tpu.memref_slice %arg8[%dma_wait3A_163, %dma_wait3A_164] : memref<10016x8xf32, #tpu.memory_space<vmem_shared>> -> memref<10016x8xf32, #tpu.memory_space<vmem_shared>>
      tpu.wait_indirect_dma semaphore(%arg9 : memref<!tpu.dma_semaphore, #tpu.memory_space<semaphore_mem>>) src(%arg7 : memref<128x8xf32, #tpu.memory_space<vmem>>) dst(%dma_wait3A_165 : memref<10016x8xf32, #tpu.memory_space<vmem_shared>>)
      %mul3A_166 = arith.constant 8 : i32
      %mul3A_167 = arith.muli %mul3A_166, %while3A_27 : i32
      %add3A_168 = arith.constant 6 : i32
      %add3A_169 = arith.addi %mul3A_167, %add3A_168 : i32
      %dma_wait3A_170 = arith.constant 0 : i32
      %dma_wait3A_171 = tpu.memref_slice %arg6[%add3A_169, %dma_wait3A_170] : memref<208x128xi32, #tpu.memory_space<vmem>> -> memref<1x128xi32, #tpu.memory_space<vmem>>
      %dma_wait3A_172 = tpu.memref_squeeze %dma_wait3A_171 : memref<1x128xi32, #tpu.memory_space<vmem>> -> memref<128xi32, #tpu.memory_space<vmem>>
      %dma_wait3A_173 = arith.constant 0 : i32
      %dma_wait3A_174 = arith.constant 0 : i32
      %dma_wait3A_175 = tpu.memref_slice %arg8[%dma_wait3A_173, %dma_wait3A_174] : memref<10016x8xf32, #tpu.memory_space<vmem_shared>> -> memref<10016x8xf32, #tpu.memory_space<vmem_shared>>
      tpu.wait_indirect_dma semaphore(%arg9 : memref<!tpu.dma_semaphore, #tpu.memory_space<semaphore_mem>>) src(%arg7 : memref<128x8xf32, #tpu.memory_space<vmem>>) dst(%dma_wait3A_175 : memref<10016x8xf32, #tpu.memory_space<vmem_shared>>)
      %mul3A_176 = arith.constant 8 : i32
      %mul3A_177 = arith.muli %mul3A_176, %while3A_27 : i32
      %add3A_178 = arith.constant 7 : i32
      %add3A_179 = arith.addi %mul3A_177, %add3A_178 : i32
      %dma_wait3A_180 = arith.constant 0 : i32
      %dma_wait3A_181 = tpu.memref_slice %arg6[%add3A_179, %dma_wait3A_180] : memref<208x128xi32, #tpu.memory_space<vmem>> -> memref<1x128xi32, #tpu.memory_space<vmem>>
      %dma_wait3A_182 = tpu.memref_squeeze %dma_wait3A_181 : memref<1x128xi32, #tpu.memory_space<vmem>> -> memref<128xi32, #tpu.memory_space<vmem>>
      %dma_wait3A_183 = arith.constant 0 : i32
      %dma_wait3A_184 = arith.constant 0 : i32
      %dma_wait3A_185 = tpu.memref_slice %arg8[%dma_wait3A_183, %dma_wait3A_184] : memref<10016x8xf32, #tpu.memory_space<vmem_shared>> -> memref<10016x8xf32, #tpu.memory_space<vmem_shared>>
      tpu.wait_indirect_dma semaphore(%arg9 : memref<!tpu.dma_semaphore, #tpu.memory_space<semaphore_mem>>) src(%arg7 : memref<128x8xf32, #tpu.memory_space<vmem>>) dst(%dma_wait3A_185 : memref<10016x8xf32, #tpu.memory_space<vmem_shared>>)
    }
    %while3A_21 = arith.constant 1 : i32
    scf.for %while3A_27 = %while3A_19 to %while3A_15 step %while3A_21  : i32 {
      %mul3A_28 = arith.constant 8 : i32
      %mul3A_29 = arith.muli %mul3A_28, %while3A_27 : i32
      %add3A_30 = arith.constant 0 : i32
      %add3A_31 = arith.addi %mul3A_29, %add3A_30 : i32
      %dma_start3A = arith.constant 0 : i32
      %dma_start3A_32 = tpu.memref_slice %arg6[%add3A_31, %dma_start3A] : memref<208x128xi32, #tpu.memory_space<vmem>> -> memref<1x128xi32, #tpu.memory_space<vmem>>
      %dma_start3A_33 = tpu.memref_squeeze %dma_start3A_32 : memref<1x128xi32, #tpu.memory_space<vmem>> -> memref<128xi32, #tpu.memory_space<vmem>>
      %dma_start3A_34 = arith.constant 0 : i32
      %dma_start3A_35 = arith.constant 0 : i32
      %dma_start3A_36 = tpu.memref_slice %arg8[%dma_start3A_34, %dma_start3A_35] : memref<10016x8xf32, #tpu.memory_space<vmem_shared>> -> memref<10016x8xf32, #tpu.memory_space<vmem_shared>>
      tpu.enqueue_indirect_dma source(%arg7 : memref<128x8xf32, #tpu.memory_space<vmem>>) target(%dma_start3A_36 : memref<10016x8xf32, #tpu.memory_space<vmem_shared>>) offsets(%dma_start3A_33 : memref<128xi32, #tpu.memory_space<vmem>>) semaphore(%arg9 : memref<!tpu.dma_semaphore, #tpu.memory_space<semaphore_mem>>) {add = true}
      %mul3A_37 = arith.constant 8 : i32
      %mul3A_38 = arith.muli %mul3A_37, %while3A_27 : i32
      %add3A_39 = arith.constant 1 : i32
      %add3A_40 = arith.addi %mul3A_38, %add3A_39 : i32
      %dma_start3A_41 = arith.constant 0 : i32
      %dma_start3A_42 = tpu.memref_slice %arg6[%add3A_40, %dma_start3A_41] : memref<208x128xi32, #tpu.memory_space<vmem>> -> memref<1x128xi32, #tpu.memory_space<vmem>>
      %dma_start3A_43 = tpu.memref_squeeze %dma_start3A_42 : memref<1x128xi32, #tpu.memory_space<vmem>> -> memref<128xi32, #tpu.memory_space<vmem>>
      %dma_start3A_44 = arith.constant 0 : i32
      %dma_start3A_45 = arith.constant 0 : i32
      %dma_start3A_46 = tpu.memref_slice %arg8[%dma_start3A_44, %dma_start3A_45] : memref<10016x8xf32, #tpu.memory_space<vmem_shared>> -> memref<10016x8xf32, #tpu.memory_space<vmem_shared>>
      tpu.enqueue_indirect_dma source(%arg7 : memref<128x8xf32, #tpu.memory_space<vmem>>) target(%dma_start3A_46 : memref<10016x8xf32, #tpu.memory_space<vmem_shared>>) offsets(%dma_start3A_43 : memref<128xi32, #tpu.memory_space<vmem>>) semaphore(%arg9 : memref<!tpu.dma_semaphore, #tpu.memory_space<semaphore_mem>>) {add = true}
      %mul3A_47 = arith.constant 8 : i32
      %mul3A_48 = arith.muli %mul3A_47, %while3A_27 : i32
      %add3A_49 = arith.constant 2 : i32
      %add3A_50 = arith.addi %mul3A_48, %add3A_49 : i32
      %dma_start3A_51 = arith.constant 0 : i32
      %dma_start3A_52 = tpu.memref_slice %arg6[%add3A_50, %dma_start3A_51] : memref<208x128xi32, #tpu.memory_space<vmem>> -> memref<1x128xi32, #tpu.memory_space<vmem>>
      %dma_start3A_53 = tpu.memref_squeeze %dma_start3A_52 : memref<1x128xi32, #tpu.memory_space<vmem>> -> memref<128xi32, #tpu.memory_space<vmem>>
      %dma_start3A_54 = arith.constant 0 : i32
      %dma_start3A_55 = arith.constant 0 : i32
      %dma_start3A_56 = tpu.memref_slice %arg8[%dma_start3A_54, %dma_start3A_55] : memref<10016x8xf32, #tpu.memory_space<vmem_shared>> -> memref<10016x8xf32, #tpu.memory_space<vmem_shared>>
      tpu.enqueue_indirect_dma source(%arg7 : memref<128x8xf32, #tpu.memory_space<vmem>>) target(%dma_start3A_56 : memref<10016x8xf32, #tpu.memory_space<vmem_shared>>) offsets(%dma_start3A_53 : memref<128xi32, #tpu.memory_space<vmem>>) semaphore(%arg9 : memref<!tpu.dma_semaphore, #tpu.memory_space<semaphore_mem>>) {add = true}
      %mul3A_57 = arith.constant 8 : i32
      %mul3A_58 = arith.muli %mul3A_57, %while3A_27 : i32
      %add3A_59 = arith.constant 3 : i32
      %add3A_60 = arith.addi %mul3A_58, %add3A_59 : i32
      %dma_start3A_61 = arith.constant 0 : i32
      %dma_start3A_62 = tpu.memref_slice %arg6[%add3A_60, %dma_start3A_61] : memref<208x128xi32, #tpu.memory_space<vmem>> -> memref<1x128xi32, #tpu.memory_space<vmem>>
      %dma_start3A_63 = tpu.memref_squeeze %dma_start3A_62 : memref<1x128xi32, #tpu.memory_space<vmem>> -> memref<128xi32, #tpu.memory_space<vmem>>
      %dma_start3A_64 = arith.constant 0 : i32
      %dma_start3A_65 = arith.constant 0 : i32
      %dma_start3A_66 = tpu.memref_slice %arg8[%dma_start3A_64, %dma_start3A_65] : memref<10016x8xf32, #tpu.memory_space<vmem_shared>> -> memref<10016x8xf32, #tpu.memory_space<vmem_shared>>
      tpu.enqueue_indirect_dma source(%arg7 : memref<128x8xf32, #tpu.memory_space<vmem>>) target(%dma_start3A_66 : memref<10016x8xf32, #tpu.memory_space<vmem_shared>>) offsets(%dma_start3A_63 : memref<128xi32, #tpu.memory_space<vmem>>) semaphore(%arg9 : memref<!tpu.dma_semaphore, #tpu.memory_space<semaphore_mem>>) {add = true}
      %mul3A_67 = arith.constant 8 : i32
      %mul3A_68 = arith.muli %mul3A_67, %while3A_27 : i32
      %add3A_69 = arith.constant 4 : i32
      %add3A_70 = arith.addi %mul3A_68, %add3A_69 : i32
      %dma_start3A_71 = arith.constant 0 : i32
      %dma_start3A_72 = tpu.memref_slice %arg6[%add3A_70, %dma_start3A_71] : memref<208x128xi32, #tpu.memory_space<vmem>> -> memref<1x128xi32, #tpu.memory_space<vmem>>
      %dma_start3A_73 = tpu.memref_squeeze %dma_start3A_72 : memref<1x128xi32, #tpu.memory_space<vmem>> -> memref<128xi32, #tpu.memory_space<vmem>>
      %dma_start3A_74 = arith.constant 0 : i32
      %dma_start3A_75 = arith.constant 0 : i32
      %dma_start3A_76 = tpu.memref_slice %arg8[%dma_start3A_74, %dma_start3A_75] : memref<10016x8xf32, #tpu.memory_space<vmem_shared>> -> memref<10016x8xf32, #tpu.memory_space<vmem_shared>>
      tpu.enqueue_indirect_dma source(%arg7 : memref<128x8xf32, #tpu.memory_space<vmem>>) target(%dma_start3A_76 : memref<10016x8xf32, #tpu.memory_space<vmem_shared>>) offsets(%dma_start3A_73 : memref<128xi32, #tpu.memory_space<vmem>>) semaphore(%arg9 : memref<!tpu.dma_semaphore, #tpu.memory_space<semaphore_mem>>) {add = true}
      %mul3A_77 = arith.constant 8 : i32
      %mul3A_78 = arith.muli %mul3A_77, %while3A_27 : i32
      %add3A_79 = arith.constant 5 : i32
      %add3A_80 = arith.addi %mul3A_78, %add3A_79 : i32
      %dma_start3A_81 = arith.constant 0 : i32
      %dma_start3A_82 = tpu.memref_slice %arg6[%add3A_80, %dma_start3A_81] : memref<208x128xi32, #tpu.memory_space<vmem>> -> memref<1x128xi32, #tpu.memory_space<vmem>>
      %dma_start3A_83 = tpu.memref_squeeze %dma_start3A_82 : memref<1x128xi32, #tpu.memory_space<vmem>> -> memref<128xi32, #tpu.memory_space<vmem>>
      %dma_start3A_84 = arith.constant 0 : i32
      %dma_start3A_85 = arith.constant 0 : i32
      %dma_start3A_86 = tpu.memref_slice %arg8[%dma_start3A_84, %dma_start3A_85] : memref<10016x8xf32, #tpu.memory_space<vmem_shared>> -> memref<10016x8xf32, #tpu.memory_space<vmem_shared>>
      tpu.enqueue_indirect_dma source(%arg7 : memref<128x8xf32, #tpu.memory_space<vmem>>) target(%dma_start3A_86 : memref<10016x8xf32, #tpu.memory_space<vmem_shared>>) offsets(%dma_start3A_83 : memref<128xi32, #tpu.memory_space<vmem>>) semaphore(%arg9 : memref<!tpu.dma_semaphore, #tpu.memory_space<semaphore_mem>>) {add = true}
      %mul3A_87 = arith.constant 8 : i32
      %mul3A_88 = arith.muli %mul3A_87, %while3A_27 : i32
      %add3A_89 = arith.constant 6 : i32
      %add3A_90 = arith.addi %mul3A_88, %add3A_89 : i32
      %dma_start3A_91 = arith.constant 0 : i32
      %dma_start3A_92 = tpu.memref_slice %arg6[%add3A_90, %dma_start3A_91] : memref<208x128xi32, #tpu.memory_space<vmem>> -> memref<1x128xi32, #tpu.memory_space<vmem>>
      %dma_start3A_93 = tpu.memref_squeeze %dma_start3A_92 : memref<1x128xi32, #tpu.memory_space<vmem>> -> memref<128xi32, #tpu.memory_space<vmem>>
      %dma_start3A_94 = arith.constant 0 : i32
      %dma_start3A_95 = arith.constant 0 : i32
      %dma_start3A_96 = tpu.memref_slice %arg8[%dma_start3A_94, %dma_start3A_95] : memref<10016x8xf32, #tpu.memory_space<vmem_shared>> -> memref<10016x8xf32, #tpu.memory_space<vmem_shared>>
      tpu.enqueue_indirect_dma source(%arg7 : memref<128x8xf32, #tpu.memory_space<vmem>>) target(%dma_start3A_96 : memref<10016x8xf32, #tpu.memory_space<vmem_shared>>) offsets(%dma_start3A_93 : memref<128xi32, #tpu.memory_space<vmem>>) semaphore(%arg9 : memref<!tpu.dma_semaphore, #tpu.memory_space<semaphore_mem>>) {add = true}
      %mul3A_97 = arith.constant 8 : i32
      %mul3A_98 = arith.muli %mul3A_97, %while3A_27 : i32
      %add3A_99 = arith.constant 7 : i32
      %add3A_100 = arith.addi %mul3A_98, %add3A_99 : i32
      %dma_start3A_101 = arith.constant 0 : i32
      %dma_start3A_102 = tpu.memref_slice %arg6[%add3A_100, %dma_start3A_101] : memref<208x128xi32, #tpu.memory_space<vmem>> -> memref<1x128xi32, #tpu.memory_space<vmem>>
      %dma_start3A_103 = tpu.memref_squeeze %dma_start3A_102 : memref<1x128xi32, #tpu.memory_space<vmem>> -> memref<128xi32, #tpu.memory_space<vmem>>
      %dma_start3A_104 = arith.constant 0 : i32
      %dma_start3A_105 = arith.constant 0 : i32
      %dma_start3A_106 = tpu.memref_slice %arg8[%dma_start3A_104, %dma_start3A_105] : memref<10016x8xf32, #tpu.memory_space<vmem_shared>> -> memref<10016x8xf32, #tpu.memory_space<vmem_shared>>
      tpu.enqueue_indirect_dma source(%arg7 : memref<128x8xf32, #tpu.memory_space<vmem>>) target(%dma_start3A_106 : memref<10016x8xf32, #tpu.memory_space<vmem_shared>>) offsets(%dma_start3A_103 : memref<128xi32, #tpu.memory_space<vmem>>) semaphore(%arg9 : memref<!tpu.dma_semaphore, #tpu.memory_space<semaphore_mem>>) {add = true}
      %mul3A_107 = arith.constant 8 : i32
      %mul3A_108 = arith.muli %mul3A_107, %while3A_27 : i32
      %add3A_109 = arith.constant 0 : i32
      %add3A_110 = arith.addi %mul3A_108, %add3A_109 : i32
      %dma_wait3A = arith.constant 0 : i32
      %dma_wait3A_111 = tpu.memref_slice %arg6[%add3A_110, %dma_wait3A] : memref<208x128xi32, #tpu.memory_space<vmem>> -> memref<1x128xi32, #tpu.memory_space<vmem>>
      %dma_wait3A_112 = tpu.memref_squeeze %dma_wait3A_111 : memref<1x128xi32, #tpu.memory_space<vmem>> -> memref<128xi32, #tpu.memory_space<vmem>>
      %dma_wait3A_113 = arith.constant 0 : i32
      %dma_wait3A_114 = arith.constant 0 : i32
      %dma_wait3A_115 = tpu.memref_slice %arg8[%dma_wait3A_113, %dma_wait3A_114] : memref<10016x8xf32, #tpu.memory_space<vmem_shared>> -> memref<10016x8xf32, #tpu.memory_space<vmem_shared>>
      tpu.wait_indirect_dma semaphore(%arg9 : memref<!tpu.dma_semaphore, #tpu.memory_space<semaphore_mem>>) src(%arg7 : memref<128x8xf32, #tpu.memory_space<vmem>>) dst(%dma_wait3A_115 : memref<10016x8xf32, #tpu.memory_space<vmem_shared>>)
      %mul3A_116 = arith.constant 8 : i32
      %mul3A_117 = arith.muli %mul3A_116, %while3A_27 : i32
      %add3A_118 = arith.constant 1 : i32
      %add3A_119 = arith.addi %mul3A_117, %add3A_118 : i32
      %dma_wait3A_120 = arith.constant 0 : i32
      %dma_wait3A_121 = tpu.memref_slice %arg6[%add3A_119, %dma_wait3A_120] : memref<208x128xi32, #tpu.memory_space<vmem>> -> memref<1x128xi32, #tpu.memory_space<vmem>>
      %dma_wait3A_122 = tpu.memref_squeeze %dma_wait3A_121 : memref<1x128xi32, #tpu.memory_space<vmem>> -> memref<128xi32, #tpu.memory_space<vmem>>
      %dma_wait3A_123 = arith.constant 0 : i32
      %dma_wait3A_124 = arith.constant 0 : i32
      %dma_wait3A_125 = tpu.memref_slice %arg8[%dma_wait3A_123, %dma_wait3A_124] : memref<10016x8xf32, #tpu.memory_space<vmem_shared>> -> memref<10016x8xf32, #tpu.memory_space<vmem_shared>>
      tpu.wait_indirect_dma semaphore(%arg9 : memref<!tpu.dma_semaphore, #tpu.memory_space<semaphore_mem>>) src(%arg7 : memref<128x8xf32, #tpu.memory_space<vmem>>) dst(%dma_wait3A_125 : memref<10016x8xf32, #tpu.memory_space<vmem_shared>>)
      %mul3A_126 = arith.constant 8 : i32
      %mul3A_127 = arith.muli %mul3A_126, %while3A_27 : i32
      %add3A_128 = arith.constant 2 : i32
      %add3A_129 = arith.addi %mul3A_127, %add3A_128 : i32
      %dma_wait3A_130 = arith.constant 0 : i32
      %dma_wait3A_131 = tpu.memref_slice %arg6[%add3A_129, %dma_wait3A_130] : memref<208x128xi32, #tpu.memory_space<vmem>> -> memref<1x128xi32, #tpu.memory_space<vmem>>
      %dma_wait3A_132 = tpu.memref_squeeze %dma_wait3A_131 : memref<1x128xi32, #tpu.memory_space<vmem>> -> memref<128xi32, #tpu.memory_space<vmem>>
      %dma_wait3A_133 = arith.constant 0 : i32
      %dma_wait3A_134 = arith.constant 0 : i32
      %dma_wait3A_135 = tpu.memref_slice %arg8[%dma_wait3A_133, %dma_wait3A_134] : memref<10016x8xf32, #tpu.memory_space<vmem_shared>> -> memref<10016x8xf32, #tpu.memory_space<vmem_shared>>
      tpu.wait_indirect_dma semaphore(%arg9 : memref<!tpu.dma_semaphore, #tpu.memory_space<semaphore_mem>>) src(%arg7 : memref<128x8xf32, #tpu.memory_space<vmem>>) dst(%dma_wait3A_135 : memref<10016x8xf32, #tpu.memory_space<vmem_shared>>)
      %mul3A_136 = arith.constant 8 : i32
      %mul3A_137 = arith.muli %mul3A_136, %while3A_27 : i32
      %add3A_138 = arith.constant 3 : i32
      %add3A_139 = arith.addi %mul3A_137, %add3A_138 : i32
      %dma_wait3A_140 = arith.constant 0 : i32
      %dma_wait3A_141 = tpu.memref_slice %arg6[%add3A_139, %dma_wait3A_140] : memref<208x128xi32, #tpu.memory_space<vmem>> -> memref<1x128xi32, #tpu.memory_space<vmem>>
      %dma_wait3A_142 = tpu.memref_squeeze %dma_wait3A_141 : memref<1x128xi32, #tpu.memory_space<vmem>> -> memref<128xi32, #tpu.memory_space<vmem>>
      %dma_wait3A_143 = arith.constant 0 : i32
      %dma_wait3A_144 = arith.constant 0 : i32
      %dma_wait3A_145 = tpu.memref_slice %arg8[%dma_wait3A_143, %dma_wait3A_144] : memref<10016x8xf32, #tpu.memory_space<vmem_shared>> -> memref<10016x8xf32, #tpu.memory_space<vmem_shared>>
      tpu.wait_indirect_dma semaphore(%arg9 : memref<!tpu.dma_semaphore, #tpu.memory_space<semaphore_mem>>) src(%arg7 : memref<128x8xf32, #tpu.memory_space<vmem>>) dst(%dma_wait3A_145 : memref<10016x8xf32, #tpu.memory_space<vmem_shared>>)
      %mul3A_146 = arith.constant 8 : i32
      %mul3A_147 = arith.muli %mul3A_146, %while3A_27 : i32
      %add3A_148 = arith.constant 4 : i32
      %add3A_149 = arith.addi %mul3A_147, %add3A_148 : i32
      %dma_wait3A_150 = arith.constant 0 : i32
      %dma_wait3A_151 = tpu.memref_slice %arg6[%add3A_149, %dma_wait3A_150] : memref<208x128xi32, #tpu.memory_space<vmem>> -> memref<1x128xi32, #tpu.memory_space<vmem>>
      %dma_wait3A_152 = tpu.memref_squeeze %dma_wait3A_151 : memref<1x128xi32, #tpu.memory_space<vmem>> -> memref<128xi32, #tpu.memory_space<vmem>>
      %dma_wait3A_153 = arith.constant 0 : i32
      %dma_wait3A_154 = arith.constant 0 : i32
      %dma_wait3A_155 = tpu.memref_slice %arg8[%dma_wait3A_153, %dma_wait3A_154] : memref<10016x8xf32, #tpu.memory_space<vmem_shared>> -> memref<10016x8xf32, #tpu.memory_space<vmem_shared>>
      tpu.wait_indirect_dma semaphore(%arg9 : memref<!tpu.dma_semaphore, #tpu.memory_space<semaphore_mem>>) src(%arg7 : memref<128x8xf32, #tpu.memory_space<vmem>>) dst(%dma_wait3A_155 : memref<10016x8xf32, #tpu.memory_space<vmem_shared>>)
      %mul3A_156 = arith.constant 8 : i32
      %mul3A_157 = arith.muli %mul3A_156, %while3A_27 : i32
      %add3A_158 = arith.constant 5 : i32
      %add3A_159 = arith.addi %mul3A_157, %add3A_158 : i32
      %dma_wait3A_160 = arith.constant 0 : i32
      %dma_wait3A_161 = tpu.memref_slice %arg6[%add3A_159, %dma_wait3A_160] : memref<208x128xi32, #tpu.memory_space<vmem>> -> memref<1x128xi32, #tpu.memory_space<vmem>>
      %dma_wait3A_162 = tpu.memref_squeeze %dma_wait3A_161 : memref<1x128xi32, #tpu.memory_space<vmem>> -> memref<128xi32, #tpu.memory_space<vmem>>
      %dma_wait3A_163 = arith.constant 0 : i32
      %dma_wait3A_164 = arith.constant 0 : i32
      %dma_wait3A_165 = tpu.memref_slice %arg8[%dma_wait3A_163, %dma_wait3A_164] : memref<10016x8xf32, #tpu.memory_space<vmem_shared>> -> memref<10016x8xf32, #tpu.memory_space<vmem_shared>>
      tpu.wait_indirect_dma semaphore(%arg9 : memref<!tpu.dma_semaphore, #tpu.memory_space<semaphore_mem>>) src(%arg7 : memref<128x8xf32, #tpu.memory_space<vmem>>) dst(%dma_wait3A_165 : memref<10016x8xf32, #tpu.memory_space<vmem_shared>>)
      %mul3A_166 = arith.constant 8 : i32
      %mul3A_167 = arith.muli %mul3A_166, %while3A_27 : i32
      %add3A_168 = arith.constant 6 : i32
      %add3A_169 = arith.addi %mul3A_167, %add3A_168 : i32
      %dma_wait3A_170 = arith.constant 0 : i32
      %dma_wait3A_171 = tpu.memref_slice %arg6[%add3A_169, %dma_wait3A_170] : memref<208x128xi32, #tpu.memory_space<vmem>> -> memref<1x128xi32, #tpu.memory_space<vmem>>
      %dma_wait3A_172 = tpu.memref_squeeze %dma_wait3A_171 : memref<1x128xi32, #tpu.memory_space<vmem>> -> memref<128xi32, #tpu.memory_space<vmem>>
      %dma_wait3A_173 = arith.constant 0 : i32
      %dma_wait3A_174 = arith.constant 0 : i32
      %dma_wait3A_175 = tpu.memref_slice %arg8[%dma_wait3A_173, %dma_wait3A_174] : memref<10016x8xf32, #tpu.memory_space<vmem_shared>> -> memref<10016x8xf32, #tpu.memory_space<vmem_shared>>
      tpu.wait_indirect_dma semaphore(%arg9 : memref<!tpu.dma_semaphore, #tpu.memory_space<semaphore_mem>>) src(%arg7 : memref<128x8xf32, #tpu.memory_space<vmem>>) dst(%dma_wait3A_175 : memref<10016x8xf32, #tpu.memory_space<vmem_shared>>)
      %mul3A_176 = arith.constant 8 : i32
      %mul3A_177 = arith.muli %mul3A_176, %while3A_27 : i32
      %add3A_178 = arith.constant 7 : i32
      %add3A_179 = arith.addi %mul3A_177, %add3A_178 : i32
      %dma_wait3A_180 = arith.constant 0 : i32
      %dma_wait3A_181 = tpu.memref_slice %arg6[%add3A_179, %dma_wait3A_180] : memref<208x128xi32, #tpu.memory_space<vmem>> -> memref<1x128xi32, #tpu.memory_space<vmem>>
      %dma_wait3A_182 = tpu.memref_squeeze %dma_wait3A_181 : memref<1x128xi32, #tpu.memory_space<vmem>> -> memref<128xi32, #tpu.memory_space<vmem>>
      %dma_wait3A_183 = arith.constant 0 : i32
      %dma_wait3A_184 = arith.constant 0 : i32
      %dma_wait3A_185 = tpu.memref_slice %arg8[%dma_wait3A_183, %dma_wait3A_184] : memref<10016x8xf32, #tpu.memory_space<vmem_shared>> -> memref<10016x8xf32, #tpu.memory_space<vmem_shared>>
      tpu.wait_indirect_dma semaphore(%arg9 : memref<!tpu.dma_semaphore, #tpu.memory_space<semaphore_mem>>) src(%arg7 : memref<128x8xf32, #tpu.memory_space<vmem>>) dst(%dma_wait3A_185 : memref<10016x8xf32, #tpu.memory_space<vmem_shared>>)
    }
    %barrier3A_22 = arith.constant 0 : index
    tpu.barrier barrier_id(%barrier3A_22)
    %mul3A_23 = arith.constant 626 : i32
    %mul3A_24 = arith.muli %arg1, %mul3A_23 : i32
    %mul3A_25 = arith.constant 626 : i32
    %mul3A_26 = arith.muli %arg1, %mul3A_25 : i32
    "tpu.region"() ({
      %run_scoped3A = tpu.sem_alloc : memref<!tpu.dma_semaphore, #tpu.memory_space<semaphore_mem>>
      %dma_start3A = arith.constant 0 : i32
      %dma_start3A_27 = tpu.memref_slice %arg5[%arg0, %mul3A_26, %dma_start3A] : memref<2x10016x8xf32, #tpu.memory_space<hbm>> -> memref<1x626x8xf32, #tpu.memory_space<hbm>>
      %dma_start3A_28 = tpu.memref_squeeze %dma_start3A_27 : memref<1x626x8xf32, #tpu.memory_space<hbm>> -> memref<626x8xf32, #tpu.memory_space<hbm>>
      %dma_start3A_29 = arith.constant 0 : i32
      %dma_start3A_30 = tpu.memref_slice %arg8[%mul3A_24, %dma_start3A_29] : memref<10016x8xf32, #tpu.memory_space<vmem_shared>> -> memref<626x8xf32, #tpu.memory_space<vmem_shared>>
      tpu.enqueue_dma source(%dma_start3A_30 : memref<626x8xf32, #tpu.memory_space<vmem_shared>>) target(%dma_start3A_28 : memref<626x8xf32, #tpu.memory_space<hbm>>) target_semaphore(%run_scoped3A : memref<!tpu.dma_semaphore, #tpu.memory_space<semaphore_mem>>)
      %dma_wait3A = arith.constant 0 : i32
      %dma_wait3A_31 = tpu.memref_slice %arg5[%arg0, %mul3A_26, %dma_wait3A] : memref<2x10016x8xf32, #tpu.memory_space<hbm>> -> memref<1x626x8xf32, #tpu.memory_space<hbm>>
      %dma_wait3A_32 = tpu.memref_squeeze %dma_wait3A_31 : memref<1x626x8xf32, #tpu.memory_space<hbm>> -> memref<626x8xf32, #tpu.memory_space<hbm>>
      %dma_wait3A_33 = arith.constant 0 : i32
      %dma_wait3A_34 = tpu.memref_slice %arg8[%mul3A_24, %dma_wait3A_33] : memref<10016x8xf32, #tpu.memory_space<vmem_shared>> -> memref<626x8xf32, #tpu.memory_space<vmem_shared>>
      tpu.wait_dma2 semaphore(%run_scoped3A : memref<!tpu.dma_semaphore, #tpu.memory_space<semaphore_mem>>) src(%dma_wait3A_34 : memref<626x8xf32, #tpu.memory_space<vmem_shared>>) dst(%dma_wait3A_32 : memref<626x8xf32, #tpu.memory_space<hbm>>)
      tpu.yield
    }) : () -> ()
    return
  }
}

#map = affine_map<(d0, d1) -> (0, 0)>
#map1 = affine_map<(d0, d1) -> (0, 0, 0)>
module attributes {stable_mosaic.version = 14 : i64} {
  func.func @_sc_scatter(%arg0: i32, %arg1: i32, %arg2: memref<10016x32xf32, #tpu.memory_space<hbm>>, %arg3: memref<5216x128xi32, #tpu.memory_space<hbm>>, %arg4: memref<5216x128xi32, #tpu.memory_space<hbm>>, %arg5: memref<10016x32xf32, #tpu.memory_space<hbm>>, %arg6: memref<2x10016x32xf32, #tpu.memory_space<hbm>>, %arg7: memref<228x128xi32, #tpu.memory_space<vmem>>, %arg8: memref<228x128xi32, #tpu.memory_space<vmem>>, %arg9: memref<128x32xf32, #tpu.memory_space<vmem>>, %arg10: memref<128x32xf32, #tpu.memory_space<vmem>>, %arg11: memref<128x32xf32, #tpu.memory_space<vmem>>, %arg12: memref<128x32xf32, #tpu.memory_space<vmem>>, %arg13: memref<10016x32xf32, #tpu.memory_space<vmem_shared>>, %arg14: memref<!tpu.dma_semaphore, #tpu.memory_space<semaphore_mem>>, %arg15: memref<!tpu.dma_semaphore, #tpu.memory_space<semaphore_mem>>, %arg16: memref<!tpu.dma_semaphore, #tpu.memory_space<semaphore_mem>>, %arg17: memref<!tpu.dma_semaphore, #tpu.memory_space<semaphore_mem>>, %arg18: memref<!tpu.dma_semaphore, #tpu.memory_space<semaphore_mem>>, %arg19: memref<!tpu.dma_semaphore, #tpu.memory_space<semaphore_mem>>, %arg20: memref<!tpu.dma_semaphore, #tpu.memory_space<semaphore_mem>>, %arg21: memref<!tpu.dma_semaphore, #tpu.memory_space<semaphore_mem>>) attributes {dimension_semantics = [#tpu.dimension_semantics<core_parallel>, #tpu.dimension_semantics<subcore_parallel>], iteration_bounds = array<i64: 2, 16>, scalar_prefetch = 0 : i64, scratch_operands = 15 : i64, tpu.core_type = #tpu.core_type<sc_vector_subcore>, window_params = [{transform_indices = #map}, {transform_indices = #map}, {transform_indices = #map}, {transform_indices = #map}, {transform_indices = #map1}]} {
    %eq3A = arith.constant 0 : i32
    %eq3A_0 = arith.cmpi eq, %arg0, %eq3A : i32
    %mul3A = arith.constant 228 : i32
    %mul3A_1 = arith.muli %arg1, %mul3A : i32
    %mul3A_2 = arith.constant 88 : i32
    %mul3A_3 = arith.muli %arg1, %mul3A_2 : i32
    %add3A = arith.constant 3648 : i32
    %add3A_4 = arith.addi %add3A, %mul3A_3 : i32
    %select_n3A = arith.select %eq3A_0, %mul3A_1, %add3A_4 : i32
    %eq3A_5 = arith.constant 0 : i32
    %eq3A_6 = arith.cmpi eq, %arg0, %eq3A_5 : i32
    %jit3A = arith.constant 57 : i32
    %jit3A_7 = arith.constant 22 : i32
    %select_n3A_8 = arith.select %eq3A_6, %jit3A, %jit3A_7 : i32
    %mul3A_9 = arith.constant 626 : i32
    %mul3A_10 = arith.muli %arg1, %mul3A_9 : i32
    %mul3A_11 = arith.constant 626 : i32
    %mul3A_12 = arith.muli %arg1, %mul3A_11 : i32
    "tpu.region"() ({
      %run_scoped3A = tpu.sem_alloc : memref<!tpu.dma_semaphore, #tpu.memory_space<semaphore_mem>>
      %dma_start3A_54 = arith.constant 0 : i32
      %dma_start3A_55 = tpu.memref_slice %arg13[%mul3A_12, %dma_start3A_54] : memref<10016x32xf32, #tpu.memory_space<vmem_shared>> -> memref<626x32xf32, #tpu.memory_space<vmem_shared>>
      %dma_start3A_56 = arith.constant 0 : i32
      %dma_start3A_57 = tpu.memref_slice %arg5[%mul3A_10, %dma_start3A_56] : memref<10016x32xf32, #tpu.memory_space<hbm>> -> memref<626x32xf32, #tpu.memory_space<hbm>>
      tpu.enqueue_dma source(%dma_start3A_57 : memref<626x32xf32, #tpu.memory_space<hbm>>) target(%dma_start3A_55 : memref<626x32xf32, #tpu.memory_space<vmem_shared>>) target_semaphore(%run_scoped3A : memref<!tpu.dma_semaphore, #tpu.memory_space<semaphore_mem>>)
      %dma_wait3A = arith.constant 0 : i32
      %dma_wait3A_58 = tpu.memref_slice %arg13[%mul3A_12, %dma_wait3A] : memref<10016x32xf32, #tpu.memory_space<vmem_shared>> -> memref<626x32xf32, #tpu.memory_space<vmem_shared>>
      %dma_wait3A_59 = arith.constant 0 : i32
      %dma_wait3A_60 = tpu.memref_slice %arg5[%mul3A_10, %dma_wait3A_59] : memref<10016x32xf32, #tpu.memory_space<hbm>> -> memref<626x32xf32, #tpu.memory_space<hbm>>
      tpu.wait_dma2 semaphore(%run_scoped3A : memref<!tpu.dma_semaphore, #tpu.memory_space<semaphore_mem>>) src(%dma_wait3A_60 : memref<626x32xf32, #tpu.memory_space<hbm>>) dst(%dma_wait3A_58 : memref<626x32xf32, #tpu.memory_space<vmem_shared>>)
      tpu.yield
    }) : () -> ()
    "tpu.region"() ({
      %run_scoped3A = tpu.sem_alloc : memref<!tpu.dma_semaphore, #tpu.memory_space<semaphore_mem>>
      %dma_start3A_54 = arith.constant 0 : i32
      %dma_start3A_55 = tpu.memref_slice %arg3[%select_n3A, %dma_start3A_54] : memref<5216x128xi32, #tpu.memory_space<hbm>> -> memref<228x128xi32, #tpu.memory_space<hbm>>
      %dma_start3A_56 = arith.constant 0 : i32
      %dma_start3A_57 = tpu.memref_slice %arg3[%select_n3A, %dma_start3A_56] : memref<5216x128xi32, #tpu.memory_space<hbm>> -> memref<228x128xi32, #tpu.memory_space<hbm>>
      tpu.enqueue_dma source(%dma_start3A_57 : memref<228x128xi32, #tpu.memory_space<hbm>>) target(%arg7 : memref<228x128xi32, #tpu.memory_space<vmem>>) target_semaphore(%run_scoped3A : memref<!tpu.dma_semaphore, #tpu.memory_space<semaphore_mem>>)
      %dma_wait3A = arith.constant 0 : i32
      %dma_wait3A_58 = tpu.memref_slice %arg3[%select_n3A, %dma_wait3A] : memref<5216x128xi32, #tpu.memory_space<hbm>> -> memref<228x128xi32, #tpu.memory_space<hbm>>
      %dma_wait3A_59 = arith.constant 0 : i32
      %dma_wait3A_60 = tpu.memref_slice %arg3[%select_n3A, %dma_wait3A_59] : memref<5216x128xi32, #tpu.memory_space<hbm>> -> memref<228x128xi32, #tpu.memory_space<hbm>>
      tpu.wait_dma2 semaphore(%run_scoped3A : memref<!tpu.dma_semaphore, #tpu.memory_space<semaphore_mem>>) src(%dma_wait3A_60 : memref<228x128xi32, #tpu.memory_space<hbm>>) dst(%arg7 : memref<228x128xi32, #tpu.memory_space<vmem>>)
      tpu.yield
    }) : () -> ()
    "tpu.region"() ({
      %run_scoped3A = tpu.sem_alloc : memref<!tpu.dma_semaphore, #tpu.memory_space<semaphore_mem>>
      %dma_start3A_54 = arith.constant 0 : i32
      %dma_start3A_55 = tpu.memref_slice %arg4[%select_n3A, %dma_start3A_54] : memref<5216x128xi32, #tpu.memory_space<hbm>> -> memref<228x128xi32, #tpu.memory_space<hbm>>
      %dma_start3A_56 = arith.constant 0 : i32
      %dma_start3A_57 = tpu.memref_slice %arg4[%select_n3A, %dma_start3A_56] : memref<5216x128xi32, #tpu.memory_space<hbm>> -> memref<228x128xi32, #tpu.memory_space<hbm>>
      tpu.enqueue_dma source(%dma_start3A_57 : memref<228x128xi32, #tpu.memory_space<hbm>>) target(%arg8 : memref<228x128xi32, #tpu.memory_space<vmem>>) target_semaphore(%run_scoped3A : memref<!tpu.dma_semaphore, #tpu.memory_space<semaphore_mem>>)
      %dma_wait3A = arith.constant 0 : i32
      %dma_wait3A_58 = tpu.memref_slice %arg4[%select_n3A, %dma_wait3A] : memref<5216x128xi32, #tpu.memory_space<hbm>> -> memref<228x128xi32, #tpu.memory_space<hbm>>
      %dma_wait3A_59 = arith.constant 0 : i32
      %dma_wait3A_60 = tpu.memref_slice %arg4[%select_n3A, %dma_wait3A_59] : memref<5216x128xi32, #tpu.memory_space<hbm>> -> memref<228x128xi32, #tpu.memory_space<hbm>>
      tpu.wait_dma2 semaphore(%run_scoped3A : memref<!tpu.dma_semaphore, #tpu.memory_space<semaphore_mem>>) src(%dma_wait3A_60 : memref<228x128xi32, #tpu.memory_space<hbm>>) dst(%arg8 : memref<228x128xi32, #tpu.memory_space<vmem>>)
      tpu.yield
    }) : () -> ()
    %barrier3A = arith.constant 0 : index
    tpu.barrier barrier_id(%barrier3A)
    %dma_start3A = arith.constant 0 : i32
    %dma_start3A_13 = arith.constant 0 : i32
    %dma_start3A_14 = tpu.memref_slice %arg7[%dma_start3A, %dma_start3A_13] : memref<228x128xi32, #tpu.memory_space<vmem>> -> memref<1x128xi32, #tpu.memory_space<vmem>>
    %dma_start3A_15 = tpu.memref_squeeze %dma_start3A_14 : memref<1x128xi32, #tpu.memory_space<vmem>> -> memref<128xi32, #tpu.memory_space<vmem>>
    %dma_start3A_16 = arith.constant 0 : i32
    %dma_start3A_17 = arith.constant 0 : i32
    %dma_start3A_18 = tpu.memref_slice %arg2[%dma_start3A_16, %dma_start3A_17] : memref<10016x32xf32, #tpu.memory_space<hbm>> -> memref<10016x32xf32, #tpu.memory_space<hbm>>
    tpu.enqueue_indirect_dma source(%dma_start3A_18 : memref<10016x32xf32, #tpu.memory_space<hbm>>) target(%arg9 : memref<128x32xf32, #tpu.memory_space<vmem>>) offsets(%dma_start3A_15 : memref<128xi32, #tpu.memory_space<vmem>>) semaphore(%arg14 : memref<!tpu.dma_semaphore, #tpu.memory_space<semaphore_mem>>)
    %dma_start3A_19 = arith.constant 1 : i32
    %dma_start3A_20 = arith.constant 0 : i32
    %dma_start3A_21 = tpu.memref_slice %arg7[%dma_start3A_19, %dma_start3A_20] : memref<228x128xi32, #tpu.memory_space<vmem>> -> memref<1x128xi32, #tpu.memory_space<vmem>>
    %dma_start3A_22 = tpu.memref_squeeze %dma_start3A_21 : memref<1x128xi32, #tpu.memory_space<vmem>> -> memref<128xi32, #tpu.memory_space<vmem>>
    %dma_start3A_23 = arith.constant 0 : i32
    %dma_start3A_24 = arith.constant 0 : i32
    %dma_start3A_25 = tpu.memref_slice %arg2[%dma_start3A_23, %dma_start3A_24] : memref<10016x32xf32, #tpu.memory_space<hbm>> -> memref<10016x32xf32, #tpu.memory_space<hbm>>
    tpu.enqueue_indirect_dma source(%dma_start3A_25 : memref<10016x32xf32, #tpu.memory_space<hbm>>) target(%arg10 : memref<128x32xf32, #tpu.memory_space<vmem>>) offsets(%dma_start3A_22 : memref<128xi32, #tpu.memory_space<vmem>>) semaphore(%arg15 : memref<!tpu.dma_semaphore, #tpu.memory_space<semaphore_mem>>)
    %dma_start3A_26 = arith.constant 2 : i32
    %dma_start3A_27 = arith.constant 0 : i32
    %dma_start3A_28 = tpu.memref_slice %arg7[%dma_start3A_26, %dma_start3A_27] : memref<228x128xi32, #tpu.memory_space<vmem>> -> memref<1x128xi32, #tpu.memory_space<vmem>>
    %dma_start3A_29 = tpu.memref_squeeze %dma_start3A_28 : memref<1x128xi32, #tpu.memory_space<vmem>> -> memref<128xi32, #tpu.memory_space<vmem>>
    %dma_start3A_30 = arith.constant 0 : i32
    %dma_start3A_31 = arith.constant 0 : i32
    %dma_start3A_32 = tpu.memref_slice %arg2[%dma_start3A_30, %dma_start3A_31] : memref<10016x32xf32, #tpu.memory_space<hbm>> -> memref<10016x32xf32, #tpu.memory_space<hbm>>
    tpu.enqueue_indirect_dma source(%dma_start3A_32 : memref<10016x32xf32, #tpu.memory_space<hbm>>) target(%arg11 : memref<128x32xf32, #tpu.memory_space<vmem>>) offsets(%dma_start3A_29 : memref<128xi32, #tpu.memory_space<vmem>>) semaphore(%arg16 : memref<!tpu.dma_semaphore, #tpu.memory_space<semaphore_mem>>)
    %dma_start3A_33 = arith.constant 3 : i32
    %dma_start3A_34 = arith.constant 0 : i32
    %dma_start3A_35 = tpu.memref_slice %arg7[%dma_start3A_33, %dma_start3A_34] : memref<228x128xi32, #tpu.memory_space<vmem>> -> memref<1x128xi32, #tpu.memory_space<vmem>>
    %dma_start3A_36 = tpu.memref_squeeze %dma_start3A_35 : memref<1x128xi32, #tpu.memory_space<vmem>> -> memref<128xi32, #tpu.memory_space<vmem>>
    %dma_start3A_37 = arith.constant 0 : i32
    %dma_start3A_38 = arith.constant 0 : i32
    %dma_start3A_39 = tpu.memref_slice %arg2[%dma_start3A_37, %dma_start3A_38] : memref<10016x32xf32, #tpu.memory_space<hbm>> -> memref<10016x32xf32, #tpu.memory_space<hbm>>
    tpu.enqueue_indirect_dma source(%dma_start3A_39 : memref<10016x32xf32, #tpu.memory_space<hbm>>) target(%arg12 : memref<128x32xf32, #tpu.memory_space<vmem>>) offsets(%dma_start3A_36 : memref<128xi32, #tpu.memory_space<vmem>>) semaphore(%arg17 : memref<!tpu.dma_semaphore, #tpu.memory_space<semaphore_mem>>)
    %while3A = arith.constant 0 : i32
    %while3A_40 = arith.constant 0 : i32
    %while3A_41 = arith.subi %select_n3A_8, %while3A_40 : i32
    %while3A_42 = arith.addi %while3A_40, %while3A_41 : i32
    %while3A_43 = arith.constant 1 : i32
    %while3A_44 = arith.divsi %while3A_41, %while3A_43 : i32
    %while3A_45 = arith.muli %while3A_44, %while3A_43 : i32
    %while3A_46 = arith.addi %while3A_40, %while3A_45 : i32
    %while3A_47 = arith.constant 1 : i32
    scf.for %while3A_54 = %while3A_40 to %while3A_46 step %while3A_47  : i32 {
      %mul3A_55 = arith.constant 4 : i32
      %mul3A_56 = arith.muli %mul3A_55, %while3A_54 : i32
      %add3A_57 = arith.constant 0 : i32
      %add3A_58 = arith.addi %mul3A_56, %add3A_57 : i32
      %dma_wait3A = arith.constant 0 : i32
      %dma_wait3A_59 = tpu.memref_slice %arg7[%add3A_58, %dma_wait3A] : memref<228x128xi32, #tpu.memory_space<vmem>> -> memref<1x128xi32, #tpu.memory_space<vmem>>
      %dma_wait3A_60 = tpu.memref_squeeze %dma_wait3A_59 : memref<1x128xi32, #tpu.memory_space<vmem>> -> memref<128xi32, #tpu.memory_space<vmem>>
      %dma_wait3A_61 = arith.constant 0 : i32
      %dma_wait3A_62 = arith.constant 0 : i32
      %dma_wait3A_63 = tpu.memref_slice %arg2[%dma_wait3A_61, %dma_wait3A_62] : memref<10016x32xf32, #tpu.memory_space<hbm>> -> memref<10016x32xf32, #tpu.memory_space<hbm>>
      tpu.wait_indirect_dma semaphore(%arg14 : memref<!tpu.dma_semaphore, #tpu.memory_space<semaphore_mem>>) src(%dma_wait3A_63 : memref<10016x32xf32, #tpu.memory_space<hbm>>) dst(%arg9 : memref<128x32xf32, #tpu.memory_space<vmem>>)
      %mul3A_64 = arith.constant 4 : i32
      %mul3A_65 = arith.muli %mul3A_64, %while3A_54 : i32
      %add3A_66 = arith.constant 1 : i32
      %add3A_67 = arith.addi %mul3A_65, %add3A_66 : i32
      %dma_wait3A_68 = arith.constant 0 : i32
      %dma_wait3A_69 = tpu.memref_slice %arg7[%add3A_67, %dma_wait3A_68] : memref<228x128xi32, #tpu.memory_space<vmem>> -> memref<1x128xi32, #tpu.memory_space<vmem>>
      %dma_wait3A_70 = tpu.memref_squeeze %dma_wait3A_69 : memref<1x128xi32, #tpu.memory_space<vmem>> -> memref<128xi32, #tpu.memory_space<vmem>>
      %dma_wait3A_71 = arith.constant 0 : i32
      %dma_wait3A_72 = arith.constant 0 : i32
      %dma_wait3A_73 = tpu.memref_slice %arg2[%dma_wait3A_71, %dma_wait3A_72] : memref<10016x32xf32, #tpu.memory_space<hbm>> -> memref<10016x32xf32, #tpu.memory_space<hbm>>
      tpu.wait_indirect_dma semaphore(%arg15 : memref<!tpu.dma_semaphore, #tpu.memory_space<semaphore_mem>>) src(%dma_wait3A_73 : memref<10016x32xf32, #tpu.memory_space<hbm>>) dst(%arg10 : memref<128x32xf32, #tpu.memory_space<vmem>>)
      %mul3A_74 = arith.constant 4 : i32
      %mul3A_75 = arith.muli %mul3A_74, %while3A_54 : i32
      %add3A_76 = arith.constant 2 : i32
      %add3A_77 = arith.addi %mul3A_75, %add3A_76 : i32
      %dma_wait3A_78 = arith.constant 0 : i32
      %dma_wait3A_79 = tpu.memref_slice %arg7[%add3A_77, %dma_wait3A_78] : memref<228x128xi32, #tpu.memory_space<vmem>> -> memref<1x128xi32, #tpu.memory_space<vmem>>
      %dma_wait3A_80 = tpu.memref_squeeze %dma_wait3A_79 : memref<1x128xi32, #tpu.memory_space<vmem>> -> memref<128xi32, #tpu.memory_space<vmem>>
      %dma_wait3A_81 = arith.constant 0 : i32
      %dma_wait3A_82 = arith.constant 0 : i32
      %dma_wait3A_83 = tpu.memref_slice %arg2[%dma_wait3A_81, %dma_wait3A_82] : memref<10016x32xf32, #tpu.memory_space<hbm>> -> memref<10016x32xf32, #tpu.memory_space<hbm>>
      tpu.wait_indirect_dma semaphore(%arg16 : memref<!tpu.dma_semaphore, #tpu.memory_space<semaphore_mem>>) src(%dma_wait3A_83 : memref<10016x32xf32, #tpu.memory_space<hbm>>) dst(%arg11 : memref<128x32xf32, #tpu.memory_space<vmem>>)
      %mul3A_84 = arith.constant 4 : i32
      %mul3A_85 = arith.muli %mul3A_84, %while3A_54 : i32
      %add3A_86 = arith.constant 3 : i32
      %add3A_87 = arith.addi %mul3A_85, %add3A_86 : i32
      %dma_wait3A_88 = arith.constant 0 : i32
      %dma_wait3A_89 = tpu.memref_slice %arg7[%add3A_87, %dma_wait3A_88] : memref<228x128xi32, #tpu.memory_space<vmem>> -> memref<1x128xi32, #tpu.memory_space<vmem>>
      %dma_wait3A_90 = tpu.memref_squeeze %dma_wait3A_89 : memref<1x128xi32, #tpu.memory_space<vmem>> -> memref<128xi32, #tpu.memory_space<vmem>>
      %dma_wait3A_91 = arith.constant 0 : i32
      %dma_wait3A_92 = arith.constant 0 : i32
      %dma_wait3A_93 = tpu.memref_slice %arg2[%dma_wait3A_91, %dma_wait3A_92] : memref<10016x32xf32, #tpu.memory_space<hbm>> -> memref<10016x32xf32, #tpu.memory_space<hbm>>
      tpu.wait_indirect_dma semaphore(%arg17 : memref<!tpu.dma_semaphore, #tpu.memory_space<semaphore_mem>>) src(%dma_wait3A_93 : memref<10016x32xf32, #tpu.memory_space<hbm>>) dst(%arg12 : memref<128x32xf32, #tpu.memory_space<vmem>>)
      %mul3A_94 = arith.constant 4 : i32
      %mul3A_95 = arith.muli %mul3A_94, %while3A_54 : i32
      %add3A_96 = arith.constant 0 : i32
      %add3A_97 = arith.addi %mul3A_95, %add3A_96 : i32
      %dma_start3A_98 = arith.constant 0 : i32
      %dma_start3A_99 = tpu.memref_slice %arg8[%add3A_97, %dma_start3A_98] : memref<228x128xi32, #tpu.memory_space<vmem>> -> memref<1x128xi32, #tpu.memory_space<vmem>>
      %dma_start3A_100 = tpu.memref_squeeze %dma_start3A_99 : memref<1x128xi32, #tpu.memory_space<vmem>> -> memref<128xi32, #tpu.memory_space<vmem>>
      %dma_start3A_101 = arith.constant 0 : i32
      %dma_start3A_102 = arith.constant 0 : i32
      %dma_start3A_103 = tpu.memref_slice %arg13[%dma_start3A_101, %dma_start3A_102] : memref<10016x32xf32, #tpu.memory_space<vmem_shared>> -> memref<10016x32xf32, #tpu.memory_space<vmem_shared>>
      tpu.enqueue_indirect_dma source(%arg9 : memref<128x32xf32, #tpu.memory_space<vmem>>) target(%dma_start3A_103 : memref<10016x32xf32, #tpu.memory_space<vmem_shared>>) offsets(%dma_start3A_100 : memref<128xi32, #tpu.memory_space<vmem>>) semaphore(%arg18 : memref<!tpu.dma_semaphore, #tpu.memory_space<semaphore_mem>>) {add = true}
      %mul3A_104 = arith.constant 4 : i32
      %mul3A_105 = arith.muli %mul3A_104, %while3A_54 : i32
      %add3A_106 = arith.constant 1 : i32
      %add3A_107 = arith.addi %mul3A_105, %add3A_106 : i32
      %dma_start3A_108 = arith.constant 0 : i32
      %dma_start3A_109 = tpu.memref_slice %arg8[%add3A_107, %dma_start3A_108] : memref<228x128xi32, #tpu.memory_space<vmem>> -> memref<1x128xi32, #tpu.memory_space<vmem>>
      %dma_start3A_110 = tpu.memref_squeeze %dma_start3A_109 : memref<1x128xi32, #tpu.memory_space<vmem>> -> memref<128xi32, #tpu.memory_space<vmem>>
      %dma_start3A_111 = arith.constant 0 : i32
      %dma_start3A_112 = arith.constant 0 : i32
      %dma_start3A_113 = tpu.memref_slice %arg13[%dma_start3A_111, %dma_start3A_112] : memref<10016x32xf32, #tpu.memory_space<vmem_shared>> -> memref<10016x32xf32, #tpu.memory_space<vmem_shared>>
      tpu.enqueue_indirect_dma source(%arg10 : memref<128x32xf32, #tpu.memory_space<vmem>>) target(%dma_start3A_113 : memref<10016x32xf32, #tpu.memory_space<vmem_shared>>) offsets(%dma_start3A_110 : memref<128xi32, #tpu.memory_space<vmem>>) semaphore(%arg19 : memref<!tpu.dma_semaphore, #tpu.memory_space<semaphore_mem>>) {add = true}
      %mul3A_114 = arith.constant 4 : i32
      %mul3A_115 = arith.muli %mul3A_114, %while3A_54 : i32
      %add3A_116 = arith.constant 2 : i32
      %add3A_117 = arith.addi %mul3A_115, %add3A_116 : i32
      %dma_start3A_118 = arith.constant 0 : i32
      %dma_start3A_119 = tpu.memref_slice %arg8[%add3A_117, %dma_start3A_118] : memref<228x128xi32, #tpu.memory_space<vmem>> -> memref<1x128xi32, #tpu.memory_space<vmem>>
      %dma_start3A_120 = tpu.memref_squeeze %dma_start3A_119 : memref<1x128xi32, #tpu.memory_space<vmem>> -> memref<128xi32, #tpu.memory_space<vmem>>
      %dma_start3A_121 = arith.constant 0 : i32
      %dma_start3A_122 = arith.constant 0 : i32
      %dma_start3A_123 = tpu.memref_slice %arg13[%dma_start3A_121, %dma_start3A_122] : memref<10016x32xf32, #tpu.memory_space<vmem_shared>> -> memref<10016x32xf32, #tpu.memory_space<vmem_shared>>
      tpu.enqueue_indirect_dma source(%arg11 : memref<128x32xf32, #tpu.memory_space<vmem>>) target(%dma_start3A_123 : memref<10016x32xf32, #tpu.memory_space<vmem_shared>>) offsets(%dma_start3A_120 : memref<128xi32, #tpu.memory_space<vmem>>) semaphore(%arg20 : memref<!tpu.dma_semaphore, #tpu.memory_space<semaphore_mem>>) {add = true}
      %mul3A_124 = arith.constant 4 : i32
      %mul3A_125 = arith.muli %mul3A_124, %while3A_54 : i32
      %add3A_126 = arith.constant 3 : i32
      %add3A_127 = arith.addi %mul3A_125, %add3A_126 : i32
      %dma_start3A_128 = arith.constant 0 : i32
      %dma_start3A_129 = tpu.memref_slice %arg8[%add3A_127, %dma_start3A_128] : memref<228x128xi32, #tpu.memory_space<vmem>> -> memref<1x128xi32, #tpu.memory_space<vmem>>
      %dma_start3A_130 = tpu.memref_squeeze %dma_start3A_129 : memref<1x128xi32, #tpu.memory_space<vmem>> -> memref<128xi32, #tpu.memory_space<vmem>>
      %dma_start3A_131 = arith.constant 0 : i32
      %dma_start3A_132 = arith.constant 0 : i32
      %dma_start3A_133 = tpu.memref_slice %arg13[%dma_start3A_131, %dma_start3A_132] : memref<10016x32xf32, #tpu.memory_space<vmem_shared>> -> memref<10016x32xf32, #tpu.memory_space<vmem_shared>>
      tpu.enqueue_indirect_dma source(%arg12 : memref<128x32xf32, #tpu.memory_space<vmem>>) target(%dma_start3A_133 : memref<10016x32xf32, #tpu.memory_space<vmem_shared>>) offsets(%dma_start3A_130 : memref<128xi32, #tpu.memory_space<vmem>>) semaphore(%arg21 : memref<!tpu.dma_semaphore, #tpu.memory_space<semaphore_mem>>) {add = true}
      %mul3A_134 = arith.constant 4 : i32
      %mul3A_135 = arith.muli %mul3A_134, %while3A_54 : i32
      %add3A_136 = arith.constant 0 : i32
      %add3A_137 = arith.addi %mul3A_135, %add3A_136 : i32
      %dma_wait3A_138 = arith.constant 0 : i32
      %dma_wait3A_139 = tpu.memref_slice %arg8[%add3A_137, %dma_wait3A_138] : memref<228x128xi32, #tpu.memory_space<vmem>> -> memref<1x128xi32, #tpu.memory_space<vmem>>
      %dma_wait3A_140 = tpu.memref_squeeze %dma_wait3A_139 : memref<1x128xi32, #tpu.memory_space<vmem>> -> memref<128xi32, #tpu.memory_space<vmem>>
      %dma_wait3A_141 = arith.constant 0 : i32
      %dma_wait3A_142 = arith.constant 0 : i32
      %dma_wait3A_143 = tpu.memref_slice %arg13[%dma_wait3A_141, %dma_wait3A_142] : memref<10016x32xf32, #tpu.memory_space<vmem_shared>> -> memref<10016x32xf32, #tpu.memory_space<vmem_shared>>
      tpu.wait_indirect_dma semaphore(%arg18 : memref<!tpu.dma_semaphore, #tpu.memory_space<semaphore_mem>>) src(%arg9 : memref<128x32xf32, #tpu.memory_space<vmem>>) dst(%dma_wait3A_143 : memref<10016x32xf32, #tpu.memory_space<vmem_shared>>)
      %mul3A_144 = arith.constant 4 : i32
      %mul3A_145 = arith.muli %mul3A_144, %while3A_54 : i32
      %add3A_146 = arith.constant 1 : i32
      %add3A_147 = arith.addi %mul3A_145, %add3A_146 : i32
      %dma_wait3A_148 = arith.constant 0 : i32
      %dma_wait3A_149 = tpu.memref_slice %arg8[%add3A_147, %dma_wait3A_148] : memref<228x128xi32, #tpu.memory_space<vmem>> -> memref<1x128xi32, #tpu.memory_space<vmem>>
      %dma_wait3A_150 = tpu.memref_squeeze %dma_wait3A_149 : memref<1x128xi32, #tpu.memory_space<vmem>> -> memref<128xi32, #tpu.memory_space<vmem>>
      %dma_wait3A_151 = arith.constant 0 : i32
      %dma_wait3A_152 = arith.constant 0 : i32
      %dma_wait3A_153 = tpu.memref_slice %arg13[%dma_wait3A_151, %dma_wait3A_152] : memref<10016x32xf32, #tpu.memory_space<vmem_shared>> -> memref<10016x32xf32, #tpu.memory_space<vmem_shared>>
      tpu.wait_indirect_dma semaphore(%arg19 : memref<!tpu.dma_semaphore, #tpu.memory_space<semaphore_mem>>) src(%arg10 : memref<128x32xf32, #tpu.memory_space<vmem>>) dst(%dma_wait3A_153 : memref<10016x32xf32, #tpu.memory_space<vmem_shared>>)
      %mul3A_154 = arith.constant 4 : i32
      %mul3A_155 = arith.muli %mul3A_154, %while3A_54 : i32
      %add3A_156 = arith.constant 2 : i32
      %add3A_157 = arith.addi %mul3A_155, %add3A_156 : i32
      %dma_wait3A_158 = arith.constant 0 : i32
      %dma_wait3A_159 = tpu.memref_slice %arg8[%add3A_157, %dma_wait3A_158] : memref<228x128xi32, #tpu.memory_space<vmem>> -> memref<1x128xi32, #tpu.memory_space<vmem>>
      %dma_wait3A_160 = tpu.memref_squeeze %dma_wait3A_159 : memref<1x128xi32, #tpu.memory_space<vmem>> -> memref<128xi32, #tpu.memory_space<vmem>>
      %dma_wait3A_161 = arith.constant 0 : i32
      %dma_wait3A_162 = arith.constant 0 : i32
      %dma_wait3A_163 = tpu.memref_slice %arg13[%dma_wait3A_161, %dma_wait3A_162] : memref<10016x32xf32, #tpu.memory_space<vmem_shared>> -> memref<10016x32xf32, #tpu.memory_space<vmem_shared>>
      tpu.wait_indirect_dma semaphore(%arg20 : memref<!tpu.dma_semaphore, #tpu.memory_space<semaphore_mem>>) src(%arg11 : memref<128x32xf32, #tpu.memory_space<vmem>>) dst(%dma_wait3A_163 : memref<10016x32xf32, #tpu.memory_space<vmem_shared>>)
      %mul3A_164 = arith.constant 4 : i32
      %mul3A_165 = arith.muli %mul3A_164, %while3A_54 : i32
      %add3A_166 = arith.constant 3 : i32
      %add3A_167 = arith.addi %mul3A_165, %add3A_166 : i32
      %dma_wait3A_168 = arith.constant 0 : i32
      %dma_wait3A_169 = tpu.memref_slice %arg8[%add3A_167, %dma_wait3A_168] : memref<228x128xi32, #tpu.memory_space<vmem>> -> memref<1x128xi32, #tpu.memory_space<vmem>>
      %dma_wait3A_170 = tpu.memref_squeeze %dma_wait3A_169 : memref<1x128xi32, #tpu.memory_space<vmem>> -> memref<128xi32, #tpu.memory_space<vmem>>
      %dma_wait3A_171 = arith.constant 0 : i32
      %dma_wait3A_172 = arith.constant 0 : i32
      %dma_wait3A_173 = tpu.memref_slice %arg13[%dma_wait3A_171, %dma_wait3A_172] : memref<10016x32xf32, #tpu.memory_space<vmem_shared>> -> memref<10016x32xf32, #tpu.memory_space<vmem_shared>>
      tpu.wait_indirect_dma semaphore(%arg21 : memref<!tpu.dma_semaphore, #tpu.memory_space<semaphore_mem>>) src(%arg12 : memref<128x32xf32, #tpu.memory_space<vmem>>) dst(%dma_wait3A_173 : memref<10016x32xf32, #tpu.memory_space<vmem_shared>>)
      %sub3A = arith.constant 1 : i32
      %sub3A_174 = arith.subi %select_n3A_8, %sub3A : i32
      %lt3A = arith.cmpi slt, %while3A_54, %sub3A_174 : i32
      %convert_element_type3A = arith.extui %lt3A : i1 to i32
      %cond3A = arith.constant 0 : i32
      %cond3A_175 = arith.cmpi ne, %convert_element_type3A, %cond3A : i32
      scf.if %cond3A_175 {
        %add3A_176 = arith.constant 1 : i32
        %add3A_177 = arith.addi %while3A_54, %add3A_176 : i32
        %mul3A_178 = arith.constant 4 : i32
        %mul3A_179 = arith.muli %mul3A_178, %add3A_177 : i32
        %add3A_180 = arith.constant 0 : i32
        %add3A_181 = arith.addi %mul3A_179, %add3A_180 : i32
        %dma_start3A_182 = arith.constant 0 : i32
        %dma_start3A_183 = tpu.memref_slice %arg7[%add3A_181, %dma_start3A_182] : memref<228x128xi32, #tpu.memory_space<vmem>> -> memref<1x128xi32, #tpu.memory_space<vmem>>
        %dma_start3A_184 = tpu.memref_squeeze %dma_start3A_183 : memref<1x128xi32, #tpu.memory_space<vmem>> -> memref<128xi32, #tpu.memory_space<vmem>>
        %dma_start3A_185 = arith.constant 0 : i32
        %dma_start3A_186 = arith.constant 0 : i32
        %dma_start3A_187 = tpu.memref_slice %arg2[%dma_start3A_185, %dma_start3A_186] : memref<10016x32xf32, #tpu.memory_space<hbm>> -> memref<10016x32xf32, #tpu.memory_space<hbm>>
        tpu.enqueue_indirect_dma source(%dma_start3A_187 : memref<10016x32xf32, #tpu.memory_space<hbm>>) target(%arg9 : memref<128x32xf32, #tpu.memory_space<vmem>>) offsets(%dma_start3A_184 : memref<128xi32, #tpu.memory_space<vmem>>) semaphore(%arg14 : memref<!tpu.dma_semaphore, #tpu.memory_space<semaphore_mem>>)
        %add3A_188 = arith.constant 1 : i32
        %add3A_189 = arith.addi %while3A_54, %add3A_188 : i32
        %mul3A_190 = arith.constant 4 : i32
        %mul3A_191 = arith.muli %mul3A_190, %add3A_189 : i32
        %add3A_192 = arith.constant 1 : i32
        %add3A_193 = arith.addi %mul3A_191, %add3A_192 : i32
        %dma_start3A_194 = arith.constant 0 : i32
        %dma_start3A_195 = tpu.memref_slice %arg7[%add3A_193, %dma_start3A_194] : memref<228x128xi32, #tpu.memory_space<vmem>> -> memref<1x128xi32, #tpu.memory_space<vmem>>
        %dma_start3A_196 = tpu.memref_squeeze %dma_start3A_195 : memref<1x128xi32, #tpu.memory_space<vmem>> -> memref<128xi32, #tpu.memory_space<vmem>>
        %dma_start3A_197 = arith.constant 0 : i32
        %dma_start3A_198 = arith.constant 0 : i32
        %dma_start3A_199 = tpu.memref_slice %arg2[%dma_start3A_197, %dma_start3A_198] : memref<10016x32xf32, #tpu.memory_space<hbm>> -> memref<10016x32xf32, #tpu.memory_space<hbm>>
        tpu.enqueue_indirect_dma source(%dma_start3A_199 : memref<10016x32xf32, #tpu.memory_space<hbm>>) target(%arg10 : memref<128x32xf32, #tpu.memory_space<vmem>>) offsets(%dma_start3A_196 : memref<128xi32, #tpu.memory_space<vmem>>) semaphore(%arg15 : memref<!tpu.dma_semaphore, #tpu.memory_space<semaphore_mem>>)
        %add3A_200 = arith.constant 1 : i32
        %add3A_201 = arith.addi %while3A_54, %add3A_200 : i32
        %mul3A_202 = arith.constant 4 : i32
        %mul3A_203 = arith.muli %mul3A_202, %add3A_201 : i32
        %add3A_204 = arith.constant 2 : i32
        %add3A_205 = arith.addi %mul3A_203, %add3A_204 : i32
        %dma_start3A_206 = arith.constant 0 : i32
        %dma_start3A_207 = tpu.memref_slice %arg7[%add3A_205, %dma_start3A_206] : memref<228x128xi32, #tpu.memory_space<vmem>> -> memref<1x128xi32, #tpu.memory_space<vmem>>
        %dma_start3A_208 = tpu.memref_squeeze %dma_start3A_207 : memref<1x128xi32, #tpu.memory_space<vmem>> -> memref<128xi32, #tpu.memory_space<vmem>>
        %dma_start3A_209 = arith.constant 0 : i32
        %dma_start3A_210 = arith.constant 0 : i32
        %dma_start3A_211 = tpu.memref_slice %arg2[%dma_start3A_209, %dma_start3A_210] : memref<10016x32xf32, #tpu.memory_space<hbm>> -> memref<10016x32xf32, #tpu.memory_space<hbm>>
        tpu.enqueue_indirect_dma source(%dma_start3A_211 : memref<10016x32xf32, #tpu.memory_space<hbm>>) target(%arg11 : memref<128x32xf32, #tpu.memory_space<vmem>>) offsets(%dma_start3A_208 : memref<128xi32, #tpu.memory_space<vmem>>) semaphore(%arg16 : memref<!tpu.dma_semaphore, #tpu.memory_space<semaphore_mem>>)
        %add3A_212 = arith.constant 1 : i32
        %add3A_213 = arith.addi %while3A_54, %add3A_212 : i32
        %mul3A_214 = arith.constant 4 : i32
        %mul3A_215 = arith.muli %mul3A_214, %add3A_213 : i32
        %add3A_216 = arith.constant 3 : i32
        %add3A_217 = arith.addi %mul3A_215, %add3A_216 : i32
        %dma_start3A_218 = arith.constant 0 : i32
        %dma_start3A_219 = tpu.memref_slice %arg7[%add3A_217, %dma_start3A_218] : memref<228x128xi32, #tpu.memory_space<vmem>> -> memref<1x128xi32, #tpu.memory_space<vmem>>
        %dma_start3A_220 = tpu.memref_squeeze %dma_start3A_219 : memref<1x128xi32, #tpu.memory_space<vmem>> -> memref<128xi32, #tpu.memory_space<vmem>>
        %dma_start3A_221 = arith.constant 0 : i32
        %dma_start3A_222 = arith.constant 0 : i32
        %dma_start3A_223 = tpu.memref_slice %arg2[%dma_start3A_221, %dma_start3A_222] : memref<10016x32xf32, #tpu.memory_space<hbm>> -> memref<10016x32xf32, #tpu.memory_space<hbm>>
        tpu.enqueue_indirect_dma source(%dma_start3A_223 : memref<10016x32xf32, #tpu.memory_space<hbm>>) target(%arg12 : memref<128x32xf32, #tpu.memory_space<vmem>>) offsets(%dma_start3A_220 : memref<128xi32, #tpu.memory_space<vmem>>) semaphore(%arg17 : memref<!tpu.dma_semaphore, #tpu.memory_space<semaphore_mem>>)
      } else {
      }
    }
    %while3A_48 = arith.constant 1 : i32
    scf.for %while3A_54 = %while3A_46 to %while3A_42 step %while3A_48  : i32 {
      %mul3A_55 = arith.constant 4 : i32
      %mul3A_56 = arith.muli %mul3A_55, %while3A_54 : i32
      %add3A_57 = arith.constant 0 : i32
      %add3A_58 = arith.addi %mul3A_56, %add3A_57 : i32
      %dma_wait3A = arith.constant 0 : i32
      %dma_wait3A_59 = tpu.memref_slice %arg7[%add3A_58, %dma_wait3A] : memref<228x128xi32, #tpu.memory_space<vmem>> -> memref<1x128xi32, #tpu.memory_space<vmem>>
      %dma_wait3A_60 = tpu.memref_squeeze %dma_wait3A_59 : memref<1x128xi32, #tpu.memory_space<vmem>> -> memref<128xi32, #tpu.memory_space<vmem>>
      %dma_wait3A_61 = arith.constant 0 : i32
      %dma_wait3A_62 = arith.constant 0 : i32
      %dma_wait3A_63 = tpu.memref_slice %arg2[%dma_wait3A_61, %dma_wait3A_62] : memref<10016x32xf32, #tpu.memory_space<hbm>> -> memref<10016x32xf32, #tpu.memory_space<hbm>>
      tpu.wait_indirect_dma semaphore(%arg14 : memref<!tpu.dma_semaphore, #tpu.memory_space<semaphore_mem>>) src(%dma_wait3A_63 : memref<10016x32xf32, #tpu.memory_space<hbm>>) dst(%arg9 : memref<128x32xf32, #tpu.memory_space<vmem>>)
      %mul3A_64 = arith.constant 4 : i32
      %mul3A_65 = arith.muli %mul3A_64, %while3A_54 : i32
      %add3A_66 = arith.constant 1 : i32
      %add3A_67 = arith.addi %mul3A_65, %add3A_66 : i32
      %dma_wait3A_68 = arith.constant 0 : i32
      %dma_wait3A_69 = tpu.memref_slice %arg7[%add3A_67, %dma_wait3A_68] : memref<228x128xi32, #tpu.memory_space<vmem>> -> memref<1x128xi32, #tpu.memory_space<vmem>>
      %dma_wait3A_70 = tpu.memref_squeeze %dma_wait3A_69 : memref<1x128xi32, #tpu.memory_space<vmem>> -> memref<128xi32, #tpu.memory_space<vmem>>
      %dma_wait3A_71 = arith.constant 0 : i32
      %dma_wait3A_72 = arith.constant 0 : i32
      %dma_wait3A_73 = tpu.memref_slice %arg2[%dma_wait3A_71, %dma_wait3A_72] : memref<10016x32xf32, #tpu.memory_space<hbm>> -> memref<10016x32xf32, #tpu.memory_space<hbm>>
      tpu.wait_indirect_dma semaphore(%arg15 : memref<!tpu.dma_semaphore, #tpu.memory_space<semaphore_mem>>) src(%dma_wait3A_73 : memref<10016x32xf32, #tpu.memory_space<hbm>>) dst(%arg10 : memref<128x32xf32, #tpu.memory_space<vmem>>)
      %mul3A_74 = arith.constant 4 : i32
      %mul3A_75 = arith.muli %mul3A_74, %while3A_54 : i32
      %add3A_76 = arith.constant 2 : i32
      %add3A_77 = arith.addi %mul3A_75, %add3A_76 : i32
      %dma_wait3A_78 = arith.constant 0 : i32
      %dma_wait3A_79 = tpu.memref_slice %arg7[%add3A_77, %dma_wait3A_78] : memref<228x128xi32, #tpu.memory_space<vmem>> -> memref<1x128xi32, #tpu.memory_space<vmem>>
      %dma_wait3A_80 = tpu.memref_squeeze %dma_wait3A_79 : memref<1x128xi32, #tpu.memory_space<vmem>> -> memref<128xi32, #tpu.memory_space<vmem>>
      %dma_wait3A_81 = arith.constant 0 : i32
      %dma_wait3A_82 = arith.constant 0 : i32
      %dma_wait3A_83 = tpu.memref_slice %arg2[%dma_wait3A_81, %dma_wait3A_82] : memref<10016x32xf32, #tpu.memory_space<hbm>> -> memref<10016x32xf32, #tpu.memory_space<hbm>>
      tpu.wait_indirect_dma semaphore(%arg16 : memref<!tpu.dma_semaphore, #tpu.memory_space<semaphore_mem>>) src(%dma_wait3A_83 : memref<10016x32xf32, #tpu.memory_space<hbm>>) dst(%arg11 : memref<128x32xf32, #tpu.memory_space<vmem>>)
      %mul3A_84 = arith.constant 4 : i32
      %mul3A_85 = arith.muli %mul3A_84, %while3A_54 : i32
      %add3A_86 = arith.constant 3 : i32
      %add3A_87 = arith.addi %mul3A_85, %add3A_86 : i32
      %dma_wait3A_88 = arith.constant 0 : i32
      %dma_wait3A_89 = tpu.memref_slice %arg7[%add3A_87, %dma_wait3A_88] : memref<228x128xi32, #tpu.memory_space<vmem>> -> memref<1x128xi32, #tpu.memory_space<vmem>>
      %dma_wait3A_90 = tpu.memref_squeeze %dma_wait3A_89 : memref<1x128xi32, #tpu.memory_space<vmem>> -> memref<128xi32, #tpu.memory_space<vmem>>
      %dma_wait3A_91 = arith.constant 0 : i32
      %dma_wait3A_92 = arith.constant 0 : i32
      %dma_wait3A_93 = tpu.memref_slice %arg2[%dma_wait3A_91, %dma_wait3A_92] : memref<10016x32xf32, #tpu.memory_space<hbm>> -> memref<10016x32xf32, #tpu.memory_space<hbm>>
      tpu.wait_indirect_dma semaphore(%arg17 : memref<!tpu.dma_semaphore, #tpu.memory_space<semaphore_mem>>) src(%dma_wait3A_93 : memref<10016x32xf32, #tpu.memory_space<hbm>>) dst(%arg12 : memref<128x32xf32, #tpu.memory_space<vmem>>)
      %mul3A_94 = arith.constant 4 : i32
      %mul3A_95 = arith.muli %mul3A_94, %while3A_54 : i32
      %add3A_96 = arith.constant 0 : i32
      %add3A_97 = arith.addi %mul3A_95, %add3A_96 : i32
      %dma_start3A_98 = arith.constant 0 : i32
      %dma_start3A_99 = tpu.memref_slice %arg8[%add3A_97, %dma_start3A_98] : memref<228x128xi32, #tpu.memory_space<vmem>> -> memref<1x128xi32, #tpu.memory_space<vmem>>
      %dma_start3A_100 = tpu.memref_squeeze %dma_start3A_99 : memref<1x128xi32, #tpu.memory_space<vmem>> -> memref<128xi32, #tpu.memory_space<vmem>>
      %dma_start3A_101 = arith.constant 0 : i32
      %dma_start3A_102 = arith.constant 0 : i32
      %dma_start3A_103 = tpu.memref_slice %arg13[%dma_start3A_101, %dma_start3A_102] : memref<10016x32xf32, #tpu.memory_space<vmem_shared>> -> memref<10016x32xf32, #tpu.memory_space<vmem_shared>>
      tpu.enqueue_indirect_dma source(%arg9 : memref<128x32xf32, #tpu.memory_space<vmem>>) target(%dma_start3A_103 : memref<10016x32xf32, #tpu.memory_space<vmem_shared>>) offsets(%dma_start3A_100 : memref<128xi32, #tpu.memory_space<vmem>>) semaphore(%arg18 : memref<!tpu.dma_semaphore, #tpu.memory_space<semaphore_mem>>) {add = true}
      %mul3A_104 = arith.constant 4 : i32
      %mul3A_105 = arith.muli %mul3A_104, %while3A_54 : i32
      %add3A_106 = arith.constant 1 : i32
      %add3A_107 = arith.addi %mul3A_105, %add3A_106 : i32
      %dma_start3A_108 = arith.constant 0 : i32
      %dma_start3A_109 = tpu.memref_slice %arg8[%add3A_107, %dma_start3A_108] : memref<228x128xi32, #tpu.memory_space<vmem>> -> memref<1x128xi32, #tpu.memory_space<vmem>>
      %dma_start3A_110 = tpu.memref_squeeze %dma_start3A_109 : memref<1x128xi32, #tpu.memory_space<vmem>> -> memref<128xi32, #tpu.memory_space<vmem>>
      %dma_start3A_111 = arith.constant 0 : i32
      %dma_start3A_112 = arith.constant 0 : i32
      %dma_start3A_113 = tpu.memref_slice %arg13[%dma_start3A_111, %dma_start3A_112] : memref<10016x32xf32, #tpu.memory_space<vmem_shared>> -> memref<10016x32xf32, #tpu.memory_space<vmem_shared>>
      tpu.enqueue_indirect_dma source(%arg10 : memref<128x32xf32, #tpu.memory_space<vmem>>) target(%dma_start3A_113 : memref<10016x32xf32, #tpu.memory_space<vmem_shared>>) offsets(%dma_start3A_110 : memref<128xi32, #tpu.memory_space<vmem>>) semaphore(%arg19 : memref<!tpu.dma_semaphore, #tpu.memory_space<semaphore_mem>>) {add = true}
      %mul3A_114 = arith.constant 4 : i32
      %mul3A_115 = arith.muli %mul3A_114, %while3A_54 : i32
      %add3A_116 = arith.constant 2 : i32
      %add3A_117 = arith.addi %mul3A_115, %add3A_116 : i32
      %dma_start3A_118 = arith.constant 0 : i32
      %dma_start3A_119 = tpu.memref_slice %arg8[%add3A_117, %dma_start3A_118] : memref<228x128xi32, #tpu.memory_space<vmem>> -> memref<1x128xi32, #tpu.memory_space<vmem>>
      %dma_start3A_120 = tpu.memref_squeeze %dma_start3A_119 : memref<1x128xi32, #tpu.memory_space<vmem>> -> memref<128xi32, #tpu.memory_space<vmem>>
      %dma_start3A_121 = arith.constant 0 : i32
      %dma_start3A_122 = arith.constant 0 : i32
      %dma_start3A_123 = tpu.memref_slice %arg13[%dma_start3A_121, %dma_start3A_122] : memref<10016x32xf32, #tpu.memory_space<vmem_shared>> -> memref<10016x32xf32, #tpu.memory_space<vmem_shared>>
      tpu.enqueue_indirect_dma source(%arg11 : memref<128x32xf32, #tpu.memory_space<vmem>>) target(%dma_start3A_123 : memref<10016x32xf32, #tpu.memory_space<vmem_shared>>) offsets(%dma_start3A_120 : memref<128xi32, #tpu.memory_space<vmem>>) semaphore(%arg20 : memref<!tpu.dma_semaphore, #tpu.memory_space<semaphore_mem>>) {add = true}
      %mul3A_124 = arith.constant 4 : i32
      %mul3A_125 = arith.muli %mul3A_124, %while3A_54 : i32
      %add3A_126 = arith.constant 3 : i32
      %add3A_127 = arith.addi %mul3A_125, %add3A_126 : i32
      %dma_start3A_128 = arith.constant 0 : i32
      %dma_start3A_129 = tpu.memref_slice %arg8[%add3A_127, %dma_start3A_128] : memref<228x128xi32, #tpu.memory_space<vmem>> -> memref<1x128xi32, #tpu.memory_space<vmem>>
      %dma_start3A_130 = tpu.memref_squeeze %dma_start3A_129 : memref<1x128xi32, #tpu.memory_space<vmem>> -> memref<128xi32, #tpu.memory_space<vmem>>
      %dma_start3A_131 = arith.constant 0 : i32
      %dma_start3A_132 = arith.constant 0 : i32
      %dma_start3A_133 = tpu.memref_slice %arg13[%dma_start3A_131, %dma_start3A_132] : memref<10016x32xf32, #tpu.memory_space<vmem_shared>> -> memref<10016x32xf32, #tpu.memory_space<vmem_shared>>
      tpu.enqueue_indirect_dma source(%arg12 : memref<128x32xf32, #tpu.memory_space<vmem>>) target(%dma_start3A_133 : memref<10016x32xf32, #tpu.memory_space<vmem_shared>>) offsets(%dma_start3A_130 : memref<128xi32, #tpu.memory_space<vmem>>) semaphore(%arg21 : memref<!tpu.dma_semaphore, #tpu.memory_space<semaphore_mem>>) {add = true}
      %mul3A_134 = arith.constant 4 : i32
      %mul3A_135 = arith.muli %mul3A_134, %while3A_54 : i32
      %add3A_136 = arith.constant 0 : i32
      %add3A_137 = arith.addi %mul3A_135, %add3A_136 : i32
      %dma_wait3A_138 = arith.constant 0 : i32
      %dma_wait3A_139 = tpu.memref_slice %arg8[%add3A_137, %dma_wait3A_138] : memref<228x128xi32, #tpu.memory_space<vmem>> -> memref<1x128xi32, #tpu.memory_space<vmem>>
      %dma_wait3A_140 = tpu.memref_squeeze %dma_wait3A_139 : memref<1x128xi32, #tpu.memory_space<vmem>> -> memref<128xi32, #tpu.memory_space<vmem>>
      %dma_wait3A_141 = arith.constant 0 : i32
      %dma_wait3A_142 = arith.constant 0 : i32
      %dma_wait3A_143 = tpu.memref_slice %arg13[%dma_wait3A_141, %dma_wait3A_142] : memref<10016x32xf32, #tpu.memory_space<vmem_shared>> -> memref<10016x32xf32, #tpu.memory_space<vmem_shared>>
      tpu.wait_indirect_dma semaphore(%arg18 : memref<!tpu.dma_semaphore, #tpu.memory_space<semaphore_mem>>) src(%arg9 : memref<128x32xf32, #tpu.memory_space<vmem>>) dst(%dma_wait3A_143 : memref<10016x32xf32, #tpu.memory_space<vmem_shared>>)
      %mul3A_144 = arith.constant 4 : i32
      %mul3A_145 = arith.muli %mul3A_144, %while3A_54 : i32
      %add3A_146 = arith.constant 1 : i32
      %add3A_147 = arith.addi %mul3A_145, %add3A_146 : i32
      %dma_wait3A_148 = arith.constant 0 : i32
      %dma_wait3A_149 = tpu.memref_slice %arg8[%add3A_147, %dma_wait3A_148] : memref<228x128xi32, #tpu.memory_space<vmem>> -> memref<1x128xi32, #tpu.memory_space<vmem>>
      %dma_wait3A_150 = tpu.memref_squeeze %dma_wait3A_149 : memref<1x128xi32, #tpu.memory_space<vmem>> -> memref<128xi32, #tpu.memory_space<vmem>>
      %dma_wait3A_151 = arith.constant 0 : i32
      %dma_wait3A_152 = arith.constant 0 : i32
      %dma_wait3A_153 = tpu.memref_slice %arg13[%dma_wait3A_151, %dma_wait3A_152] : memref<10016x32xf32, #tpu.memory_space<vmem_shared>> -> memref<10016x32xf32, #tpu.memory_space<vmem_shared>>
      tpu.wait_indirect_dma semaphore(%arg19 : memref<!tpu.dma_semaphore, #tpu.memory_space<semaphore_mem>>) src(%arg10 : memref<128x32xf32, #tpu.memory_space<vmem>>) dst(%dma_wait3A_153 : memref<10016x32xf32, #tpu.memory_space<vmem_shared>>)
      %mul3A_154 = arith.constant 4 : i32
      %mul3A_155 = arith.muli %mul3A_154, %while3A_54 : i32
      %add3A_156 = arith.constant 2 : i32
      %add3A_157 = arith.addi %mul3A_155, %add3A_156 : i32
      %dma_wait3A_158 = arith.constant 0 : i32
      %dma_wait3A_159 = tpu.memref_slice %arg8[%add3A_157, %dma_wait3A_158] : memref<228x128xi32, #tpu.memory_space<vmem>> -> memref<1x128xi32, #tpu.memory_space<vmem>>
      %dma_wait3A_160 = tpu.memref_squeeze %dma_wait3A_159 : memref<1x128xi32, #tpu.memory_space<vmem>> -> memref<128xi32, #tpu.memory_space<vmem>>
      %dma_wait3A_161 = arith.constant 0 : i32
      %dma_wait3A_162 = arith.constant 0 : i32
      %dma_wait3A_163 = tpu.memref_slice %arg13[%dma_wait3A_161, %dma_wait3A_162] : memref<10016x32xf32, #tpu.memory_space<vmem_shared>> -> memref<10016x32xf32, #tpu.memory_space<vmem_shared>>
      tpu.wait_indirect_dma semaphore(%arg20 : memref<!tpu.dma_semaphore, #tpu.memory_space<semaphore_mem>>) src(%arg11 : memref<128x32xf32, #tpu.memory_space<vmem>>) dst(%dma_wait3A_163 : memref<10016x32xf32, #tpu.memory_space<vmem_shared>>)
      %mul3A_164 = arith.constant 4 : i32
      %mul3A_165 = arith.muli %mul3A_164, %while3A_54 : i32
      %add3A_166 = arith.constant 3 : i32
      %add3A_167 = arith.addi %mul3A_165, %add3A_166 : i32
      %dma_wait3A_168 = arith.constant 0 : i32
      %dma_wait3A_169 = tpu.memref_slice %arg8[%add3A_167, %dma_wait3A_168] : memref<228x128xi32, #tpu.memory_space<vmem>> -> memref<1x128xi32, #tpu.memory_space<vmem>>
      %dma_wait3A_170 = tpu.memref_squeeze %dma_wait3A_169 : memref<1x128xi32, #tpu.memory_space<vmem>> -> memref<128xi32, #tpu.memory_space<vmem>>
      %dma_wait3A_171 = arith.constant 0 : i32
      %dma_wait3A_172 = arith.constant 0 : i32
      %dma_wait3A_173 = tpu.memref_slice %arg13[%dma_wait3A_171, %dma_wait3A_172] : memref<10016x32xf32, #tpu.memory_space<vmem_shared>> -> memref<10016x32xf32, #tpu.memory_space<vmem_shared>>
      tpu.wait_indirect_dma semaphore(%arg21 : memref<!tpu.dma_semaphore, #tpu.memory_space<semaphore_mem>>) src(%arg12 : memref<128x32xf32, #tpu.memory_space<vmem>>) dst(%dma_wait3A_173 : memref<10016x32xf32, #tpu.memory_space<vmem_shared>>)
      %sub3A = arith.constant 1 : i32
      %sub3A_174 = arith.subi %select_n3A_8, %sub3A : i32
      %lt3A = arith.cmpi slt, %while3A_54, %sub3A_174 : i32
      %convert_element_type3A = arith.extui %lt3A : i1 to i32
      %cond3A = arith.constant 0 : i32
      %cond3A_175 = arith.cmpi ne, %convert_element_type3A, %cond3A : i32
      scf.if %cond3A_175 {
        %add3A_176 = arith.constant 1 : i32
        %add3A_177 = arith.addi %while3A_54, %add3A_176 : i32
        %mul3A_178 = arith.constant 4 : i32
        %mul3A_179 = arith.muli %mul3A_178, %add3A_177 : i32
        %add3A_180 = arith.constant 0 : i32
        %add3A_181 = arith.addi %mul3A_179, %add3A_180 : i32
        %dma_start3A_182 = arith.constant 0 : i32
        %dma_start3A_183 = tpu.memref_slice %arg7[%add3A_181, %dma_start3A_182] : memref<228x128xi32, #tpu.memory_space<vmem>> -> memref<1x128xi32, #tpu.memory_space<vmem>>
        %dma_start3A_184 = tpu.memref_squeeze %dma_start3A_183 : memref<1x128xi32, #tpu.memory_space<vmem>> -> memref<128xi32, #tpu.memory_space<vmem>>
        %dma_start3A_185 = arith.constant 0 : i32
        %dma_start3A_186 = arith.constant 0 : i32
        %dma_start3A_187 = tpu.memref_slice %arg2[%dma_start3A_185, %dma_start3A_186] : memref<10016x32xf32, #tpu.memory_space<hbm>> -> memref<10016x32xf32, #tpu.memory_space<hbm>>
        tpu.enqueue_indirect_dma source(%dma_start3A_187 : memref<10016x32xf32, #tpu.memory_space<hbm>>) target(%arg9 : memref<128x32xf32, #tpu.memory_space<vmem>>) offsets(%dma_start3A_184 : memref<128xi32, #tpu.memory_space<vmem>>) semaphore(%arg14 : memref<!tpu.dma_semaphore, #tpu.memory_space<semaphore_mem>>)
        %add3A_188 = arith.constant 1 : i32
        %add3A_189 = arith.addi %while3A_54, %add3A_188 : i32
        %mul3A_190 = arith.constant 4 : i32
        %mul3A_191 = arith.muli %mul3A_190, %add3A_189 : i32
        %add3A_192 = arith.constant 1 : i32
        %add3A_193 = arith.addi %mul3A_191, %add3A_192 : i32
        %dma_start3A_194 = arith.constant 0 : i32
        %dma_start3A_195 = tpu.memref_slice %arg7[%add3A_193, %dma_start3A_194] : memref<228x128xi32, #tpu.memory_space<vmem>> -> memref<1x128xi32, #tpu.memory_space<vmem>>
        %dma_start3A_196 = tpu.memref_squeeze %dma_start3A_195 : memref<1x128xi32, #tpu.memory_space<vmem>> -> memref<128xi32, #tpu.memory_space<vmem>>
        %dma_start3A_197 = arith.constant 0 : i32
        %dma_start3A_198 = arith.constant 0 : i32
        %dma_start3A_199 = tpu.memref_slice %arg2[%dma_start3A_197, %dma_start3A_198] : memref<10016x32xf32, #tpu.memory_space<hbm>> -> memref<10016x32xf32, #tpu.memory_space<hbm>>
        tpu.enqueue_indirect_dma source(%dma_start3A_199 : memref<10016x32xf32, #tpu.memory_space<hbm>>) target(%arg10 : memref<128x32xf32, #tpu.memory_space<vmem>>) offsets(%dma_start3A_196 : memref<128xi32, #tpu.memory_space<vmem>>) semaphore(%arg15 : memref<!tpu.dma_semaphore, #tpu.memory_space<semaphore_mem>>)
        %add3A_200 = arith.constant 1 : i32
        %add3A_201 = arith.addi %while3A_54, %add3A_200 : i32
        %mul3A_202 = arith.constant 4 : i32
        %mul3A_203 = arith.muli %mul3A_202, %add3A_201 : i32
        %add3A_204 = arith.constant 2 : i32
        %add3A_205 = arith.addi %mul3A_203, %add3A_204 : i32
        %dma_start3A_206 = arith.constant 0 : i32
        %dma_start3A_207 = tpu.memref_slice %arg7[%add3A_205, %dma_start3A_206] : memref<228x128xi32, #tpu.memory_space<vmem>> -> memref<1x128xi32, #tpu.memory_space<vmem>>
        %dma_start3A_208 = tpu.memref_squeeze %dma_start3A_207 : memref<1x128xi32, #tpu.memory_space<vmem>> -> memref<128xi32, #tpu.memory_space<vmem>>
        %dma_start3A_209 = arith.constant 0 : i32
        %dma_start3A_210 = arith.constant 0 : i32
        %dma_start3A_211 = tpu.memref_slice %arg2[%dma_start3A_209, %dma_start3A_210] : memref<10016x32xf32, #tpu.memory_space<hbm>> -> memref<10016x32xf32, #tpu.memory_space<hbm>>
        tpu.enqueue_indirect_dma source(%dma_start3A_211 : memref<10016x32xf32, #tpu.memory_space<hbm>>) target(%arg11 : memref<128x32xf32, #tpu.memory_space<vmem>>) offsets(%dma_start3A_208 : memref<128xi32, #tpu.memory_space<vmem>>) semaphore(%arg16 : memref<!tpu.dma_semaphore, #tpu.memory_space<semaphore_mem>>)
        %add3A_212 = arith.constant 1 : i32
        %add3A_213 = arith.addi %while3A_54, %add3A_212 : i32
        %mul3A_214 = arith.constant 4 : i32
        %mul3A_215 = arith.muli %mul3A_214, %add3A_213 : i32
        %add3A_216 = arith.constant 3 : i32
        %add3A_217 = arith.addi %mul3A_215, %add3A_216 : i32
        %dma_start3A_218 = arith.constant 0 : i32
        %dma_start3A_219 = tpu.memref_slice %arg7[%add3A_217, %dma_start3A_218] : memref<228x128xi32, #tpu.memory_space<vmem>> -> memref<1x128xi32, #tpu.memory_space<vmem>>
        %dma_start3A_220 = tpu.memref_squeeze %dma_start3A_219 : memref<1x128xi32, #tpu.memory_space<vmem>> -> memref<128xi32, #tpu.memory_space<vmem>>
        %dma_start3A_221 = arith.constant 0 : i32
        %dma_start3A_222 = arith.constant 0 : i32
        %dma_start3A_223 = tpu.memref_slice %arg2[%dma_start3A_221, %dma_start3A_222] : memref<10016x32xf32, #tpu.memory_space<hbm>> -> memref<10016x32xf32, #tpu.memory_space<hbm>>
        tpu.enqueue_indirect_dma source(%dma_start3A_223 : memref<10016x32xf32, #tpu.memory_space<hbm>>) target(%arg12 : memref<128x32xf32, #tpu.memory_space<vmem>>) offsets(%dma_start3A_220 : memref<128xi32, #tpu.memory_space<vmem>>) semaphore(%arg17 : memref<!tpu.dma_semaphore, #tpu.memory_space<semaphore_mem>>)
      } else {
      }
    }
    %barrier3A_49 = arith.constant 0 : index
    tpu.barrier barrier_id(%barrier3A_49)
    %mul3A_50 = arith.constant 626 : i32
    %mul3A_51 = arith.muli %arg1, %mul3A_50 : i32
    %mul3A_52 = arith.constant 626 : i32
    %mul3A_53 = arith.muli %arg1, %mul3A_52 : i32
    "tpu.region"() ({
      %run_scoped3A = tpu.sem_alloc : memref<!tpu.dma_semaphore, #tpu.memory_space<semaphore_mem>>
      %dma_start3A_54 = arith.constant 0 : i32
      %dma_start3A_55 = tpu.memref_slice %arg6[%arg0, %mul3A_53, %dma_start3A_54] : memref<2x10016x32xf32, #tpu.memory_space<hbm>> -> memref<1x626x32xf32, #tpu.memory_space<hbm>>
      %dma_start3A_56 = tpu.memref_squeeze %dma_start3A_55 : memref<1x626x32xf32, #tpu.memory_space<hbm>> -> memref<626x32xf32, #tpu.memory_space<hbm>>
      %dma_start3A_57 = arith.constant 0 : i32
      %dma_start3A_58 = tpu.memref_slice %arg13[%mul3A_51, %dma_start3A_57] : memref<10016x32xf32, #tpu.memory_space<vmem_shared>> -> memref<626x32xf32, #tpu.memory_space<vmem_shared>>
      tpu.enqueue_dma source(%dma_start3A_58 : memref<626x32xf32, #tpu.memory_space<vmem_shared>>) target(%dma_start3A_56 : memref<626x32xf32, #tpu.memory_space<hbm>>) target_semaphore(%run_scoped3A : memref<!tpu.dma_semaphore, #tpu.memory_space<semaphore_mem>>)
      %dma_wait3A = arith.constant 0 : i32
      %dma_wait3A_59 = tpu.memref_slice %arg6[%arg0, %mul3A_53, %dma_wait3A] : memref<2x10016x32xf32, #tpu.memory_space<hbm>> -> memref<1x626x32xf32, #tpu.memory_space<hbm>>
      %dma_wait3A_60 = tpu.memref_squeeze %dma_wait3A_59 : memref<1x626x32xf32, #tpu.memory_space<hbm>> -> memref<626x32xf32, #tpu.memory_space<hbm>>
      %dma_wait3A_61 = arith.constant 0 : i32
      %dma_wait3A_62 = tpu.memref_slice %arg13[%mul3A_51, %dma_wait3A_61] : memref<10016x32xf32, #tpu.memory_space<vmem_shared>> -> memref<626x32xf32, #tpu.memory_space<vmem_shared>>
      tpu.wait_dma2 semaphore(%run_scoped3A : memref<!tpu.dma_semaphore, #tpu.memory_space<semaphore_mem>>) src(%dma_wait3A_62 : memref<626x32xf32, #tpu.memory_space<vmem_shared>>) dst(%dma_wait3A_60 : memref<626x32xf32, #tpu.memory_space<hbm>>)
      tpu.yield
    }) : () -> ()
    return
  }
}

module attributes {stable_mosaic.version = 14 : i64} {
  func.func @_tc_first(%arg0: memref<2x10016x8xf32, #tpu.memory_space<vmem>>, %arg1: memref<10016x128xf32, #tpu.memory_space<vmem>>, %arg2: memref<128x32xf32, #tpu.memory_space<vmem>>, %arg3: memref<10016x8xf32, #tpu.memory_space<vmem>>, %arg4: memref<10016x32xf32, #tpu.memory_space<vmem>>) attributes {dimension_semantics = [], scalar_prefetch = 0 : i64, scratch_operands = 0 : i64, tpu.core_type = #tpu.core_type<tc>} {
    %get3A = arith.constant 0 : index
    %get3A_0 = arith.constant 0 : index
    %get3A_1 = arith.constant 0 : index
    %get3A_2 = vector.load %arg0[%get3A, %get3A_0, %get3A_1] : memref<2x10016x8xf32, #tpu.memory_space<vmem>>, vector<1x10016x8xf32>
    %get3A_3 = vector.shape_cast %get3A_2 : vector<1x10016x8xf32> to vector<10016x8xf32>
    %get3A_4 = arith.constant 1 : index
    %get3A_5 = arith.constant 0 : index
    %get3A_6 = arith.constant 0 : index
    %get3A_7 = vector.load %arg0[%get3A_4, %get3A_5, %get3A_6] : memref<2x10016x8xf32, #tpu.memory_space<vmem>>, vector<1x10016x8xf32>
    %get3A_8 = vector.shape_cast %get3A_7 : vector<1x10016x8xf32> to vector<10016x8xf32>
    %add3A = arith.addf %get3A_3, %get3A_8 : vector<10016x8xf32>
    %add3A_9 = arith.constant 1.000000e+00 : f32
    %add3A_10 = vector.broadcast %add3A_9 : f32 to vector<10016x8xf32>
    %add3A_11 = arith.addf %add3A, %add3A_10 : vector<10016x8xf32>
    %rsqrt3A = math.rsqrt %add3A_11 : vector<10016x8xf32>
    %swap3A = arith.constant 0 : index
    %swap3A_12 = arith.constant 0 : index
    %swap3A_13 = vector.load %arg3[%swap3A, %swap3A_12] : memref<10016x8xf32, #tpu.memory_space<vmem>>, vector<10016x8xf32>
    tpu.vector_store %arg3[%swap3A, %swap3A_12], %rsqrt3A {strides = array<i32>} : memref<10016x8xf32, #tpu.memory_space<vmem>>, vector<10016x8xf32>,
    %get3A_14 = arith.constant 0 : index
    %get3A_15 = arith.constant 0 : index
    %get3A_16 = vector.load %arg1[%get3A_14, %get3A_15] : memref<10016x128xf32, #tpu.memory_space<vmem>>, vector<10016x128xf32>
    %get3A_17 = arith.constant 0 : index
    %get3A_18 = arith.constant 0 : index
    %get3A_19 = vector.load %arg2[%get3A_17, %get3A_18] : memref<128x32xf32, #tpu.memory_space<vmem>>, vector<128x32xf32>
    %dot_general3A = arith.constant dense<0.000000e+00> : vector<10016x32xf32>
    %dot_general3A_20 = tpu.matmul %get3A_16, %get3A_19, %dot_general3A {dimension_numbers = #tpu.dot_dimension_numbers<[1], [0], [0], [1], [0, 0, 1, 1], [], []>, transpose_lhs_hint = false} : vector<10016x128xf32>, vector<128x32xf32>, vector<10016x32xf32> -> vector<10016x32xf32>
    %slice3A = vector.extract_strided_slice %rsqrt3A {offsets = [0, 0], sizes = [10016, 1], strides = [1, 1]} : vector<10016x8xf32> to vector<10016x1xf32>
    %mul3A = vector.broadcast %slice3A : vector<10016x1xf32> to vector<10016x32xf32>
    %mul3A_21 = arith.mulf %dot_general3A_20, %mul3A : vector<10016x32xf32>
    %swap3A_22 = arith.constant 0 : index
    %swap3A_23 = arith.constant 0 : index
    %swap3A_24 = vector.load %arg4[%swap3A_22, %swap3A_23] : memref<10016x32xf32, #tpu.memory_space<vmem>>, vector<10016x32xf32>
    tpu.vector_store %arg4[%swap3A_22, %swap3A_23], %mul3A_21 {strides = array<i32>} : memref<10016x32xf32, #tpu.memory_space<vmem>>, vector<10016x32xf32>,
    return
  }
}

module attributes {stable_mosaic.version = 14 : i64} {
  func.func @_tc_mid(%arg0: memref<2x10016x32xf32, #tpu.memory_space<vmem>>, %arg1: memref<10016x32xf32, #tpu.memory_space<vmem>>, %arg2: memref<10016x8xf32, #tpu.memory_space<vmem>>, %arg3: memref<8x32xf32, #tpu.memory_space<vmem>>, %arg4: memref<32x32xf32, #tpu.memory_space<vmem>>, %arg5: memref<10016x32xf32, #tpu.memory_space<vmem>>) attributes {dimension_semantics = [], scalar_prefetch = 0 : i64, scratch_operands = 0 : i64, tpu.core_type = #tpu.core_type<tc>} {
    %get3A = arith.constant 0 : index
    %get3A_0 = arith.constant 0 : index
    %get3A_1 = vector.load %arg2[%get3A, %get3A_0] : memref<10016x8xf32, #tpu.memory_space<vmem>>, vector<10016x8xf32>
    %slice3A = vector.extract_strided_slice %get3A_1 {offsets = [0, 0], sizes = [10016, 1], strides = [1, 1]} : vector<10016x8xf32> to vector<10016x1xf32>
    %get3A_2 = arith.constant 0 : index
    %get3A_3 = arith.constant 0 : index
    %get3A_4 = arith.constant 0 : index
    %get3A_5 = vector.load %arg0[%get3A_2, %get3A_3, %get3A_4] : memref<2x10016x32xf32, #tpu.memory_space<vmem>>, vector<1x10016x32xf32>
    %get3A_6 = vector.shape_cast %get3A_5 : vector<1x10016x32xf32> to vector<10016x32xf32>
    %get3A_7 = arith.constant 1 : index
    %get3A_8 = arith.constant 0 : index
    %get3A_9 = arith.constant 0 : index
    %get3A_10 = vector.load %arg0[%get3A_7, %get3A_8, %get3A_9] : memref<2x10016x32xf32, #tpu.memory_space<vmem>>, vector<1x10016x32xf32>
    %get3A_11 = vector.shape_cast %get3A_10 : vector<1x10016x32xf32> to vector<10016x32xf32>
    %add3A = arith.addf %get3A_6, %get3A_11 : vector<10016x32xf32>
    %get3A_12 = arith.constant 0 : index
    %get3A_13 = arith.constant 0 : index
    %get3A_14 = vector.load %arg1[%get3A_12, %get3A_13] : memref<10016x32xf32, #tpu.memory_space<vmem>>, vector<10016x32xf32>
    %add3A_15 = arith.addf %add3A, %get3A_14 : vector<10016x32xf32>
    %mul3A = vector.broadcast %slice3A : vector<10016x1xf32> to vector<10016x32xf32>
    %mul3A_16 = arith.mulf %mul3A, %add3A_15 : vector<10016x32xf32>
    %get3A_17 = arith.constant 0 : index
    %get3A_18 = arith.constant 0 : index
    %get3A_19 = vector.load %arg3[%get3A_17, %get3A_18] : memref<8x32xf32, #tpu.memory_space<vmem>>, vector<1x32xf32>
    %add3A_20 = vector.broadcast %get3A_19 : vector<1x32xf32> to vector<10016x32xf32>
    %add3A_21 = arith.addf %mul3A_16, %add3A_20 : vector<10016x32xf32>
    %slice3A_22 = vector.extract_strided_slice %add3A_21 {offsets = [0, 0], sizes = [10000, 32], strides = [1, 1]} : vector<10016x32xf32> to vector<10000x32xf32>
    %reduce_sum3A = arith.constant dense<0.000000e+00> : vector<32xf32>
    %reduce_sum3A_23 = vector.multi_reduction <add>, %slice3A_22, %reduce_sum3A [0] : vector<10000x32xf32> to vector<32xf32>
    %broadcast_in_dim3A = vector.shape_cast %reduce_sum3A_23 : vector<32xf32> to vector<1x32xf32>
    %div3A = arith.constant 1.000000e+04 : f32
    %div3A_24 = vector.broadcast %div3A : f32 to vector<1x32xf32>
    %div3A_25 = arith.divf %broadcast_in_dim3A, %div3A_24 : vector<1x32xf32>
    %sub3A = vector.broadcast %div3A_25 : vector<1x32xf32> to vector<10000x32xf32>
    %sub3A_26 = arith.subf %slice3A_22, %sub3A : vector<10000x32xf32>
    %integer_pow3A = arith.mulf %sub3A_26, %sub3A_26 : vector<10000x32xf32>
    %reduce_sum3A_27 = arith.constant dense<0.000000e+00> : vector<32xf32>
    %reduce_sum3A_28 = vector.multi_reduction <add>, %integer_pow3A, %reduce_sum3A_27 [0] : vector<10000x32xf32> to vector<32xf32>
    %broadcast_in_dim3A_29 = vector.shape_cast %reduce_sum3A_28 : vector<32xf32> to vector<1x32xf32>
    %div3A_30 = arith.constant 1.000000e+04 : f32
    %div3A_31 = vector.broadcast %div3A_30 : f32 to vector<1x32xf32>
    %div3A_32 = arith.divf %broadcast_in_dim3A_29, %div3A_31 : vector<1x32xf32>
    %sub3A_33 = vector.broadcast %div3A_25 : vector<1x32xf32> to vector<10016x32xf32>
    %sub3A_34 = arith.subf %add3A_21, %sub3A_33 : vector<10016x32xf32>
    %add3A_35 = arith.constant 9.99999974E-6 : f32
    %add3A_36 = vector.broadcast %add3A_35 : f32 to vector<1x32xf32>
    %add3A_37 = arith.addf %div3A_32, %add3A_36 : vector<1x32xf32>
    %rsqrt3A = math.rsqrt %add3A_37 : vector<1x32xf32>
    %mul3A_38 = vector.broadcast %rsqrt3A : vector<1x32xf32> to vector<10016x32xf32>
    %mul3A_39 = arith.mulf %sub3A_34, %mul3A_38 : vector<10016x32xf32>
    %get3A_40 = arith.constant 1 : index
    %get3A_41 = arith.constant 0 : index
    %get3A_42 = vector.load %arg3[%get3A_40, %get3A_41] : memref<8x32xf32, #tpu.memory_space<vmem>>, vector<1x32xf32>
    %mul3A_43 = vector.broadcast %get3A_42 : vector<1x32xf32> to vector<10016x32xf32>
    %mul3A_44 = arith.mulf %mul3A_39, %mul3A_43 : vector<10016x32xf32>
    %get3A_45 = arith.constant 2 : index
    %get3A_46 = arith.constant 0 : index
    %get3A_47 = vector.load %arg3[%get3A_45, %get3A_46] : memref<8x32xf32, #tpu.memory_space<vmem>>, vector<1x32xf32>
    %add3A_48 = vector.broadcast %get3A_47 : vector<1x32xf32> to vector<10016x32xf32>
    %add3A_49 = arith.addf %mul3A_44, %add3A_48 : vector<10016x32xf32>
    %max3A = arith.constant 0.000000e+00 : f32
    %max3A_50 = vector.broadcast %max3A : f32 to vector<10016x32xf32>
    %max3A_51 = arith.maximumf %add3A_49, %max3A_50 : vector<10016x32xf32>
    %get3A_52 = arith.constant 0 : index
    %get3A_53 = arith.constant 0 : index
    %get3A_54 = vector.load %arg4[%get3A_52, %get3A_53] : memref<32x32xf32, #tpu.memory_space<vmem>>, vector<32x32xf32>
    %dot_general3A = arith.constant dense<0.000000e+00> : vector<10016x32xf32>
    %dot_general3A_55 = tpu.matmul %max3A_51, %get3A_54, %dot_general3A {dimension_numbers = #tpu.dot_dimension_numbers<[1], [0], [0], [1], [0, 0, 1, 1], [], []>, transpose_lhs_hint = false} : vector<10016x32xf32>, vector<32x32xf32>, vector<10016x32xf32> -> vector<10016x32xf32>
    %mul3A_56 = vector.broadcast %slice3A : vector<10016x1xf32> to vector<10016x32xf32>
    %mul3A_57 = arith.mulf %dot_general3A_55, %mul3A_56 : vector<10016x32xf32>
    %iota3A = tpu.iota {dimensions = array<i32: 0>} : vector<10016x32xi32>
    %lt3A = arith.constant 10000 : i32
    %lt3A_58 = vector.broadcast %lt3A : i32 to vector<10016x32xi32>
    %lt3A_59 = arith.cmpi slt, %iota3A, %lt3A_58 : vector<10016x32xi32>
    %jit3A = arith.constant 0.000000e+00 : f32
    %broadcast_in_dim3A_60 = vector.broadcast %jit3A : f32 to vector<10016x32xf32>
    %select_n3A = arith.select %lt3A_59, %mul3A_57, %broadcast_in_dim3A_60 : vector<10016x32xi1>, vector<10016x32xf32>
    %swap3A = arith.constant 0 : index
    %swap3A_61 = arith.constant 0 : index
    %swap3A_62 = vector.load %arg5[%swap3A, %swap3A_61] : memref<10016x32xf32, #tpu.memory_space<vmem>>, vector<10016x32xf32>
    tpu.vector_store %arg5[%swap3A, %swap3A_61], %select_n3A {strides = array<i32>} : memref<10016x32xf32, #tpu.memory_space<vmem>>, vector<10016x32xf32>,
    return
  }
}

module attributes {stable_mosaic.version = 14 : i64} {
  func.func @_tc_final(%arg0: memref<2x10016x32xf32, #tpu.memory_space<vmem>>, %arg1: memref<10016x32xf32, #tpu.memory_space<vmem>>, %arg2: memref<10016x8xf32, #tpu.memory_space<vmem>>, %arg3: memref<16x32xf32, #tpu.memory_space<vmem>>, %arg4: memref<32x32xf32, #tpu.memory_space<vmem>>, %arg5: memref<32x32xf32, #tpu.memory_space<vmem>>, %arg6: memref<32x32xf32, #tpu.memory_space<vmem>>, %arg7: memref<32x32xf32, #tpu.memory_space<vmem>>, %arg8: memref<32x16xf32, #tpu.memory_space<vmem>>, %arg9: memref<10000x16xf32, #tpu.memory_space<vmem>>) attributes {dimension_semantics = [], scalar_prefetch = 0 : i64, scratch_operands = 0 : i64, tpu.core_type = #tpu.core_type<tc>} {
    %get3A = arith.constant 0 : index
    %get3A_0 = arith.constant 0 : index
    %get3A_1 = vector.load %arg2[%get3A, %get3A_0] : memref<10016x8xf32, #tpu.memory_space<vmem>>, vector<10016x8xf32>
    %slice3A = vector.extract_strided_slice %get3A_1 {offsets = [0, 0], sizes = [10016, 1], strides = [1, 1]} : vector<10016x8xf32> to vector<10016x1xf32>
    %get3A_2 = arith.constant 0 : index
    %get3A_3 = arith.constant 0 : index
    %get3A_4 = arith.constant 0 : index
    %get3A_5 = vector.load %arg0[%get3A_2, %get3A_3, %get3A_4] : memref<2x10016x32xf32, #tpu.memory_space<vmem>>, vector<1x10016x32xf32>
    %get3A_6 = vector.shape_cast %get3A_5 : vector<1x10016x32xf32> to vector<10016x32xf32>
    %get3A_7 = arith.constant 1 : index
    %get3A_8 = arith.constant 0 : index
    %get3A_9 = arith.constant 0 : index
    %get3A_10 = vector.load %arg0[%get3A_7, %get3A_8, %get3A_9] : memref<2x10016x32xf32, #tpu.memory_space<vmem>>, vector<1x10016x32xf32>
    %get3A_11 = vector.shape_cast %get3A_10 : vector<1x10016x32xf32> to vector<10016x32xf32>
    %add3A = arith.addf %get3A_6, %get3A_11 : vector<10016x32xf32>
    %get3A_12 = arith.constant 0 : index
    %get3A_13 = arith.constant 0 : index
    %get3A_14 = vector.load %arg1[%get3A_12, %get3A_13] : memref<10016x32xf32, #tpu.memory_space<vmem>>, vector<10016x32xf32>
    %add3A_15 = arith.addf %add3A, %get3A_14 : vector<10016x32xf32>
    %mul3A = vector.broadcast %slice3A : vector<10016x1xf32> to vector<10016x32xf32>
    %mul3A_16 = arith.mulf %mul3A, %add3A_15 : vector<10016x32xf32>
    %get3A_17 = arith.constant 0 : index
    %get3A_18 = arith.constant 0 : index
    %get3A_19 = vector.load %arg3[%get3A_17, %get3A_18] : memref<16x32xf32, #tpu.memory_space<vmem>>, vector<1x32xf32>
    %add3A_20 = vector.broadcast %get3A_19 : vector<1x32xf32> to vector<10016x32xf32>
    %add3A_21 = arith.addf %mul3A_16, %add3A_20 : vector<10016x32xf32>
    %slice3A_22 = vector.extract_strided_slice %add3A_21 {offsets = [0, 0], sizes = [10000, 32], strides = [1, 1]} : vector<10016x32xf32> to vector<10000x32xf32>
    %reduce_sum3A = arith.constant dense<0.000000e+00> : vector<32xf32>
    %reduce_sum3A_23 = vector.multi_reduction <add>, %slice3A_22, %reduce_sum3A [0] : vector<10000x32xf32> to vector<32xf32>
    %broadcast_in_dim3A = vector.shape_cast %reduce_sum3A_23 : vector<32xf32> to vector<1x32xf32>
    %div3A = arith.constant 1.000000e+04 : f32
    %div3A_24 = vector.broadcast %div3A : f32 to vector<1x32xf32>
    %div3A_25 = arith.divf %broadcast_in_dim3A, %div3A_24 : vector<1x32xf32>
    %sub3A = vector.broadcast %div3A_25 : vector<1x32xf32> to vector<10000x32xf32>
    %sub3A_26 = arith.subf %slice3A_22, %sub3A : vector<10000x32xf32>
    %integer_pow3A = arith.mulf %sub3A_26, %sub3A_26 : vector<10000x32xf32>
    %reduce_sum3A_27 = arith.constant dense<0.000000e+00> : vector<32xf32>
    %reduce_sum3A_28 = vector.multi_reduction <add>, %integer_pow3A, %reduce_sum3A_27 [0] : vector<10000x32xf32> to vector<32xf32>
    %broadcast_in_dim3A_29 = vector.shape_cast %reduce_sum3A_28 : vector<32xf32> to vector<1x32xf32>
    %div3A_30 = arith.constant 1.000000e+04 : f32
    %div3A_31 = vector.broadcast %div3A_30 : f32 to vector<1x32xf32>
    %div3A_32 = arith.divf %broadcast_in_dim3A_29, %div3A_31 : vector<1x32xf32>
    %sub3A_33 = vector.broadcast %div3A_25 : vector<1x32xf32> to vector<10000x32xf32>
    %sub3A_34 = arith.subf %slice3A_22, %sub3A_33 : vector<10000x32xf32>
    %add3A_35 = arith.constant 9.99999974E-6 : f32
    %add3A_36 = vector.broadcast %add3A_35 : f32 to vector<1x32xf32>
    %add3A_37 = arith.addf %div3A_32, %add3A_36 : vector<1x32xf32>
    %rsqrt3A = math.rsqrt %add3A_37 : vector<1x32xf32>
    %mul3A_38 = vector.broadcast %rsqrt3A : vector<1x32xf32> to vector<10000x32xf32>
    %mul3A_39 = arith.mulf %sub3A_34, %mul3A_38 : vector<10000x32xf32>
    %get3A_40 = arith.constant 1 : index
    %get3A_41 = arith.constant 0 : index
    %get3A_42 = vector.load %arg3[%get3A_40, %get3A_41] : memref<16x32xf32, #tpu.memory_space<vmem>>, vector<1x32xf32>
    %mul3A_43 = vector.broadcast %get3A_42 : vector<1x32xf32> to vector<10000x32xf32>
    %mul3A_44 = arith.mulf %mul3A_39, %mul3A_43 : vector<10000x32xf32>
    %get3A_45 = arith.constant 2 : index
    %get3A_46 = arith.constant 0 : index
    %get3A_47 = vector.load %arg3[%get3A_45, %get3A_46] : memref<16x32xf32, #tpu.memory_space<vmem>>, vector<1x32xf32>
    %add3A_48 = vector.broadcast %get3A_47 : vector<1x32xf32> to vector<10000x32xf32>
    %add3A_49 = arith.addf %mul3A_44, %add3A_48 : vector<10000x32xf32>
    %max3A = arith.constant 0.000000e+00 : f32
    %max3A_50 = vector.broadcast %max3A : f32 to vector<10000x32xf32>
    %max3A_51 = arith.maximumf %add3A_49, %max3A_50 : vector<10000x32xf32>
    %get3A_52 = arith.constant 0 : index
    %get3A_53 = arith.constant 0 : index
    %get3A_54 = vector.load %arg4[%get3A_52, %get3A_53] : memref<32x32xf32, #tpu.memory_space<vmem>>, vector<32x32xf32>
    %dot_general3A = arith.constant dense<0.000000e+00> : vector<10000x32xf32>
    %dot_general3A_55 = tpu.matmul %max3A_51, %get3A_54, %dot_general3A {dimension_numbers = #tpu.dot_dimension_numbers<[1], [0], [0], [1], [0, 0, 1, 1], [], []>, transpose_lhs_hint = false} : vector<10000x32xf32>, vector<32x32xf32>, vector<10000x32xf32> -> vector<10000x32xf32>
    %get3A_56 = arith.constant 3 : index
    %get3A_57 = arith.constant 0 : index
    %get3A_58 = vector.load %arg3[%get3A_56, %get3A_57] : memref<16x32xf32, #tpu.memory_space<vmem>>, vector<1x32xf32>
    %add3A_59 = vector.broadcast %get3A_58 : vector<1x32xf32> to vector<10000x32xf32>
    %add3A_60 = arith.addf %dot_general3A_55, %add3A_59 : vector<10000x32xf32>
    %max3A_61 = arith.constant 0.000000e+00 : f32
    %max3A_62 = vector.broadcast %max3A_61 : f32 to vector<10000x32xf32>
    %max3A_63 = arith.maximumf %add3A_60, %max3A_62 : vector<10000x32xf32>
    %reduce_sum3A_64 = arith.constant dense<0.000000e+00> : vector<10000xf32>
    %reduce_sum3A_65 = vector.multi_reduction <add>, %max3A_63, %reduce_sum3A_64 [1] : vector<10000x32xf32> to vector<10000xf32>
    %broadcast_in_dim3A_66 = vector.shape_cast %reduce_sum3A_65 : vector<10000xf32> to vector<10000x1xf32>
    %div3A_67 = arith.constant 3.200000e+01 : f32
    %div3A_68 = vector.broadcast %div3A_67 : f32 to vector<10000x1xf32>
    %div3A_69 = arith.divf %broadcast_in_dim3A_66, %div3A_68 : vector<10000x1xf32>
    %sub3A_70 = vector.broadcast %div3A_69 : vector<10000x1xf32> to vector<10000x32xf32>
    %sub3A_71 = arith.subf %max3A_63, %sub3A_70 : vector<10000x32xf32>
    %integer_pow3A_72 = arith.mulf %sub3A_71, %sub3A_71 : vector<10000x32xf32>
    %reduce_sum3A_73 = arith.constant dense<0.000000e+00> : vector<10000xf32>
    %reduce_sum3A_74 = vector.multi_reduction <add>, %integer_pow3A_72, %reduce_sum3A_73 [1] : vector<10000x32xf32> to vector<10000xf32>
    %broadcast_in_dim3A_75 = vector.shape_cast %reduce_sum3A_74 : vector<10000xf32> to vector<10000x1xf32>
    %div3A_76 = arith.constant 3.200000e+01 : f32
    %div3A_77 = vector.broadcast %div3A_76 : f32 to vector<10000x1xf32>
    %div3A_78 = arith.divf %broadcast_in_dim3A_75, %div3A_77 : vector<10000x1xf32>
    %sub3A_79 = vector.broadcast %div3A_69 : vector<10000x1xf32> to vector<10000x32xf32>
    %sub3A_80 = arith.subf %max3A_63, %sub3A_79 : vector<10000x32xf32>
    %add3A_81 = arith.constant 9.99999974E-6 : f32
    %add3A_82 = vector.broadcast %add3A_81 : f32 to vector<10000x1xf32>
    %add3A_83 = arith.addf %div3A_78, %add3A_82 : vector<10000x1xf32>
    %rsqrt3A_84 = math.rsqrt %add3A_83 : vector<10000x1xf32>
    %mul3A_85 = vector.broadcast %rsqrt3A_84 : vector<10000x1xf32> to vector<10000x32xf32>
    %mul3A_86 = arith.mulf %sub3A_80, %mul3A_85 : vector<10000x32xf32>
    %get3A_87 = arith.constant 4 : index
    %get3A_88 = arith.constant 0 : index
    %get3A_89 = vector.load %arg3[%get3A_87, %get3A_88] : memref<16x32xf32, #tpu.memory_space<vmem>>, vector<1x32xf32>
    %mul3A_90 = vector.broadcast %get3A_89 : vector<1x32xf32> to vector<10000x32xf32>
    %mul3A_91 = arith.mulf %mul3A_86, %mul3A_90 : vector<10000x32xf32>
    %get3A_92 = arith.constant 5 : index
    %get3A_93 = arith.constant 0 : index
    %get3A_94 = vector.load %arg3[%get3A_92, %get3A_93] : memref<16x32xf32, #tpu.memory_space<vmem>>, vector<1x32xf32>
    %add3A_95 = vector.broadcast %get3A_94 : vector<1x32xf32> to vector<10000x32xf32>
    %add3A_96 = arith.addf %mul3A_91, %add3A_95 : vector<10000x32xf32>
    %get3A_97 = arith.constant 0 : index
    %get3A_98 = arith.constant 0 : index
    %get3A_99 = vector.load %arg5[%get3A_97, %get3A_98] : memref<32x32xf32, #tpu.memory_space<vmem>>, vector<32x32xf32>
    %dot_general3A_100 = arith.constant dense<0.000000e+00> : vector<10000x32xf32>
    %dot_general3A_101 = tpu.matmul %add3A_96, %get3A_99, %dot_general3A_100 {dimension_numbers = #tpu.dot_dimension_numbers<[1], [0], [0], [1], [0, 0, 1, 1], [], []>, transpose_lhs_hint = false} : vector<10000x32xf32>, vector<32x32xf32>, vector<10000x32xf32> -> vector<10000x32xf32>
    %get3A_102 = arith.constant 6 : index
    %get3A_103 = arith.constant 0 : index
    %get3A_104 = vector.load %arg3[%get3A_102, %get3A_103] : memref<16x32xf32, #tpu.memory_space<vmem>>, vector<1x32xf32>
    %add3A_105 = vector.broadcast %get3A_104 : vector<1x32xf32> to vector<10000x32xf32>
    %add3A_106 = arith.addf %dot_general3A_101, %add3A_105 : vector<10000x32xf32>
    %max3A_107 = arith.constant 0.000000e+00 : f32
    %max3A_108 = vector.broadcast %max3A_107 : f32 to vector<10000x32xf32>
    %max3A_109 = arith.maximumf %add3A_106, %max3A_108 : vector<10000x32xf32>
    %reduce_sum3A_110 = arith.constant dense<0.000000e+00> : vector<10000xf32>
    %reduce_sum3A_111 = vector.multi_reduction <add>, %max3A_109, %reduce_sum3A_110 [1] : vector<10000x32xf32> to vector<10000xf32>
    %broadcast_in_dim3A_112 = vector.shape_cast %reduce_sum3A_111 : vector<10000xf32> to vector<10000x1xf32>
    %div3A_113 = arith.constant 3.200000e+01 : f32
    %div3A_114 = vector.broadcast %div3A_113 : f32 to vector<10000x1xf32>
    %div3A_115 = arith.divf %broadcast_in_dim3A_112, %div3A_114 : vector<10000x1xf32>
    %sub3A_116 = vector.broadcast %div3A_115 : vector<10000x1xf32> to vector<10000x32xf32>
    %sub3A_117 = arith.subf %max3A_109, %sub3A_116 : vector<10000x32xf32>
    %integer_pow3A_118 = arith.mulf %sub3A_117, %sub3A_117 : vector<10000x32xf32>
    %reduce_sum3A_119 = arith.constant dense<0.000000e+00> : vector<10000xf32>
    %reduce_sum3A_120 = vector.multi_reduction <add>, %integer_pow3A_118, %reduce_sum3A_119 [1] : vector<10000x32xf32> to vector<10000xf32>
    %broadcast_in_dim3A_121 = vector.shape_cast %reduce_sum3A_120 : vector<10000xf32> to vector<10000x1xf32>
    %div3A_122 = arith.constant 3.200000e+01 : f32
    %div3A_123 = vector.broadcast %div3A_122 : f32 to vector<10000x1xf32>
    %div3A_124 = arith.divf %broadcast_in_dim3A_121, %div3A_123 : vector<10000x1xf32>
    %sub3A_125 = vector.broadcast %div3A_115 : vector<10000x1xf32> to vector<10000x32xf32>
    %sub3A_126 = arith.subf %max3A_109, %sub3A_125 : vector<10000x32xf32>
    %add3A_127 = arith.constant 9.99999974E-6 : f32
    %add3A_128 = vector.broadcast %add3A_127 : f32 to vector<10000x1xf32>
    %add3A_129 = arith.addf %div3A_124, %add3A_128 : vector<10000x1xf32>
    %rsqrt3A_130 = math.rsqrt %add3A_129 : vector<10000x1xf32>
    %mul3A_131 = vector.broadcast %rsqrt3A_130 : vector<10000x1xf32> to vector<10000x32xf32>
    %mul3A_132 = arith.mulf %sub3A_126, %mul3A_131 : vector<10000x32xf32>
    %get3A_133 = arith.constant 7 : index
    %get3A_134 = arith.constant 0 : index
    %get3A_135 = vector.load %arg3[%get3A_133, %get3A_134] : memref<16x32xf32, #tpu.memory_space<vmem>>, vector<1x32xf32>
    %mul3A_136 = vector.broadcast %get3A_135 : vector<1x32xf32> to vector<10000x32xf32>
    %mul3A_137 = arith.mulf %mul3A_132, %mul3A_136 : vector<10000x32xf32>
    %get3A_138 = arith.constant 8 : index
    %get3A_139 = arith.constant 0 : index
    %get3A_140 = vector.load %arg3[%get3A_138, %get3A_139] : memref<16x32xf32, #tpu.memory_space<vmem>>, vector<1x32xf32>
    %add3A_141 = vector.broadcast %get3A_140 : vector<1x32xf32> to vector<10000x32xf32>
    %add3A_142 = arith.addf %mul3A_137, %add3A_141 : vector<10000x32xf32>
    %get3A_143 = arith.constant 0 : index
    %get3A_144 = arith.constant 0 : index
    %get3A_145 = vector.load %arg6[%get3A_143, %get3A_144] : memref<32x32xf32, #tpu.memory_space<vmem>>, vector<32x32xf32>
    %dot_general3A_146 = arith.constant dense<0.000000e+00> : vector<10000x32xf32>
    %dot_general3A_147 = tpu.matmul %add3A_142, %get3A_145, %dot_general3A_146 {dimension_numbers = #tpu.dot_dimension_numbers<[1], [0], [0], [1], [0, 0, 1, 1], [], []>, transpose_lhs_hint = false} : vector<10000x32xf32>, vector<32x32xf32>, vector<10000x32xf32> -> vector<10000x32xf32>
    %get3A_148 = arith.constant 9 : index
    %get3A_149 = arith.constant 0 : index
    %get3A_150 = vector.load %arg3[%get3A_148, %get3A_149] : memref<16x32xf32, #tpu.memory_space<vmem>>, vector<1x32xf32>
    %add3A_151 = vector.broadcast %get3A_150 : vector<1x32xf32> to vector<10000x32xf32>
    %add3A_152 = arith.addf %dot_general3A_147, %add3A_151 : vector<10000x32xf32>
    %max3A_153 = arith.constant 0.000000e+00 : f32
    %max3A_154 = vector.broadcast %max3A_153 : f32 to vector<10000x32xf32>
    %max3A_155 = arith.maximumf %add3A_152, %max3A_154 : vector<10000x32xf32>
    %reduce_sum3A_156 = arith.constant dense<0.000000e+00> : vector<10000xf32>
    %reduce_sum3A_157 = vector.multi_reduction <add>, %max3A_155, %reduce_sum3A_156 [1] : vector<10000x32xf32> to vector<10000xf32>
    %broadcast_in_dim3A_158 = vector.shape_cast %reduce_sum3A_157 : vector<10000xf32> to vector<10000x1xf32>
    %div3A_159 = arith.constant 3.200000e+01 : f32
    %div3A_160 = vector.broadcast %div3A_159 : f32 to vector<10000x1xf32>
    %div3A_161 = arith.divf %broadcast_in_dim3A_158, %div3A_160 : vector<10000x1xf32>
    %sub3A_162 = vector.broadcast %div3A_161 : vector<10000x1xf32> to vector<10000x32xf32>
    %sub3A_163 = arith.subf %max3A_155, %sub3A_162 : vector<10000x32xf32>
    %integer_pow3A_164 = arith.mulf %sub3A_163, %sub3A_163 : vector<10000x32xf32>
    %reduce_sum3A_165 = arith.constant dense<0.000000e+00> : vector<10000xf32>
    %reduce_sum3A_166 = vector.multi_reduction <add>, %integer_pow3A_164, %reduce_sum3A_165 [1] : vector<10000x32xf32> to vector<10000xf32>
    %broadcast_in_dim3A_167 = vector.shape_cast %reduce_sum3A_166 : vector<10000xf32> to vector<10000x1xf32>
    %div3A_168 = arith.constant 3.200000e+01 : f32
    %div3A_169 = vector.broadcast %div3A_168 : f32 to vector<10000x1xf32>
    %div3A_170 = arith.divf %broadcast_in_dim3A_167, %div3A_169 : vector<10000x1xf32>
    %sub3A_171 = vector.broadcast %div3A_161 : vector<10000x1xf32> to vector<10000x32xf32>
    %sub3A_172 = arith.subf %max3A_155, %sub3A_171 : vector<10000x32xf32>
    %add3A_173 = arith.constant 9.99999974E-6 : f32
    %add3A_174 = vector.broadcast %add3A_173 : f32 to vector<10000x1xf32>
    %add3A_175 = arith.addf %div3A_170, %add3A_174 : vector<10000x1xf32>
    %rsqrt3A_176 = math.rsqrt %add3A_175 : vector<10000x1xf32>
    %mul3A_177 = vector.broadcast %rsqrt3A_176 : vector<10000x1xf32> to vector<10000x32xf32>
    %mul3A_178 = arith.mulf %sub3A_172, %mul3A_177 : vector<10000x32xf32>
    %get3A_179 = arith.constant 10 : index
    %get3A_180 = arith.constant 0 : index
    %get3A_181 = vector.load %arg3[%get3A_179, %get3A_180] : memref<16x32xf32, #tpu.memory_space<vmem>>, vector<1x32xf32>
    %mul3A_182 = vector.broadcast %get3A_181 : vector<1x32xf32> to vector<10000x32xf32>
    %mul3A_183 = arith.mulf %mul3A_178, %mul3A_182 : vector<10000x32xf32>
    %get3A_184 = arith.constant 11 : index
    %get3A_185 = arith.constant 0 : index
    %get3A_186 = vector.load %arg3[%get3A_184, %get3A_185] : memref<16x32xf32, #tpu.memory_space<vmem>>, vector<1x32xf32>
    %add3A_187 = vector.broadcast %get3A_186 : vector<1x32xf32> to vector<10000x32xf32>
    %add3A_188 = arith.addf %mul3A_183, %add3A_187 : vector<10000x32xf32>
    %get3A_189 = arith.constant 0 : index
    %get3A_190 = arith.constant 0 : index
    %get3A_191 = vector.load %arg7[%get3A_189, %get3A_190] : memref<32x32xf32, #tpu.memory_space<vmem>>, vector<32x32xf32>
    %dot_general3A_192 = arith.constant dense<0.000000e+00> : vector<10000x32xf32>
    %dot_general3A_193 = tpu.matmul %add3A_188, %get3A_191, %dot_general3A_192 {dimension_numbers = #tpu.dot_dimension_numbers<[1], [0], [0], [1], [0, 0, 1, 1], [], []>, transpose_lhs_hint = false} : vector<10000x32xf32>, vector<32x32xf32>, vector<10000x32xf32> -> vector<10000x32xf32>
    %get3A_194 = arith.constant 12 : index
    %get3A_195 = arith.constant 0 : index
    %get3A_196 = vector.load %arg3[%get3A_194, %get3A_195] : memref<16x32xf32, #tpu.memory_space<vmem>>, vector<1x32xf32>
    %add3A_197 = vector.broadcast %get3A_196 : vector<1x32xf32> to vector<10000x32xf32>
    %add3A_198 = arith.addf %dot_general3A_193, %add3A_197 : vector<10000x32xf32>
    %max3A_199 = arith.constant 0.000000e+00 : f32
    %max3A_200 = vector.broadcast %max3A_199 : f32 to vector<10000x32xf32>
    %max3A_201 = arith.maximumf %add3A_198, %max3A_200 : vector<10000x32xf32>
    %reduce_sum3A_202 = arith.constant dense<0.000000e+00> : vector<10000xf32>
    %reduce_sum3A_203 = vector.multi_reduction <add>, %max3A_201, %reduce_sum3A_202 [1] : vector<10000x32xf32> to vector<10000xf32>
    %broadcast_in_dim3A_204 = vector.shape_cast %reduce_sum3A_203 : vector<10000xf32> to vector<10000x1xf32>
    %div3A_205 = arith.constant 3.200000e+01 : f32
    %div3A_206 = vector.broadcast %div3A_205 : f32 to vector<10000x1xf32>
    %div3A_207 = arith.divf %broadcast_in_dim3A_204, %div3A_206 : vector<10000x1xf32>
    %sub3A_208 = vector.broadcast %div3A_207 : vector<10000x1xf32> to vector<10000x32xf32>
    %sub3A_209 = arith.subf %max3A_201, %sub3A_208 : vector<10000x32xf32>
    %integer_pow3A_210 = arith.mulf %sub3A_209, %sub3A_209 : vector<10000x32xf32>
    %reduce_sum3A_211 = arith.constant dense<0.000000e+00> : vector<10000xf32>
    %reduce_sum3A_212 = vector.multi_reduction <add>, %integer_pow3A_210, %reduce_sum3A_211 [1] : vector<10000x32xf32> to vector<10000xf32>
    %broadcast_in_dim3A_213 = vector.shape_cast %reduce_sum3A_212 : vector<10000xf32> to vector<10000x1xf32>
    %div3A_214 = arith.constant 3.200000e+01 : f32
    %div3A_215 = vector.broadcast %div3A_214 : f32 to vector<10000x1xf32>
    %div3A_216 = arith.divf %broadcast_in_dim3A_213, %div3A_215 : vector<10000x1xf32>
    %sub3A_217 = vector.broadcast %div3A_207 : vector<10000x1xf32> to vector<10000x32xf32>
    %sub3A_218 = arith.subf %max3A_201, %sub3A_217 : vector<10000x32xf32>
    %add3A_219 = arith.constant 9.99999974E-6 : f32
    %add3A_220 = vector.broadcast %add3A_219 : f32 to vector<10000x1xf32>
    %add3A_221 = arith.addf %div3A_216, %add3A_220 : vector<10000x1xf32>
    %rsqrt3A_222 = math.rsqrt %add3A_221 : vector<10000x1xf32>
    %mul3A_223 = vector.broadcast %rsqrt3A_222 : vector<10000x1xf32> to vector<10000x32xf32>
    %mul3A_224 = arith.mulf %sub3A_218, %mul3A_223 : vector<10000x32xf32>
    %get3A_225 = arith.constant 13 : index
    %get3A_226 = arith.constant 0 : index
    %get3A_227 = vector.load %arg3[%get3A_225, %get3A_226] : memref<16x32xf32, #tpu.memory_space<vmem>>, vector<1x32xf32>
    %mul3A_228 = vector.broadcast %get3A_227 : vector<1x32xf32> to vector<10000x32xf32>
    %mul3A_229 = arith.mulf %mul3A_224, %mul3A_228 : vector<10000x32xf32>
    %get3A_230 = arith.constant 14 : index
    %get3A_231 = arith.constant 0 : index
    %get3A_232 = vector.load %arg3[%get3A_230, %get3A_231] : memref<16x32xf32, #tpu.memory_space<vmem>>, vector<1x32xf32>
    %add3A_233 = vector.broadcast %get3A_232 : vector<1x32xf32> to vector<10000x32xf32>
    %add3A_234 = arith.addf %mul3A_229, %add3A_233 : vector<10000x32xf32>
    %get3A_235 = arith.constant 0 : index
    %get3A_236 = arith.constant 0 : index
    %get3A_237 = vector.load %arg8[%get3A_235, %get3A_236] : memref<32x16xf32, #tpu.memory_space<vmem>>, vector<32x16xf32>
    %dot_general3A_238 = arith.constant dense<0.000000e+00> : vector<10000x16xf32>
    %dot_general3A_239 = tpu.matmul %add3A_234, %get3A_237, %dot_general3A_238 {dimension_numbers = #tpu.dot_dimension_numbers<[1], [0], [0], [1], [0, 0, 1, 1], [], []>, transpose_lhs_hint = false} : vector<10000x32xf32>, vector<32x16xf32>, vector<10000x16xf32> -> vector<10000x16xf32>
    %get3A_240 = arith.constant 15 : index
    %get3A_241 = arith.constant 0 : index
    %get3A_242 = vector.load %arg3[%get3A_240, %get3A_241] : memref<16x32xf32, #tpu.memory_space<vmem>>, vector<1x16xf32>
    %add3A_243 = vector.broadcast %get3A_242 : vector<1x16xf32> to vector<10000x16xf32>
    %add3A_244 = arith.addf %dot_general3A_239, %add3A_243 : vector<10000x16xf32>
    %swap3A = arith.constant 0 : index
    %swap3A_245 = arith.constant 0 : index
    %swap3A_246 = vector.load %arg9[%swap3A, %swap3A_245] : memref<10000x16xf32, #tpu.memory_space<vmem>>, vector<10000x16xf32>
    tpu.vector_store %arg9[%swap3A, %swap3A_245], %add3A_244 {strides = array<i32>} : memref<10000x16xf32, #tpu.memory_space<vmem>>, vector<10000x16xf32>,
    return
  }
}

</mosaic_0001>

<sc_bundles>
// kernel: kernel.10.cloned.1.call-start
scs
__scs_entry_jumppad:
0x0: {  	(pc) =	sbr.rel $0x88, $3  }
0x1: {  	(tag) =	ssettag $0x0;
	lr =	simm.s32 $0x1  }
0x2: {  	[smem:$0x3F81] =	sst lr;
	_ =	strace $0xD0000000  }
0x3: {  	_ = 	snop  }
0x4: {  	_ = 	snop  }
0x5: {  	_ = 	snop  }
0x6: {  	_ = 	snop  }
0x7: {  	_ = 	snop  }
__scs_overlays_trampoline_lowered:
0x8: {  	[smem:$0x3F90] =	sst s0  }
0x9: {  	[smem:$0x3F91] =	sst s1  }
0xa: {  	[smem:$0x3F92] =	sst s2  }
0xb: {  	[smem:$0x3F93] =	sst s3  }
0xc: {  	[smem:$0x3F94] =	sst s4  }
0xd: {  	[smem:$0x3F95] =	sst s5  }
0xe: {  	[smem:$0x3F96] =	sst s6  }
0xf: {  	[smem:$0x3F97] =	sst s7  }
0x10: {  	[smem:$0x3F98] =	sst s8  }
0x11: {  	[smem:$0x3F99] =	sst s9;
	s0 =	simm.s32 @!p0 $0x0  }
0x12: {  	s1 =	sld [smem:$0x3F7F];
	s0 =	simm.s32 @p0 $0x1  }
0x13: {  	[smem:$0x3F9A] =	sst s0;
	s0 =	simm.s32 @!p1 $0x0  }
0x14: {  	s2 =	sld [smem:$0x3F7E];
	s0 =	simm.s32 @p1 $0x1  }
0x15: {  	[smem:$0x3F9B] =	sst s0;
	s0 =	simm.s32 @!p2 $0x0  }
0x16: {  	s3 =	sld [smem:$0x3FDB];
	s0 =	simm.s32 @p2 $0x1  }
0x17: {  	s4 =	simm.s32 $0x1BF5;
	[smem:$0x3F9D] =	sst s0  }
0x18: {  	s0 =	sld [smem:$0x3F80];
	_ =	swait.ge [sflag:s4], $0x0  }
0x19: {  	s7 =	sld [smem:$0x3F81]  }
0x1a: {  	s8 =	sadd.s32 $0xFFFFE003, lr  }
0x1b: {  	s9 =	sadd.s32 $0xFFFFFEF7, lr;
	s5 =	simm.s32 $0xFFFFFFFF;
	p2 =	slt.u32 s8, $0xFFFFF086  }
0x1c: {  	p1 =	slt.u32 s9, $0xF7A;
	s5 =	simm.s32 @!p2 $0x0  }
0x1d: {  	s5 =	simm.s32 @p1 $0x1;
	p0 =	seq.s32 s7, s2  }
0x1e: {  	s7 =	smul.u32 @!p0 $0xF7A, s2;
	p2 =	seq.s32 @!p0 s5, $0x0  }
0x1f: {  	s9 =	smul.u32 $0xF7A, s1;
	s8 =	simm.s32 @!p0 $0x1BF5;
	p2 =	por !p2, p0  }
0x20: {  	[sflag:s8] =	ssyncset.s32 @!p0 $0xFFFFF086;
	s6 =	sadd.s32 @!p0 s3, s7;
	s7 =	simm.s32 @!p0 $0x108  }
0x21: {  	s3 =	sadd.s32 s3, s9;
	s6 =	sadd.s32 @!p0 $0x88, s6;
	s7 =	simm.s32 @p2 $0x1082  }
0x22: {  	[simem:s7], [sflag:s8] =	dma.local @!p0 [hbm:s6], $0xF7A  }
0x23: {  	s9 =	sor.u32 $0xD0000000, s2;
	s6 =	simm.s32 $0x108;
	_ =	swait.ge @!p0 [sflag:s8], $0x0  }
0x24: {  	s3 =	sadd.s32 $0x88, s3;
	s6 =	simm.s32 @!p1 $0x1082;
	[sflag:s4] =	ssyncset.s32 $0xFFFFF086  }
0x25: {  	[simem:s6], [sflag:s4] =	dma.local [hbm:s3], $0xF7A  }
0x26: {  	[smem:$0x3F81] =	sst s1;
	(tag) =	ssettag s2;
	_ =	strace s9  }
0x27: {  	s1 =	sld [smem:$0x3F91]  }
0x28: {  	s2 =	sld [smem:$0x3F92]  }
0x29: {  	s4 =	sld [smem:$0x3F94]  }
0x2a: {  	p0 =	seq.s32 s5, $0x0;
	s5 =	sld [smem:$0x3F95]  }
0x2b: {  	s6 =	sld [smem:$0x3F96]  }
0x2c: {  	s7 =	sld [smem:$0x3F97]  }
0x2d: {  	s3 =	simm.s32 $0x108;
	s8 =	sld [smem:$0x3F98]  }
0x2e: {  	s3 =	simm.s32 @!p0 $0x1082;
	s9 =	sld [smem:$0x3F99]  }
0x2f: {  	lr =	sadd.s32 s0, s3;
	s0 =	sld [smem:$0x3F90]  }
0x30: {  	s3 =	sld [smem:$0x3F93]  }
0x31: {  	[smem:$0x3F9C] =	sst s10  }
0x32: {  	s10 =	sld [smem:$0x3F9A];
	_ =	sdelay $0x3  }
0x33: {  	p0 =	seq.s32 s10, $0x1;
	s10 =	sld [smem:$0x3F9C];
	_ =	sdelay $0x3  }
0x34: {  	[smem:$0x3F9C] =	sst s10  }
0x35: {  	s10 =	sld [smem:$0x3F9B];
	_ =	sdelay $0x3  }
0x36: {  	p1 =	seq.s32 s10, $0x1;
	s10 =	sld [smem:$0x3F9C];
	_ =	sdelay $0x3  }
0x37: {  	[smem:$0x3F9C] =	sst s10  }
0x38: {  	s10 =	sld [smem:$0x3F9D]  }
0x39: {  	_ = 	snop;
	(pc) =	sbr.ind lr, $3  }
0x3a: {  	_ = 	snop  }
0x3b: {  	_ = 	snop  }
0x3c: {  	p2 =	seq.s32 s10, $0x1;
	s10 =	sld [smem:$0x3F9C]  }
0x3d: {  	_ =	shalt  }
0x3e: {  	_ =	shalt  }
0x3f: {  	_ =	shalt  }
0x40: {  	_ =	shalt  }
0x41: {  	_ =	shalt  }
0x42: {  	_ =	shalt  }
0x43: {  	_ =	shalt  }
0x44: {  	_ =	shalt  }
0x45: {  	_ =	shalt  }
0x46: {  	_ =	shalt  }
0x47: {  	_ =	shalt  }
0x48: {  	_ =	shalt  }
0x49: {  	_ =	shalt  }
0x4a: {  	_ =	shalt  }
0x4b: {  	_ =	shalt  }
0x4c: {  	_ =	shalt  }
0x4d: {  	_ =	shalt  }
0x4e: {  	_ =	shalt  }
0x4f: {  	_ =	shalt  }
0x50: {  	_ =	shalt  }
0x51: {  	_ =	shalt  }
0x52: {  	_ =	shalt  }
0x53: {  	_ =	shalt  }
0x54: {  	_ =	shalt  }
0x55: {  	_ =	shalt  }
0x56: {  	_ =	shalt  }
0x57: {  	_ =	shalt  }
0x58: {  	_ =	shalt  }
0x59: {  	_ =	shalt  }
0x5a: {  	_ =	shalt  }
0x5b: {  	_ =	shalt  }
0x5c: {  	_ =	shalt  }
0x5d: {  	_ =	shalt  }
0x5e: {  	_ =	shalt  }
0x5f: {  	_ =	shalt  }
0x60: {  	_ =	shalt  }
0x61: {  	_ =	shalt  }
0x62: {  	_ =	shalt  }
0x63: {  	_ =	shalt  }
0x64: {  	_ =	shalt  }
0x65: {  	_ =	shalt  }
0x66: {  	_ =	shalt  }
0x67: {  	_ =	shalt  }
0x68: {  	_ =	shalt  }
0x69: {  	_ =	shalt  }
0x6a: {  	_ =	shalt  }
0x6b: {  	_ =	shalt  }
0x6c: {  	_ =	shalt  }
0x6d: {  	_ =	shalt  }
0x6e: {  	_ =	shalt  }
0x6f: {  	_ =	shalt  }
0x70: {  	_ =	shalt  }
0x71: {  	_ =	shalt  }
0x72: {  	_ =	shalt  }
0x73: {  	_ =	shalt  }
0x74: {  	_ =	shalt  }
0x75: {  	_ =	shalt  }
0x76: {  	_ =	shalt  }
0x77: {  	_ =	shalt  }
0x78: {  	_ =	shalt  }
0x79: {  	_ =	shalt  }
0x7a: {  	_ =	shalt  }
0x7b: {  	_ =	shalt  }
0x7c: {  	_ =	shalt  }
0x7d: {  	_ =	shalt  }
0x7e: {  	_ =	shalt  }
0x7f: {  	_ =	shalt  }
0x80: {  	_ =	shalt  }
0x81: {  	_ =	shalt  }
0x82: {  	_ =	shalt  }
0x83: {  	_ =	shalt  }
0x84: {  	_ =	shalt  }
0x85: {  	_ =	shalt  }
0x86: {  	_ =	shalt  }
0x87: {  	_ =	shalt  }
.Lfunc_end0:
.L_simem_size_0:
called_computation_lowered:
.L_overlay_start_0:
0x88: {  	s2 =	sld [smem:$0x3FD9]  }
0x89: {  	s3 =	sld [smem:$0x3FFE];
	_ =	sdelay $0x1  }
0x8a: {  	s1 =	srdreg.scid  }
0x8b: {  	s0 =	sand.u32 $0x1, s1  }
0x8c: {  	s17 =	sshll.u32 s0, $0xA;
	s2 =	sadd.s32 s3, s2  }
0x8d: {  	s2 =	sadd.s32 s2, s17  }
0x8e: {  	[smem:$0x3FA8] =	sst s2  }
0x8f: {  	_ = 	snop  }
0x90: {  	s2 =	sld [smem:$0x3FD0];
	(tm) =	ssettm $0x1  }
0x91: {  	s18 =	sld [smem:$0x3FFB];
	_ =	sdelay $0x3  }
0x92: {  	_ =	strace s18  }
0x93: {  	s3 =	sld [smem:$0x3FFC];
	_ =	sdelay $0x3  }
0x94: {  	_ =	strace s3  }
0x95: {  	s3 =	sld [smem:$0x3FFD];
	_ =	sdelay $0x3  }
0x96: {  	_ =	strace s3  }
0x97: {  	_ =	strace $0x8FFFFFFF  }
0x98: {  	s19 =	sld [smem:$0x3FDB];
	_ =	sdelay $0x1  }
0x99: {  	s4 =	simm.s32 $_scs_section_size  }
0x9a: {  	s5 =	simm.s32 $_size__tile_overlayer_lowered;
	s6 =	simm.s32 $_tile_overlayer_lowered  }
0x9b: {  	s22 =	simm.s32 $0x1BFF;
	s21 =	sshll.u32 s6, $0x1;
	s3 =	sadd.s32 s4, s19  }
0x9c: {  	s7 =	simm.s32 $0x0;
	s20 =	sshll.u32 s5, $0x1;
	s5 =	sadd.s32 s21, s3  }
0x9d: {  	[timem:s7], [sflag:s22] =	dma.local [hbm:s5], s20  }
0x9e: {  	_ =	swait.ge [sflag:s22], s20  }
0x9f: {  	s4 =	ssub.s32 $0x0, s20;
	[sflag:s22] =	ssyncset.done $0x0  }
0xa0: {  	[sflag:s22] =	ssyncadd.s32 s4;
	_ =	sdelay $0x1  }
0xa1: {  	s23 =	simm.s32 $0x1B8B  }
0xa2: {  	_ =	swait.ge [sflag:s23], $0x1  }
0xa3: {  	[sflag:s23] =	ssyncset.done $0x0  }
0xa4: {  	s25 =	simm.s32 $0x1B8E;
	s24 =	sld [smem:$0x3FFE];
	[sflag:s23] =	ssyncadd.s32 $0xFFFFFFFF  }
0xa5: {  	s26 =	simm.s32 $execute0_lowered;
	[smem:$0x3FD2] =	sst s25  }
0xa6: {  	s5 =	sshll.u32 s26, $0x1;
	_ =	strace $0x80000046;
	[dreg:$0x1] =	wrdreg $0xFFFFFFFF  }
0xa7: {  	s28 =	simm.s32 $_size_execute0_lowered;
	s3 =	sadd.s32 s3, s5;
	[dreg:$0x0] =	wrdreg $0x0  }
0xa8: {  	s5 =	sshll.u32 s28, $0x1;
	[dreg:$0x2] =	wrdreg s3  }
0xa9: {  	[dreg:$0x3] =	wrdreg s5  }
0xaa: {  	[dreg:$0x4] =	wrdreg $0xC0  }
0xab: {  	_ =	task [dreg:s7], $0x5FFFF  }
0xac: {  	[dreg:$0x1] =	wrdreg $0xFFFFFFFF  }
0xad: {  	[dreg:$0x0] =	wrdreg $0x60  }
0xae: {  	[dreg:$0x2] =	wrdreg s24  }
0xaf: {  	[dreg:$0x3] =	wrdreg s2  }
0xb0: {  	[dreg:$0x4] =	wrdreg $0x6C000  }
0xb1: {  	[dreg:$0x5] =	wrdreg $0x9  }
0xb2: {  	_ =	task.clear_ibuf [dreg:s7], $0x6FFFF;
	_ =	strace $0x90000046  }
0xb3: {  	s29 =	simm.s32 $0x9;
	_ =	strace $0x80000048  }
0xb4: {  	_ =	swait.ge [sflag:s29], $0x1  }
0xb5: {  	[sflag:s29] =	ssyncadd.s32 $0xFFFFFFFF  }
0xb6: {  	_ =	strace $0x90000048  }
0xb7: {  	_ =	sfence  }
0xb8: {  	s30 =	sld [smem:$0x0];
	_ =	sdelay $0x2  }
0xb9: {  	s31 =	sshll.u32 s1, $0xD;
	s1 =	sshrl.u32 s1, $0x2  }
0xba: {  	s3 =	sand.u32 $0x4000, s31;
	s1 =	sadd.s32 s1, s30  }
0xbb: {  	s0 =	sor.u32 s3, s0;
	s1 =	sshll.u32 s1, $0x11  }
0xbc: {  	s0 =	sor.u32 s1, s0  }
0xbd: {  	s0 =	sadd.s32 $0x8F2B, s0  }
0xbe: {  	[sflag:s0] =	ssyncadd.remote.s32 $0x1  }
0xbf: {  	_ =	sfence.sel $0xFFFF  }
0xc0: {  	[dreg:$0x0] =	wrdreg $0xFFFFFFFF;
	(pc) =	sbr.abs _section_cstart, $3  }
0xc1: {  	[dreg:$0x1] =	wrdreg $0xFFFFFFFF  }
0xc2: {  	_ =	task.clear_ibuf [dreg:s7], $0x2FFFF;
	_ =	strace $0x9FFFFFFF  }
0xc3: {  	(tm) =	ssettm $0x7FFFFFFF  }
tec
execute0_lowered:
.L_overlay_start_1:
0x0: {  	(tag) =	ssettag $0x1  }
0x1: {  	s6 =	rddreg [dreg:$0x0]  }
0x2: {  	s0 =	stileid.u32;
	s9 =	rddreg [dreg:$0x1]  }
0x3: {  	s1 =	srdreg.scid;
	s2 =	rddreg [dreg:$0x2];
	s14 =	simm.s32 $0x80  }
0x4: {  	s15 =	simm.s32 $0x1;
	s16 =	simm.s32 $0x0;
	s3 =	smul.u32 $0x70, s0  }
0x5: {  	s7 =	sand.u32 $0x1, s1;
	s4 =	smul.u32 $0xD0, s0;
	s1 =	rddreg [dreg:$0x3]  }
0x6: {  	s8 =	smul.u32 $0x1390, s0;
	s30 =	sshll.u32 s0, $0x6;
	p0 =	seq.s32 s7, $0x0  }
0x7: {  	s12 =	ssub.s32 $0x2, s7;
	s7 =	smul.u32 $0x13900, s7;
	s5 =	sadd.s32 $0xD00, s3  }
0x8: {  	s3 =	simm.s32 $0x0;
	s11 =	sshrl.u32 s8, $0x3;
	s13 =	sshrl.u32 s12, $0x1  }
0x9: {  	s29 =	sadd.s32 s8, s2;
	s5 =	smov.u32 @p0 s4;
	[smem:$0x7FF] =	sst s3  }
0xa: {  	s28 =	ssub.s32 s12, s13;
	s8 =	sadd.s32 s8, s7;
	s7 =	sor.u32 $0x1C02, s30  }
0xb: {  	s12 =	simm.s32 $0x2;
	s13 =	simm.s32 $0x6800;
	s4 =	sshll.u32 s5, $0x4  }
0xc: {  	_ =	strace $0x80000047;
	s5 =	simm.s32 $0x1A000;
	s31 =	sshrl.u32 s8, $0x3  }
0xd: {  	s10 =	sadd.s32 s4, s6;
	s4 =	sadd.s32 $0x1C800, s6;
	s6 =	sadd.s32 s11, s6  }
0xe: {  	s5 =	simm.s32 @!p0 $0xE000;
	s9 =	sadd.s32 s9, s31;
	s11 =	sshrl.u32 s29, $0x3  }
0xf: {  	s6 =	sadd.s32 $0x1A000, s6;
	s8 =	sadd.s32 $0x5A00, s10;
	s10 =	smax.u32 s28, $0x1  }
.LBB2_1:
0x10: {  	[spmem:s11], [sflag:s7] =	dma.local [hbm:s6], $0x272  }
0x11: {  	_ =	swait.ge [sflag:s12], $0x272  }
0x12: {  	[sflag:s12] =	ssyncset.done $0x0  }
0x13: {  	[sflag:s12] =	ssyncadd.s32 $0xFFFFFD8E  }
0x14: {  	[tilespmem:s3], [sflag:$0x2] =	stream.linear.gather [hbm4b:s8+s3], $0x6800, $0x38;
	[tilespmem:$0x7F90] =	vst v63  }
0x15: {  	_ =	swait.ge [sflag:s12], $0x6800  }
0x16: {  	[sflag:s12] =	ssyncset.done $0x0  }
0x17: {  	p1 =	sne.s32 s5, $0x1000;
	[sflag:s12] =	ssyncadd.s32 $0xFFFF9800  }
0x18: {  	[tilespmem:s13], [sflag:$0x2] =	stream.linear.gather [hbm4b:s4+s3], $0x400, $0x38;
	[tilespmem:$0x7F90] =	vst v63  }
.Ltmp0:
0x19: {  	_ =	swait.ge [sflag:s12], $0x400;
	(pc) =	sbr.rel @!p1 .LBB2_6-.Ltmp0, $4  }
0x1a: {  	[sflag:s12] =	ssyncset.done $0x0  }
0x1b: {  	[sflag:s12] =	ssyncadd.s32 $0xFFFFFC00  }
0x1c: {  	[bflag:$0x0] =	sbarrier.arrive $0xFFFF  }
0x1d: {  	s17 =	simm.s32 $0x1000;
	p0 =	por $0x0, $0x0;
	s18 =	simm.s32 $0x0  }
0x1e: {  	s18 =	simm.s32 $0x0  }
0x1f: {  	[spmem:s2] =	stream.indirect.scatter.add.f32 [tilespmem:s13], [sflag:$0x1], $0x8, s18, s14, $0xb8;
	[tilespmem:$0x7F90] =	vst v63  }
0x20: {  	s24 =	simm.s32 $0x80  }
0x21: {  	[spmem:s2] =	stream.indirect.scatter.add.f32 [tilespmem:s13], [sflag:$0x1], $0x8, s24, s14, $0xb8;
	[tilespmem:$0x7F90] =	vst v63  }
0x22: {  	s25 =	simm.s32 $0x100  }
0x23: {  	[spmem:s2] =	stream.indirect.scatter.add.f32 [tilespmem:s13], [sflag:$0x1], $0x8, s25, s14, $0xb8;
	[tilespmem:$0x7F90] =	vst v63  }
0x24: {  	s26 =	simm.s32 $0x180  }
0x25: {  	[spmem:s2] =	stream.indirect.scatter.add.f32 [tilespmem:s13], [sflag:$0x1], $0x8, s26, s14, $0xb8;
	[tilespmem:$0x7F90] =	vst v63  }
0x26: {  	s28 =	simm.s32 $0x200  }
0x27: {  	[spmem:s2] =	stream.indirect.scatter.add.f32 [tilespmem:s13], [sflag:$0x1], $0x8, s28, s14, $0xb8;
	[tilespmem:$0x7F90] =	vst v63  }
0x28: {  	s29 =	simm.s32 $0x280  }
0x29: {  	[spmem:s2] =	stream.indirect.scatter.add.f32 [tilespmem:s13], [sflag:$0x1], $0x8, s29, s14, $0xb8;
	[tilespmem:$0x7F90] =	vst v63  }
0x2a: {  	s30 =	simm.s32 $0x300  }
0x2b: {  	[spmem:s2] =	stream.indirect.scatter.add.f32 [tilespmem:s13], [sflag:$0x1], $0x8, s30, s14, $0xb8;
	[tilespmem:$0x7F90] =	vst v63  }
0x2c: {  	s31 =	simm.s32 $0x380  }
0x2d: {  	[spmem:s2] =	stream.indirect.scatter.add.f32 [tilespmem:s13], [sflag:$0x1], $0x8, s31, s14, $0xb8;
	[tilespmem:$0x7F90] =	vst v63  }
0x2e: {  	_ =	swait.ge [sflag:s15], $0x400  }
0x2f: {  	[sflag:s15] =	ssyncset.done $0x0  }
0x30: {  	[sflag:s15] =	ssyncadd.s32 $0xFFFFFC00  }
0x31: {  	_ =	swait.ge [sflag:s15], $0x400  }
0x32: {  	[sflag:s15] =	ssyncset.done $0x0  }
0x33: {  	[sflag:s15] =	ssyncadd.s32 $0xFFFFFC00  }
0x34: {  	_ =	swait.ge [sflag:s15], $0x400  }
0x35: {  	[sflag:s15] =	ssyncset.done $0x0  }
0x36: {  	[sflag:s15] =	ssyncadd.s32 $0xFFFFFC00  }
0x37: {  	_ =	swait.ge [sflag:s15], $0x400  }
0x38: {  	[sflag:s15] =	ssyncset.done $0x0  }
0x39: {  	[sflag:s15] =	ssyncadd.s32 $0xFFFFFC00  }
0x3a: {  	_ =	swait.ge [sflag:s15], $0x400  }
0x3b: {  	[sflag:s15] =	ssyncset.done $0x0  }
0x3c: {  	[sflag:s15] =	ssyncadd.s32 $0xFFFFFC00  }
0x3d: {  	_ =	swait.ge [sflag:s15], $0x400  }
0x3e: {  	[sflag:s15] =	ssyncset.done $0x0  }
0x3f: {  	p1 =	sne.s32 s5, $0x2000;
	[sflag:s15] =	ssyncadd.s32 $0xFFFFFC00  }
.Ltmp1:
0x40: {  	_ =	swait.ge [sflag:s15], $0x400;
	(pc) =	sbr.rel @!p1 .LBB2_3-.Ltmp1, $4  }
0x41: {  	[sflag:s15] =	ssyncset.done $0x0  }
0x42: {  	[sflag:s15] =	ssyncadd.s32 $0xFFFFFC00  }
0x43: {  	_ =	swait.ge [sflag:s15], $0x400  }
0x44: {  	p0 =	por $0x1, $0x1;
	s18 =	simm.s32 $0x2000;
	[sflag:s15] =	ssyncset.done $0x0  }
.LBB2_4:
0x45: {  	s19 =	sshra.s32 s17, $0x2  }
0x46: {  	[sflag:s15] =	ssyncadd.s32 $0xFFFFFC00;
	s17 =	smov.u32 s18;
	s18 =	sadd.s32 $0x1000, s18  }
0x47: {  	[spmem:s2] =	stream.indirect.scatter.add.f32 [tilespmem:s13], [sflag:$0x1], $0x8, s19, s14, $0xb8;
	[tilespmem:$0x7F90] =	vst v63  }
0x48: {  	p1 =	sne.s32 s5, s18;
	s20 =	sadd.s32 $0x80, s19  }
0x49: {  	[spmem:s2] =	stream.indirect.scatter.add.f32 [tilespmem:s13], [sflag:$0x1], $0x8, s20, s14, $0xb8;
	[tilespmem:$0x7F90] =	vst v63  }
0x4a: {  	s20 =	sadd.s32 $0x100, s19  }
0x4b: {  	[spmem:s2] =	stream.indirect.scatter.add.f32 [tilespmem:s13], [sflag:$0x1], $0x8, s20, s14, $0xb8;
	[tilespmem:$0x7F90] =	vst v63  }
0x4c: {  	s20 =	sadd.s32 $0x180, s19  }
0x4d: {  	[spmem:s2] =	stream.indirect.scatter.add.f32 [tilespmem:s13], [sflag:$0x1], $0x8, s20, s14, $0xb8;
	[tilespmem:$0x7F90] =	vst v63  }
0x4e: {  	s20 =	sadd.s32 $0x200, s19  }
0x4f: {  	[spmem:s2] =	stream.indirect.scatter.add.f32 [tilespmem:s13], [sflag:$0x1], $0x8, s20, s14, $0xb8;
	[tilespmem:$0x7F90] =	vst v63  }
0x50: {  	s20 =	sadd.s32 $0x280, s19  }
0x51: {  	[spmem:s2] =	stream.indirect.scatter.add.f32 [tilespmem:s13], [sflag:$0x1], $0x8, s20, s14, $0xb8;
	[tilespmem:$0x7F90] =	vst v63  }
0x52: {  	s20 =	sadd.s32 $0x300, s19  }
0x53: {  	[spmem:s2] =	stream.indirect.scatter.add.f32 [tilespmem:s13], [sflag:$0x1], $0x8, s20, s14, $0xb8;
	[tilespmem:$0x7F90] =	vst v63  }
0x54: {  	s19 =	sadd.s32 $0x380, s19  }
0x55: {  	[spmem:s2] =	stream.indirect.scatter.add.f32 [tilespmem:s13], [sflag:$0x1], $0x8, s19, s14, $0xb8;
	[tilespmem:$0x7F90] =	vst v63  }
0x56: {  	_ =	swait.ge [sflag:s15], $0x400  }
0x57: {  	[sflag:s15] =	ssyncset.done $0x0  }
0x58: {  	[sflag:s15] =	ssyncadd.s32 $0xFFFFFC00  }
0x59: {  	_ =	swait.ge [sflag:s15], $0x400  }
0x5a: {  	[sflag:s15] =	ssyncset.done $0x0  }
0x5b: {  	[sflag:s15] =	ssyncadd.s32 $0xFFFFFC00  }
0x5c: {  	_ =	swait.ge [sflag:s15], $0x400  }
0x5d: {  	[sflag:s15] =	ssyncset.done $0x0  }
0x5e: {  	[sflag:s15] =	ssyncadd.s32 $0xFFFFFC00  }
0x5f: {  	_ =	swait.ge [sflag:s15], $0x400  }
0x60: {  	[sflag:s15] =	ssyncset.done $0x0  }
0x61: {  	[sflag:s15] =	ssyncadd.s32 $0xFFFFFC00  }
0x62: {  	_ =	swait.ge [sflag:s15], $0x400  }
0x63: {  	[sflag:s15] =	ssyncset.done $0x0  }
0x64: {  	[sflag:s15] =	ssyncadd.s32 $0xFFFFFC00  }
0x65: {  	_ =	swait.ge [sflag:s15], $0x400  }
0x66: {  	[sflag:s15] =	ssyncset.done $0x0  }
0x67: {  	[sflag:s15] =	ssyncadd.s32 $0xFFFFFC00  }
.Ltmp2:
0x68: {  	_ =	swait.ge [sflag:s15], $0x400;
	(pc) =	sbr.rel @p1 .LBB2_4-.Ltmp2, $4  }
0x69: {  	[sflag:s15] =	ssyncset.done $0x0  }
0x6a: {  	[sflag:s15] =	ssyncadd.s32 $0xFFFFFC00  }
0x6b: {  	_ =	swait.ge [sflag:s15], $0x400  }
0x6c: {  	[sflag:s15] =	ssyncset.done $0x0  }
0x6d: {  	s18 =	smov.u32 s17  }
.LBB2_6:
0x6e: {  	s17 =	sshra.s32 s18, $0x2;
	[sflag:s15] =	ssyncadd.s32 @p0 $0xFFFFFC00  }
0x6f: {  	[spmem:s2] =	stream.indirect.scatter.add.f32 [tilespmem:s13], [sflag:$0x1], $0x8, s17, s14, $0xb8;
	[tilespmem:$0x7F90] =	vst v63  }
0x70: {  	s18 =	sadd.s32 $0x80, s17  }
0x71: {  	[spmem:s2] =	stream.indirect.scatter.add.f32 [tilespmem:s13], [sflag:$0x1], $0x8, s18, s14, $0xb8;
	[tilespmem:$0x7F90] =	vst v63  }
0x72: {  	s26 =	sadd.s32 $0x100, s17  }
0x73: {  	[spmem:s2] =	stream.indirect.scatter.add.f32 [tilespmem:s13], [sflag:$0x1], $0x8, s26, s14, $0xb8;
	[tilespmem:$0x7F90] =	vst v63  }
0x74: {  	s28 =	sadd.s32 $0x180, s17  }
0x75: {  	[spmem:s2] =	stream.indirect.scatter.add.f32 [tilespmem:s13], [sflag:$0x1], $0x8, s28, s14, $0xb8;
	[tilespmem:$0x7F90] =	vst v63  }
0x76: {  	s29 =	sadd.s32 $0x200, s17  }
0x77: {  	[spmem:s2] =	stream.indirect.scatter.add.f32 [tilespmem:s13], [sflag:$0x1], $0x8, s29, s14, $0xb8;
	[tilespmem:$0x7F90] =	vst v63  }
0x78: {  	s30 =	sadd.s32 $0x280, s17  }
0x79: {  	[spmem:s2] =	stream.indirect.scatter.add.f32 [tilespmem:s13], [sflag:$0x1], $0x8, s30, s14, $0xb8;
	[tilespmem:$0x7F90] =	vst v63  }
0x7a: {  	s31 =	sadd.s32 $0x300, s17  }
0x7b: {  	[spmem:s2] =	stream.indirect.scatter.add.f32 [tilespmem:s13], [sflag:$0x1], $0x8, s31, s14, $0xb8;
	[tilespmem:$0x7F90] =	vst v63  }
0x7c: {  	s17 =	sadd.s32 $0x380, s17  }
0x7d: {  	[spmem:s2] =	stream.indirect.scatter.add.f32 [tilespmem:s13], [sflag:$0x1], $0x8, s17, s14, $0xb8;
	[tilespmem:$0x7F90] =	vst v63  }
0x7e: {  	_ =	swait.ge [sflag:s15], $0x400  }
0x7f: {  	[sflag:s15] =	ssyncset.done $0x0  }
0x80: {  	[sflag:s15] =	ssyncadd.s32 $0xFFFFFC00  }
0x81: {  	_ =	swait.ge [sflag:s15], $0x400  }
0x82: {  	[sflag:s15] =	ssyncset.done $0x0  }
0x83: {  	[sflag:s15] =	ssyncadd.s32 $0xFFFFFC00  }
0x84: {  	_ =	swait.ge [sflag:s15], $0x400  }
0x85: {  	[sflag:s15] =	ssyncset.done $0x0  }
0x86: {  	[sflag:s15] =	ssyncadd.s32 $0xFFFFFC00  }
0x87: {  	_ =	swait.ge [sflag:s15], $0x400  }
0x88: {  	[sflag:s15] =	ssyncset.done $0x0  }
0x89: {  	[sflag:s15] =	ssyncadd.s32 $0xFFFFFC00  }
0x8a: {  	_ =	swait.ge [sflag:s15], $0x400  }
0x8b: {  	[sflag:s15] =	ssyncset.done $0x0  }
0x8c: {  	[sflag:s15] =	ssyncadd.s32 $0xFFFFFC00  }
0x8d: {  	_ =	swait.ge [sflag:s15], $0x400  }
0x8e: {  	[sflag:s15] =	ssyncset.done $0x0  }
0x8f: {  	[sflag:s15] =	ssyncadd.s32 $0xFFFFFC00  }
0x90: {  	_ =	swait.ge [sflag:s15], $0x400  }
0x91: {  	[sflag:s15] =	ssyncset.done $0x0  }
0x92: {  	[sflag:s15] =	ssyncadd.s32 $0xFFFFFC00  }
0x93: {  	_ =	swait.ge [sflag:s15], $0x400  }
0x94: {  	[sflag:s15] =	ssyncset.done $0x0  }
0x95: {  	s16 =	sadd.s32 $0x1, s16;
	[sflag:s15] =	ssyncadd.s32 $0xFFFFFC00  }
0x96: {  	p0 =	sne.s32 s16, s10;
	[bflag:$0x0] =	sbarrier.arrive $0xFFFF  }
0x97: {  	[hbm:s9], [sflag:s7] =	dma.local [spmem:s11], $0x272  }
.Ltmp3:
0x98: {  	_ = 	snop;
	(pc) =	sbr.rel @p0 .LBB2_1-.Ltmp3, $4  }
.Ltmp4:
0x99: {  	_ = 	snop;
	(pc) =	sbr.rel @!p0 .LBB2_7-.Ltmp4, $4  }
0x9a: {  	_ =	swait.ge [sflag:s12], $0x272  }
0x9b: {  	[sflag:s12] =	ssyncset.done $0x0  }
0x9c: {  	[sflag:s12] =	ssyncadd.s32 $0xFFFFFD8E  }
0x9d: {  	_ = 	snop  }
.LBB2_3:
.Ltmp5:
0x9e: {  	(pc) =	sbr.rel .LBB2_6-.Ltmp5, $2  }
0x9f: {  	_ =	sdelay $0x2  }
0xa0: {  	s18 =	simm.s32 $0x1000  }
.LBB2_7:
0xa1: {  	_ =	sfence.sel $0x180000  }
0xa2: {  	[bflag:$0x0] =	sbarrier.arrive $0xFFFF  }
0xa3: {  	p0 =	sne.s32 s0, $0x0;
	_ =	strace $0x90000047  }
0xa4: {  	s0 =	sadd.s32 @!p0 $0x100000, s1;
	[bflag:$0x2] =	sbarrier.arrive $0xFFFF  }
0xa5: {  	[sflag:s0] =	ssyncadd.tile.s32 @!p0 $0x1;
	_ =	shalt  }
.Lfunc_end2:
_tile_overlayer_lowered:
.L_overlay_start_2:
0xa6: {  	(tag) =	ssettag $0x2  }
0xa7: {  	s0 =	rddreg [dreg:$0x0];
	s2 =	stileid.u32  }
0xa8: {  	s1 =	rddreg [dreg:$0x1];
	p0 =	sne.s32 s2, $0x0  }
0xa9: {  	s3 =	rddreg [dreg:$0x2];
	[bflag:$0x3] =	sbarrier.arrive $0xFFFF;
	s2 =	simm.s32 @!p0 $0x1C02  }
0xaa: {  	[timem:s3], [sflag:s2] =	dma.local @!p0 [hbm:s0], s1  }
0xab: {  	s0 =	simm.s32 @!p0 $0x2  }
0xac: {  	_ =	swait.ge @!p0 [sflag:s0], s1  }
0xad: {  	s1 =	ssub.s32 @!p0 $0x0, s1;
	[sflag:s0] =	ssyncset.done @!p0 $0x0  }
0xae: {  	[sflag:s0] =	ssyncadd.s32 @!p0 s1  }
0xaf: {  	[bflag:$0x3] =	sbarrier.arrive $0xFFFF  }
0xb0: {  	_ =	shalt  }

// kernel: kernel.13.cloned.1.call-start
scs
__scs_entry_jumppad:
0x0: {  	(pc) =	sbr.rel $0x88, $3  }
0x1: {  	(tag) =	ssettag $0x0;
	lr =	simm.s32 $0x1  }
0x2: {  	[smem:$0x3F81] =	sst lr;
	_ =	strace $0xD0000000  }
0x3: {  	_ = 	snop  }
0x4: {  	_ = 	snop  }
0x5: {  	_ = 	snop  }
0x6: {  	_ = 	snop  }
0x7: {  	_ = 	snop  }
__scs_overlays_trampoline_lowered:
0x8: {  	[smem:$0x3F90] =	sst s0  }
0x9: {  	[smem:$0x3F91] =	sst s1  }
0xa: {  	[smem:$0x3F92] =	sst s2  }
0xb: {  	[smem:$0x3F93] =	sst s3  }
0xc: {  	[smem:$0x3F94] =	sst s4  }
0xd: {  	[smem:$0x3F95] =	sst s5  }
0xe: {  	[smem:$0x3F96] =	sst s6  }
0xf: {  	[smem:$0x3F97] =	sst s7  }
0x10: {  	[smem:$0x3F98] =	sst s8  }
0x11: {  	[smem:$0x3F99] =	sst s9;
	s0 =	simm.s32 @!p0 $0x0  }
0x12: {  	s1 =	sld [smem:$0x3F7F];
	s0 =	simm.s32 @p0 $0x1  }
0x13: {  	[smem:$0x3F9A] =	sst s0;
	s0 =	simm.s32 @!p1 $0x0  }
0x14: {  	s2 =	sld [smem:$0x3F7E];
	s0 =	simm.s32 @p1 $0x1  }
0x15: {  	[smem:$0x3F9B] =	sst s0;
	s0 =	simm.s32 @!p2 $0x0  }
0x16: {  	s3 =	sld [smem:$0x3FDB];
	s0 =	simm.s32 @p2 $0x1  }
0x17: {  	s4 =	simm.s32 $0x1BF5;
	[smem:$0x3F9D] =	sst s0  }
0x18: {  	s0 =	sld [smem:$0x3F80];
	_ =	swait.ge [sflag:s4], $0x0  }
0x19: {  	s7 =	sld [smem:$0x3F81]  }
0x1a: {  	s8 =	sadd.s32 $0xFFFFE003, lr  }
0x1b: {  	s9 =	sadd.s32 $0xFFFFFEF7, lr;
	s5 =	simm.s32 $0xFFFFFFFF;
	p2 =	slt.u32 s8, $0xFFFFF086  }
0x1c: {  	p1 =	slt.u32 s9, $0xF7A;
	s5 =	simm.s32 @!p2 $0x0  }
0x1d: {  	s5 =	simm.s32 @p1 $0x1;
	p0 =	seq.s32 s7, s2  }
0x1e: {  	s7 =	smul.u32 @!p0 $0xF7A, s2;
	p2 =	seq.s32 @!p0 s5, $0x0  }
0x1f: {  	s9 =	smul.u32 $0xF7A, s1;
	s8 =	simm.s32 @!p0 $0x1BF5;
	p2 =	por !p2, p0  }
0x20: {  	[sflag:s8] =	ssyncset.s32 @!p0 $0xFFFFF086;
	s6 =	sadd.s32 @!p0 s3, s7;
	s7 =	simm.s32 @!p0 $0x108  }
0x21: {  	s3 =	sadd.s32 s3, s9;
	s6 =	sadd.s32 @!p0 $0x88, s6;
	s7 =	simm.s32 @p2 $0x1082  }
0x22: {  	[simem:s7], [sflag:s8] =	dma.local @!p0 [hbm:s6], $0xF7A  }
0x23: {  	s9 =	sor.u32 $0xD0000000, s2;
	s6 =	simm.s32 $0x108;
	_ =	swait.ge @!p0 [sflag:s8], $0x0  }
0x24: {  	s3 =	sadd.s32 $0x88, s3;
	s6 =	simm.s32 @!p1 $0x1082;
	[sflag:s4] =	ssyncset.s32 $0xFFFFF086  }
0x25: {  	[simem:s6], [sflag:s4] =	dma.local [hbm:s3], $0xF7A  }
0x26: {  	[smem:$0x3F81] =	sst s1;
	(tag) =	ssettag s2;
	_ =	strace s9  }
0x27: {  	s1 =	sld [smem:$0x3F91]  }
0x28: {  	s2 =	sld [smem:$0x3F92]  }
0x29: {  	s4 =	sld [smem:$0x3F94]  }
0x2a: {  	p0 =	seq.s32 s5, $0x0;
	s5 =	sld [smem:$0x3F95]  }
0x2b: {  	s6 =	sld [smem:$0x3F96]  }
0x2c: {  	s7 =	sld [smem:$0x3F97]  }
0x2d: {  	s3 =	simm.s32 $0x108;
	s8 =	sld [smem:$0x3F98]  }
0x2e: {  	s3 =	simm.s32 @!p0 $0x1082;
	s9 =	sld [smem:$0x3F99]  }
0x2f: {  	lr =	sadd.s32 s0, s3;
	s0 =	sld [smem:$0x3F90]  }
0x30: {  	s3 =	sld [smem:$0x3F93]  }
0x31: {  	[smem:$0x3F9C] =	sst s10  }
0x32: {  	s10 =	sld [smem:$0x3F9A];
	_ =	sdelay $0x3  }
0x33: {  	p0 =	seq.s32 s10, $0x1;
	s10 =	sld [smem:$0x3F9C];
	_ =	sdelay $0x3  }
0x34: {  	[smem:$0x3F9C] =	sst s10  }
0x35: {  	s10 =	sld [smem:$0x3F9B];
	_ =	sdelay $0x3  }
0x36: {  	p1 =	seq.s32 s10, $0x1;
	s10 =	sld [smem:$0x3F9C];
	_ =	sdelay $0x3  }
0x37: {  	[smem:$0x3F9C] =	sst s10  }
0x38: {  	s10 =	sld [smem:$0x3F9D]  }
0x39: {  	_ = 	snop;
	(pc) =	sbr.ind lr, $3  }
0x3a: {  	_ = 	snop  }
0x3b: {  	_ = 	snop  }
0x3c: {  	p2 =	seq.s32 s10, $0x1;
	s10 =	sld [smem:$0x3F9C]  }
0x3d: {  	_ =	shalt  }
0x3e: {  	_ =	shalt  }
0x3f: {  	_ =	shalt  }
0x40: {  	_ =	shalt  }
0x41: {  	_ =	shalt  }
0x42: {  	_ =	shalt  }
0x43: {  	_ =	shalt  }
0x44: {  	_ =	shalt  }
0x45: {  	_ =	shalt  }
0x46: {  	_ =	shalt  }
0x47: {  	_ =	shalt  }
0x48: {  	_ =	shalt  }
0x49: {  	_ =	shalt  }
0x4a: {  	_ =	shalt  }
0x4b: {  	_ =	shalt  }
0x4c: {  	_ =	shalt  }
0x4d: {  	_ =	shalt  }
0x4e: {  	_ =	shalt  }
0x4f: {  	_ =	shalt  }
0x50: {  	_ =	shalt  }
0x51: {  	_ =	shalt  }
0x52: {  	_ =	shalt  }
0x53: {  	_ =	shalt  }
0x54: {  	_ =	shalt  }
0x55: {  	_ =	shalt  }
0x56: {  	_ =	shalt  }
0x57: {  	_ =	shalt  }
0x58: {  	_ =	shalt  }
0x59: {  	_ =	shalt  }
0x5a: {  	_ =	shalt  }
0x5b: {  	_ =	shalt  }
0x5c: {  	_ =	shalt  }
0x5d: {  	_ =	shalt  }
0x5e: {  	_ =	shalt  }
0x5f: {  	_ =	shalt  }
0x60: {  	_ =	shalt  }
0x61: {  	_ =	shalt  }
0x62: {  	_ =	shalt  }
0x63: {  	_ =	shalt  }
0x64: {  	_ =	shalt  }
0x65: {  	_ =	shalt  }
0x66: {  	_ =	shalt  }
0x67: {  	_ =	shalt  }
0x68: {  	_ =	shalt  }
0x69: {  	_ =	shalt  }
0x6a: {  	_ =	shalt  }
0x6b: {  	_ =	shalt  }
0x6c: {  	_ =	shalt  }
0x6d: {  	_ =	shalt  }
0x6e: {  	_ =	shalt  }
0x6f: {  	_ =	shalt  }
0x70: {  	_ =	shalt  }
0x71: {  	_ =	shalt  }
0x72: {  	_ =	shalt  }
0x73: {  	_ =	shalt  }
0x74: {  	_ =	shalt  }
0x75: {  	_ =	shalt  }
0x76: {  	_ =	shalt  }
0x77: {  	_ =	shalt  }
0x78: {  	_ =	shalt  }
0x79: {  	_ =	shalt  }
0x7a: {  	_ =	shalt  }
0x7b: {  	_ =	shalt  }
0x7c: {  	_ =	shalt  }
0x7d: {  	_ =	shalt  }
0x7e: {  	_ =	shalt  }
0x7f: {  	_ =	shalt  }
0x80: {  	_ =	shalt  }
0x81: {  	_ =	shalt  }
0x82: {  	_ =	shalt  }
0x83: {  	_ =	shalt  }
0x84: {  	_ =	shalt  }
0x85: {  	_ =	shalt  }
0x86: {  	_ =	shalt  }
0x87: {  	_ =	shalt  }
.Lfunc_end0:
.L_simem_size_0:
called_computation.1_lowered:
.L_overlay_start_0:
0x88: {  	s2 =	sld [smem:$0x3FD9]  }
0x89: {  	s3 =	sld [smem:$0x3FFE];
	_ =	sdelay $0x1  }
0x8a: {  	s1 =	srdreg.scid  }
0x8b: {  	s0 =	sand.u32 $0x1, s1  }
0x8c: {  	s16 =	sshll.u32 s0, $0xA;
	s2 =	sadd.s32 s3, s2  }
0x8d: {  	s2 =	sadd.s32 s2, s16  }
0x8e: {  	[smem:$0x3FA8] =	sst s2  }
0x8f: {  	_ = 	snop  }
0x90: {  	(tm) =	ssettm $0x1  }
0x91: {  	s17 =	sld [smem:$0x3FFB];
	_ =	sdelay $0x3  }
0x92: {  	_ =	strace s17  }
0x93: {  	s2 =	sld [smem:$0x3FFC];
	_ =	sdelay $0x3  }
0x94: {  	_ =	strace s2  }
0x95: {  	s2 =	sld [smem:$0x3FFD];
	_ =	sdelay $0x3  }
0x96: {  	_ =	strace s2  }
0x97: {  	_ =	strace $0x8FFFFFFF  }
0x98: {  	s18 =	sld [smem:$0x3FDB];
	_ =	sdelay $0x1  }
0x99: {  	s19 =	simm.s32 $_scs_section_size  }
0x9a: {  	s4 =	simm.s32 $_size__tile_overlayer_lowered;
	s5 =	simm.s32 $_tile_overlayer_lowered  }
0x9b: {  	s22 =	simm.s32 $0x1BFF;
	s21 =	sshll.u32 s5, $0x1;
	s2 =	sadd.s32 s19, s18  }
0x9c: {  	s6 =	simm.s32 $0x0;
	s20 =	sshll.u32 s4, $0x1;
	s4 =	sadd.s32 s21, s2  }
0x9d: {  	[timem:s6], [sflag:s22] =	dma.local [hbm:s4], s20  }
0x9e: {  	_ =	swait.ge [sflag:s22], s20  }
0x9f: {  	s3 =	ssub.s32 $0x0, s20;
	[sflag:s22] =	ssyncset.done $0x0  }
0xa0: {  	[sflag:s22] =	ssyncadd.s32 s3;
	_ =	sdelay $0x1  }
0xa1: {  	s23 =	simm.s32 $0x1B8B  }
0xa2: {  	_ =	swait.ge [sflag:s23], $0x1  }
0xa3: {  	[sflag:s23] =	ssyncset.done $0x0  }
0xa4: {  	s25 =	simm.s32 $0x1B8E;
	s24 =	sld [smem:$0x3FFE];
	[sflag:s23] =	ssyncadd.s32 $0xFFFFFFFF  }
0xa5: {  	s26 =	simm.s32 $execute0_lowered;
	[smem:$0x3FD2] =	sst s25  }
0xa6: {  	s4 =	sshll.u32 s26, $0x1;
	_ =	strace $0x80000049;
	[dreg:$0x1] =	wrdreg $0xFFFFFFFF  }
0xa7: {  	s28 =	simm.s32 $_size_execute0_lowered;
	s2 =	sadd.s32 s2, s4;
	[dreg:$0x0] =	wrdreg $0x0  }
0xa8: {  	s4 =	sshll.u32 s28, $0x1;
	[dreg:$0x2] =	wrdreg s2  }
0xa9: {  	[dreg:$0x3] =	wrdreg s4  }
0xaa: {  	[dreg:$0x4] =	wrdreg $0xC0  }
0xab: {  	_ =	task [dreg:s6], $0x5FFFF  }
0xac: {  	[dreg:$0x1] =	wrdreg $0xFFFFFFFF  }
0xad: {  	[dreg:$0x0] =	wrdreg $0x60  }
0xae: {  	[dreg:$0x2] =	wrdreg s24  }
0xaf: {  	[dreg:$0x3] =	wrdreg $0x124000  }
0xb0: {  	[dreg:$0x4] =	wrdreg $0x9  }
0xb1: {  	_ =	task.clear_ibuf [dreg:s6], $0x5FFFF;
	_ =	strace $0x90000049  }
0xb2: {  	s29 =	simm.s32 $0x9;
	_ =	strace $0x8000004B  }
0xb3: {  	_ =	swait.ge [sflag:s29], $0x1  }
0xb4: {  	[sflag:s29] =	ssyncadd.s32 $0xFFFFFFFF  }
0xb5: {  	_ =	strace $0x9000004B  }
0xb6: {  	_ =	sfence  }
0xb7: {  	s30 =	sld [smem:$0x0];
	_ =	sdelay $0x2  }
0xb8: {  	s31 =	sshll.u32 s1, $0xD;
	s1 =	sshrl.u32 s1, $0x2  }
0xb9: {  	s3 =	sand.u32 $0x4000, s31;
	s1 =	sadd.s32 s1, s30  }
0xba: {  	s0 =	sor.u32 s3, s0;
	s1 =	sshll.u32 s1, $0x11  }
0xbb: {  	s0 =	sor.u32 s1, s0  }
0xbc: {  	s0 =	sadd.s32 $0x8F2B, s0  }
0xbd: {  	[sflag:s0] =	ssyncadd.remote.s32 $0x1  }
0xbe: {  	_ =	sfence.sel $0xFFFF  }
0xbf: {  	[dreg:$0x0] =	wrdreg $0xFFFFFFFF;
	(pc) =	sbr.abs _section_cstart, $3  }
0xc0: {  	[dreg:$0x1] =	wrdreg $0xFFFFFFFF  }
0xc1: {  	_ =	task.clear_ibuf [dreg:s6], $0x2FFFF;
	_ =	strace $0x9FFFFFFF  }
0xc2: {  	(tm) =	ssettm $0x7FFFFFFF  }
0xc3: {  	_ =	shalt  }
tec
execute0_lowered:
.L_overlay_start_1:
0x0: {  	(tag) =	ssettag $0x1  }
0x1: {  	s0 =	rddreg [dreg:$0x0]  }
0x2: {  	s2 =	rddreg [dreg:$0x1]  }
0x3: {  	s10 =	stileid.u32;
	s1 =	srdreg.scid  }
0x4: {  	s3 =	simm.s32 $0x0;
	s11 =	simm.s32 $0x39;
	s14 =	simm.s32 $0x9  }
0x5: {  	s16 =	simm.s32 $0x80;
	s17 =	simm.s32 $0xE400;
	s18 =	simm.s32 $0xF400  }
0x6: {  	s20 =	simm.s32 $0x10400;
	s22 =	simm.s32 $0x11400;
	s28 =	simm.s32 $0x5  }
0x7: {  	s29 =	simm.s32 $0x6;
	s30 =	simm.s32 $0x7;
	s4 =	smul.u32 $0x58, s10  }
0x8: {  	s31 =	simm.s32 $0x8;
	s1 =	sand.u32 $0x1, s1;
	s5 =	smul.u32 $0xE4, s10  }
0x9: {  	[smem:$0x7FF] =	sst s3;
	s23 =	smul.u32 $0x4E40, s10;
	s25 =	sshll.u32 s10, $0x6  }
0xa: {  	p0 =	seq.s32 s1, $0x0;
	_ =	strace $0x8000004A;
	s7 =	smul.u32 $0x4E400, s1  }
0xb: {  	s1 =	ssub.s32 $0x2, s1;
	s4 =	sadd.s32 $0xE40, s4;
	s24 =	sshrl.u32 s23, $0x3  }
0xc: {  	s9 =	sshrl.u32 s1, $0x1;
	s11 =	simm.s32 @!p0 $0x16;
	s13 =	sadd.s32 s23, s2  }
0xd: {  	s4 =	smov.u32 @p0 s5;
	s7 =	sadd.s32 s23, s7;
	s1 =	ssub.s32 s1, s9  }
0xe: {  	s9 =	sadd.s32 $0xFFFFFFFF, s11;
	s26 =	sshll.u32 s11, $0xB;
	s13 =	sshrl.u32 s13, $0x3  }
0xf: {  	s23 =	simm.s32 $0x1;
	s6 =	sshll.u32 s4, $0x4;
	s4 =	sadd.s32 $0x31000, s0  }
0x10: {  	s7 =	sshrl.u32 s7, $0x3;
	s11 =	smax.u32 s1, $0x1;
	s12 =	sadd.s32 $0xFFFFF800, s26  }
0x11: {  	s26 =	simm.s32 $0x4;
	s8 =	sadd.s32 s6, s0;
	s6 =	sadd.s32 s24, s0  }
0x12: {  	s0 =	sadd.s32 s7, s0;
	s24 =	simm.s32 $0x2;
	s5 =	sadd.s32 $0x3AE00, s6  }
0x13: {  	s6 =	sor.u32 $0x1C09, s25;
	s7 =	sadd.s32 $0x1CA00, s8;
	s8 =	sadd.s32 $0x5A00, s8  }
0x14: {  	s10 =	sadd.s32 $0x44C00, s0;
	s25 =	simm.s32 $0x3;
	s0 =	simm.s32 $0x0  }
.LBB2_1:
0x15: {  	[spmem:s13], [sflag:s6] =	dma.local [hbm:s5], $0x9C8  }
0x16: {  	_ =	swait.ge [sflag:s14], $0x9C8  }
0x17: {  	[sflag:s14] =	ssyncset.done $0x0  }
0x18: {  	[sflag:s14] =	ssyncadd.s32 $0xFFFFF638  }
0x19: {  	[tilespmem:s3], [sflag:$0x9] =	stream.linear.gather [hbm4b:s7+s3], $0x7200, $0x38;
	[tilespmem:$0x17240] =	vst v63  }
0x1a: {  	_ =	swait.ge [sflag:s14], $0x7200  }
0x1b: {  	[sflag:s14] =	ssyncset.done $0x0  }
0x1c: {  	s1 =	simm.s32 $0x7200;
	[sflag:s14] =	ssyncadd.s32 $0xFFFF8E00  }
0x1d: {  	[tilespmem:s1], [sflag:$0x9] =	stream.linear.gather [hbm4b:s8+s3], $0x7200, $0x38;
	[tilespmem:$0x17240] =	vst v63  }
0x1e: {  	_ =	swait.ge [sflag:s14], $0x7200  }
0x1f: {  	[sflag:s14] =	ssyncset.done $0x0  }
0x20: {  	[sflag:s14] =	ssyncadd.s32 $0xFFFF8E00  }
0x21: {  	[bflag:$0x0] =	sbarrier.arrive $0xFFFF  }
0x22: {  	[tilespmem:s17], [sflag:$0x1] =	stream.indirect.gather [hbm4b:s4+s16], $0x20, s3, s16, $0xb8;
	[tilespmem:$0x17240] =	vst v63  }
0x23: {  	_ = 	snop  }
0x24: {  	[tilespmem:s18], [sflag:$0x2] =	stream.indirect.gather [hbm4b:s4+s16], $0x20, s16, s16, $0xb8;
	[tilespmem:$0x17240] =	vst v63  }
0x25: {  	s15 =	simm.s32 $0x100  }
0x26: {  	[tilespmem:s20], [sflag:$0x3] =	stream.indirect.gather [hbm4b:s4+s16], $0x20, s15, s16, $0xb8;
	[tilespmem:$0x17240] =	vst v63  }
0x27: {  	s19 =	simm.s32 $0x180  }
0x28: {  	[tilespmem:s22], [sflag:$0x4] =	stream.indirect.gather [hbm4b:s4+s16], $0x20, s19, s16, $0xb8;
	[tilespmem:$0x17240] =	vst v63  }
0x29: {  	_ =	swait.ge [sflag:s23], $0x1000  }
0x2a: {  	[sflag:s23] =	ssyncset.done $0x0  }
0x2b: {  	[sflag:s23] =	ssyncadd.s32 $0xFFFFF000  }
0x2c: {  	_ =	swait.ge [sflag:s24], $0x1000  }
0x2d: {  	[sflag:s24] =	ssyncset.done $0x0  }
0x2e: {  	[sflag:s24] =	ssyncadd.s32 $0xFFFFF000  }
0x2f: {  	_ =	swait.ge [sflag:s25], $0x1000  }
0x30: {  	[sflag:s25] =	ssyncset.done $0x0  }
0x31: {  	[sflag:s25] =	ssyncadd.s32 $0xFFFFF000  }
0x32: {  	_ =	swait.ge [sflag:s26], $0x1000  }
0x33: {  	[sflag:s26] =	ssyncset.done $0x0  }
0x34: {  	s21 =	simm.s32 $0x7200;
	[sflag:s26] =	ssyncadd.s32 $0xFFFFF000  }
0x35: {  	[spmem:s2] =	stream.indirect.scatter.add.f32 [tilespmem:s17], [sflag:$0x5], $0x20, s21, s16, $0xb8;
	[tilespmem:$0x17240] =	vst v63  }
0x36: {  	s15 =	simm.s32 $0x7280  }
0x37: {  	[spmem:s2] =	stream.indirect.scatter.add.f32 [tilespmem:s18], [sflag:$0x6], $0x20, s15, s16, $0xb8;
	[tilespmem:$0x17240] =	vst v63  }
0x38: {  	s19 =	simm.s32 $0x7300  }
0x39: {  	[spmem:s2] =	stream.indirect.scatter.add.f32 [tilespmem:s20], [sflag:$0x7], $0x20, s19, s16, $0xb8;
	[tilespmem:$0x17240] =	vst v63  }
0x3a: {  	s21 =	simm.s32 $0x7380  }
0x3b: {  	[spmem:s2] =	stream.indirect.scatter.add.f32 [tilespmem:s22], [sflag:$0x8], $0x20, s21, s16, $0xb8;
	[tilespmem:$0x17240] =	vst v63  }
0x3c: {  	_ =	swait.ge [sflag:s28], $0x1000  }
0x3d: {  	[sflag:s28] =	ssyncset.done $0x0  }
0x3e: {  	[sflag:s28] =	ssyncadd.s32 $0xFFFFF000  }
0x3f: {  	_ =	swait.ge [sflag:s29], $0x1000  }
0x40: {  	[sflag:s29] =	ssyncset.done $0x0  }
0x41: {  	[sflag:s29] =	ssyncadd.s32 $0xFFFFF000  }
0x42: {  	_ =	swait.ge [sflag:s30], $0x1000  }
0x43: {  	[sflag:s30] =	ssyncset.done $0x0  }
0x44: {  	[sflag:s30] =	ssyncadd.s32 $0xFFFFF000  }
0x45: {  	_ =	swait.ge [sflag:s31], $0x1000  }
0x46: {  	[sflag:s31] =	ssyncset.done $0x0  }
0x47: {  	p0 =	sne.s32 s12, $0x800;
	s15 =	simm.s32 $0x200;
	[sflag:s31] =	ssyncadd.s32 $0xFFFFF000  }
0x48: {  	[tilespmem:s17], [sflag:$0x1] =	stream.indirect.gather [hbm4b:s4+s16], $0x20, s15, s16, $0xb8;
	[tilespmem:$0x17240] =	vst v63  }
.Ltmp0:
0x49: {  	_ = 	snop;
	(pc) =	sbr.rel @!p0 .LBB2_3-.Ltmp0, $4  }
0x4a: {  	s1 =	simm.s32 $0x800;
	s19 =	simm.s32 $0x280  }
0x4b: {  	[tilespmem:s18], [sflag:$0x2] =	stream.indirect.gather [hbm4b:s4+s16], $0x20, s19, s16, $0xb8;
	[tilespmem:$0x17240] =	vst v63  }
0x4c: {  	s21 =	simm.s32 $0x300;
	s15 =	simm.s32 $0x1;
	s19 =	simm.s32 $0x380  }
0x4d: {  	[tilespmem:s20], [sflag:$0x3] =	stream.indirect.gather [hbm4b:s4+s16], $0x20, s21, s16, $0xb8;
	[tilespmem:$0x17240] =	vst v63  }
.LBB2_2:
0x4e: {  	[tilespmem:s22], [sflag:$0x4] =	stream.indirect.gather [hbm4b:s4+s16], $0x20, s19, s16, $0xb8;
	[tilespmem:$0x17240] =	vst v63  }
0x4f: {  	s19 =	smov.u32 s1;
	s1 =	sadd.s32 $0x800, s1;
	_ =	swait.ge [sflag:s23], $0x1000  }
0x50: {  	p0 =	sne.s32 s12, s1;
	[sflag:s23] =	ssyncset.done $0x0  }
0x51: {  	[sflag:s23] =	ssyncadd.s32 $0xFFFFF000  }
0x52: {  	_ =	swait.ge [sflag:s24], $0x1000  }
0x53: {  	[sflag:s24] =	ssyncset.done $0x0  }
0x54: {  	[sflag:s24] =	ssyncadd.s32 $0xFFFFF000  }
0x55: {  	_ =	swait.ge [sflag:s25], $0x1000  }
0x56: {  	[sflag:s25] =	ssyncset.done $0x0  }
0x57: {  	[sflag:s25] =	ssyncadd.s32 $0xFFFFF000  }
0x58: {  	_ =	swait.ge [sflag:s26], $0x1000  }
0x59: {  	s19 =	sshra.s32 s19, $0x2;
	[sflag:s26] =	ssyncset.done $0x0  }
0x5a: {  	s21 =	sadd.s32 $0x7200, s19;
	[sflag:s26] =	ssyncadd.s32 $0xFFFFF000  }
0x5b: {  	[spmem:s2] =	stream.indirect.scatter.add.f32 [tilespmem:s17], [sflag:$0x5], $0x20, s21, s16, $0xb8;
	[tilespmem:$0x17240] =	vst v63  }
0x5c: {  	s21 =	sadd.s32 $0x7280, s19  }
0x5d: {  	[spmem:s2] =	stream.indirect.scatter.add.f32 [tilespmem:s18], [sflag:$0x6], $0x20, s21, s16, $0xb8;
	[tilespmem:$0x17240] =	vst v63  }
0x5e: {  	s21 =	sadd.s32 $0x7300, s19  }
0x5f: {  	[spmem:s2] =	stream.indirect.scatter.add.f32 [tilespmem:s20], [sflag:$0x7], $0x20, s21, s16, $0xb8;
	[tilespmem:$0x17240] =	vst v63  }
0x60: {  	s21 =	sadd.s32 $0x7380, s19  }
0x61: {  	[spmem:s2] =	stream.indirect.scatter.add.f32 [tilespmem:s22], [sflag:$0x8], $0x20, s21, s16, $0xb8;
	[tilespmem:$0x17240] =	vst v63  }
0x62: {  	_ =	swait.ge [sflag:s28], $0x1000  }
0x63: {  	[sflag:s28] =	ssyncset.done $0x0  }
0x64: {  	[sflag:s28] =	ssyncadd.s32 $0xFFFFF000  }
0x65: {  	_ =	swait.ge [sflag:s29], $0x1000  }
0x66: {  	[sflag:s29] =	ssyncset.done $0x0  }
0x67: {  	[sflag:s29] =	ssyncadd.s32 $0xFFFFF000  }
0x68: {  	_ =	swait.ge [sflag:s30], $0x1000  }
0x69: {  	[sflag:s30] =	ssyncset.done $0x0  }
0x6a: {  	[sflag:s30] =	ssyncadd.s32 $0xFFFFF000  }
0x6b: {  	_ =	swait.ge [sflag:s31], $0x1000  }
0x6c: {  	[sflag:s31] =	ssyncset.done $0x0  }
0x6d: {  	s21 =	sadd.s32 $0x200, s19;
	[sflag:s31] =	ssyncadd.s32 $0xFFFFF000  }
0x6e: {  	[tilespmem:s17], [sflag:$0x1] =	stream.indirect.gather [hbm4b:s4+s16], $0x20, s21, s16, $0xb8;
	[tilespmem:$0x17240] =	vst v63  }
.Ltmp1:
0x6f: {  	s21 =	sadd.s32 $0x280, s19;
	(pc) =	sbr.rel @p0 .LBB2_2-.Ltmp1, $4  }
0x70: {  	[tilespmem:s18], [sflag:$0x2] =	stream.indirect.gather [hbm4b:s4+s16], $0x20, s21, s16, $0xb8;
	[tilespmem:$0x17240] =	vst v63  }
0x71: {  	s21 =	sadd.s32 $0x300, s19  }
0x72: {  	[tilespmem:s20], [sflag:$0x3] =	stream.indirect.gather [hbm4b:s4+s16], $0x20, s21, s16, $0xb8;
	[tilespmem:$0x17240] =	vst v63  }
0x73: {  	s15 =	sadd.s32 $0x1, s15;
	s19 =	sadd.s32 $0x380, s19  }
.LBB2_3:
0x74: {  	[tilespmem:s22], [sflag:$0x4] =	stream.indirect.gather [hbm4b:s4+s16], $0x20, s19, s16, $0xb8;
	[tilespmem:$0x17240] =	vst v63  }
0x75: {  	_ =	swait.ge [sflag:s23], $0x1000  }
0x76: {  	[sflag:s23] =	ssyncset.done $0x0  }
0x77: {  	[sflag:s23] =	ssyncadd.s32 $0xFFFFF000  }
0x78: {  	_ =	swait.ge [sflag:s24], $0x1000  }
0x79: {  	[sflag:s24] =	ssyncset.done $0x0  }
0x7a: {  	[sflag:s24] =	ssyncadd.s32 $0xFFFFF000  }
0x7b: {  	_ =	swait.ge [sflag:s25], $0x1000  }
0x7c: {  	[sflag:s25] =	ssyncset.done $0x0  }
0x7d: {  	[sflag:s25] =	ssyncadd.s32 $0xFFFFF000  }
0x7e: {  	_ =	swait.ge [sflag:s26], $0x1000  }
0x7f: {  	s19 =	sshra.s32 s1, $0x2;
	[sflag:s26] =	ssyncset.done $0x0  }
0x80: {  	s21 =	sadd.s32 $0x7200, s19;
	[sflag:s26] =	ssyncadd.s32 $0xFFFFF000  }
0x81: {  	[spmem:s2] =	stream.indirect.scatter.add.f32 [tilespmem:s17], [sflag:$0x5], $0x20, s21, s16, $0xb8;
	[tilespmem:$0x17240] =	vst v63  }
0x82: {  	s21 =	sadd.s32 $0x7280, s19  }
0x83: {  	[spmem:s2] =	stream.indirect.scatter.add.f32 [tilespmem:s18], [sflag:$0x6], $0x20, s21, s16, $0xb8;
	[tilespmem:$0x17240] =	vst v63  }
0x84: {  	s21 =	sadd.s32 $0x7300, s19  }
0x85: {  	[spmem:s2] =	stream.indirect.scatter.add.f32 [tilespmem:s20], [sflag:$0x7], $0x20, s21, s16, $0xb8;
	[tilespmem:$0x17240] =	vst v63  }
0x86: {  	s19 =	sadd.s32 $0x7380, s19  }
0x87: {  	[spmem:s2] =	stream.indirect.scatter.add.f32 [tilespmem:s22], [sflag:$0x8], $0x20, s19, s16, $0xb8;
	[tilespmem:$0x17240] =	vst v63  }
0x88: {  	_ =	swait.ge [sflag:s28], $0x1000  }
0x89: {  	[sflag:s28] =	ssyncset.done $0x0  }
0x8a: {  	[sflag:s28] =	ssyncadd.s32 $0xFFFFF000  }
0x8b: {  	_ =	swait.ge [sflag:s29], $0x1000  }
0x8c: {  	[sflag:s29] =	ssyncset.done $0x0  }
0x8d: {  	[sflag:s29] =	ssyncadd.s32 $0xFFFFF000  }
0x8e: {  	_ =	swait.ge [sflag:s30], $0x1000  }
0x8f: {  	[sflag:s30] =	ssyncset.done $0x0  }
0x90: {  	p0 =	sge.u32 s15, s9;
	[sflag:s30] =	ssyncadd.s32 $0xFFFFF000  }
0x91: {  	s1 =	sshra.s32 @!p0 s1, $0x2;
	_ =	swait.ge [sflag:s31], $0x1000  }
0x92: {  	s15 =	sadd.s32 @!p0 $0x200, s1;
	[sflag:s31] =	ssyncset.done $0x0  }
0x93: {  	s21 =	simm.s32 @!p0 $0xE400;
	s19 =	simm.s32 @!p0 $0x80;
	[sflag:s31] =	ssyncadd.s32 $0xFFFFF000  }
0x94: {  	[tilespmem:s21], [sflag:$0x1] =	stream.indirect.gather @!p0 [hbm4b:s4+s19], $0x20, s15, s19, $0xb8;
	[tilespmem:$0x17240] =	vst v63  }
0x95: {  	s15 =	sadd.s32 @!p0 $0x280, s1;
	s21 =	simm.s32 @!p0 $0xF400  }
0x96: {  	[tilespmem:s21], [sflag:$0x2] =	stream.indirect.gather @!p0 [hbm4b:s4+s19], $0x20, s15, s19, $0xb8;
	[tilespmem:$0x17240] =	vst v63  }
0x97: {  	s15 =	sadd.s32 @!p0 $0x300, s1;
	s21 =	simm.s32 @!p0 $0x10400  }
0x98: {  	[tilespmem:s21], [sflag:$0x3] =	stream.indirect.gather @!p0 [hbm4b:s4+s19], $0x20, s15, s19, $0xb8;
	[tilespmem:$0x17240] =	vst v63  }
0x99: {  	s0 =	sadd.s32 $0x1, s0;
	s1 =	sadd.s32 @!p0 $0x380, s1;
	s15 =	simm.s32 @!p0 $0x11400  }
0x9a: {  	[tilespmem:s15], [sflag:$0x4] =	stream.indirect.gather @!p0 [hbm4b:s4+s19], $0x20, s1, s19, $0xb8;
	[tilespmem:$0x17240] =	vst v63  }
0x9b: {  	p0 =	sne.s32 s0, s11  }
.Ltmp2:
0x9c: {  	[bflag:$0x0] =	sbarrier.arrive $0xFFFF;
	(pc) =	sbr.rel @p0 .LBB2_1-.Ltmp2, $4  }
0x9d: {  	[hbm:s10], [sflag:s6] =	dma.local [spmem:s13], $0x9C8  }
0x9e: {  	_ =	swait.ge [sflag:s14], $0x9C8  }
0x9f: {  	[sflag:s14] =	ssyncset.done $0x0  }
0xa0: {  	[sflag:s14] =	ssyncadd.s32 $0xFFFFF638  }
0xa1: {  	_ =	sfence.sel $0x180000  }
0xa2: {  	[bflag:$0x0] =	sbarrier.arrive $0xFFFF  }
0xa3: {  	_ =	strace $0x9000004A  }
0xa4: {  	s0 =	stileid.u32;
	[bflag:$0x2] =	sbarrier.arrive $0xFFFF  }
0xa5: {  	p0 =	sne.s32 s0, $0x0;
	s0 =	rddreg [dreg:$0x2]  }
0xa6: {  	s0 =	sadd.s32 @!p0 $0x100000, s0  }
0xa7: {  	[sflag:s0] =	ssyncadd.tile.s32 @!p0 $0x1;
	_ =	shalt  }
.Lfunc_end2:
_tile_overlayer_lowered:
.L_overlay_start_2:
0xa8: {  	(tag) =	ssettag $0x2  }
0xa9: {  	s0 =	rddreg [dreg:$0x0];
	s2 =	stileid.u32  }
0xaa: {  	s1 =	rddreg [dreg:$0x1];
	p0 =	sne.s32 s2, $0x0  }
0xab: {  	s3 =	rddreg [dreg:$0x2];
	[bflag:$0x3] =	sbarrier.arrive $0xFFFF;
	s2 =	simm.s32 @!p0 $0x1C09  }
0xac: {  	[timem:s3], [sflag:s2] =	dma.local @!p0 [hbm:s0], s1  }
0xad: {  	s0 =	simm.s32 @!p0 $0x9  }
0xae: {  	_ =	swait.ge @!p0 [sflag:s0], s1  }
0xaf: {  	s1 =	ssub.s32 @!p0 $0x0, s1;
	[sflag:s0] =	ssyncset.done @!p0 $0x0  }
0xb0: {  	[sflag:s0] =	ssyncadd.s32 @!p0 s1  }
0xb1: {  	[bflag:$0x3] =	sbarrier.arrive $0xFFFF  }
0xb2: {  	_ =	shalt  }

// kernel: kernel.16.cloned.1.call-start
scs
__scs_entry_jumppad:
0x0: {  	(pc) =	sbr.rel $0x88, $3  }
0x1: {  	(tag) =	ssettag $0x0;
	lr =	simm.s32 $0x1  }
0x2: {  	[smem:$0x3F81] =	sst lr;
	_ =	strace $0xD0000000  }
0x3: {  	_ = 	snop  }
0x4: {  	_ = 	snop  }
0x5: {  	_ = 	snop  }
0x6: {  	_ = 	snop  }
0x7: {  	_ = 	snop  }
__scs_overlays_trampoline_lowered:
0x8: {  	[smem:$0x3F90] =	sst s0  }
0x9: {  	[smem:$0x3F91] =	sst s1  }
0xa: {  	[smem:$0x3F92] =	sst s2  }
0xb: {  	[smem:$0x3F93] =	sst s3  }
0xc: {  	[smem:$0x3F94] =	sst s4  }
0xd: {  	[smem:$0x3F95] =	sst s5  }
0xe: {  	[smem:$0x3F96] =	sst s6  }
0xf: {  	[smem:$0x3F97] =	sst s7  }
0x10: {  	[smem:$0x3F98] =	sst s8  }
0x11: {  	[smem:$0x3F99] =	sst s9;
	s0 =	simm.s32 @!p0 $0x0  }
0x12: {  	s1 =	sld [smem:$0x3F7F];
	s0 =	simm.s32 @p0 $0x1  }
0x13: {  	[smem:$0x3F9A] =	sst s0;
	s0 =	simm.s32 @!p1 $0x0  }
0x14: {  	s2 =	sld [smem:$0x3F7E];
	s0 =	simm.s32 @p1 $0x1  }
0x15: {  	[smem:$0x3F9B] =	sst s0;
	s0 =	simm.s32 @!p2 $0x0  }
0x16: {  	s3 =	sld [smem:$0x3FDB];
	s0 =	simm.s32 @p2 $0x1  }
0x17: {  	s4 =	simm.s32 $0x1BF5;
	[smem:$0x3F9D] =	sst s0  }
0x18: {  	s0 =	sld [smem:$0x3F80];
	_ =	swait.ge [sflag:s4], $0x0  }
0x19: {  	s7 =	sld [smem:$0x3F81]  }
0x1a: {  	s8 =	sadd.s32 $0xFFFFE003, lr  }
0x1b: {  	s9 =	sadd.s32 $0xFFFFFEF7, lr;
	s5 =	simm.s32 $0xFFFFFFFF;
	p2 =	slt.u32 s8, $0xFFFFF086  }
0x1c: {  	p1 =	slt.u32 s9, $0xF7A;
	s5 =	simm.s32 @!p2 $0x0  }
0x1d: {  	s5 =	simm.s32 @p1 $0x1;
	p0 =	seq.s32 s7, s2  }
0x1e: {  	s7 =	smul.u32 @!p0 $0xF7A, s2;
	p2 =	seq.s32 @!p0 s5, $0x0  }
0x1f: {  	s9 =	smul.u32 $0xF7A, s1;
	s8 =	simm.s32 @!p0 $0x1BF5;
	p2 =	por !p2, p0  }
0x20: {  	[sflag:s8] =	ssyncset.s32 @!p0 $0xFFFFF086;
	s6 =	sadd.s32 @!p0 s3, s7;
	s7 =	simm.s32 @!p0 $0x108  }
0x21: {  	s3 =	sadd.s32 s3, s9;
	s6 =	sadd.s32 @!p0 $0x88, s6;
	s7 =	simm.s32 @p2 $0x1082  }
0x22: {  	[simem:s7], [sflag:s8] =	dma.local @!p0 [hbm:s6], $0xF7A  }
0x23: {  	s9 =	sor.u32 $0xD0000000, s2;
	s6 =	simm.s32 $0x108;
	_ =	swait.ge @!p0 [sflag:s8], $0x0  }
0x24: {  	s3 =	sadd.s32 $0x88, s3;
	s6 =	simm.s32 @!p1 $0x1082;
	[sflag:s4] =	ssyncset.s32 $0xFFFFF086  }
0x25: {  	[simem:s6], [sflag:s4] =	dma.local [hbm:s3], $0xF7A  }
0x26: {  	[smem:$0x3F81] =	sst s1;
	(tag) =	ssettag s2;
	_ =	strace s9  }
0x27: {  	s1 =	sld [smem:$0x3F91]  }
0x28: {  	s2 =	sld [smem:$0x3F92]  }
0x29: {  	s4 =	sld [smem:$0x3F94]  }
0x2a: {  	p0 =	seq.s32 s5, $0x0;
	s5 =	sld [smem:$0x3F95]  }
0x2b: {  	s6 =	sld [smem:$0x3F96]  }
0x2c: {  	s7 =	sld [smem:$0x3F97]  }
0x2d: {  	s3 =	simm.s32 $0x108;
	s8 =	sld [smem:$0x3F98]  }
0x2e: {  	s3 =	simm.s32 @!p0 $0x1082;
	s9 =	sld [smem:$0x3F99]  }
0x2f: {  	lr =	sadd.s32 s0, s3;
	s0 =	sld [smem:$0x3F90]  }
0x30: {  	s3 =	sld [smem:$0x3F93]  }
0x31: {  	[smem:$0x3F9C] =	sst s10  }
0x32: {  	s10 =	sld [smem:$0x3F9A];
	_ =	sdelay $0x3  }
0x33: {  	p0 =	seq.s32 s10, $0x1;
	s10 =	sld [smem:$0x3F9C];
	_ =	sdelay $0x3  }
0x34: {  	[smem:$0x3F9C] =	sst s10  }
0x35: {  	s10 =	sld [smem:$0x3F9B];
	_ =	sdelay $0x3  }
0x36: {  	p1 =	seq.s32 s10, $0x1;
	s10 =	sld [smem:$0x3F9C];
	_ =	sdelay $0x3  }
0x37: {  	[smem:$0x3F9C] =	sst s10  }
0x38: {  	s10 =	sld [smem:$0x3F9D]  }
0x39: {  	_ = 	snop;
	(pc) =	sbr.ind lr, $3  }
0x3a: {  	_ = 	snop  }
0x3b: {  	_ = 	snop  }
0x3c: {  	p2 =	seq.s32 s10, $0x1;
	s10 =	sld [smem:$0x3F9C]  }
0x3d: {  	_ =	shalt  }
0x3e: {  	_ =	shalt  }
0x3f: {  	_ =	shalt  }
0x40: {  	_ =	shalt  }
0x41: {  	_ =	shalt  }
0x42: {  	_ =	shalt  }
0x43: {  	_ =	shalt  }
0x44: {  	_ =	shalt  }
0x45: {  	_ =	shalt  }
0x46: {  	_ =	shalt  }
0x47: {  	_ =	shalt  }
0x48: {  	_ =	shalt  }
0x49: {  	_ =	shalt  }
0x4a: {  	_ =	shalt  }
0x4b: {  	_ =	shalt  }
0x4c: {  	_ =	shalt  }
0x4d: {  	_ =	shalt  }
0x4e: {  	_ =	shalt  }
0x4f: {  	_ =	shalt  }
0x50: {  	_ =	shalt  }
0x51: {  	_ =	shalt  }
0x52: {  	_ =	shalt  }
0x53: {  	_ =	shalt  }
0x54: {  	_ =	shalt  }
0x55: {  	_ =	shalt  }
0x56: {  	_ =	shalt  }
0x57: {  	_ =	shalt  }
0x58: {  	_ =	shalt  }
0x59: {  	_ =	shalt  }
0x5a: {  	_ =	shalt  }
0x5b: {  	_ =	shalt  }
0x5c: {  	_ =	shalt  }
0x5d: {  	_ =	shalt  }
0x5e: {  	_ =	shalt  }
0x5f: {  	_ =	shalt  }
0x60: {  	_ =	shalt  }
0x61: {  	_ =	shalt  }
0x62: {  	_ =	shalt  }
0x63: {  	_ =	shalt  }
0x64: {  	_ =	shalt  }
0x65: {  	_ =	shalt  }
0x66: {  	_ =	shalt  }
0x67: {  	_ =	shalt  }
0x68: {  	_ =	shalt  }
0x69: {  	_ =	shalt  }
0x6a: {  	_ =	shalt  }
0x6b: {  	_ =	shalt  }
0x6c: {  	_ =	shalt  }
0x6d: {  	_ =	shalt  }
0x6e: {  	_ =	shalt  }
0x6f: {  	_ =	shalt  }
0x70: {  	_ =	shalt  }
0x71: {  	_ =	shalt  }
0x72: {  	_ =	shalt  }
0x73: {  	_ =	shalt  }
0x74: {  	_ =	shalt  }
0x75: {  	_ =	shalt  }
0x76: {  	_ =	shalt  }
0x77: {  	_ =	shalt  }
0x78: {  	_ =	shalt  }
0x79: {  	_ =	shalt  }
0x7a: {  	_ =	shalt  }
0x7b: {  	_ =	shalt  }
0x7c: {  	_ =	shalt  }
0x7d: {  	_ =	shalt  }
0x7e: {  	_ =	shalt  }
0x7f: {  	_ =	shalt  }
0x80: {  	_ =	shalt  }
0x81: {  	_ =	shalt  }
0x82: {  	_ =	shalt  }
0x83: {  	_ =	shalt  }
0x84: {  	_ =	shalt  }
0x85: {  	_ =	shalt  }
0x86: {  	_ =	shalt  }
0x87: {  	_ =	shalt  }
.Lfunc_end0:
.L_simem_size_0:
called_computation.2_lowered:
.L_overlay_start_0:
0x88: {  	s2 =	sld [smem:$0x3FD9]  }
0x89: {  	s3 =	sld [smem:$0x3FFE];
	_ =	sdelay $0x1  }
0x8a: {  	s1 =	srdreg.scid  }
0x8b: {  	s0 =	sand.u32 $0x1, s1  }
0x8c: {  	s16 =	sshll.u32 s0, $0xA;
	s2 =	sadd.s32 s3, s2  }
0x8d: {  	s2 =	sadd.s32 s2, s16  }
0x8e: {  	[smem:$0x3FA8] =	sst s2  }
0x8f: {  	_ = 	snop  }
0x90: {  	(tm) =	ssettm $0x1  }
0x91: {  	s17 =	sld [smem:$0x3FFB];
	_ =	sdelay $0x3  }
0x92: {  	_ =	strace s17  }
0x93: {  	s2 =	sld [smem:$0x3FFC];
	_ =	sdelay $0x3  }
0x94: {  	_ =	strace s2  }
0x95: {  	s2 =	sld [smem:$0x3FFD];
	_ =	sdelay $0x3  }
0x96: {  	_ =	strace s2  }
0x97: {  	_ =	strace $0x8FFFFFFF  }
0x98: {  	s18 =	sld [smem:$0x3FDB];
	_ =	sdelay $0x1  }
0x99: {  	s19 =	simm.s32 $_scs_section_size  }
0x9a: {  	s4 =	simm.s32 $_size__tile_overlayer_lowered;
	s5 =	simm.s32 $_tile_overlayer_lowered  }
0x9b: {  	s22 =	simm.s32 $0x1BFF;
	s21 =	sshll.u32 s5, $0x1;
	s2 =	sadd.s32 s19, s18  }
0x9c: {  	s6 =	simm.s32 $0x0;
	s20 =	sshll.u32 s4, $0x1;
	s4 =	sadd.s32 s21, s2  }
0x9d: {  	[timem:s6], [sflag:s22] =	dma.local [hbm:s4], s20  }
0x9e: {  	_ =	swait.ge [sflag:s22], s20  }
0x9f: {  	s3 =	ssub.s32 $0x0, s20;
	[sflag:s22] =	ssyncset.done $0x0  }
0xa0: {  	[sflag:s22] =	ssyncadd.s32 s3;
	_ =	sdelay $0x1  }
0xa1: {  	s23 =	simm.s32 $0x1B8B  }
0xa2: {  	_ =	swait.ge [sflag:s23], $0x1  }
0xa3: {  	[sflag:s23] =	ssyncset.done $0x0  }
0xa4: {  	s25 =	simm.s32 $0x1B8E;
	s24 =	sld [smem:$0x3FFE];
	[sflag:s23] =	ssyncadd.s32 $0xFFFFFFFF  }
0xa5: {  	s26 =	simm.s32 $execute0_lowered;
	[smem:$0x3FD2] =	sst s25  }
0xa6: {  	s4 =	sshll.u32 s26, $0x1;
	_ =	strace $0x8000004C;
	[dreg:$0x1] =	wrdreg $0xFFFFFFFF  }
0xa7: {  	s28 =	simm.s32 $_size_execute0_lowered;
	s2 =	sadd.s32 s2, s4;
	[dreg:$0x0] =	wrdreg $0x0  }
0xa8: {  	s4 =	sshll.u32 s28, $0x1;
	[dreg:$0x2] =	wrdreg s2  }
0xa9: {  	[dreg:$0x3] =	wrdreg s4  }
0xaa: {  	[dreg:$0x4] =	wrdreg $0xC0  }
0xab: {  	_ =	task [dreg:s6], $0x5FFFF  }
0xac: {  	[dreg:$0x1] =	wrdreg $0xFFFFFFFF  }
0xad: {  	[dreg:$0x0] =	wrdreg $0x60  }
0xae: {  	[dreg:$0x2] =	wrdreg s24  }
0xaf: {  	[dreg:$0x3] =	wrdreg $0x124000  }
0xb0: {  	[dreg:$0x4] =	wrdreg $0x9  }
0xb1: {  	_ =	task.clear_ibuf [dreg:s6], $0x5FFFF;
	_ =	strace $0x9000004C  }
0xb2: {  	s29 =	simm.s32 $0x9;
	_ =	strace $0x8000004E  }
0xb3: {  	_ =	swait.ge [sflag:s29], $0x1  }
0xb4: {  	[sflag:s29] =	ssyncadd.s32 $0xFFFFFFFF  }
0xb5: {  	_ =	strace $0x9000004E  }
0xb6: {  	_ =	sfence  }
0xb7: {  	s30 =	sld [smem:$0x0];
	_ =	sdelay $0x2  }
0xb8: {  	s31 =	sshll.u32 s1, $0xD;
	s1 =	sshrl.u32 s1, $0x2  }
0xb9: {  	s3 =	sand.u32 $0x4000, s31;
	s1 =	sadd.s32 s1, s30  }
0xba: {  	s0 =	sor.u32 s3, s0;
	s1 =	sshll.u32 s1, $0x11  }
0xbb: {  	s0 =	sor.u32 s1, s0  }
0xbc: {  	s0 =	sadd.s32 $0x8F2B, s0  }
0xbd: {  	[sflag:s0] =	ssyncadd.remote.s32 $0x1  }
0xbe: {  	_ =	sfence.sel $0xFFFF  }
0xbf: {  	[dreg:$0x0] =	wrdreg $0xFFFFFFFF;
	(pc) =	sbr.abs _section_cstart, $3  }
0xc0: {  	[dreg:$0x1] =	wrdreg $0xFFFFFFFF  }
0xc1: {  	_ =	task.clear_ibuf [dreg:s6], $0x2FFFF;
	_ =	strace $0x9FFFFFFF  }
0xc2: {  	(tm) =	ssettm $0x7FFFFFFF  }
0xc3: {  	_ =	shalt  }
tec
execute0_lowered:
.L_overlay_start_1:
0x0: {  	(tag) =	ssettag $0x1  }
0x1: {  	s0 =	rddreg [dreg:$0x0]  }
0x2: {  	s2 =	rddreg [dreg:$0x1]  }
0x3: {  	s10 =	stileid.u32;
	s1 =	srdreg.scid  }
0x4: {  	s3 =	simm.s32 $0x0;
	s11 =	simm.s32 $0x39;
	s14 =	simm.s32 $0x9  }
0x5: {  	s16 =	simm.s32 $0x80;
	s17 =	simm.s32 $0xE400;
	s18 =	simm.s32 $0xF400  }
0x6: {  	s20 =	simm.s32 $0x10400;
	s22 =	simm.s32 $0x11400;
	s28 =	simm.s32 $0x5  }
0x7: {  	s29 =	simm.s32 $0x6;
	s30 =	simm.s32 $0x7;
	s4 =	smul.u32 $0x58, s10  }
0x8: {  	s31 =	simm.s32 $0x8;
	s1 =	sand.u32 $0x1, s1;
	s5 =	smul.u32 $0xE4, s10  }
0x9: {  	[smem:$0x7FF] =	sst s3;
	s23 =	smul.u32 $0x4E40, s10;
	s25 =	sshll.u32 s10, $0x6  }
0xa: {  	p0 =	seq.s32 s1, $0x0;
	_ =	strace $0x8000004D;
	s7 =	smul.u32 $0x4E400, s1  }
0xb: {  	s1 =	ssub.s32 $0x2, s1;
	s4 =	sadd.s32 $0xE40, s4;
	s24 =	sshrl.u32 s23, $0x3  }
0xc: {  	s9 =	sshrl.u32 s1, $0x1;
	s11 =	simm.s32 @!p0 $0x16;
	s13 =	sadd.s32 s23, s2  }
0xd: {  	s4 =	smov.u32 @p0 s5;
	s7 =	sadd.s32 s23, s7;
	s1 =	ssub.s32 s1, s9  }
0xe: {  	s9 =	sadd.s32 $0xFFFFFFFF, s11;
	s26 =	sshll.u32 s11, $0xB;
	s13 =	sshrl.u32 s13, $0x3  }
0xf: {  	s23 =	simm.s32 $0x1;
	s6 =	sshll.u32 s4, $0x4;
	s4 =	sadd.s32 $0x31000, s0  }
0x10: {  	s7 =	sshrl.u32 s7, $0x3;
	s11 =	smax.u32 s1, $0x1;
	s12 =	sadd.s32 $0xFFFFF800, s26  }
0x11: {  	s26 =	simm.s32 $0x4;
	s8 =	sadd.s32 s6, s0;
	s6 =	sadd.s32 s24, s0  }
0x12: {  	s0 =	sadd.s32 s7, s0;
	s24 =	simm.s32 $0x2;
	s5 =	sadd.s32 $0x3AE00, s6  }
0x13: {  	s6 =	sor.u32 $0x1C09, s25;
	s7 =	sadd.s32 $0x1CA00, s8;
	s8 =	sadd.s32 $0x5A00, s8  }
0x14: {  	s10 =	sadd.s32 $0x44C00, s0;
	s25 =	simm.s32 $0x3;
	s0 =	simm.s32 $0x0  }
.LBB2_1:
0x15: {  	[spmem:s13], [sflag:s6] =	dma.local [hbm:s5], $0x9C8  }
0x16: {  	_ =	swait.ge [sflag:s14], $0x9C8  }
0x17: {  	[sflag:s14] =	ssyncset.done $0x0  }
0x18: {  	[sflag:s14] =	ssyncadd.s32 $0xFFFFF638  }
0x19: {  	[tilespmem:s3], [sflag:$0x9] =	stream.linear.gather [hbm4b:s7+s3], $0x7200, $0x38;
	[tilespmem:$0x17240] =	vst v63  }
0x1a: {  	_ =	swait.ge [sflag:s14], $0x7200  }
0x1b: {  	[sflag:s14] =	ssyncset.done $0x0  }
0x1c: {  	s1 =	simm.s32 $0x7200;
	[sflag:s14] =	ssyncadd.s32 $0xFFFF8E00  }
0x1d: {  	[tilespmem:s1], [sflag:$0x9] =	stream.linear.gather [hbm4b:s8+s3], $0x7200, $0x38;
	[tilespmem:$0x17240] =	vst v63  }
0x1e: {  	_ =	swait.ge [sflag:s14], $0x7200  }
0x1f: {  	[sflag:s14] =	ssyncset.done $0x0  }
0x20: {  	[sflag:s14] =	ssyncadd.s32 $0xFFFF8E00  }
0x21: {  	[bflag:$0x0] =	sbarrier.arrive $0xFFFF  }
0x22: {  	[tilespmem:s17], [sflag:$0x1] =	stream.indirect.gather [hbm4b:s4+s16], $0x20, s3, s16, $0xb8;
	[tilespmem:$0x17240] =	vst v63  }
0x23: {  	_ = 	snop  }
0x24: {  	[tilespmem:s18], [sflag:$0x2] =	stream.indirect.gather [hbm4b:s4+s16], $0x20, s16, s16, $0xb8;
	[tilespmem:$0x17240] =	vst v63  }
0x25: {  	s15 =	simm.s32 $0x100  }
0x26: {  	[tilespmem:s20], [sflag:$0x3] =	stream.indirect.gather [hbm4b:s4+s16], $0x20, s15, s16, $0xb8;
	[tilespmem:$0x17240] =	vst v63  }
0x27: {  	s19 =	simm.s32 $0x180  }
0x28: {  	[tilespmem:s22], [sflag:$0x4] =	stream.indirect.gather [hbm4b:s4+s16], $0x20, s19, s16, $0xb8;
	[tilespmem:$0x17240] =	vst v63  }
0x29: {  	_ =	swait.ge [sflag:s23], $0x1000  }
0x2a: {  	[sflag:s23] =	ssyncset.done $0x0  }
0x2b: {  	[sflag:s23] =	ssyncadd.s32 $0xFFFFF000  }
0x2c: {  	_ =	swait.ge [sflag:s24], $0x1000  }
0x2d: {  	[sflag:s24] =	ssyncset.done $0x0  }
0x2e: {  	[sflag:s24] =	ssyncadd.s32 $0xFFFFF000  }
0x2f: {  	_ =	swait.ge [sflag:s25], $0x1000  }
0x30: {  	[sflag:s25] =	ssyncset.done $0x0  }
0x31: {  	[sflag:s25] =	ssyncadd.s32 $0xFFFFF000  }
0x32: {  	_ =	swait.ge [sflag:s26], $0x1000  }
0x33: {  	[sflag:s26] =	ssyncset.done $0x0  }
0x34: {  	s21 =	simm.s32 $0x7200;
	[sflag:s26] =	ssyncadd.s32 $0xFFFFF000  }
0x35: {  	[spmem:s2] =	stream.indirect.scatter.add.f32 [tilespmem:s17], [sflag:$0x5], $0x20, s21, s16, $0xb8;
	[tilespmem:$0x17240] =	vst v63  }
0x36: {  	s15 =	simm.s32 $0x7280  }
0x37: {  	[spmem:s2] =	stream.indirect.scatter.add.f32 [tilespmem:s18], [sflag:$0x6], $0x20, s15, s16, $0xb8;
	[tilespmem:$0x17240] =	vst v63  }
0x38: {  	s19 =	simm.s32 $0x7300  }
0x39: {  	[spmem:s2] =	stream.indirect.scatter.add.f32 [tilespmem:s20], [sflag:$0x7], $0x20, s19, s16, $0xb8;
	[tilespmem:$0x17240] =	vst v63  }
0x3a: {  	s21 =	simm.s32 $0x7380  }
0x3b: {  	[spmem:s2] =	stream.indirect.scatter.add.f32 [tilespmem:s22], [sflag:$0x8], $0x20, s21, s16, $0xb8;
	[tilespmem:$0x17240] =	vst v63  }
0x3c: {  	_ =	swait.ge [sflag:s28], $0x1000  }
0x3d: {  	[sflag:s28] =	ssyncset.done $0x0  }
0x3e: {  	[sflag:s28] =	ssyncadd.s32 $0xFFFFF000  }
0x3f: {  	_ =	swait.ge [sflag:s29], $0x1000  }
0x40: {  	[sflag:s29] =	ssyncset.done $0x0  }
0x41: {  	[sflag:s29] =	ssyncadd.s32 $0xFFFFF000  }
0x42: {  	_ =	swait.ge [sflag:s30], $0x1000  }
0x43: {  	[sflag:s30] =	ssyncset.done $0x0  }
0x44: {  	[sflag:s30] =	ssyncadd.s32 $0xFFFFF000  }
0x45: {  	_ =	swait.ge [sflag:s31], $0x1000  }
0x46: {  	[sflag:s31] =	ssyncset.done $0x0  }
0x47: {  	p0 =	sne.s32 s12, $0x800;
	s15 =	simm.s32 $0x200;
	[sflag:s31] =	ssyncadd.s32 $0xFFFFF000  }
0x48: {  	[tilespmem:s17], [sflag:$0x1] =	stream.indirect.gather [hbm4b:s4+s16], $0x20, s15, s16, $0xb8;
	[tilespmem:$0x17240] =	vst v63  }
.Ltmp0:
0x49: {  	_ = 	snop;
	(pc) =	sbr.rel @!p0 .LBB2_3-.Ltmp0, $4  }
0x4a: {  	s1 =	simm.s32 $0x800;
	s19 =	simm.s32 $0x280  }
0x4b: {  	[tilespmem:s18], [sflag:$0x2] =	stream.indirect.gather [hbm4b:s4+s16], $0x20, s19, s16, $0xb8;
	[tilespmem:$0x17240] =	vst v63  }
0x4c: {  	s21 =	simm.s32 $0x300;
	s15 =	simm.s32 $0x1;
	s19 =	simm.s32 $0x380  }
0x4d: {  	[tilespmem:s20], [sflag:$0x3] =	stream.indirect.gather [hbm4b:s4+s16], $0x20, s21, s16, $0xb8;
	[tilespmem:$0x17240] =	vst v63  }
.LBB2_2:
0x4e: {  	[tilespmem:s22], [sflag:$0x4] =	stream.indirect.gather [hbm4b:s4+s16], $0x20, s19, s16, $0xb8;
	[tilespmem:$0x17240] =	vst v63  }
0x4f: {  	s19 =	smov.u32 s1;
	s1 =	sadd.s32 $0x800, s1;
	_ =	swait.ge [sflag:s23], $0x1000  }
0x50: {  	p0 =	sne.s32 s12, s1;
	[sflag:s23] =	ssyncset.done $0x0  }
0x51: {  	[sflag:s23] =	ssyncadd.s32 $0xFFFFF000  }
0x52: {  	_ =	swait.ge [sflag:s24], $0x1000  }
0x53: {  	[sflag:s24] =	ssyncset.done $0x0  }
0x54: {  	[sflag:s24] =	ssyncadd.s32 $0xFFFFF000  }
0x55: {  	_ =	swait.ge [sflag:s25], $0x1000  }
0x56: {  	[sflag:s25] =	ssyncset.done $0x0  }
0x57: {  	[sflag:s25] =	ssyncadd.s32 $0xFFFFF000  }
0x58: {  	_ =	swait.ge [sflag:s26], $0x1000  }
0x59: {  	s19 =	sshra.s32 s19, $0x2;
	[sflag:s26] =	ssyncset.done $0x0  }
0x5a: {  	s21 =	sadd.s32 $0x7200, s19;
	[sflag:s26] =	ssyncadd.s32 $0xFFFFF000  }
0x5b: {  	[spmem:s2] =	stream.indirect.scatter.add.f32 [tilespmem:s17], [sflag:$0x5], $0x20, s21, s16, $0xb8;
	[tilespmem:$0x17240] =	vst v63  }
0x5c: {  	s21 =	sadd.s32 $0x7280, s19  }
0x5d: {  	[spmem:s2] =	stream.indirect.scatter.add.f32 [tilespmem:s18], [sflag:$0x6], $0x20, s21, s16, $0xb8;
	[tilespmem:$0x17240] =	vst v63  }
0x5e: {  	s21 =	sadd.s32 $0x7300, s19  }
0x5f: {  	[spmem:s2] =	stream.indirect.scatter.add.f32 [tilespmem:s20], [sflag:$0x7], $0x20, s21, s16, $0xb8;
	[tilespmem:$0x17240] =	vst v63  }
0x60: {  	s21 =	sadd.s32 $0x7380, s19  }
0x61: {  	[spmem:s2] =	stream.indirect.scatter.add.f32 [tilespmem:s22], [sflag:$0x8], $0x20, s21, s16, $0xb8;
	[tilespmem:$0x17240] =	vst v63  }
0x62: {  	_ =	swait.ge [sflag:s28], $0x1000  }
0x63: {  	[sflag:s28] =	ssyncset.done $0x0  }
0x64: {  	[sflag:s28] =	ssyncadd.s32 $0xFFFFF000  }
0x65: {  	_ =	swait.ge [sflag:s29], $0x1000  }
0x66: {  	[sflag:s29] =	ssyncset.done $0x0  }
0x67: {  	[sflag:s29] =	ssyncadd.s32 $0xFFFFF000  }
0x68: {  	_ =	swait.ge [sflag:s30], $0x1000  }
0x69: {  	[sflag:s30] =	ssyncset.done $0x0  }
0x6a: {  	[sflag:s30] =	ssyncadd.s32 $0xFFFFF000  }
0x6b: {  	_ =	swait.ge [sflag:s31], $0x1000  }
0x6c: {  	[sflag:s31] =	ssyncset.done $0x0  }
0x6d: {  	s21 =	sadd.s32 $0x200, s19;
	[sflag:s31] =	ssyncadd.s32 $0xFFFFF000  }
0x6e: {  	[tilespmem:s17], [sflag:$0x1] =	stream.indirect.gather [hbm4b:s4+s16], $0x20, s21, s16, $0xb8;
	[tilespmem:$0x17240] =	vst v63  }
.Ltmp1:
0x6f: {  	s21 =	sadd.s32 $0x280, s19;
	(pc) =	sbr.rel @p0 .LBB2_2-.Ltmp1, $4  }
0x70: {  	[tilespmem:s18], [sflag:$0x2] =	stream.indirect.gather [hbm4b:s4+s16], $0x20, s21, s16, $0xb8;
	[tilespmem:$0x17240] =	vst v63  }
0x71: {  	s21 =	sadd.s32 $0x300, s19  }
0x72: {  	[tilespmem:s20], [sflag:$0x3] =	stream.indirect.gather [hbm4b:s4+s16], $0x20, s21, s16, $0xb8;
	[tilespmem:$0x17240] =	vst v63  }
0x73: {  	s15 =	sadd.s32 $0x1, s15;
	s19 =	sadd.s32 $0x380, s19  }
.LBB2_3:
0x74: {  	[tilespmem:s22], [sflag:$0x4] =	stream.indirect.gather [hbm4b:s4+s16], $0x20, s19, s16, $0xb8;
	[tilespmem:$0x17240] =	vst v63  }
0x75: {  	_ =	swait.ge [sflag:s23], $0x1000  }
0x76: {  	[sflag:s23] =	ssyncset.done $0x0  }
0x77: {  	[sflag:s23] =	ssyncadd.s32 $0xFFFFF000  }
0x78: {  	_ =	swait.ge [sflag:s24], $0x1000  }
0x79: {  	[sflag:s24] =	ssyncset.done $0x0  }
0x7a: {  	[sflag:s24] =	ssyncadd.s32 $0xFFFFF000  }
0x7b: {  	_ =	swait.ge [sflag:s25], $0x1000  }
0x7c: {  	[sflag:s25] =	ssyncset.done $0x0  }
0x7d: {  	[sflag:s25] =	ssyncadd.s32 $0xFFFFF000  }
0x7e: {  	_ =	swait.ge [sflag:s26], $0x1000  }
0x7f: {  	s19 =	sshra.s32 s1, $0x2;
	[sflag:s26] =	ssyncset.done $0x0  }
0x80: {  	s21 =	sadd.s32 $0x7200, s19;
	[sflag:s26] =	ssyncadd.s32 $0xFFFFF000  }
0x81: {  	[spmem:s2] =	stream.indirect.scatter.add.f32 [tilespmem:s17], [sflag:$0x5], $0x20, s21, s16, $0xb8;
	[tilespmem:$0x17240] =	vst v63  }
0x82: {  	s21 =	sadd.s32 $0x7280, s19  }
0x83: {  	[spmem:s2] =	stream.indirect.scatter.add.f32 [tilespmem:s18], [sflag:$0x6], $0x20, s21, s16, $0xb8;
	[tilespmem:$0x17240] =	vst v63  }
0x84: {  	s21 =	sadd.s32 $0x7300, s19  }
0x85: {  	[spmem:s2] =	stream.indirect.scatter.add.f32 [tilespmem:s20], [sflag:$0x7], $0x20, s21, s16, $0xb8;
	[tilespmem:$0x17240] =	vst v63  }
0x86: {  	s19 =	sadd.s32 $0x7380, s19  }
0x87: {  	[spmem:s2] =	stream.indirect.scatter.add.f32 [tilespmem:s22], [sflag:$0x8], $0x20, s19, s16, $0xb8;
	[tilespmem:$0x17240] =	vst v63  }
0x88: {  	_ =	swait.ge [sflag:s28], $0x1000  }
0x89: {  	[sflag:s28] =	ssyncset.done $0x0  }
0x8a: {  	[sflag:s28] =	ssyncadd.s32 $0xFFFFF000  }
0x8b: {  	_ =	swait.ge [sflag:s29], $0x1000  }
0x8c: {  	[sflag:s29] =	ssyncset.done $0x0  }
0x8d: {  	[sflag:s29] =	ssyncadd.s32 $0xFFFFF000  }
0x8e: {  	_ =	swait.ge [sflag:s30], $0x1000  }
0x8f: {  	[sflag:s30] =	ssyncset.done $0x0  }
0x90: {  	p0 =	sge.u32 s15, s9;
	[sflag:s30] =	ssyncadd.s32 $0xFFFFF000  }
0x91: {  	s1 =	sshra.s32 @!p0 s1, $0x2;
	_ =	swait.ge [sflag:s31], $0x1000  }
0x92: {  	s15 =	sadd.s32 @!p0 $0x200, s1;
	[sflag:s31] =	ssyncset.done $0x0  }
0x93: {  	s21 =	simm.s32 @!p0 $0xE400;
	s19 =	simm.s32 @!p0 $0x80;
	[sflag:s31] =	ssyncadd.s32 $0xFFFFF000  }
0x94: {  	[tilespmem:s21], [sflag:$0x1] =	stream.indirect.gather @!p0 [hbm4b:s4+s19], $0x20, s15, s19, $0xb8;
	[tilespmem:$0x17240] =	vst v63  }
0x95: {  	s15 =	sadd.s32 @!p0 $0x280, s1;
	s21 =	simm.s32 @!p0 $0xF400  }
0x96: {  	[tilespmem:s21], [sflag:$0x2] =	stream.indirect.gather @!p0 [hbm4b:s4+s19], $0x20, s15, s19, $0xb8;
	[tilespmem:$0x17240] =	vst v63  }
0x97: {  	s15 =	sadd.s32 @!p0 $0x300, s1;
	s21 =	simm.s32 @!p0 $0x10400  }
0x98: {  	[tilespmem:s21], [sflag:$0x3] =	stream.indirect.gather @!p0 [hbm4b:s4+s19], $0x20, s15, s19, $0xb8;
	[tilespmem:$0x17240] =	vst v63  }
0x99: {  	s0 =	sadd.s32 $0x1, s0;
	s1 =	sadd.s32 @!p0 $0x380, s1;
	s15 =	simm.s32 @!p0 $0x11400  }
0x9a: {  	[tilespmem:s15], [sflag:$0x4] =	stream.indirect.gather @!p0 [hbm4b:s4+s19], $0x20, s1, s19, $0xb8;
	[tilespmem:$0x17240] =	vst v63  }
0x9b: {  	p0 =	sne.s32 s0, s11  }
.Ltmp2:
0x9c: {  	[bflag:$0x0] =	sbarrier.arrive $0xFFFF;
	(pc) =	sbr.rel @p0 .LBB2_1-.Ltmp2, $4  }
0x9d: {  	[hbm:s10], [sflag:s6] =	dma.local [spmem:s13], $0x9C8  }
0x9e: {  	_ =	swait.ge [sflag:s14], $0x9C8  }
0x9f: {  	[sflag:s14] =	ssyncset.done $0x0  }
0xa0: {  	[sflag:s14] =	ssyncadd.s32 $0xFFFFF638  }
0xa1: {  	_ =	sfence.sel $0x180000  }
0xa2: {  	[bflag:$0x0] =	sbarrier.arrive $0xFFFF  }
0xa3: {  	_ =	strace $0x9000004D  }
0xa4: {  	s0 =	stileid.u32;
	[bflag:$0x2] =	sbarrier.arrive $0xFFFF  }
0xa5: {  	p0 =	sne.s32 s0, $0x0;
	s0 =	rddreg [dreg:$0x2]  }
0xa6: {  	s0 =	sadd.s32 @!p0 $0x100000, s0  }
0xa7: {  	[sflag:s0] =	ssyncadd.tile.s32 @!p0 $0x1;
	_ =	shalt  }
.Lfunc_end2:
_tile_overlayer_lowered:
.L_overlay_start_2:
0xa8: {  	(tag) =	ssettag $0x2  }
0xa9: {  	s0 =	rddreg [dreg:$0x0];
	s2 =	stileid.u32  }
0xaa: {  	s1 =	rddreg [dreg:$0x1];
	p0 =	sne.s32 s2, $0x0  }
0xab: {  	s3 =	rddreg [dreg:$0x2];
	[bflag:$0x3] =	sbarrier.arrive $0xFFFF;
	s2 =	simm.s32 @!p0 $0x1C09  }
0xac: {  	[timem:s3], [sflag:s2] =	dma.local @!p0 [hbm:s0], s1  }
0xad: {  	s0 =	simm.s32 @!p0 $0x9  }
0xae: {  	_ =	swait.ge @!p0 [sflag:s0], s1  }
0xaf: {  	s1 =	ssub.s32 @!p0 $0x0, s1;
	[sflag:s0] =	ssyncset.done @!p0 $0x0  }
0xb0: {  	[sflag:s0] =	ssyncadd.s32 @!p0 s1  }
0xb1: {  	[bflag:$0x3] =	sbarrier.arrive $0xFFFF  }
0xb2: {  	_ =	shalt  }

// kernel: kernel.19.cloned.1.call-start
scs
__scs_entry_jumppad:
0x0: {  	(pc) =	sbr.rel $0x88, $3  }
0x1: {  	(tag) =	ssettag $0x0;
	lr =	simm.s32 $0x1  }
0x2: {  	[smem:$0x3F81] =	sst lr;
	_ =	strace $0xD0000000  }
0x3: {  	_ = 	snop  }
0x4: {  	_ = 	snop  }
0x5: {  	_ = 	snop  }
0x6: {  	_ = 	snop  }
0x7: {  	_ = 	snop  }
__scs_overlays_trampoline_lowered:
0x8: {  	[smem:$0x3F90] =	sst s0  }
0x9: {  	[smem:$0x3F91] =	sst s1  }
0xa: {  	[smem:$0x3F92] =	sst s2  }
0xb: {  	[smem:$0x3F93] =	sst s3  }
0xc: {  	[smem:$0x3F94] =	sst s4  }
0xd: {  	[smem:$0x3F95] =	sst s5  }
0xe: {  	[smem:$0x3F96] =	sst s6  }
0xf: {  	[smem:$0x3F97] =	sst s7  }
0x10: {  	[smem:$0x3F98] =	sst s8  }
0x11: {  	[smem:$0x3F99] =	sst s9;
	s0 =	simm.s32 @!p0 $0x0  }
0x12: {  	s1 =	sld [smem:$0x3F7F];
	s0 =	simm.s32 @p0 $0x1  }
0x13: {  	[smem:$0x3F9A] =	sst s0;
	s0 =	simm.s32 @!p1 $0x0  }
0x14: {  	s2 =	sld [smem:$0x3F7E];
	s0 =	simm.s32 @p1 $0x1  }
0x15: {  	[smem:$0x3F9B] =	sst s0;
	s0 =	simm.s32 @!p2 $0x0  }
0x16: {  	s3 =	sld [smem:$0x3FDB];
	s0 =	simm.s32 @p2 $0x1  }
0x17: {  	s4 =	simm.s32 $0x1BF5;
	[smem:$0x3F9D] =	sst s0  }
0x18: {  	s0 =	sld [smem:$0x3F80];
	_ =	swait.ge [sflag:s4], $0x0  }
0x19: {  	s7 =	sld [smem:$0x3F81]  }
0x1a: {  	s8 =	sadd.s32 $0xFFFFE003, lr  }
0x1b: {  	s9 =	sadd.s32 $0xFFFFFEF7, lr;
	s5 =	simm.s32 $0xFFFFFFFF;
	p2 =	slt.u32 s8, $0xFFFFF086  }
0x1c: {  	p1 =	slt.u32 s9, $0xF7A;
	s5 =	simm.s32 @!p2 $0x0  }
0x1d: {  	s5 =	simm.s32 @p1 $0x1;
	p0 =	seq.s32 s7, s2  }
0x1e: {  	s7 =	smul.u32 @!p0 $0xF7A, s2;
	p2 =	seq.s32 @!p0 s5, $0x0  }
0x1f: {  	s9 =	smul.u32 $0xF7A, s1;
	s8 =	simm.s32 @!p0 $0x1BF5;
	p2 =	por !p2, p0  }
0x20: {  	[sflag:s8] =	ssyncset.s32 @!p0 $0xFFFFF086;
	s6 =	sadd.s32 @!p0 s3, s7;
	s7 =	simm.s32 @!p0 $0x108  }
0x21: {  	s3 =	sadd.s32 s3, s9;
	s6 =	sadd.s32 @!p0 $0x88, s6;
	s7 =	simm.s32 @p2 $0x1082  }
0x22: {  	[simem:s7], [sflag:s8] =	dma.local @!p0 [hbm:s6], $0xF7A  }
0x23: {  	s9 =	sor.u32 $0xD0000000, s2;
	s6 =	simm.s32 $0x108;
	_ =	swait.ge @!p0 [sflag:s8], $0x0  }
0x24: {  	s3 =	sadd.s32 $0x88, s3;
	s6 =	simm.s32 @!p1 $0x1082;
	[sflag:s4] =	ssyncset.s32 $0xFFFFF086  }
0x25: {  	[simem:s6], [sflag:s4] =	dma.local [hbm:s3], $0xF7A  }
0x26: {  	[smem:$0x3F81] =	sst s1;
	(tag) =	ssettag s2;
	_ =	strace s9  }
0x27: {  	s1 =	sld [smem:$0x3F91]  }
0x28: {  	s2 =	sld [smem:$0x3F92]  }
0x29: {  	s4 =	sld [smem:$0x3F94]  }
0x2a: {  	p0 =	seq.s32 s5, $0x0;
	s5 =	sld [smem:$0x3F95]  }
0x2b: {  	s6 =	sld [smem:$0x3F96]  }
0x2c: {  	s7 =	sld [smem:$0x3F97]  }
0x2d: {  	s3 =	simm.s32 $0x108;
	s8 =	sld [smem:$0x3F98]  }
0x2e: {  	s3 =	simm.s32 @!p0 $0x1082;
	s9 =	sld [smem:$0x3F99]  }
0x2f: {  	lr =	sadd.s32 s0, s3;
	s0 =	sld [smem:$0x3F90]  }
0x30: {  	s3 =	sld [smem:$0x3F93]  }
0x31: {  	[smem:$0x3F9C] =	sst s10  }
0x32: {  	s10 =	sld [smem:$0x3F9A];
	_ =	sdelay $0x3  }
0x33: {  	p0 =	seq.s32 s10, $0x1;
	s10 =	sld [smem:$0x3F9C];
	_ =	sdelay $0x3  }
0x34: {  	[smem:$0x3F9C] =	sst s10  }
0x35: {  	s10 =	sld [smem:$0x3F9B];
	_ =	sdelay $0x3  }
0x36: {  	p1 =	seq.s32 s10, $0x1;
	s10 =	sld [smem:$0x3F9C];
	_ =	sdelay $0x3  }
0x37: {  	[smem:$0x3F9C] =	sst s10  }
0x38: {  	s10 =	sld [smem:$0x3F9D]  }
0x39: {  	_ = 	snop;
	(pc) =	sbr.ind lr, $3  }
0x3a: {  	_ = 	snop  }
0x3b: {  	_ = 	snop  }
0x3c: {  	p2 =	seq.s32 s10, $0x1;
	s10 =	sld [smem:$0x3F9C]  }
0x3d: {  	_ =	shalt  }
0x3e: {  	_ =	shalt  }
0x3f: {  	_ =	shalt  }
0x40: {  	_ =	shalt  }
0x41: {  	_ =	shalt  }
0x42: {  	_ =	shalt  }
0x43: {  	_ =	shalt  }
0x44: {  	_ =	shalt  }
0x45: {  	_ =	shalt  }
0x46: {  	_ =	shalt  }
0x47: {  	_ =	shalt  }
0x48: {  	_ =	shalt  }
0x49: {  	_ =	shalt  }
0x4a: {  	_ =	shalt  }
0x4b: {  	_ =	shalt  }
0x4c: {  	_ =	shalt  }
0x4d: {  	_ =	shalt  }
0x4e: {  	_ =	shalt  }
0x4f: {  	_ =	shalt  }
0x50: {  	_ =	shalt  }
0x51: {  	_ =	shalt  }
0x52: {  	_ =	shalt  }
0x53: {  	_ =	shalt  }
0x54: {  	_ =	shalt  }
0x55: {  	_ =	shalt  }
0x56: {  	_ =	shalt  }
0x57: {  	_ =	shalt  }
0x58: {  	_ =	shalt  }
0x59: {  	_ =	shalt  }
0x5a: {  	_ =	shalt  }
0x5b: {  	_ =	shalt  }
0x5c: {  	_ =	shalt  }
0x5d: {  	_ =	shalt  }
0x5e: {  	_ =	shalt  }
0x5f: {  	_ =	shalt  }
0x60: {  	_ =	shalt  }
0x61: {  	_ =	shalt  }
0x62: {  	_ =	shalt  }
0x63: {  	_ =	shalt  }
0x64: {  	_ =	shalt  }
0x65: {  	_ =	shalt  }
0x66: {  	_ =	shalt  }
0x67: {  	_ =	shalt  }
0x68: {  	_ =	shalt  }
0x69: {  	_ =	shalt  }
0x6a: {  	_ =	shalt  }
0x6b: {  	_ =	shalt  }
0x6c: {  	_ =	shalt  }
0x6d: {  	_ =	shalt  }
0x6e: {  	_ =	shalt  }
0x6f: {  	_ =	shalt  }
0x70: {  	_ =	shalt  }
0x71: {  	_ =	shalt  }
0x72: {  	_ =	shalt  }
0x73: {  	_ =	shalt  }
0x74: {  	_ =	shalt  }
0x75: {  	_ =	shalt  }
0x76: {  	_ =	shalt  }
0x77: {  	_ =	shalt  }
0x78: {  	_ =	shalt  }
0x79: {  	_ =	shalt  }
0x7a: {  	_ =	shalt  }
0x7b: {  	_ =	shalt  }
0x7c: {  	_ =	shalt  }
0x7d: {  	_ =	shalt  }
0x7e: {  	_ =	shalt  }
0x7f: {  	_ =	shalt  }
0x80: {  	_ =	shalt  }
0x81: {  	_ =	shalt  }
0x82: {  	_ =	shalt  }
0x83: {  	_ =	shalt  }
0x84: {  	_ =	shalt  }
0x85: {  	_ =	shalt  }
0x86: {  	_ =	shalt  }
0x87: {  	_ =	shalt  }
.Lfunc_end0:
.L_simem_size_0:
called_computation.3_lowered:
.L_overlay_start_0:
0x88: {  	s2 =	sld [smem:$0x3FD9]  }
0x89: {  	s3 =	sld [smem:$0x3FFE];
	_ =	sdelay $0x1  }
0x8a: {  	s1 =	srdreg.scid  }
0x8b: {  	s0 =	sand.u32 $0x1, s1  }
0x8c: {  	s16 =	sshll.u32 s0, $0xA;
	s2 =	sadd.s32 s3, s2  }
0x8d: {  	s2 =	sadd.s32 s2, s16  }
0x8e: {  	[smem:$0x3FA8] =	sst s2  }
0x8f: {  	_ = 	snop  }
0x90: {  	(tm) =	ssettm $0x1  }
0x91: {  	s17 =	sld [smem:$0x3FFB];
	_ =	sdelay $0x3  }
0x92: {  	_ =	strace s17  }
0x93: {  	s2 =	sld [smem:$0x3FFC];
	_ =	sdelay $0x3  }
0x94: {  	_ =	strace s2  }
0x95: {  	s2 =	sld [smem:$0x3FFD];
	_ =	sdelay $0x3  }
0x96: {  	_ =	strace s2  }
0x97: {  	_ =	strace $0x8FFFFFFF  }
0x98: {  	s18 =	sld [smem:$0x3FDB];
	_ =	sdelay $0x1  }
0x99: {  	s19 =	simm.s32 $_scs_section_size  }
0x9a: {  	s4 =	simm.s32 $_size__tile_overlayer_lowered;
	s5 =	simm.s32 $_tile_overlayer_lowered  }
0x9b: {  	s22 =	simm.s32 $0x1BFF;
	s21 =	sshll.u32 s5, $0x1;
	s2 =	sadd.s32 s19, s18  }
0x9c: {  	s6 =	simm.s32 $0x0;
	s20 =	sshll.u32 s4, $0x1;
	s4 =	sadd.s32 s21, s2  }
0x9d: {  	[timem:s6], [sflag:s22] =	dma.local [hbm:s4], s20  }
0x9e: {  	_ =	swait.ge [sflag:s22], s20  }
0x9f: {  	s3 =	ssub.s32 $0x0, s20;
	[sflag:s22] =	ssyncset.done $0x0  }
0xa0: {  	[sflag:s22] =	ssyncadd.s32 s3;
	_ =	sdelay $0x1  }
0xa1: {  	s23 =	simm.s32 $0x1B8B  }
0xa2: {  	_ =	swait.ge [sflag:s23], $0x1  }
0xa3: {  	[sflag:s23] =	ssyncset.done $0x0  }
0xa4: {  	s25 =	simm.s32 $0x1B8E;
	s24 =	sld [smem:$0x3FFE];
	[sflag:s23] =	ssyncadd.s32 $0xFFFFFFFF  }
0xa5: {  	s26 =	simm.s32 $execute0_lowered;
	[smem:$0x3FD2] =	sst s25  }
0xa6: {  	s4 =	sshll.u32 s26, $0x1;
	_ =	strace $0x8000004F;
	[dreg:$0x1] =	wrdreg $0xFFFFFFFF  }
0xa7: {  	s28 =	simm.s32 $_size_execute0_lowered;
	s2 =	sadd.s32 s2, s4;
	[dreg:$0x0] =	wrdreg $0x0  }
0xa8: {  	s4 =	sshll.u32 s28, $0x1;
	[dreg:$0x2] =	wrdreg s2  }
0xa9: {  	[dreg:$0x3] =	wrdreg s4  }
0xaa: {  	[dreg:$0x4] =	wrdreg $0xC0  }
0xab: {  	_ =	task [dreg:s6], $0x5FFFF  }
0xac: {  	[dreg:$0x1] =	wrdreg $0xFFFFFFFF  }
0xad: {  	[dreg:$0x0] =	wrdreg $0x60  }
0xae: {  	[dreg:$0x2] =	wrdreg s24  }
0xaf: {  	[dreg:$0x3] =	wrdreg $0x124000  }
0xb0: {  	[dreg:$0x4] =	wrdreg $0x9  }
0xb1: {  	_ =	task.clear_ibuf [dreg:s6], $0x5FFFF;
	_ =	strace $0x9000004F  }
0xb2: {  	s29 =	simm.s32 $0x9;
	_ =	strace $0x80000051  }
0xb3: {  	_ =	swait.ge [sflag:s29], $0x1  }
0xb4: {  	[sflag:s29] =	ssyncadd.s32 $0xFFFFFFFF  }
0xb5: {  	_ =	strace $0x90000051  }
0xb6: {  	_ =	sfence  }
0xb7: {  	s30 =	sld [smem:$0x0];
	_ =	sdelay $0x2  }
0xb8: {  	s31 =	sshll.u32 s1, $0xD;
	s1 =	sshrl.u32 s1, $0x2  }
0xb9: {  	s3 =	sand.u32 $0x4000, s31;
	s1 =	sadd.s32 s1, s30  }
0xba: {  	s0 =	sor.u32 s3, s0;
	s1 =	sshll.u32 s1, $0x11  }
0xbb: {  	s0 =	sor.u32 s1, s0  }
0xbc: {  	s0 =	sadd.s32 $0x8F2B, s0  }
0xbd: {  	[sflag:s0] =	ssyncadd.remote.s32 $0x1  }
0xbe: {  	_ =	sfence.sel $0xFFFF  }
0xbf: {  	[dreg:$0x0] =	wrdreg $0xFFFFFFFF;
	(pc) =	sbr.abs _section_cstart, $3  }
0xc0: {  	[dreg:$0x1] =	wrdreg $0xFFFFFFFF  }
0xc1: {  	_ =	task.clear_ibuf [dreg:s6], $0x2FFFF;
	_ =	strace $0x9FFFFFFF  }
0xc2: {  	(tm) =	ssettm $0x7FFFFFFF  }
0xc3: {  	_ =	shalt  }
tec
execute0_lowered:
.L_overlay_start_1:
0x0: {  	(tag) =	ssettag $0x1  }
0x1: {  	s0 =	rddreg [dreg:$0x0]  }
0x2: {  	s2 =	rddreg [dreg:$0x1]  }
0x3: {  	s10 =	stileid.u32;
	s1 =	srdreg.scid  }
0x4: {  	s3 =	simm.s32 $0x0;
	s11 =	simm.s32 $0x39;
	s14 =	simm.s32 $0x9  }
0x5: {  	s16 =	simm.s32 $0x80;
	s17 =	simm.s32 $0xE400;
	s18 =	simm.s32 $0xF400  }
0x6: {  	s20 =	simm.s32 $0x10400;
	s22 =	simm.s32 $0x11400;
	s28 =	simm.s32 $0x5  }
0x7: {  	s29 =	simm.s32 $0x6;
	s30 =	simm.s32 $0x7;
	s4 =	smul.u32 $0x58, s10  }
0x8: {  	s31 =	simm.s32 $0x8;
	s1 =	sand.u32 $0x1, s1;
	s5 =	smul.u32 $0xE4, s10  }
0x9: {  	[smem:$0x7FF] =	sst s3;
	s23 =	smul.u32 $0x4E40, s10;
	s25 =	sshll.u32 s10, $0x6  }
0xa: {  	p0 =	seq.s32 s1, $0x0;
	_ =	strace $0x80000050;
	s7 =	smul.u32 $0x4E400, s1  }
0xb: {  	s1 =	ssub.s32 $0x2, s1;
	s4 =	sadd.s32 $0xE40, s4;
	s24 =	sshrl.u32 s23, $0x3  }
0xc: {  	s9 =	sshrl.u32 s1, $0x1;
	s11 =	simm.s32 @!p0 $0x16;
	s13 =	sadd.s32 s23, s2  }
0xd: {  	s4 =	smov.u32 @p0 s5;
	s7 =	sadd.s32 s23, s7;
	s1 =	ssub.s32 s1, s9  }
0xe: {  	s9 =	sadd.s32 $0xFFFFFFFF, s11;
	s26 =	sshll.u32 s11, $0xB;
	s13 =	sshrl.u32 s13, $0x3  }
0xf: {  	s23 =	simm.s32 $0x1;
	s6 =	sshll.u32 s4, $0x4;
	s4 =	sadd.s32 $0x31000, s0  }
0x10: {  	s7 =	sshrl.u32 s7, $0x3;
	s11 =	smax.u32 s1, $0x1;
	s12 =	sadd.s32 $0xFFFFF800, s26  }
0x11: {  	s26 =	simm.s32 $0x4;
	s8 =	sadd.s32 s6, s0;
	s6 =	sadd.s32 s24, s0  }
0x12: {  	s0 =	sadd.s32 s7, s0;
	s24 =	simm.s32 $0x2;
	s5 =	sadd.s32 $0x3AE00, s6  }
0x13: {  	s6 =	sor.u32 $0x1C09, s25;
	s7 =	sadd.s32 $0x1CA00, s8;
	s8 =	sadd.s32 $0x5A00, s8  }
0x14: {  	s10 =	sadd.s32 $0x44C00, s0;
	s25 =	simm.s32 $0x3;
	s0 =	simm.s32 $0x0  }
.LBB2_1:
0x15: {  	[spmem:s13], [sflag:s6] =	dma.local [hbm:s5], $0x9C8  }
0x16: {  	_ =	swait.ge [sflag:s14], $0x9C8  }
0x17: {  	[sflag:s14] =	ssyncset.done $0x0  }
0x18: {  	[sflag:s14] =	ssyncadd.s32 $0xFFFFF638  }
0x19: {  	[tilespmem:s3], [sflag:$0x9] =	stream.linear.gather [hbm4b:s7+s3], $0x7200, $0x38;
	[tilespmem:$0x17240] =	vst v63  }
0x1a: {  	_ =	swait.ge [sflag:s14], $0x7200  }
0x1b: {  	[sflag:s14] =	ssyncset.done $0x0  }
0x1c: {  	s1 =	simm.s32 $0x7200;
	[sflag:s14] =	ssyncadd.s32 $0xFFFF8E00  }
0x1d: {  	[tilespmem:s1], [sflag:$0x9] =	stream.linear.gather [hbm4b:s8+s3], $0x7200, $0x38;
	[tilespmem:$0x17240] =	vst v63  }
0x1e: {  	_ =	swait.ge [sflag:s14], $0x7200  }
0x1f: {  	[sflag:s14] =	ssyncset.done $0x0  }
0x20: {  	[sflag:s14] =	ssyncadd.s32 $0xFFFF8E00  }
0x21: {  	[bflag:$0x0] =	sbarrier.arrive $0xFFFF  }
0x22: {  	[tilespmem:s17], [sflag:$0x1] =	stream.indirect.gather [hbm4b:s4+s16], $0x20, s3, s16, $0xb8;
	[tilespmem:$0x17240] =	vst v63  }
0x23: {  	_ = 	snop  }
0x24: {  	[tilespmem:s18], [sflag:$0x2] =	stream.indirect.gather [hbm4b:s4+s16], $0x20, s16, s16, $0xb8;
	[tilespmem:$0x17240] =	vst v63  }
0x25: {  	s15 =	simm.s32 $0x100  }
0x26: {  	[tilespmem:s20], [sflag:$0x3] =	stream.indirect.gather [hbm4b:s4+s16], $0x20, s15, s16, $0xb8;
	[tilespmem:$0x17240] =	vst v63  }
0x27: {  	s19 =	simm.s32 $0x180  }
0x28: {  	[tilespmem:s22], [sflag:$0x4] =	stream.indirect.gather [hbm4b:s4+s16], $0x20, s19, s16, $0xb8;
	[tilespmem:$0x17240] =	vst v63  }
0x29: {  	_ =	swait.ge [sflag:s23], $0x1000  }
0x2a: {  	[sflag:s23] =	ssyncset.done $0x0  }
0x2b: {  	[sflag:s23] =	ssyncadd.s32 $0xFFFFF000  }
0x2c: {  	_ =	swait.ge [sflag:s24], $0x1000  }
0x2d: {  	[sflag:s24] =	ssyncset.done $0x0  }
0x2e: {  	[sflag:s24] =	ssyncadd.s32 $0xFFFFF000  }
0x2f: {  	_ =	swait.ge [sflag:s25], $0x1000  }
0x30: {  	[sflag:s25] =	ssyncset.done $0x0  }
0x31: {  	[sflag:s25] =	ssyncadd.s32 $0xFFFFF000  }
0x32: {  	_ =	swait.ge [sflag:s26], $0x1000  }
0x33: {  	[sflag:s26] =	ssyncset.done $0x0  }
0x34: {  	s21 =	simm.s32 $0x7200;
	[sflag:s26] =	ssyncadd.s32 $0xFFFFF000  }
0x35: {  	[spmem:s2] =	stream.indirect.scatter.add.f32 [tilespmem:s17], [sflag:$0x5], $0x20, s21, s16, $0xb8;
	[tilespmem:$0x17240] =	vst v63  }
0x36: {  	s15 =	simm.s32 $0x7280  }
0x37: {  	[spmem:s2] =	stream.indirect.scatter.add.f32 [tilespmem:s18], [sflag:$0x6], $0x20, s15, s16, $0xb8;
	[tilespmem:$0x17240] =	vst v63  }
0x38: {  	s19 =	simm.s32 $0x7300  }
0x39: {  	[spmem:s2] =	stream.indirect.scatter.add.f32 [tilespmem:s20], [sflag:$0x7], $0x20, s19, s16, $0xb8;
	[tilespmem:$0x17240] =	vst v63  }
0x3a: {  	s21 =	simm.s32 $0x7380  }
0x3b: {  	[spmem:s2] =	stream.indirect.scatter.add.f32 [tilespmem:s22], [sflag:$0x8], $0x20, s21, s16, $0xb8;
	[tilespmem:$0x17240] =	vst v63  }
0x3c: {  	_ =	swait.ge [sflag:s28], $0x1000  }
0x3d: {  	[sflag:s28] =	ssyncset.done $0x0  }
0x3e: {  	[sflag:s28] =	ssyncadd.s32 $0xFFFFF000  }
0x3f: {  	_ =	swait.ge [sflag:s29], $0x1000  }
0x40: {  	[sflag:s29] =	ssyncset.done $0x0  }
0x41: {  	[sflag:s29] =	ssyncadd.s32 $0xFFFFF000  }
0x42: {  	_ =	swait.ge [sflag:s30], $0x1000  }
0x43: {  	[sflag:s30] =	ssyncset.done $0x0  }
0x44: {  	[sflag:s30] =	ssyncadd.s32 $0xFFFFF000  }
0x45: {  	_ =	swait.ge [sflag:s31], $0x1000  }
0x46: {  	[sflag:s31] =	ssyncset.done $0x0  }
0x47: {  	p0 =	sne.s32 s12, $0x800;
	s15 =	simm.s32 $0x200;
	[sflag:s31] =	ssyncadd.s32 $0xFFFFF000  }
0x48: {  	[tilespmem:s17], [sflag:$0x1] =	stream.indirect.gather [hbm4b:s4+s16], $0x20, s15, s16, $0xb8;
	[tilespmem:$0x17240] =	vst v63  }
.Ltmp0:
0x49: {  	_ = 	snop;
	(pc) =	sbr.rel @!p0 .LBB2_3-.Ltmp0, $4  }
0x4a: {  	s1 =	simm.s32 $0x800;
	s19 =	simm.s32 $0x280  }
0x4b: {  	[tilespmem:s18], [sflag:$0x2] =	stream.indirect.gather [hbm4b:s4+s16], $0x20, s19, s16, $0xb8;
	[tilespmem:$0x17240] =	vst v63  }
0x4c: {  	s21 =	simm.s32 $0x300;
	s15 =	simm.s32 $0x1;
	s19 =	simm.s32 $0x380  }
0x4d: {  	[tilespmem:s20], [sflag:$0x3] =	stream.indirect.gather [hbm4b:s4+s16], $0x20, s21, s16, $0xb8;
	[tilespmem:$0x17240] =	vst v63  }
.LBB2_2:
0x4e: {  	[tilespmem:s22], [sflag:$0x4] =	stream.indirect.gather [hbm4b:s4+s16], $0x20, s19, s16, $0xb8;
	[tilespmem:$0x17240] =	vst v63  }
0x4f: {  	s19 =	smov.u32 s1;
	s1 =	sadd.s32 $0x800, s1;
	_ =	swait.ge [sflag:s23], $0x1000  }
0x50: {  	p0 =	sne.s32 s12, s1;
	[sflag:s23] =	ssyncset.done $0x0  }
0x51: {  	[sflag:s23] =	ssyncadd.s32 $0xFFFFF000  }
0x52: {  	_ =	swait.ge [sflag:s24], $0x1000  }
0x53: {  	[sflag:s24] =	ssyncset.done $0x0  }
0x54: {  	[sflag:s24] =	ssyncadd.s32 $0xFFFFF000  }
0x55: {  	_ =	swait.ge [sflag:s25], $0x1000  }
0x56: {  	[sflag:s25] =	ssyncset.done $0x0  }
0x57: {  	[sflag:s25] =	ssyncadd.s32 $0xFFFFF000  }
0x58: {  	_ =	swait.ge [sflag:s26], $0x1000  }
0x59: {  	s19 =	sshra.s32 s19, $0x2;
	[sflag:s26] =	ssyncset.done $0x0  }
0x5a: {  	s21 =	sadd.s32 $0x7200, s19;
	[sflag:s26] =	ssyncadd.s32 $0xFFFFF000  }
0x5b: {  	[spmem:s2] =	stream.indirect.scatter.add.f32 [tilespmem:s17], [sflag:$0x5], $0x20, s21, s16, $0xb8;
	[tilespmem:$0x17240] =	vst v63  }
0x5c: {  	s21 =	sadd.s32 $0x7280, s19  }
0x5d: {  	[spmem:s2] =	stream.indirect.scatter.add.f32 [tilespmem:s18], [sflag:$0x6], $0x20, s21, s16, $0xb8;
	[tilespmem:$0x17240] =	vst v63  }
0x5e: {  	s21 =	sadd.s32 $0x7300, s19  }
0x5f: {  	[spmem:s2] =	stream.indirect.scatter.add.f32 [tilespmem:s20], [sflag:$0x7], $0x20, s21, s16, $0xb8;
	[tilespmem:$0x17240] =	vst v63  }
0x60: {  	s21 =	sadd.s32 $0x7380, s19  }
0x61: {  	[spmem:s2] =	stream.indirect.scatter.add.f32 [tilespmem:s22], [sflag:$0x8], $0x20, s21, s16, $0xb8;
	[tilespmem:$0x17240] =	vst v63  }
0x62: {  	_ =	swait.ge [sflag:s28], $0x1000  }
0x63: {  	[sflag:s28] =	ssyncset.done $0x0  }
0x64: {  	[sflag:s28] =	ssyncadd.s32 $0xFFFFF000  }
0x65: {  	_ =	swait.ge [sflag:s29], $0x1000  }
0x66: {  	[sflag:s29] =	ssyncset.done $0x0  }
0x67: {  	[sflag:s29] =	ssyncadd.s32 $0xFFFFF000  }
0x68: {  	_ =	swait.ge [sflag:s30], $0x1000  }
0x69: {  	[sflag:s30] =	ssyncset.done $0x0  }
0x6a: {  	[sflag:s30] =	ssyncadd.s32 $0xFFFFF000  }
0x6b: {  	_ =	swait.ge [sflag:s31], $0x1000  }
0x6c: {  	[sflag:s31] =	ssyncset.done $0x0  }
0x6d: {  	s21 =	sadd.s32 $0x200, s19;
	[sflag:s31] =	ssyncadd.s32 $0xFFFFF000  }
0x6e: {  	[tilespmem:s17], [sflag:$0x1] =	stream.indirect.gather [hbm4b:s4+s16], $0x20, s21, s16, $0xb8;
	[tilespmem:$0x17240] =	vst v63  }
.Ltmp1:
0x6f: {  	s21 =	sadd.s32 $0x280, s19;
	(pc) =	sbr.rel @p0 .LBB2_2-.Ltmp1, $4  }
0x70: {  	[tilespmem:s18], [sflag:$0x2] =	stream.indirect.gather [hbm4b:s4+s16], $0x20, s21, s16, $0xb8;
	[tilespmem:$0x17240] =	vst v63  }
0x71: {  	s21 =	sadd.s32 $0x300, s19  }
0x72: {  	[tilespmem:s20], [sflag:$0x3] =	stream.indirect.gather [hbm4b:s4+s16], $0x20, s21, s16, $0xb8;
	[tilespmem:$0x17240] =	vst v63  }
0x73: {  	s15 =	sadd.s32 $0x1, s15;
	s19 =	sadd.s32 $0x380, s19  }
.LBB2_3:
0x74: {  	[tilespmem:s22], [sflag:$0x4] =	stream.indirect.gather [hbm4b:s4+s16], $0x20, s19, s16, $0xb8;
	[tilespmem:$0x17240] =	vst v63  }
0x75: {  	_ =	swait.ge [sflag:s23], $0x1000  }
0x76: {  	[sflag:s23] =	ssyncset.done $0x0  }
0x77: {  	[sflag:s23] =	ssyncadd.s32 $0xFFFFF000  }
0x78: {  	_ =	swait.ge [sflag:s24], $0x1000  }
0x79: {  	[sflag:s24] =	ssyncset.done $0x0  }
0x7a: {  	[sflag:s24] =	ssyncadd.s32 $0xFFFFF000  }
0x7b: {  	_ =	swait.ge [sflag:s25], $0x1000  }
0x7c: {  	[sflag:s25] =	ssyncset.done $0x0  }
0x7d: {  	[sflag:s25] =	ssyncadd.s32 $0xFFFFF000  }
0x7e: {  	_ =	swait.ge [sflag:s26], $0x1000  }
0x7f: {  	s19 =	sshra.s32 s1, $0x2;
	[sflag:s26] =	ssyncset.done $0x0  }
0x80: {  	s21 =	sadd.s32 $0x7200, s19;
	[sflag:s26] =	ssyncadd.s32 $0xFFFFF000  }
0x81: {  	[spmem:s2] =	stream.indirect.scatter.add.f32 [tilespmem:s17], [sflag:$0x5], $0x20, s21, s16, $0xb8;
	[tilespmem:$0x17240] =	vst v63  }
0x82: {  	s21 =	sadd.s32 $0x7280, s19  }
0x83: {  	[spmem:s2] =	stream.indirect.scatter.add.f32 [tilespmem:s18], [sflag:$0x6], $0x20, s21, s16, $0xb8;
	[tilespmem:$0x17240] =	vst v63  }
0x84: {  	s21 =	sadd.s32 $0x7300, s19  }
0x85: {  	[spmem:s2] =	stream.indirect.scatter.add.f32 [tilespmem:s20], [sflag:$0x7], $0x20, s21, s16, $0xb8;
	[tilespmem:$0x17240] =	vst v63  }
0x86: {  	s19 =	sadd.s32 $0x7380, s19  }
0x87: {  	[spmem:s2] =	stream.indirect.scatter.add.f32 [tilespmem:s22], [sflag:$0x8], $0x20, s19, s16, $0xb8;
	[tilespmem:$0x17240] =	vst v63  }
0x88: {  	_ =	swait.ge [sflag:s28], $0x1000  }
0x89: {  	[sflag:s28] =	ssyncset.done $0x0  }
0x8a: {  	[sflag:s28] =	ssyncadd.s32 $0xFFFFF000  }
0x8b: {  	_ =	swait.ge [sflag:s29], $0x1000  }
0x8c: {  	[sflag:s29] =	ssyncset.done $0x0  }
0x8d: {  	[sflag:s29] =	ssyncadd.s32 $0xFFFFF000  }
0x8e: {  	_ =	swait.ge [sflag:s30], $0x1000  }
0x8f: {  	[sflag:s30] =	ssyncset.done $0x0  }
0x90: {  	p0 =	sge.u32 s15, s9;
	[sflag:s30] =	ssyncadd.s32 $0xFFFFF000  }
0x91: {  	s1 =	sshra.s32 @!p0 s1, $0x2;
	_ =	swait.ge [sflag:s31], $0x1000  }
0x92: {  	s15 =	sadd.s32 @!p0 $0x200, s1;
	[sflag:s31] =	ssyncset.done $0x0  }
0x93: {  	s21 =	simm.s32 @!p0 $0xE400;
	s19 =	simm.s32 @!p0 $0x80;
	[sflag:s31] =	ssyncadd.s32 $0xFFFFF000  }
0x94: {  	[tilespmem:s21], [sflag:$0x1] =	stream.indirect.gather @!p0 [hbm4b:s4+s19], $0x20, s15, s19, $0xb8;
	[tilespmem:$0x17240] =	vst v63  }
0x95: {  	s15 =	sadd.s32 @!p0 $0x280, s1;
	s21 =	simm.s32 @!p0 $0xF400  }
0x96: {  	[tilespmem:s21], [sflag:$0x2] =	stream.indirect.gather @!p0 [hbm4b:s4+s19], $0x20, s15, s19, $0xb8;
	[tilespmem:$0x17240] =	vst v63  }
0x97: {  	s15 =	sadd.s32 @!p0 $0x300, s1;
	s21 =	simm.s32 @!p0 $0x10400  }
0x98: {  	[tilespmem:s21], [sflag:$0x3] =	stream.indirect.gather @!p0 [hbm4b:s4+s19], $0x20, s15, s19, $0xb8;
	[tilespmem:$0x17240] =	vst v63  }
0x99: {  	s0 =	sadd.s32 $0x1, s0;
	s1 =	sadd.s32 @!p0 $0x380, s1;
	s15 =	simm.s32 @!p0 $0x11400  }
0x9a: {  	[tilespmem:s15], [sflag:$0x4] =	stream.indirect.gather @!p0 [hbm4b:s4+s19], $0x20, s1, s19, $0xb8;
	[tilespmem:$0x17240] =	vst v63  }
0x9b: {  	p0 =	sne.s32 s0, s11  }
.Ltmp2:
0x9c: {  	[bflag:$0x0] =	sbarrier.arrive $0xFFFF;
	(pc) =	sbr.rel @p0 .LBB2_1-.Ltmp2, $4  }
0x9d: {  	[hbm:s10], [sflag:s6] =	dma.local [spmem:s13], $0x9C8  }
0x9e: {  	_ =	swait.ge [sflag:s14], $0x9C8  }
0x9f: {  	[sflag:s14] =	ssyncset.done $0x0  }
0xa0: {  	[sflag:s14] =	ssyncadd.s32 $0xFFFFF638  }
0xa1: {  	_ =	sfence.sel $0x180000  }
0xa2: {  	[bflag:$0x0] =	sbarrier.arrive $0xFFFF  }
0xa3: {  	_ =	strace $0x90000050  }
0xa4: {  	s0 =	stileid.u32;
	[bflag:$0x2] =	sbarrier.arrive $0xFFFF  }
0xa5: {  	p0 =	sne.s32 s0, $0x0;
	s0 =	rddreg [dreg:$0x2]  }
0xa6: {  	s0 =	sadd.s32 @!p0 $0x100000, s0  }
0xa7: {  	[sflag:s0] =	ssyncadd.tile.s32 @!p0 $0x1;
	_ =	shalt  }
.Lfunc_end2:
_tile_overlayer_lowered:
.L_overlay_start_2:
0xa8: {  	(tag) =	ssettag $0x2  }
0xa9: {  	s0 =	rddreg [dreg:$0x0];
	s2 =	stileid.u32  }
0xaa: {  	s1 =	rddreg [dreg:$0x1];
	p0 =	sne.s32 s2, $0x0  }
0xab: {  	s3 =	rddreg [dreg:$0x2];
	[bflag:$0x3] =	sbarrier.arrive $0xFFFF;
	s2 =	simm.s32 @!p0 $0x1C09  }
0xac: {  	[timem:s3], [sflag:s2] =	dma.local @!p0 [hbm:s0], s1  }
0xad: {  	s0 =	simm.s32 @!p0 $0x9  }
0xae: {  	_ =	swait.ge @!p0 [sflag:s0], s1  }
0xaf: {  	s1 =	ssub.s32 @!p0 $0x0, s1;
	[sflag:s0] =	ssyncset.done @!p0 $0x0  }
0xb0: {  	[sflag:s0] =	ssyncadd.s32 @!p0 s1  }
0xb1: {  	[bflag:$0x3] =	sbarrier.arrive $0xFFFF  }
0xb2: {  	_ =	shalt  }

</sc_bundles>
